<compile_context>
chip_gen: v7x
topology: tpu7x:2x2x1
jax: 0.10.2.dev20260603
libtpu: 0.0.44.dev20260713+nightly
codegen_flags: <defaults>
</compile_context>

<pallas_src>
import jax
import jax.numpy as jnp
from jax import lax
from jax.experimental import pallas as pl
from jax.experimental.pallas import tpu as pltpu
from jax.experimental.pallas import tpu_sc as plsc

N_SRC = 100000
N_DST = 100000
D = 128
E = 600000

NC = 2
NS = 16
NW = NC * NS
L = 16
NB = 3
STRIDE = L + 1

CHUNK = 64
N_CHUNKS = -(-E // (NW * CHUNK))
N_CHUNKS += (-N_CHUNKS) % NB
PER_W = N_CHUNKS * CHUNK
EP = NW * PER_W


def _body(xs_hbm, xd_hbm, i0_hbm, i1_hbm, out_hbm,
          i0_v, i1_v, rs0_v, rs1_v, rs2_v, rd0_v, rd1_v, rd2_v,
          o0_v, o1_v, o2_v, p_v,
          sem_rs, sem_rd, sem_out):
    cid = lax.axis_index("c")
    sid = lax.axis_index("s")
    wid = sid * NC + cid
    wbase = wid * PER_W

    rs_bufs = [rs0_v, rs1_v, rs2_v]
    rd_bufs = [rd0_v, rd1_v, rd2_v]
    o_bufs = [o0_v, o1_v, o2_v]

    pltpu.sync_copy(i0_hbm.at[pl.ds(wbase, PER_W)], i0_v)
    pltpu.sync_copy(i1_hbm.at[pl.ds(wbase, PER_W)], i1_v)

    def issue_rows(k, b):
        idx0 = i0_v.at[pl.ds(k * CHUNK, CHUNK)]
        idx1 = i1_v.at[pl.ds(k * CHUNK, CHUNK)]
        pltpu.async_copy(xs_hbm.at[idx0], rs_bufs[b], sem_rs[b])
        pltpu.async_copy(xd_hbm.at[idx1], rd_bufs[b], sem_rd[b])

    for b in range(NB):
        issue_rows(b, b)

    lanes = lax.iota(jnp.int32, L)
    col0 = lanes * STRIDE

    def super_body(ss, carry):
        for b in range(NB):
            k = ss * NB + b
            rs = rs_bufs[b]
            rd = rd_bufs[b]
            ob = o_bufs[b]
            pltpu.make_async_copy(xs_hbm.at[i0_v.at[pl.ds(0, CHUNK)]],
                                  rs, sem_rs[b]).wait()
            pltpu.make_async_copy(xd_hbm.at[i1_v.at[pl.ds(0, CHUNK)]],
                                  rd, sem_rd[b]).wait()

            @pl.when(k >= NB)
            def _():
                pltpu.make_async_copy(
                    ob, out_hbm.at[pl.ds(wbase, CHUNK)], sem_out[b]).wait()

            def group_body(g, gcarry):
                e0 = g * L
                for u in range(L):
                    e = e0 + u
                    acc0 = rs[e, pl.ds(0, L)] * rd[e, pl.ds(0, L)]
                    acc1 = rs[e, pl.ds(L, L)] * rd[e, pl.ds(L, L)]
                    for kk in range(2, D // L, 2):
                        acc0 = acc0 + rs[e, pl.ds(kk * L, L)] * rd[e, pl.ds(kk * L, L)]
                        acc1 = acc1 + rs[e, pl.ds((kk + 1) * L, L)] * rd[e, pl.ds((kk + 1) * L, L)]
                    plsc.store_scatter(p_v, [lanes + (STRIDE * u)],
                                       acc0 + acc1)
                r0 = plsc.load_gather(p_v, [col0])
                r1 = plsc.load_gather(p_v, [col0 + 1])
                for j in range(2, L, 2):
                    r0 = r0 + plsc.load_gather(p_v, [col0 + j])
                    r1 = r1 + plsc.load_gather(p_v, [col0 + (j + 1)])
                ob[pl.ds(e0, L)] = r0 + r1
                return gcarry

            lax.fori_loop(0, CHUNK // L, group_body, 0)

            pltpu.async_copy(
                ob, out_hbm.at[pl.ds(wbase + k * CHUNK, CHUNK)], sem_out[b])

            @pl.when(k + NB < N_CHUNKS)
            def _():
                issue_rows(k + NB, b)

        return carry

    lax.fori_loop(0, N_CHUNKS // NB, super_body, 0)

    for b in range(NB):
        pltpu.make_async_copy(
            o_bufs[b], out_hbm.at[pl.ds(wbase, CHUNK)], sem_out[b]).wait()


@jax.jit
def _run(x_src, x_dst, i0, i1):
    mesh = plsc.VectorSubcoreMesh(core_axis_name="c", subcore_axis_name="s")
    f = pl.kernel(
        _body,
        out_type=jax.ShapeDtypeStruct((EP,), jnp.float32),
        mesh=mesh,
        scratch_types=[
            pltpu.VMEM((PER_W,), jnp.int32),
            pltpu.VMEM((PER_W,), jnp.int32),
            pltpu.VMEM((CHUNK, D), jnp.float32),
            pltpu.VMEM((CHUNK, D), jnp.float32),
            pltpu.VMEM((CHUNK, D), jnp.float32),
            pltpu.VMEM((CHUNK, D), jnp.float32),
            pltpu.VMEM((CHUNK, D), jnp.float32),
            pltpu.VMEM((CHUNK, D), jnp.float32),
            pltpu.VMEM((CHUNK,), jnp.float32),
            pltpu.VMEM((CHUNK,), jnp.float32),
            pltpu.VMEM((CHUNK,), jnp.float32),
            pltpu.VMEM((L * STRIDE,), jnp.float32),
            [pltpu.SemaphoreType.DMA] * NB,
            [pltpu.SemaphoreType.DMA] * NB,
            [pltpu.SemaphoreType.DMA] * NB,
        ],
        compiler_params=pltpu.CompilerParams(needs_layout_passes=False),
    )
    return f(x_src, x_dst, i0, i1)


def kernel(x_src, x_dst, edge_label_index):
    tail = jnp.arange(EP - E, dtype=jnp.int32) % min(N_SRC, N_DST)
    i0 = jnp.concatenate([edge_label_index[0], tail])
    i1 = jnp.concatenate([edge_label_index[1], tail])
    out = _run(x_src, x_dst, i0, i1)
    return out[:E]

# --- scband reference (transcript-rebuilt; emitter-appended) ---
"""Pipeline reference for scband-classifier-44985487458821 (READ-ONLY COPY).

The authoritative reference and input builder live on the scoring server;
editing this copy changes nothing except your own understanding.
"""

import jax, jax.numpy as jnp
import numpy as np

N_SRC = 100000
N_DST = 100000
D = 128
E = 600000


def setup_inputs(seed: int = 0) -> dict:
    key = jax.random.key(seed)
    k1, k2, k3 = jax.random.split(key, 3)
    x_src = jax.random.normal(k1, (N_SRC, D), dtype=jnp.float32)
    x_dst = jax.random.normal(k2, (N_DST, D), dtype=jnp.float32)
    edge_label_index = jax.random.randint(k3, (2, E), 0, N_SRC, dtype=jnp.int32)
    return {"x_src": x_src, "x_dst": x_dst, "edge_label_index": edge_label_index}


def reference(x_src, x_dst, edge_label_index):
    # x_dict = {'InvestmentOrGrant': x_src, 'Organization': x_dst}
    # x_src_gathered = x_dict[edge_type[0]][edge_label_index[0]]
    xs = jnp.take(x_src, edge_label_index[0], axis=0)
    # x_dst_gathered = x_dict[edge_type[2]][edge_label_index[1]]
    xd = jnp.take(x_dst, edge_label_index[1], axis=0)
    # (x_src * x_dst).sum(dim=-1)
    return jnp.sum(xs * xd, axis=-1)

if __name__ == "__main__":
    import jax
    _d = setup_inputs()
    print(jax.jit(kernel)(*tuple(_d.values())))

</pallas_src>

<mosaic_0001>
#map = affine_map<(d0, d1) -> (0, 0)>
#map1 = affine_map<(d0, d1) -> (0)>
module attributes {stable_mosaic.version = 14 : i64} {
  func.func @_body(%arg0: i32, %arg1: i32, %arg2: memref<100000x128xf32, #tpu.memory_space<hbm>>, %arg3: memref<100000x128xf32, #tpu.memory_space<hbm>>, %arg4: memref<602112xi32, #tpu.memory_space<hbm>>, %arg5: memref<602112xi32, #tpu.memory_space<hbm>>, %arg6: memref<602112xf32, #tpu.memory_space<hbm>>, %arg7: memref<18816xi32, #tpu.memory_space<vmem>>, %arg8: memref<18816xi32, #tpu.memory_space<vmem>>, %arg9: memref<64x128xf32, #tpu.memory_space<vmem>>, %arg10: memref<64x128xf32, #tpu.memory_space<vmem>>, %arg11: memref<64x128xf32, #tpu.memory_space<vmem>>, %arg12: memref<64x128xf32, #tpu.memory_space<vmem>>, %arg13: memref<64x128xf32, #tpu.memory_space<vmem>>, %arg14: memref<64x128xf32, #tpu.memory_space<vmem>>, %arg15: memref<64xf32, #tpu.memory_space<vmem>>, %arg16: memref<64xf32, #tpu.memory_space<vmem>>, %arg17: memref<64xf32, #tpu.memory_space<vmem>>, %arg18: memref<272xf32, #tpu.memory_space<vmem>>, %arg19: memref<!tpu.dma_semaphore, #tpu.memory_space<semaphore_mem>>, %arg20: memref<!tpu.dma_semaphore, #tpu.memory_space<semaphore_mem>>, %arg21: memref<!tpu.dma_semaphore, #tpu.memory_space<semaphore_mem>>, %arg22: memref<!tpu.dma_semaphore, #tpu.memory_space<semaphore_mem>>, %arg23: memref<!tpu.dma_semaphore, #tpu.memory_space<semaphore_mem>>, %arg24: memref<!tpu.dma_semaphore, #tpu.memory_space<semaphore_mem>>, %arg25: memref<!tpu.dma_semaphore, #tpu.memory_space<semaphore_mem>>, %arg26: memref<!tpu.dma_semaphore, #tpu.memory_space<semaphore_mem>>, %arg27: memref<!tpu.dma_semaphore, #tpu.memory_space<semaphore_mem>>) attributes {dimension_semantics = [#tpu.dimension_semantics<core_parallel>, #tpu.dimension_semantics<subcore_parallel>], iteration_bounds = array<i64: 2, 16>, scalar_prefetch = 0 : i64, scratch_operands = 21 : i64, tpu.core_type = #tpu.core_type<sc_vector_subcore>, window_params = [{transform_indices = #map}, {transform_indices = #map}, {transform_indices = #map1}, {transform_indices = #map1}, {transform_indices = #map1}]} {
    %mul3A = arith.constant 2 : i32
    %mul3A_0 = arith.muli %arg1, %mul3A : i32
    %add3A = arith.addi %mul3A_0, %arg0 : i32
    %mul3A_1 = arith.constant 18816 : i32
    %mul3A_2 = arith.muli %add3A, %mul3A_1 : i32
    "tpu.region"() ({
      %run_scoped3A = tpu.sem_alloc : memref<!tpu.dma_semaphore, #tpu.memory_space<semaphore_mem>>
      %dma_start3A_45 = tpu.memref_slice %arg4[%mul3A_2] : memref<602112xi32, #tpu.memory_space<hbm>> -> memref<18816xi32, #tpu.memory_space<hbm>>
      %dma_start3A_46 = tpu.memref_slice %arg4[%mul3A_2] : memref<602112xi32, #tpu.memory_space<hbm>> -> memref<18816xi32, #tpu.memory_space<hbm>>
      tpu.enqueue_dma source(%dma_start3A_46 : memref<18816xi32, #tpu.memory_space<hbm>>) target(%arg7 : memref<18816xi32, #tpu.memory_space<vmem>>) target_semaphore(%run_scoped3A : memref<!tpu.dma_semaphore, #tpu.memory_space<semaphore_mem>>)
      %dma_wait3A_47 = tpu.memref_slice %arg4[%mul3A_2] : memref<602112xi32, #tpu.memory_space<hbm>> -> memref<18816xi32, #tpu.memory_space<hbm>>
      %dma_wait3A_48 = tpu.memref_slice %arg4[%mul3A_2] : memref<602112xi32, #tpu.memory_space<hbm>> -> memref<18816xi32, #tpu.memory_space<hbm>>
      tpu.wait_dma2 semaphore(%run_scoped3A : memref<!tpu.dma_semaphore, #tpu.memory_space<semaphore_mem>>) src(%dma_wait3A_48 : memref<18816xi32, #tpu.memory_space<hbm>>) dst(%arg7 : memref<18816xi32, #tpu.memory_space<vmem>>)
      tpu.yield
    }) : () -> ()
    "tpu.region"() ({
      %run_scoped3A = tpu.sem_alloc : memref<!tpu.dma_semaphore, #tpu.memory_space<semaphore_mem>>
      %dma_start3A_45 = tpu.memref_slice %arg5[%mul3A_2] : memref<602112xi32, #tpu.memory_space<hbm>> -> memref<18816xi32, #tpu.memory_space<hbm>>
      %dma_start3A_46 = tpu.memref_slice %arg5[%mul3A_2] : memref<602112xi32, #tpu.memory_space<hbm>> -> memref<18816xi32, #tpu.memory_space<hbm>>
      tpu.enqueue_dma source(%dma_start3A_46 : memref<18816xi32, #tpu.memory_space<hbm>>) target(%arg8 : memref<18816xi32, #tpu.memory_space<vmem>>) target_semaphore(%run_scoped3A : memref<!tpu.dma_semaphore, #tpu.memory_space<semaphore_mem>>)
      %dma_wait3A_47 = tpu.memref_slice %arg5[%mul3A_2] : memref<602112xi32, #tpu.memory_space<hbm>> -> memref<18816xi32, #tpu.memory_space<hbm>>
      %dma_wait3A_48 = tpu.memref_slice %arg5[%mul3A_2] : memref<602112xi32, #tpu.memory_space<hbm>> -> memref<18816xi32, #tpu.memory_space<hbm>>
      tpu.wait_dma2 semaphore(%run_scoped3A : memref<!tpu.dma_semaphore, #tpu.memory_space<semaphore_mem>>) src(%dma_wait3A_48 : memref<18816xi32, #tpu.memory_space<hbm>>) dst(%arg8 : memref<18816xi32, #tpu.memory_space<vmem>>)
      tpu.yield
    }) : () -> ()
    %dma_start3A = arith.constant 0 : i32
    %dma_start3A_3 = tpu.memref_slice %arg7[%dma_start3A] : memref<18816xi32, #tpu.memory_space<vmem>> -> memref<64xi32, #tpu.memory_space<vmem>>
    %dma_start3A_4 = arith.constant 0 : i32
    %dma_start3A_5 = arith.constant 0 : i32
    %dma_start3A_6 = tpu.memref_slice %arg2[%dma_start3A_4, %dma_start3A_5] : memref<100000x128xf32, #tpu.memory_space<hbm>> -> memref<100000x128xf32, #tpu.memory_space<hbm>>
    tpu.enqueue_indirect_dma source(%dma_start3A_6 : memref<100000x128xf32, #tpu.memory_space<hbm>>) target(%arg9 : memref<64x128xf32, #tpu.memory_space<vmem>>) offsets(%dma_start3A_3 : memref<64xi32, #tpu.memory_space<vmem>>) semaphore(%arg19 : memref<!tpu.dma_semaphore, #tpu.memory_space<semaphore_mem>>)
    %dma_start3A_7 = arith.constant 0 : i32
    %dma_start3A_8 = tpu.memref_slice %arg8[%dma_start3A_7] : memref<18816xi32, #tpu.memory_space<vmem>> -> memref<64xi32, #tpu.memory_space<vmem>>
    %dma_start3A_9 = arith.constant 0 : i32
    %dma_start3A_10 = arith.constant 0 : i32
    %dma_start3A_11 = tpu.memref_slice %arg3[%dma_start3A_9, %dma_start3A_10] : memref<100000x128xf32, #tpu.memory_space<hbm>> -> memref<100000x128xf32, #tpu.memory_space<hbm>>
    tpu.enqueue_indirect_dma source(%dma_start3A_11 : memref<100000x128xf32, #tpu.memory_space<hbm>>) target(%arg12 : memref<64x128xf32, #tpu.memory_space<vmem>>) offsets(%dma_start3A_8 : memref<64xi32, #tpu.memory_space<vmem>>) semaphore(%arg22 : memref<!tpu.dma_semaphore, #tpu.memory_space<semaphore_mem>>)
    %dma_start3A_12 = arith.constant 64 : i32
    %dma_start3A_13 = tpu.memref_slice %arg7[%dma_start3A_12] : memref<18816xi32, #tpu.memory_space<vmem>> -> memref<64xi32, #tpu.memory_space<vmem>>
    %dma_start3A_14 = arith.constant 0 : i32
    %dma_start3A_15 = arith.constant 0 : i32
    %dma_start3A_16 = tpu.memref_slice %arg2[%dma_start3A_14, %dma_start3A_15] : memref<100000x128xf32, #tpu.memory_space<hbm>> -> memref<100000x128xf32, #tpu.memory_space<hbm>>
    tpu.enqueue_indirect_dma source(%dma_start3A_16 : memref<100000x128xf32, #tpu.memory_space<hbm>>) target(%arg10 : memref<64x128xf32, #tpu.memory_space<vmem>>) offsets(%dma_start3A_13 : memref<64xi32, #tpu.memory_space<vmem>>) semaphore(%arg20 : memref<!tpu.dma_semaphore, #tpu.memory_space<semaphore_mem>>)
    %dma_start3A_17 = arith.constant 64 : i32
    %dma_start3A_18 = tpu.memref_slice %arg8[%dma_start3A_17] : memref<18816xi32, #tpu.memory_space<vmem>> -> memref<64xi32, #tpu.memory_space<vmem>>
    %dma_start3A_19 = arith.constant 0 : i32
    %dma_start3A_20 = arith.constant 0 : i32
    %dma_start3A_21 = tpu.memref_slice %arg3[%dma_start3A_19, %dma_start3A_20] : memref<100000x128xf32, #tpu.memory_space<hbm>> -> memref<100000x128xf32, #tpu.memory_space<hbm>>
    tpu.enqueue_indirect_dma source(%dma_start3A_21 : memref<100000x128xf32, #tpu.memory_space<hbm>>) target(%arg13 : memref<64x128xf32, #tpu.memory_space<vmem>>) offsets(%dma_start3A_18 : memref<64xi32, #tpu.memory_space<vmem>>) semaphore(%arg23 : memref<!tpu.dma_semaphore, #tpu.memory_space<semaphore_mem>>)
    %dma_start3A_22 = arith.constant 128 : i32
    %dma_start3A_23 = tpu.memref_slice %arg7[%dma_start3A_22] : memref<18816xi32, #tpu.memory_space<vmem>> -> memref<64xi32, #tpu.memory_space<vmem>>
    %dma_start3A_24 = arith.constant 0 : i32
    %dma_start3A_25 = arith.constant 0 : i32
    %dma_start3A_26 = tpu.memref_slice %arg2[%dma_start3A_24, %dma_start3A_25] : memref<100000x128xf32, #tpu.memory_space<hbm>> -> memref<100000x128xf32, #tpu.memory_space<hbm>>
    tpu.enqueue_indirect_dma source(%dma_start3A_26 : memref<100000x128xf32, #tpu.memory_space<hbm>>) target(%arg11 : memref<64x128xf32, #tpu.memory_space<vmem>>) offsets(%dma_start3A_23 : memref<64xi32, #tpu.memory_space<vmem>>) semaphore(%arg21 : memref<!tpu.dma_semaphore, #tpu.memory_space<semaphore_mem>>)
    %dma_start3A_27 = arith.constant 128 : i32
    %dma_start3A_28 = tpu.memref_slice %arg8[%dma_start3A_27] : memref<18816xi32, #tpu.memory_space<vmem>> -> memref<64xi32, #tpu.memory_space<vmem>>
    %dma_start3A_29 = arith.constant 0 : i32
    %dma_start3A_30 = arith.constant 0 : i32
    %dma_start3A_31 = tpu.memref_slice %arg3[%dma_start3A_29, %dma_start3A_30] : memref<100000x128xf32, #tpu.memory_space<hbm>> -> memref<100000x128xf32, #tpu.memory_space<hbm>>
    tpu.enqueue_indirect_dma source(%dma_start3A_31 : memref<100000x128xf32, #tpu.memory_space<hbm>>) target(%arg14 : memref<64x128xf32, #tpu.memory_space<vmem>>) offsets(%dma_start3A_28 : memref<64xi32, #tpu.memory_space<vmem>>) semaphore(%arg24 : memref<!tpu.dma_semaphore, #tpu.memory_space<semaphore_mem>>)
    %iota3A = tpu.iota {dimensions = array<i32: 0>} : vector<16xi32>
    %mul3A_32 = arith.constant 17 : i32
    %mul3A_33 = vector.broadcast %mul3A_32 : i32 to vector<16xi32>
    %mul3A_34 = arith.muli %iota3A, %mul3A_33 : vector<16xi32>
    %scan3A = arith.constant 0 : i32
    %scan3A_35 = arith.constant 0 : i32
    %scan3A_36 = arith.constant 98 : i32
    %scan3A_37 = arith.addi %scan3A_35, %scan3A_36 : i32
    %scan3A_38 = arith.constant 1 : i32
    scf.for %scan3A_45 = %scan3A_35 to %scan3A_37 step %scan3A_38  : i32 {
      %mul3A_46 = arith.constant 3 : i32
      %mul3A_47 = arith.muli %scan3A_45, %mul3A_46 : i32
      %add3A_48 = arith.constant 0 : i32
      %add3A_49 = arith.addi %mul3A_47, %add3A_48 : i32
      %dma_wait3A_50 = arith.constant 0 : i32
      %dma_wait3A_51 = tpu.memref_slice %arg7[%dma_wait3A_50] : memref<18816xi32, #tpu.memory_space<vmem>> -> memref<64xi32, #tpu.memory_space<vmem>>
      %dma_wait3A_52 = arith.constant 0 : i32
      %dma_wait3A_53 = arith.constant 0 : i32
      %dma_wait3A_54 = tpu.memref_slice %arg2[%dma_wait3A_52, %dma_wait3A_53] : memref<100000x128xf32, #tpu.memory_space<hbm>> -> memref<100000x128xf32, #tpu.memory_space<hbm>>
      tpu.wait_indirect_dma semaphore(%arg19 : memref<!tpu.dma_semaphore, #tpu.memory_space<semaphore_mem>>) src(%dma_wait3A_54 : memref<100000x128xf32, #tpu.memory_space<hbm>>) dst(%arg9 : memref<64x128xf32, #tpu.memory_space<vmem>>)
      %dma_wait3A_55 = arith.constant 0 : i32
      %dma_wait3A_56 = tpu.memref_slice %arg8[%dma_wait3A_55] : memref<18816xi32, #tpu.memory_space<vmem>> -> memref<64xi32, #tpu.memory_space<vmem>>
      %dma_wait3A_57 = arith.constant 0 : i32
      %dma_wait3A_58 = arith.constant 0 : i32
      %dma_wait3A_59 = tpu.memref_slice %arg3[%dma_wait3A_57, %dma_wait3A_58] : memref<100000x128xf32, #tpu.memory_space<hbm>> -> memref<100000x128xf32, #tpu.memory_space<hbm>>
      tpu.wait_indirect_dma semaphore(%arg22 : memref<!tpu.dma_semaphore, #tpu.memory_space<semaphore_mem>>) src(%dma_wait3A_59 : memref<100000x128xf32, #tpu.memory_space<hbm>>) dst(%arg12 : memref<64x128xf32, #tpu.memory_space<vmem>>)
      %ge3A = arith.constant 3 : i32
      %ge3A_60 = arith.cmpi sge, %add3A_49, %ge3A : i32
      %convert_element_type3A = arith.extui %ge3A_60 : i1 to i32
      %cond3A = arith.constant 0 : i32
      %cond3A_61 = arith.cmpi ne, %convert_element_type3A, %cond3A : i32
      scf.if %cond3A_61 {
        %dma_wait3A_153 = tpu.memref_slice %arg6[%mul3A_2] : memref<602112xf32, #tpu.memory_space<hbm>> -> memref<64xf32, #tpu.memory_space<hbm>>
        %dma_wait3A_154 = tpu.memref_slice %arg6[%mul3A_2] : memref<602112xf32, #tpu.memory_space<hbm>> -> memref<64xf32, #tpu.memory_space<hbm>>
        tpu.wait_dma2 semaphore(%arg25 : memref<!tpu.dma_semaphore, #tpu.memory_space<semaphore_mem>>) src(%arg15 : memref<64xf32, #tpu.memory_space<vmem>>) dst(%dma_wait3A_154 : memref<64xf32, #tpu.memory_space<hbm>>)
      } else {
      }
      %scan3A_62 = arith.constant 0 : i32
      %scan3A_63 = arith.constant 0 : i32
      %scan3A_64 = arith.constant 4 : i32
      %scan3A_65 = arith.addi %scan3A_63, %scan3A_64 : i32
      %scan3A_66 = arith.constant 1 : i32
      scf.for %scan3A_153 = %scan3A_63 to %scan3A_65 step %scan3A_66  : i32 {
        %mul3A_154 = arith.constant 16 : i32
        %mul3A_155 = arith.muli %scan3A_153, %mul3A_154 : i32
        %add3A_156 = arith.constant 0 : i32
        %add3A_157 = arith.addi %mul3A_155, %add3A_156 : i32
        %get3A = arith.index_cast %add3A_157 : i32 to index
        %get3A_158 = arith.constant 0 : index
        %get3A_159 = tpu.vector_load %arg9[%get3A, %get3A_158] {strides = array<i32>} : memref<64x128xf32, #tpu.memory_space<vmem>>, vector<16xf32>,
        %get3A_160 = arith.index_cast %add3A_157 : i32 to index
        %get3A_161 = arith.constant 0 : index
        %get3A_162 = tpu.vector_load %arg12[%get3A_160, %get3A_161] {strides = array<i32>} : memref<64x128xf32, #tpu.memory_space<vmem>>, vector<16xf32>,
        %mul3A_163 = arith.mulf %get3A_159, %get3A_162 : vector<16xf32>
        %get3A_164 = arith.index_cast %add3A_157 : i32 to index
        %get3A_165 = arith.constant 16 : index
        %get3A_166 = tpu.vector_load %arg9[%get3A_164, %get3A_165] {strides = array<i32>} : memref<64x128xf32, #tpu.memory_space<vmem>>, vector<16xf32>,
        %get3A_167 = arith.index_cast %add3A_157 : i32 to index
        %get3A_168 = arith.constant 16 : index
        %get3A_169 = tpu.vector_load %arg12[%get3A_167, %get3A_168] {strides = array<i32>} : memref<64x128xf32, #tpu.memory_space<vmem>>, vector<16xf32>,
        %mul3A_170 = arith.mulf %get3A_166, %get3A_169 : vector<16xf32>
        %get3A_171 = arith.index_cast %add3A_157 : i32 to index
        %get3A_172 = arith.constant 32 : index
        %get3A_173 = tpu.vector_load %arg9[%get3A_171, %get3A_172] {strides = array<i32>} : memref<64x128xf32, #tpu.memory_space<vmem>>, vector<16xf32>,
        %get3A_174 = arith.index_cast %add3A_157 : i32 to index
        %get3A_175 = arith.constant 32 : index
        %get3A_176 = tpu.vector_load %arg12[%get3A_174, %get3A_175] {strides = array<i32>} : memref<64x128xf32, #tpu.memory_space<vmem>>, vector<16xf32>,
        %mul3A_177 = arith.mulf %get3A_173, %get3A_176 : vector<16xf32>
        %add3A_178 = arith.addf %mul3A_163, %mul3A_177 : vector<16xf32>
        %get3A_179 = arith.index_cast %add3A_157 : i32 to index
        %get3A_180 = arith.constant 48 : index
        %get3A_181 = tpu.vector_load %arg9[%get3A_179, %get3A_180] {strides = array<i32>} : memref<64x128xf32, #tpu.memory_space<vmem>>, vector<16xf32>,
        %get3A_182 = arith.index_cast %add3A_157 : i32 to index
        %get3A_183 = arith.constant 48 : index
        %get3A_184 = tpu.vector_load %arg12[%get3A_182, %get3A_183] {strides = array<i32>} : memref<64x128xf32, #tpu.memory_space<vmem>>, vector<16xf32>,
        %mul3A_185 = arith.mulf %get3A_181, %get3A_184 : vector<16xf32>
        %add3A_186 = arith.addf %mul3A_170, %mul3A_185 : vector<16xf32>
        %get3A_187 = arith.index_cast %add3A_157 : i32 to index
        %get3A_188 = arith.constant 64 : index
        %get3A_189 = tpu.vector_load %arg9[%get3A_187, %get3A_188] {strides = array<i32>} : memref<64x128xf32, #tpu.memory_space<vmem>>, vector<16xf32>,
        %get3A_190 = arith.index_cast %add3A_157 : i32 to index
        %get3A_191 = arith.constant 64 : index
        %get3A_192 = tpu.vector_load %arg12[%get3A_190, %get3A_191] {strides = array<i32>} : memref<64x128xf32, #tpu.memory_space<vmem>>, vector<16xf32>,
        %mul3A_193 = arith.mulf %get3A_189, %get3A_192 : vector<16xf32>
        %add3A_194 = arith.addf %add3A_178, %mul3A_193 : vector<16xf32>
        %get3A_195 = arith.index_cast %add3A_157 : i32 to index
        %get3A_196 = arith.constant 80 : index
        %get3A_197 = tpu.vector_load %arg9[%get3A_195, %get3A_196] {strides = array<i32>} : memref<64x128xf32, #tpu.memory_space<vmem>>, vector<16xf32>,
        %get3A_198 = arith.index_cast %add3A_157 : i32 to index
        %get3A_199 = arith.constant 80 : index
        %get3A_200 = tpu.vector_load %arg12[%get3A_198, %get3A_199] {strides = array<i32>} : memref<64x128xf32, #tpu.memory_space<vmem>>, vector<16xf32>,
        %mul3A_201 = arith.mulf %get3A_197, %get3A_200 : vector<16xf32>
        %add3A_202 = arith.addf %add3A_186, %mul3A_201 : vector<16xf32>
        %get3A_203 = arith.index_cast %add3A_157 : i32 to index
        %get3A_204 = arith.constant 96 : index
        %get3A_205 = tpu.vector_load %arg9[%get3A_203, %get3A_204] {strides = array<i32>} : memref<64x128xf32, #tpu.memory_space<vmem>>, vector<16xf32>,
        %get3A_206 = arith.index_cast %add3A_157 : i32 to index
        %get3A_207 = arith.constant 96 : index
        %get3A_208 = tpu.vector_load %arg12[%get3A_206, %get3A_207] {strides = array<i32>} : memref<64x128xf32, #tpu.memory_space<vmem>>, vector<16xf32>,
        %mul3A_209 = arith.mulf %get3A_205, %get3A_208 : vector<16xf32>
        %add3A_210 = arith.addf %add3A_194, %mul3A_209 : vector<16xf32>
        %get3A_211 = arith.index_cast %add3A_157 : i32 to index
        %get3A_212 = arith.constant 112 : index
        %get3A_213 = tpu.vector_load %arg9[%get3A_211, %get3A_212] {strides = array<i32>} : memref<64x128xf32, #tpu.memory_space<vmem>>, vector<16xf32>,
        %get3A_214 = arith.index_cast %add3A_157 : i32 to index
        %get3A_215 = arith.constant 112 : index
        %get3A_216 = tpu.vector_load %arg12[%get3A_214, %get3A_215] {strides = array<i32>} : memref<64x128xf32, #tpu.memory_space<vmem>>, vector<16xf32>,
        %mul3A_217 = arith.mulf %get3A_213, %get3A_216 : vector<16xf32>
        %add3A_218 = arith.addf %add3A_202, %mul3A_217 : vector<16xf32>
        %add3A_219 = arith.constant 0 : i32
        %add3A_220 = vector.broadcast %add3A_219 : i32 to vector<16xi32>
        %add3A_221 = arith.addi %iota3A, %add3A_220 : vector<16xi32>
        %add3A_222 = arith.addf %add3A_210, %add3A_218 : vector<16xf32>
        tpu.vector_store_idx %arg18[%add3A_221], %add3A_222 : memref<272xf32, #tpu.memory_space<vmem>>[vector<16xi32>], vector<16xf32>,
        %add3A_223 = arith.constant 1 : i32
        %add3A_224 = arith.addi %mul3A_155, %add3A_223 : i32
        %get3A_225 = arith.index_cast %add3A_224 : i32 to index
        %get3A_226 = arith.constant 0 : index
        %get3A_227 = tpu.vector_load %arg9[%get3A_225, %get3A_226] {strides = array<i32>} : memref<64x128xf32, #tpu.memory_space<vmem>>, vector<16xf32>,
        %get3A_228 = arith.index_cast %add3A_224 : i32 to index
        %get3A_229 = arith.constant 0 : index
        %get3A_230 = tpu.vector_load %arg12[%get3A_228, %get3A_229] {strides = array<i32>} : memref<64x128xf32, #tpu.memory_space<vmem>>, vector<16xf32>,
        %mul3A_231 = arith.mulf %get3A_227, %get3A_230 : vector<16xf32>
        %get3A_232 = arith.index_cast %add3A_224 : i32 to index
        %get3A_233 = arith.constant 16 : index
        %get3A_234 = tpu.vector_load %arg9[%get3A_232, %get3A_233] {strides = array<i32>} : memref<64x128xf32, #tpu.memory_space<vmem>>, vector<16xf32>,
        %get3A_235 = arith.index_cast %add3A_224 : i32 to index
        %get3A_236 = arith.constant 16 : index
        %get3A_237 = tpu.vector_load %arg12[%get3A_235, %get3A_236] {strides = array<i32>} : memref<64x128xf32, #tpu.memory_space<vmem>>, vector<16xf32>,
        %mul3A_238 = arith.mulf %get3A_234, %get3A_237 : vector<16xf32>
        %get3A_239 = arith.index_cast %add3A_224 : i32 to index
        %get3A_240 = arith.constant 32 : index
        %get3A_241 = tpu.vector_load %arg9[%get3A_239, %get3A_240] {strides = array<i32>} : memref<64x128xf32, #tpu.memory_space<vmem>>, vector<16xf32>,
        %get3A_242 = arith.index_cast %add3A_224 : i32 to index
        %get3A_243 = arith.constant 32 : index
        %get3A_244 = tpu.vector_load %arg12[%get3A_242, %get3A_243] {strides = array<i32>} : memref<64x128xf32, #tpu.memory_space<vmem>>, vector<16xf32>,
        %mul3A_245 = arith.mulf %get3A_241, %get3A_244 : vector<16xf32>
        %add3A_246 = arith.addf %mul3A_231, %mul3A_245 : vector<16xf32>
        %get3A_247 = arith.index_cast %add3A_224 : i32 to index
        %get3A_248 = arith.constant 48 : index
        %get3A_249 = tpu.vector_load %arg9[%get3A_247, %get3A_248] {strides = array<i32>} : memref<64x128xf32, #tpu.memory_space<vmem>>, vector<16xf32>,
        %get3A_250 = arith.index_cast %add3A_224 : i32 to index
        %get3A_251 = arith.constant 48 : index
        %get3A_252 = tpu.vector_load %arg12[%get3A_250, %get3A_251] {strides = array<i32>} : memref<64x128xf32, #tpu.memory_space<vmem>>, vector<16xf32>,
        %mul3A_253 = arith.mulf %get3A_249, %get3A_252 : vector<16xf32>
        %add3A_254 = arith.addf %mul3A_238, %mul3A_253 : vector<16xf32>
        %get3A_255 = arith.index_cast %add3A_224 : i32 to index
        %get3A_256 = arith.constant 64 : index
        %get3A_257 = tpu.vector_load %arg9[%get3A_255, %get3A_256] {strides = array<i32>} : memref<64x128xf32, #tpu.memory_space<vmem>>, vector<16xf32>,
        %get3A_258 = arith.index_cast %add3A_224 : i32 to index
        %get3A_259 = arith.constant 64 : index
        %get3A_260 = tpu.vector_load %arg12[%get3A_258, %get3A_259] {strides = array<i32>} : memref<64x128xf32, #tpu.memory_space<vmem>>, vector<16xf32>,
        %mul3A_261 = arith.mulf %get3A_257, %get3A_260 : vector<16xf32>
        %add3A_262 = arith.addf %add3A_246, %mul3A_261 : vector<16xf32>
        %get3A_263 = arith.index_cast %add3A_224 : i32 to index
        %get3A_264 = arith.constant 80 : index
        %get3A_265 = tpu.vector_load %arg9[%get3A_263, %get3A_264] {strides = array<i32>} : memref<64x128xf32, #tpu.memory_space<vmem>>, vector<16xf32>,
        %get3A_266 = arith.index_cast %add3A_224 : i32 to index
        %get3A_267 = arith.constant 80 : index
        %get3A_268 = tpu.vector_load %arg12[%get3A_266, %get3A_267] {strides = array<i32>} : memref<64x128xf32, #tpu.memory_space<vmem>>, vector<16xf32>,
        %mul3A_269 = arith.mulf %get3A_265, %get3A_268 : vector<16xf32>
        %add3A_270 = arith.addf %add3A_254, %mul3A_269 : vector<16xf32>
        %get3A_271 = arith.index_cast %add3A_224 : i32 to index
        %get3A_272 = arith.constant 96 : index
        %get3A_273 = tpu.vector_load %arg9[%get3A_271, %get3A_272] {strides = array<i32>} : memref<64x128xf32, #tpu.memory_space<vmem>>, vector<16xf32>,
        %get3A_274 = arith.index_cast %add3A_224 : i32 to index
        %get3A_275 = arith.constant 96 : index
        %get3A_276 = tpu.vector_load %arg12[%get3A_274, %get3A_275] {strides = array<i32>} : memref<64x128xf32, #tpu.memory_space<vmem>>, vector<16xf32>,
        %mul3A_277 = arith.mulf %get3A_273, %get3A_276 : vector<16xf32>
        %add3A_278 = arith.addf %add3A_262, %mul3A_277 : vector<16xf32>
        %get3A_279 = arith.index_cast %add3A_224 : i32 to index
        %get3A_280 = arith.constant 112 : index
        %get3A_281 = tpu.vector_load %arg9[%get3A_279, %get3A_280] {strides = array<i32>} : memref<64x128xf32, #tpu.memory_space<vmem>>, vector<16xf32>,
        %get3A_282 = arith.index_cast %add3A_224 : i32 to index
        %get3A_283 = arith.constant 112 : index
        %get3A_284 = tpu.vector_load %arg12[%get3A_282, %get3A_283] {strides = array<i32>} : memref<64x128xf32, #tpu.memory_space<vmem>>, vector<16xf32>,
        %mul3A_285 = arith.mulf %get3A_281, %get3A_284 : vector<16xf32>
        %add3A_286 = arith.addf %add3A_270, %mul3A_285 : vector<16xf32>
        %add3A_287 = arith.constant 17 : i32
        %add3A_288 = vector.broadcast %add3A_287 : i32 to vector<16xi32>
        %add3A_289 = arith.addi %iota3A, %add3A_288 : vector<16xi32>
        %add3A_290 = arith.addf %add3A_278, %add3A_286 : vector<16xf32>
        tpu.vector_store_idx %arg18[%add3A_289], %add3A_290 : memref<272xf32, #tpu.memory_space<vmem>>[vector<16xi32>], vector<16xf32>,
        %add3A_291 = arith.constant 2 : i32
        %add3A_292 = arith.addi %mul3A_155, %add3A_291 : i32
        %get3A_293 = arith.index_cast %add3A_292 : i32 to index
        %get3A_294 = arith.constant 0 : index
        %get3A_295 = tpu.vector_load %arg9[%get3A_293, %get3A_294] {strides = array<i32>} : memref<64x128xf32, #tpu.memory_space<vmem>>, vector<16xf32>,
        %get3A_296 = arith.index_cast %add3A_292 : i32 to index
        %get3A_297 = arith.constant 0 : index
        %get3A_298 = tpu.vector_load %arg12[%get3A_296, %get3A_297] {strides = array<i32>} : memref<64x128xf32, #tpu.memory_space<vmem>>, vector<16xf32>,
        %mul3A_299 = arith.mulf %get3A_295, %get3A_298 : vector<16xf32>
        %get3A_300 = arith.index_cast %add3A_292 : i32 to index
        %get3A_301 = arith.constant 16 : index
        %get3A_302 = tpu.vector_load %arg9[%get3A_300, %get3A_301] {strides = array<i32>} : memref<64x128xf32, #tpu.memory_space<vmem>>, vector<16xf32>,
        %get3A_303 = arith.index_cast %add3A_292 : i32 to index
        %get3A_304 = arith.constant 16 : index
        %get3A_305 = tpu.vector_load %arg12[%get3A_303, %get3A_304] {strides = array<i32>} : memref<64x128xf32, #tpu.memory_space<vmem>>, vector<16xf32>,
        %mul3A_306 = arith.mulf %get3A_302, %get3A_305 : vector<16xf32>
        %get3A_307 = arith.index_cast %add3A_292 : i32 to index
        %get3A_308 = arith.constant 32 : index
        %get3A_309 = tpu.vector_load %arg9[%get3A_307, %get3A_308] {strides = array<i32>} : memref<64x128xf32, #tpu.memory_space<vmem>>, vector<16xf32>,
        %get3A_310 = arith.index_cast %add3A_292 : i32 to index
        %get3A_311 = arith.constant 32 : index
        %get3A_312 = tpu.vector_load %arg12[%get3A_310, %get3A_311] {strides = array<i32>} : memref<64x128xf32, #tpu.memory_space<vmem>>, vector<16xf32>,
        %mul3A_313 = arith.mulf %get3A_309, %get3A_312 : vector<16xf32>
        %add3A_314 = arith.addf %mul3A_299, %mul3A_313 : vector<16xf32>
        %get3A_315 = arith.index_cast %add3A_292 : i32 to index
        %get3A_316 = arith.constant 48 : index
        %get3A_317 = tpu.vector_load %arg9[%get3A_315, %get3A_316] {strides = array<i32>} : memref<64x128xf32, #tpu.memory_space<vmem>>, vector<16xf32>,
        %get3A_318 = arith.index_cast %add3A_292 : i32 to index
        %get3A_319 = arith.constant 48 : index
        %get3A_320 = tpu.vector_load %arg12[%get3A_318, %get3A_319] {strides = array<i32>} : memref<64x128xf32, #tpu.memory_space<vmem>>, vector<16xf32>,
        %mul3A_321 = arith.mulf %get3A_317, %get3A_320 : vector<16xf32>
        %add3A_322 = arith.addf %mul3A_306, %mul3A_321 : vector<16xf32>
        %get3A_323 = arith.index_cast %add3A_292 : i32 to index
        %get3A_324 = arith.constant 64 : index
        %get3A_325 = tpu.vector_load %arg9[%get3A_323, %get3A_324] {strides = array<i32>} : memref<64x128xf32, #tpu.memory_space<vmem>>, vector<16xf32>,
        %get3A_326 = arith.index_cast %add3A_292 : i32 to index
        %get3A_327 = arith.constant 64 : index
        %get3A_328 = tpu.vector_load %arg12[%get3A_326, %get3A_327] {strides = array<i32>} : memref<64x128xf32, #tpu.memory_space<vmem>>, vector<16xf32>,
        %mul3A_329 = arith.mulf %get3A_325, %get3A_328 : vector<16xf32>
        %add3A_330 = arith.addf %add3A_314, %mul3A_329 : vector<16xf32>
        %get3A_331 = arith.index_cast %add3A_292 : i32 to index
        %get3A_332 = arith.constant 80 : index
        %get3A_333 = tpu.vector_load %arg9[%get3A_331, %get3A_332] {strides = array<i32>} : memref<64x128xf32, #tpu.memory_space<vmem>>, vector<16xf32>,
        %get3A_334 = arith.index_cast %add3A_292 : i32 to index
        %get3A_335 = arith.constant 80 : index
        %get3A_336 = tpu.vector_load %arg12[%get3A_334, %get3A_335] {strides = array<i32>} : memref<64x128xf32, #tpu.memory_space<vmem>>, vector<16xf32>,
        %mul3A_337 = arith.mulf %get3A_333, %get3A_336 : vector<16xf32>
        %add3A_338 = arith.addf %add3A_322, %mul3A_337 : vector<16xf32>
        %get3A_339 = arith.index_cast %add3A_292 : i32 to index
        %get3A_340 = arith.constant 96 : index
        %get3A_341 = tpu.vector_load %arg9[%get3A_339, %get3A_340] {strides = array<i32>} : memref<64x128xf32, #tpu.memory_space<vmem>>, vector<16xf32>,
        %get3A_342 = arith.index_cast %add3A_292 : i32 to index
        %get3A_343 = arith.constant 96 : index
        %get3A_344 = tpu.vector_load %arg12[%get3A_342, %get3A_343] {strides = array<i32>} : memref<64x128xf32, #tpu.memory_space<vmem>>, vector<16xf32>,
        %mul3A_345 = arith.mulf %get3A_341, %get3A_344 : vector<16xf32>
        %add3A_346 = arith.addf %add3A_330, %mul3A_345 : vector<16xf32>
        %get3A_347 = arith.index_cast %add3A_292 : i32 to index
        %get3A_348 = arith.constant 112 : index
        %get3A_349 = tpu.vector_load %arg9[%get3A_347, %get3A_348] {strides = array<i32>} : memref<64x128xf32, #tpu.memory_space<vmem>>, vector<16xf32>,
        %get3A_350 = arith.index_cast %add3A_292 : i32 to index
        %get3A_351 = arith.constant 112 : index
        %get3A_352 = tpu.vector_load %arg12[%get3A_350, %get3A_351] {strides = array<i32>} : memref<64x128xf32, #tpu.memory_space<vmem>>, vector<16xf32>,
        %mul3A_353 = arith.mulf %get3A_349, %get3A_352 : vector<16xf32>
        %add3A_354 = arith.addf %add3A_338, %mul3A_353 : vector<16xf32>
        %add3A_355 = arith.constant 34 : i32
        %add3A_356 = vector.broadcast %add3A_355 : i32 to vector<16xi32>
        %add3A_357 = arith.addi %iota3A, %add3A_356 : vector<16xi32>
        %add3A_358 = arith.addf %add3A_346, %add3A_354 : vector<16xf32>
        tpu.vector_store_idx %arg18[%add3A_357], %add3A_358 : memref<272xf32, #tpu.memory_space<vmem>>[vector<16xi32>], vector<16xf32>,
        %add3A_359 = arith.constant 3 : i32
        %add3A_360 = arith.addi %mul3A_155, %add3A_359 : i32
        %get3A_361 = arith.index_cast %add3A_360 : i32 to index
        %get3A_362 = arith.constant 0 : index
        %get3A_363 = tpu.vector_load %arg9[%get3A_361, %get3A_362] {strides = array<i32>} : memref<64x128xf32, #tpu.memory_space<vmem>>, vector<16xf32>,
        %get3A_364 = arith.index_cast %add3A_360 : i32 to index
        %get3A_365 = arith.constant 0 : index
        %get3A_366 = tpu.vector_load %arg12[%get3A_364, %get3A_365] {strides = array<i32>} : memref<64x128xf32, #tpu.memory_space<vmem>>, vector<16xf32>,
        %mul3A_367 = arith.mulf %get3A_363, %get3A_366 : vector<16xf32>
        %get3A_368 = arith.index_cast %add3A_360 : i32 to index
        %get3A_369 = arith.constant 16 : index
        %get3A_370 = tpu.vector_load %arg9[%get3A_368, %get3A_369] {strides = array<i32>} : memref<64x128xf32, #tpu.memory_space<vmem>>, vector<16xf32>,
        %get3A_371 = arith.index_cast %add3A_360 : i32 to index
        %get3A_372 = arith.constant 16 : index
        %get3A_373 = tpu.vector_load %arg12[%get3A_371, %get3A_372] {strides = array<i32>} : memref<64x128xf32, #tpu.memory_space<vmem>>, vector<16xf32>,
        %mul3A_374 = arith.mulf %get3A_370, %get3A_373 : vector<16xf32>
        %get3A_375 = arith.index_cast %add3A_360 : i32 to index
        %get3A_376 = arith.constant 32 : index
        %get3A_377 = tpu.vector_load %arg9[%get3A_375, %get3A_376] {strides = array<i32>} : memref<64x128xf32, #tpu.memory_space<vmem>>, vector<16xf32>,
        %get3A_378 = arith.index_cast %add3A_360 : i32 to index
        %get3A_379 = arith.constant 32 : index
        %get3A_380 = tpu.vector_load %arg12[%get3A_378, %get3A_379] {strides = array<i32>} : memref<64x128xf32, #tpu.memory_space<vmem>>, vector<16xf32>,
        %mul3A_381 = arith.mulf %get3A_377, %get3A_380 : vector<16xf32>
        %add3A_382 = arith.addf %mul3A_367, %mul3A_381 : vector<16xf32>
        %get3A_383 = arith.index_cast %add3A_360 : i32 to index
        %get3A_384 = arith.constant 48 : index
        %get3A_385 = tpu.vector_load %arg9[%get3A_383, %get3A_384] {strides = array<i32>} : memref<64x128xf32, #tpu.memory_space<vmem>>, vector<16xf32>,
        %get3A_386 = arith.index_cast %add3A_360 : i32 to index
        %get3A_387 = arith.constant 48 : index
        %get3A_388 = tpu.vector_load %arg12[%get3A_386, %get3A_387] {strides = array<i32>} : memref<64x128xf32, #tpu.memory_space<vmem>>, vector<16xf32>,
        %mul3A_389 = arith.mulf %get3A_385, %get3A_388 : vector<16xf32>
        %add3A_390 = arith.addf %mul3A_374, %mul3A_389 : vector<16xf32>
        %get3A_391 = arith.index_cast %add3A_360 : i32 to index
        %get3A_392 = arith.constant 64 : index
        %get3A_393 = tpu.vector_load %arg9[%get3A_391, %get3A_392] {strides = array<i32>} : memref<64x128xf32, #tpu.memory_space<vmem>>, vector<16xf32>,
        %get3A_394 = arith.index_cast %add3A_360 : i32 to index
        %get3A_395 = arith.constant 64 : index
        %get3A_396 = tpu.vector_load %arg12[%get3A_394, %get3A_395] {strides = array<i32>} : memref<64x128xf32, #tpu.memory_space<vmem>>, vector<16xf32>,
        %mul3A_397 = arith.mulf %get3A_393, %get3A_396 : vector<16xf32>
        %add3A_398 = arith.addf %add3A_382, %mul3A_397 : vector<16xf32>
        %get3A_399 = arith.index_cast %add3A_360 : i32 to index
        %get3A_400 = arith.constant 80 : index
        %get3A_401 = tpu.vector_load %arg9[%get3A_399, %get3A_400] {strides = array<i32>} : memref<64x128xf32, #tpu.memory_space<vmem>>, vector<16xf32>,
        %get3A_402 = arith.index_cast %add3A_360 : i32 to index
        %get3A_403 = arith.constant 80 : index
        %get3A_404 = tpu.vector_load %arg12[%get3A_402, %get3A_403] {strides = array<i32>} : memref<64x128xf32, #tpu.memory_space<vmem>>, vector<16xf32>,
        %mul3A_405 = arith.mulf %get3A_401, %get3A_404 : vector<16xf32>
        %add3A_406 = arith.addf %add3A_390, %mul3A_405 : vector<16xf32>
        %get3A_407 = arith.index_cast %add3A_360 : i32 to index
        %get3A_408 = arith.constant 96 : index
        %get3A_409 = tpu.vector_load %arg9[%get3A_407, %get3A_408] {strides = array<i32>} : memref<64x128xf32, #tpu.memory_space<vmem>>, vector<16xf32>,
        %get3A_410 = arith.index_cast %add3A_360 : i32 to index
        %get3A_411 = arith.constant 96 : index
        %get3A_412 = tpu.vector_load %arg12[%get3A_410, %get3A_411] {strides = array<i32>} : memref<64x128xf32, #tpu.memory_space<vmem>>, vector<16xf32>,
        %mul3A_413 = arith.mulf %get3A_409, %get3A_412 : vector<16xf32>
        %add3A_414 = arith.addf %add3A_398, %mul3A_413 : vector<16xf32>
        %get3A_415 = arith.index_cast %add3A_360 : i32 to index
        %get3A_416 = arith.constant 112 : index
        %get3A_417 = tpu.vector_load %arg9[%get3A_415, %get3A_416] {strides = array<i32>} : memref<64x128xf32, #tpu.memory_space<vmem>>, vector<16xf32>,
        %get3A_418 = arith.index_cast %add3A_360 : i32 to index
        %get3A_419 = arith.constant 112 : index
        %get3A_420 = tpu.vector_load %arg12[%get3A_418, %get3A_419] {strides = array<i32>} : memref<64x128xf32, #tpu.memory_space<vmem>>, vector<16xf32>,
        %mul3A_421 = arith.mulf %get3A_417, %get3A_420 : vector<16xf32>
        %add3A_422 = arith.addf %add3A_406, %mul3A_421 : vector<16xf32>
        %add3A_423 = arith.constant 51 : i32
        %add3A_424 = vector.broadcast %add3A_423 : i32 to vector<16xi32>
        %add3A_425 = arith.addi %iota3A, %add3A_424 : vector<16xi32>
        %add3A_426 = arith.addf %add3A_414, %add3A_422 : vector<16xf32>
        tpu.vector_store_idx %arg18[%add3A_425], %add3A_426 : memref<272xf32, #tpu.memory_space<vmem>>[vector<16xi32>], vector<16xf32>,
        %add3A_427 = arith.constant 4 : i32
        %add3A_428 = arith.addi %mul3A_155, %add3A_427 : i32
        %get3A_429 = arith.index_cast %add3A_428 : i32 to index
        %get3A_430 = arith.constant 0 : index
        %get3A_431 = tpu.vector_load %arg9[%get3A_429, %get3A_430] {strides = array<i32>} : memref<64x128xf32, #tpu.memory_space<vmem>>, vector<16xf32>,
        %get3A_432 = arith.index_cast %add3A_428 : i32 to index
        %get3A_433 = arith.constant 0 : index
        %get3A_434 = tpu.vector_load %arg12[%get3A_432, %get3A_433] {strides = array<i32>} : memref<64x128xf32, #tpu.memory_space<vmem>>, vector<16xf32>,
        %mul3A_435 = arith.mulf %get3A_431, %get3A_434 : vector<16xf32>
        %get3A_436 = arith.index_cast %add3A_428 : i32 to index
        %get3A_437 = arith.constant 16 : index
        %get3A_438 = tpu.vector_load %arg9[%get3A_436, %get3A_437] {strides = array<i32>} : memref<64x128xf32, #tpu.memory_space<vmem>>, vector<16xf32>,
        %get3A_439 = arith.index_cast %add3A_428 : i32 to index
        %get3A_440 = arith.constant 16 : index
        %get3A_441 = tpu.vector_load %arg12[%get3A_439, %get3A_440] {strides = array<i32>} : memref<64x128xf32, #tpu.memory_space<vmem>>, vector<16xf32>,
        %mul3A_442 = arith.mulf %get3A_438, %get3A_441 : vector<16xf32>
        %get3A_443 = arith.index_cast %add3A_428 : i32 to index
        %get3A_444 = arith.constant 32 : index
        %get3A_445 = tpu.vector_load %arg9[%get3A_443, %get3A_444] {strides = array<i32>} : memref<64x128xf32, #tpu.memory_space<vmem>>, vector<16xf32>,
        %get3A_446 = arith.index_cast %add3A_428 : i32 to index
        %get3A_447 = arith.constant 32 : index
        %get3A_448 = tpu.vector_load %arg12[%get3A_446, %get3A_447] {strides = array<i32>} : memref<64x128xf32, #tpu.memory_space<vmem>>, vector<16xf32>,
        %mul3A_449 = arith.mulf %get3A_445, %get3A_448 : vector<16xf32>
        %add3A_450 = arith.addf %mul3A_435, %mul3A_449 : vector<16xf32>
        %get3A_451 = arith.index_cast %add3A_428 : i32 to index
        %get3A_452 = arith.constant 48 : index
        %get3A_453 = tpu.vector_load %arg9[%get3A_451, %get3A_452] {strides = array<i32>} : memref<64x128xf32, #tpu.memory_space<vmem>>, vector<16xf32>,
        %get3A_454 = arith.index_cast %add3A_428 : i32 to index
        %get3A_455 = arith.constant 48 : index
        %get3A_456 = tpu.vector_load %arg12[%get3A_454, %get3A_455] {strides = array<i32>} : memref<64x128xf32, #tpu.memory_space<vmem>>, vector<16xf32>,
        %mul3A_457 = arith.mulf %get3A_453, %get3A_456 : vector<16xf32>
        %add3A_458 = arith.addf %mul3A_442, %mul3A_457 : vector<16xf32>
        %get3A_459 = arith.index_cast %add3A_428 : i32 to index
        %get3A_460 = arith.constant 64 : index
        %get3A_461 = tpu.vector_load %arg9[%get3A_459, %get3A_460] {strides = array<i32>} : memref<64x128xf32, #tpu.memory_space<vmem>>, vector<16xf32>,
        %get3A_462 = arith.index_cast %add3A_428 : i32 to index
        %get3A_463 = arith.constant 64 : index
        %get3A_464 = tpu.vector_load %arg12[%get3A_462, %get3A_463] {strides = array<i32>} : memref<64x128xf32, #tpu.memory_space<vmem>>, vector<16xf32>,
        %mul3A_465 = arith.mulf %get3A_461, %get3A_464 : vector<16xf32>
        %add3A_466 = arith.addf %add3A_450, %mul3A_465 : vector<16xf32>
        %get3A_467 = arith.index_cast %add3A_428 : i32 to index
        %get3A_468 = arith.constant 80 : index
        %get3A_469 = tpu.vector_load %arg9[%get3A_467, %get3A_468] {strides = array<i32>} : memref<64x128xf32, #tpu.memory_space<vmem>>, vector<16xf32>,
        %get3A_470 = arith.index_cast %add3A_428 : i32 to index
        %get3A_471 = arith.constant 80 : index
        %get3A_472 = tpu.vector_load %arg12[%get3A_470, %get3A_471] {strides = array<i32>} : memref<64x128xf32, #tpu.memory_space<vmem>>, vector<16xf32>,
        %mul3A_473 = arith.mulf %get3A_469, %get3A_472 : vector<16xf32>
        %add3A_474 = arith.addf %add3A_458, %mul3A_473 : vector<16xf32>
        %get3A_475 = arith.index_cast %add3A_428 : i32 to index
        %get3A_476 = arith.constant 96 : index
        %get3A_477 = tpu.vector_load %arg9[%get3A_475, %get3A_476] {strides = array<i32>} : memref<64x128xf32, #tpu.memory_space<vmem>>, vector<16xf32>,
        %get3A_478 = arith.index_cast %add3A_428 : i32 to index
        %get3A_479 = arith.constant 96 : index
        %get3A_480 = tpu.vector_load %arg12[%get3A_478, %get3A_479] {strides = array<i32>} : memref<64x128xf32, #tpu.memory_space<vmem>>, vector<16xf32>,
        %mul3A_481 = arith.mulf %get3A_477, %get3A_480 : vector<16xf32>
        %add3A_482 = arith.addf %add3A_466, %mul3A_481 : vector<16xf32>
        %get3A_483 = arith.index_cast %add3A_428 : i32 to index
        %get3A_484 = arith.constant 112 : index
        %get3A_485 = tpu.vector_load %arg9[%get3A_483, %get3A_484] {strides = array<i32>} : memref<64x128xf32, #tpu.memory_space<vmem>>, vector<16xf32>,
        %get3A_486 = arith.index_cast %add3A_428 : i32 to index
        %get3A_487 = arith.constant 112 : index
        %get3A_488 = tpu.vector_load %arg12[%get3A_486, %get3A_487] {strides = array<i32>} : memref<64x128xf32, #tpu.memory_space<vmem>>, vector<16xf32>,
        %mul3A_489 = arith.mulf %get3A_485, %get3A_488 : vector<16xf32>
        %add3A_490 = arith.addf %add3A_474, %mul3A_489 : vector<16xf32>
        %add3A_491 = arith.constant 68 : i32
        %add3A_492 = vector.broadcast %add3A_491 : i32 to vector<16xi32>
        %add3A_493 = arith.addi %iota3A, %add3A_492 : vector<16xi32>
        %add3A_494 = arith.addf %add3A_482, %add3A_490 : vector<16xf32>
        tpu.vector_store_idx %arg18[%add3A_493], %add3A_494 : memref<272xf32, #tpu.memory_space<vmem>>[vector<16xi32>], vector<16xf32>,
        %add3A_495 = arith.constant 5 : i32
        %add3A_496 = arith.addi %mul3A_155, %add3A_495 : i32
        %get3A_497 = arith.index_cast %add3A_496 : i32 to index
        %get3A_498 = arith.constant 0 : index
        %get3A_499 = tpu.vector_load %arg9[%get3A_497, %get3A_498] {strides = array<i32>} : memref<64x128xf32, #tpu.memory_space<vmem>>, vector<16xf32>,
        %get3A_500 = arith.index_cast %add3A_496 : i32 to index
        %get3A_501 = arith.constant 0 : index
        %get3A_502 = tpu.vector_load %arg12[%get3A_500, %get3A_501] {strides = array<i32>} : memref<64x128xf32, #tpu.memory_space<vmem>>, vector<16xf32>,
        %mul3A_503 = arith.mulf %get3A_499, %get3A_502 : vector<16xf32>
        %get3A_504 = arith.index_cast %add3A_496 : i32 to index
        %get3A_505 = arith.constant 16 : index
        %get3A_506 = tpu.vector_load %arg9[%get3A_504, %get3A_505] {strides = array<i32>} : memref<64x128xf32, #tpu.memory_space<vmem>>, vector<16xf32>,
        %get3A_507 = arith.index_cast %add3A_496 : i32 to index
        %get3A_508 = arith.constant 16 : index
        %get3A_509 = tpu.vector_load %arg12[%get3A_507, %get3A_508] {strides = array<i32>} : memref<64x128xf32, #tpu.memory_space<vmem>>, vector<16xf32>,
        %mul3A_510 = arith.mulf %get3A_506, %get3A_509 : vector<16xf32>
        %get3A_511 = arith.index_cast %add3A_496 : i32 to index
        %get3A_512 = arith.constant 32 : index
        %get3A_513 = tpu.vector_load %arg9[%get3A_511, %get3A_512] {strides = array<i32>} : memref<64x128xf32, #tpu.memory_space<vmem>>, vector<16xf32>,
        %get3A_514 = arith.index_cast %add3A_496 : i32 to index
        %get3A_515 = arith.constant 32 : index
        %get3A_516 = tpu.vector_load %arg12[%get3A_514, %get3A_515] {strides = array<i32>} : memref<64x128xf32, #tpu.memory_space<vmem>>, vector<16xf32>,
        %mul3A_517 = arith.mulf %get3A_513, %get3A_516 : vector<16xf32>
        %add3A_518 = arith.addf %mul3A_503, %mul3A_517 : vector<16xf32>
        %get3A_519 = arith.index_cast %add3A_496 : i32 to index
        %get3A_520 = arith.constant 48 : index
        %get3A_521 = tpu.vector_load %arg9[%get3A_519, %get3A_520] {strides = array<i32>} : memref<64x128xf32, #tpu.memory_space<vmem>>, vector<16xf32>,
        %get3A_522 = arith.index_cast %add3A_496 : i32 to index
        %get3A_523 = arith.constant 48 : index
        %get3A_524 = tpu.vector_load %arg12[%get3A_522, %get3A_523] {strides = array<i32>} : memref<64x128xf32, #tpu.memory_space<vmem>>, vector<16xf32>,
        %mul3A_525 = arith.mulf %get3A_521, %get3A_524 : vector<16xf32>
        %add3A_526 = arith.addf %mul3A_510, %mul3A_525 : vector<16xf32>
        %get3A_527 = arith.index_cast %add3A_496 : i32 to index
        %get3A_528 = arith.constant 64 : index
        %get3A_529 = tpu.vector_load %arg9[%get3A_527, %get3A_528] {strides = array<i32>} : memref<64x128xf32, #tpu.memory_space<vmem>>, vector<16xf32>,
        %get3A_530 = arith.index_cast %add3A_496 : i32 to index
        %get3A_531 = arith.constant 64 : index
        %get3A_532 = tpu.vector_load %arg12[%get3A_530, %get3A_531] {strides = array<i32>} : memref<64x128xf32, #tpu.memory_space<vmem>>, vector<16xf32>,
        %mul3A_533 = arith.mulf %get3A_529, %get3A_532 : vector<16xf32>
        %add3A_534 = arith.addf %add3A_518, %mul3A_533 : vector<16xf32>
        %get3A_535 = arith.index_cast %add3A_496 : i32 to index
        %get3A_536 = arith.constant 80 : index
        %get3A_537 = tpu.vector_load %arg9[%get3A_535, %get3A_536] {strides = array<i32>} : memref<64x128xf32, #tpu.memory_space<vmem>>, vector<16xf32>,
        %get3A_538 = arith.index_cast %add3A_496 : i32 to index
        %get3A_539 = arith.constant 80 : index
        %get3A_540 = tpu.vector_load %arg12[%get3A_538, %get3A_539] {strides = array<i32>} : memref<64x128xf32, #tpu.memory_space<vmem>>, vector<16xf32>,
        %mul3A_541 = arith.mulf %get3A_537, %get3A_540 : vector<16xf32>
        %add3A_542 = arith.addf %add3A_526, %mul3A_541 : vector<16xf32>
        %get3A_543 = arith.index_cast %add3A_496 : i32 to index
        %get3A_544 = arith.constant 96 : index
        %get3A_545 = tpu.vector_load %arg9[%get3A_543, %get3A_544] {strides = array<i32>} : memref<64x128xf32, #tpu.memory_space<vmem>>, vector<16xf32>,
        %get3A_546 = arith.index_cast %add3A_496 : i32 to index
        %get3A_547 = arith.constant 96 : index
        %get3A_548 = tpu.vector_load %arg12[%get3A_546, %get3A_547] {strides = array<i32>} : memref<64x128xf32, #tpu.memory_space<vmem>>, vector<16xf32>,
        %mul3A_549 = arith.mulf %get3A_545, %get3A_548 : vector<16xf32>
        %add3A_550 = arith.addf %add3A_534, %mul3A_549 : vector<16xf32>
        %get3A_551 = arith.index_cast %add3A_496 : i32 to index
        %get3A_552 = arith.constant 112 : index
        %get3A_553 = tpu.vector_load %arg9[%get3A_551, %get3A_552] {strides = array<i32>} : memref<64x128xf32, #tpu.memory_space<vmem>>, vector<16xf32>,
        %get3A_554 = arith.index_cast %add3A_496 : i32 to index
        %get3A_555 = arith.constant 112 : index
        %get3A_556 = tpu.vector_load %arg12[%get3A_554, %get3A_555] {strides = array<i32>} : memref<64x128xf32, #tpu.memory_space<vmem>>, vector<16xf32>,
        %mul3A_557 = arith.mulf %get3A_553, %get3A_556 : vector<16xf32>
        %add3A_558 = arith.addf %add3A_542, %mul3A_557 : vector<16xf32>
        %add3A_559 = arith.constant 85 : i32
        %add3A_560 = vector.broadcast %add3A_559 : i32 to vector<16xi32>
        %add3A_561 = arith.addi %iota3A, %add3A_560 : vector<16xi32>
        %add3A_562 = arith.addf %add3A_550, %add3A_558 : vector<16xf32>
        tpu.vector_store_idx %arg18[%add3A_561], %add3A_562 : memref<272xf32, #tpu.memory_space<vmem>>[vector<16xi32>], vector<16xf32>,
        %add3A_563 = arith.constant 6 : i32
        %add3A_564 = arith.addi %mul3A_155, %add3A_563 : i32
        %get3A_565 = arith.index_cast %add3A_564 : i32 to index
        %get3A_566 = arith.constant 0 : index
        %get3A_567 = tpu.vector_load %arg9[%get3A_565, %get3A_566] {strides = array<i32>} : memref<64x128xf32, #tpu.memory_space<vmem>>, vector<16xf32>,
        %get3A_568 = arith.index_cast %add3A_564 : i32 to index
        %get3A_569 = arith.constant 0 : index
        %get3A_570 = tpu.vector_load %arg12[%get3A_568, %get3A_569] {strides = array<i32>} : memref<64x128xf32, #tpu.memory_space<vmem>>, vector<16xf32>,
        %mul3A_571 = arith.mulf %get3A_567, %get3A_570 : vector<16xf32>
        %get3A_572 = arith.index_cast %add3A_564 : i32 to index
        %get3A_573 = arith.constant 16 : index
        %get3A_574 = tpu.vector_load %arg9[%get3A_572, %get3A_573] {strides = array<i32>} : memref<64x128xf32, #tpu.memory_space<vmem>>, vector<16xf32>,
        %get3A_575 = arith.index_cast %add3A_564 : i32 to index
        %get3A_576 = arith.constant 16 : index
        %get3A_577 = tpu.vector_load %arg12[%get3A_575, %get3A_576] {strides = array<i32>} : memref<64x128xf32, #tpu.memory_space<vmem>>, vector<16xf32>,
        %mul3A_578 = arith.mulf %get3A_574, %get3A_577 : vector<16xf32>
        %get3A_579 = arith.index_cast %add3A_564 : i32 to index
        %get3A_580 = arith.constant 32 : index
        %get3A_581 = tpu.vector_load %arg9[%get3A_579, %get3A_580] {strides = array<i32>} : memref<64x128xf32, #tpu.memory_space<vmem>>, vector<16xf32>,
        %get3A_582 = arith.index_cast %add3A_564 : i32 to index
        %get3A_583 = arith.constant 32 : index
        %get3A_584 = tpu.vector_load %arg12[%get3A_582, %get3A_583] {strides = array<i32>} : memref<64x128xf32, #tpu.memory_space<vmem>>, vector<16xf32>,
        %mul3A_585 = arith.mulf %get3A_581, %get3A_584 : vector<16xf32>
        %add3A_586 = arith.addf %mul3A_571, %mul3A_585 : vector<16xf32>
        %get3A_587 = arith.index_cast %add3A_564 : i32 to index
        %get3A_588 = arith.constant 48 : index
        %get3A_589 = tpu.vector_load %arg9[%get3A_587, %get3A_588] {strides = array<i32>} : memref<64x128xf32, #tpu.memory_space<vmem>>, vector<16xf32>,
        %get3A_590 = arith.index_cast %add3A_564 : i32 to index
        %get3A_591 = arith.constant 48 : index
        %get3A_592 = tpu.vector_load %arg12[%get3A_590, %get3A_591] {strides = array<i32>} : memref<64x128xf32, #tpu.memory_space<vmem>>, vector<16xf32>,
        %mul3A_593 = arith.mulf %get3A_589, %get3A_592 : vector<16xf32>
        %add3A_594 = arith.addf %mul3A_578, %mul3A_593 : vector<16xf32>
        %get3A_595 = arith.index_cast %add3A_564 : i32 to index
        %get3A_596 = arith.constant 64 : index
        %get3A_597 = tpu.vector_load %arg9[%get3A_595, %get3A_596] {strides = array<i32>} : memref<64x128xf32, #tpu.memory_space<vmem>>, vector<16xf32>,
        %get3A_598 = arith.index_cast %add3A_564 : i32 to index
        %get3A_599 = arith.constant 64 : index
        %get3A_600 = tpu.vector_load %arg12[%get3A_598, %get3A_599] {strides = array<i32>} : memref<64x128xf32, #tpu.memory_space<vmem>>, vector<16xf32>,
        %mul3A_601 = arith.mulf %get3A_597, %get3A_600 : vector<16xf32>
        %add3A_602 = arith.addf %add3A_586, %mul3A_601 : vector<16xf32>
        %get3A_603 = arith.index_cast %add3A_564 : i32 to index
        %get3A_604 = arith.constant 80 : index
        %get3A_605 = tpu.vector_load %arg9[%get3A_603, %get3A_604] {strides = array<i32>} : memref<64x128xf32, #tpu.memory_space<vmem>>, vector<16xf32>,
        %get3A_606 = arith.index_cast %add3A_564 : i32 to index
        %get3A_607 = arith.constant 80 : index
        %get3A_608 = tpu.vector_load %arg12[%get3A_606, %get3A_607] {strides = array<i32>} : memref<64x128xf32, #tpu.memory_space<vmem>>, vector<16xf32>,
        %mul3A_609 = arith.mulf %get3A_605, %get3A_608 : vector<16xf32>
        %add3A_610 = arith.addf %add3A_594, %mul3A_609 : vector<16xf32>
        %get3A_611 = arith.index_cast %add3A_564 : i32 to index
        %get3A_612 = arith.constant 96 : index
        %get3A_613 = tpu.vector_load %arg9[%get3A_611, %get3A_612] {strides = array<i32>} : memref<64x128xf32, #tpu.memory_space<vmem>>, vector<16xf32>,
        %get3A_614 = arith.index_cast %add3A_564 : i32 to index
        %get3A_615 = arith.constant 96 : index
        %get3A_616 = tpu.vector_load %arg12[%get3A_614, %get3A_615] {strides = array<i32>} : memref<64x128xf32, #tpu.memory_space<vmem>>, vector<16xf32>,
        %mul3A_617 = arith.mulf %get3A_613, %get3A_616 : vector<16xf32>
        %add3A_618 = arith.addf %add3A_602, %mul3A_617 : vector<16xf32>
        %get3A_619 = arith.index_cast %add3A_564 : i32 to index
        %get3A_620 = arith.constant 112 : index
        %get3A_621 = tpu.vector_load %arg9[%get3A_619, %get3A_620] {strides = array<i32>} : memref<64x128xf32, #tpu.memory_space<vmem>>, vector<16xf32>,
        %get3A_622 = arith.index_cast %add3A_564 : i32 to index
        %get3A_623 = arith.constant 112 : index
        %get3A_624 = tpu.vector_load %arg12[%get3A_622, %get3A_623] {strides = array<i32>} : memref<64x128xf32, #tpu.memory_space<vmem>>, vector<16xf32>,
        %mul3A_625 = arith.mulf %get3A_621, %get3A_624 : vector<16xf32>
        %add3A_626 = arith.addf %add3A_610, %mul3A_625 : vector<16xf32>
        %add3A_627 = arith.constant 102 : i32
        %add3A_628 = vector.broadcast %add3A_627 : i32 to vector<16xi32>
        %add3A_629 = arith.addi %iota3A, %add3A_628 : vector<16xi32>
        %add3A_630 = arith.addf %add3A_618, %add3A_626 : vector<16xf32>
        tpu.vector_store_idx %arg18[%add3A_629], %add3A_630 : memref<272xf32, #tpu.memory_space<vmem>>[vector<16xi32>], vector<16xf32>,
        %add3A_631 = arith.constant 7 : i32
        %add3A_632 = arith.addi %mul3A_155, %add3A_631 : i32
        %get3A_633 = arith.index_cast %add3A_632 : i32 to index
        %get3A_634 = arith.constant 0 : index
        %get3A_635 = tpu.vector_load %arg9[%get3A_633, %get3A_634] {strides = array<i32>} : memref<64x128xf32, #tpu.memory_space<vmem>>, vector<16xf32>,
        %get3A_636 = arith.index_cast %add3A_632 : i32 to index
        %get3A_637 = arith.constant 0 : index
        %get3A_638 = tpu.vector_load %arg12[%get3A_636, %get3A_637] {strides = array<i32>} : memref<64x128xf32, #tpu.memory_space<vmem>>, vector<16xf32>,
        %mul3A_639 = arith.mulf %get3A_635, %get3A_638 : vector<16xf32>
        %get3A_640 = arith.index_cast %add3A_632 : i32 to index
        %get3A_641 = arith.constant 16 : index
        %get3A_642 = tpu.vector_load %arg9[%get3A_640, %get3A_641] {strides = array<i32>} : memref<64x128xf32, #tpu.memory_space<vmem>>, vector<16xf32>,
        %get3A_643 = arith.index_cast %add3A_632 : i32 to index
        %get3A_644 = arith.constant 16 : index
        %get3A_645 = tpu.vector_load %arg12[%get3A_643, %get3A_644] {strides = array<i32>} : memref<64x128xf32, #tpu.memory_space<vmem>>, vector<16xf32>,
        %mul3A_646 = arith.mulf %get3A_642, %get3A_645 : vector<16xf32>
        %get3A_647 = arith.index_cast %add3A_632 : i32 to index
        %get3A_648 = arith.constant 32 : index
        %get3A_649 = tpu.vector_load %arg9[%get3A_647, %get3A_648] {strides = array<i32>} : memref<64x128xf32, #tpu.memory_space<vmem>>, vector<16xf32>,
        %get3A_650 = arith.index_cast %add3A_632 : i32 to index
        %get3A_651 = arith.constant 32 : index
        %get3A_652 = tpu.vector_load %arg12[%get3A_650, %get3A_651] {strides = array<i32>} : memref<64x128xf32, #tpu.memory_space<vmem>>, vector<16xf32>,
        %mul3A_653 = arith.mulf %get3A_649, %get3A_652 : vector<16xf32>
        %add3A_654 = arith.addf %mul3A_639, %mul3A_653 : vector<16xf32>
        %get3A_655 = arith.index_cast %add3A_632 : i32 to index
        %get3A_656 = arith.constant 48 : index
        %get3A_657 = tpu.vector_load %arg9[%get3A_655, %get3A_656] {strides = array<i32>} : memref<64x128xf32, #tpu.memory_space<vmem>>, vector<16xf32>,
        %get3A_658 = arith.index_cast %add3A_632 : i32 to index
        %get3A_659 = arith.constant 48 : index
        %get3A_660 = tpu.vector_load %arg12[%get3A_658, %get3A_659] {strides = array<i32>} : memref<64x128xf32, #tpu.memory_space<vmem>>, vector<16xf32>,
        %mul3A_661 = arith.mulf %get3A_657, %get3A_660 : vector<16xf32>
        %add3A_662 = arith.addf %mul3A_646, %mul3A_661 : vector<16xf32>
        %get3A_663 = arith.index_cast %add3A_632 : i32 to index
        %get3A_664 = arith.constant 64 : index
        %get3A_665 = tpu.vector_load %arg9[%get3A_663, %get3A_664] {strides = array<i32>} : memref<64x128xf32, #tpu.memory_space<vmem>>, vector<16xf32>,
        %get3A_666 = arith.index_cast %add3A_632 : i32 to index
        %get3A_667 = arith.constant 64 : index
        %get3A_668 = tpu.vector_load %arg12[%get3A_666, %get3A_667] {strides = array<i32>} : memref<64x128xf32, #tpu.memory_space<vmem>>, vector<16xf32>,
        %mul3A_669 = arith.mulf %get3A_665, %get3A_668 : vector<16xf32>
        %add3A_670 = arith.addf %add3A_654, %mul3A_669 : vector<16xf32>
        %get3A_671 = arith.index_cast %add3A_632 : i32 to index
        %get3A_672 = arith.constant 80 : index
        %get3A_673 = tpu.vector_load %arg9[%get3A_671, %get3A_672] {strides = array<i32>} : memref<64x128xf32, #tpu.memory_space<vmem>>, vector<16xf32>,
        %get3A_674 = arith.index_cast %add3A_632 : i32 to index
        %get3A_675 = arith.constant 80 : index
        %get3A_676 = tpu.vector_load %arg12[%get3A_674, %get3A_675] {strides = array<i32>} : memref<64x128xf32, #tpu.memory_space<vmem>>, vector<16xf32>,
        %mul3A_677 = arith.mulf %get3A_673, %get3A_676 : vector<16xf32>
        %add3A_678 = arith.addf %add3A_662, %mul3A_677 : vector<16xf32>
        %get3A_679 = arith.index_cast %add3A_632 : i32 to index
        %get3A_680 = arith.constant 96 : index
        %get3A_681 = tpu.vector_load %arg9[%get3A_679, %get3A_680] {strides = array<i32>} : memref<64x128xf32, #tpu.memory_space<vmem>>, vector<16xf32>,
        %get3A_682 = arith.index_cast %add3A_632 : i32 to index
        %get3A_683 = arith.constant 96 : index
        %get3A_684 = tpu.vector_load %arg12[%get3A_682, %get3A_683] {strides = array<i32>} : memref<64x128xf32, #tpu.memory_space<vmem>>, vector<16xf32>,
        %mul3A_685 = arith.mulf %get3A_681, %get3A_684 : vector<16xf32>
        %add3A_686 = arith.addf %add3A_670, %mul3A_685 : vector<16xf32>
        %get3A_687 = arith.index_cast %add3A_632 : i32 to index
        %get3A_688 = arith.constant 112 : index
        %get3A_689 = tpu.vector_load %arg9[%get3A_687, %get3A_688] {strides = array<i32>} : memref<64x128xf32, #tpu.memory_space<vmem>>, vector<16xf32>,
        %get3A_690 = arith.index_cast %add3A_632 : i32 to index
        %get3A_691 = arith.constant 112 : index
        %get3A_692 = tpu.vector_load %arg12[%get3A_690, %get3A_691] {strides = array<i32>} : memref<64x128xf32, #tpu.memory_space<vmem>>, vector<16xf32>,
        %mul3A_693 = arith.mulf %get3A_689, %get3A_692 : vector<16xf32>
        %add3A_694 = arith.addf %add3A_678, %mul3A_693 : vector<16xf32>
        %add3A_695 = arith.constant 119 : i32
        %add3A_696 = vector.broadcast %add3A_695 : i32 to vector<16xi32>
        %add3A_697 = arith.addi %iota3A, %add3A_696 : vector<16xi32>
        %add3A_698 = arith.addf %add3A_686, %add3A_694 : vector<16xf32>
        tpu.vector_store_idx %arg18[%add3A_697], %add3A_698 : memref<272xf32, #tpu.memory_space<vmem>>[vector<16xi32>], vector<16xf32>,
        %add3A_699 = arith.constant 8 : i32
        %add3A_700 = arith.addi %mul3A_155, %add3A_699 : i32
        %get3A_701 = arith.index_cast %add3A_700 : i32 to index
        %get3A_702 = arith.constant 0 : index
        %get3A_703 = tpu.vector_load %arg9[%get3A_701, %get3A_702] {strides = array<i32>} : memref<64x128xf32, #tpu.memory_space<vmem>>, vector<16xf32>,
        %get3A_704 = arith.index_cast %add3A_700 : i32 to index
        %get3A_705 = arith.constant 0 : index
        %get3A_706 = tpu.vector_load %arg12[%get3A_704, %get3A_705] {strides = array<i32>} : memref<64x128xf32, #tpu.memory_space<vmem>>, vector<16xf32>,
        %mul3A_707 = arith.mulf %get3A_703, %get3A_706 : vector<16xf32>
        %get3A_708 = arith.index_cast %add3A_700 : i32 to index
        %get3A_709 = arith.constant 16 : index
        %get3A_710 = tpu.vector_load %arg9[%get3A_708, %get3A_709] {strides = array<i32>} : memref<64x128xf32, #tpu.memory_space<vmem>>, vector<16xf32>,
        %get3A_711 = arith.index_cast %add3A_700 : i32 to index
        %get3A_712 = arith.constant 16 : index
        %get3A_713 = tpu.vector_load %arg12[%get3A_711, %get3A_712] {strides = array<i32>} : memref<64x128xf32, #tpu.memory_space<vmem>>, vector<16xf32>,
        %mul3A_714 = arith.mulf %get3A_710, %get3A_713 : vector<16xf32>
        %get3A_715 = arith.index_cast %add3A_700 : i32 to index
        %get3A_716 = arith.constant 32 : index
        %get3A_717 = tpu.vector_load %arg9[%get3A_715, %get3A_716] {strides = array<i32>} : memref<64x128xf32, #tpu.memory_space<vmem>>, vector<16xf32>,
        %get3A_718 = arith.index_cast %add3A_700 : i32 to index
        %get3A_719 = arith.constant 32 : index
        %get3A_720 = tpu.vector_load %arg12[%get3A_718, %get3A_719] {strides = array<i32>} : memref<64x128xf32, #tpu.memory_space<vmem>>, vector<16xf32>,
        %mul3A_721 = arith.mulf %get3A_717, %get3A_720 : vector<16xf32>
        %add3A_722 = arith.addf %mul3A_707, %mul3A_721 : vector<16xf32>
        %get3A_723 = arith.index_cast %add3A_700 : i32 to index
        %get3A_724 = arith.constant 48 : index
        %get3A_725 = tpu.vector_load %arg9[%get3A_723, %get3A_724] {strides = array<i32>} : memref<64x128xf32, #tpu.memory_space<vmem>>, vector<16xf32>,
        %get3A_726 = arith.index_cast %add3A_700 : i32 to index
        %get3A_727 = arith.constant 48 : index
        %get3A_728 = tpu.vector_load %arg12[%get3A_726, %get3A_727] {strides = array<i32>} : memref<64x128xf32, #tpu.memory_space<vmem>>, vector<16xf32>,
        %mul3A_729 = arith.mulf %get3A_725, %get3A_728 : vector<16xf32>
        %add3A_730 = arith.addf %mul3A_714, %mul3A_729 : vector<16xf32>
        %get3A_731 = arith.index_cast %add3A_700 : i32 to index
        %get3A_732 = arith.constant 64 : index
        %get3A_733 = tpu.vector_load %arg9[%get3A_731, %get3A_732] {strides = array<i32>} : memref<64x128xf32, #tpu.memory_space<vmem>>, vector<16xf32>,
        %get3A_734 = arith.index_cast %add3A_700 : i32 to index
        %get3A_735 = arith.constant 64 : index
        %get3A_736 = tpu.vector_load %arg12[%get3A_734, %get3A_735] {strides = array<i32>} : memref<64x128xf32, #tpu.memory_space<vmem>>, vector<16xf32>,
        %mul3A_737 = arith.mulf %get3A_733, %get3A_736 : vector<16xf32>
        %add3A_738 = arith.addf %add3A_722, %mul3A_737 : vector<16xf32>
        %get3A_739 = arith.index_cast %add3A_700 : i32 to index
        %get3A_740 = arith.constant 80 : index
        %get3A_741 = tpu.vector_load %arg9[%get3A_739, %get3A_740] {strides = array<i32>} : memref<64x128xf32, #tpu.memory_space<vmem>>, vector<16xf32>,
        %get3A_742 = arith.index_cast %add3A_700 : i32 to index
        %get3A_743 = arith.constant 80 : index
        %get3A_744 = tpu.vector_load %arg12[%get3A_742, %get3A_743] {strides = array<i32>} : memref<64x128xf32, #tpu.memory_space<vmem>>, vector<16xf32>,
        %mul3A_745 = arith.mulf %get3A_741, %get3A_744 : vector<16xf32>
        %add3A_746 = arith.addf %add3A_730, %mul3A_745 : vector<16xf32>
        %get3A_747 = arith.index_cast %add3A_700 : i32 to index
        %get3A_748 = arith.constant 96 : index
        %get3A_749 = tpu.vector_load %arg9[%get3A_747, %get3A_748] {strides = array<i32>} : memref<64x128xf32, #tpu.memory_space<vmem>>, vector<16xf32>,
        %get3A_750 = arith.index_cast %add3A_700 : i32 to index
        %get3A_751 = arith.constant 96 : index
        %get3A_752 = tpu.vector_load %arg12[%get3A_750, %get3A_751] {strides = array<i32>} : memref<64x128xf32, #tpu.memory_space<vmem>>, vector<16xf32>,
        %mul3A_753 = arith.mulf %get3A_749, %get3A_752 : vector<16xf32>
        %add3A_754 = arith.addf %add3A_738, %mul3A_753 : vector<16xf32>
        %get3A_755 = arith.index_cast %add3A_700 : i32 to index
        %get3A_756 = arith.constant 112 : index
        %get3A_757 = tpu.vector_load %arg9[%get3A_755, %get3A_756] {strides = array<i32>} : memref<64x128xf32, #tpu.memory_space<vmem>>, vector<16xf32>,
        %get3A_758 = arith.index_cast %add3A_700 : i32 to index
        %get3A_759 = arith.constant 112 : index
        %get3A_760 = tpu.vector_load %arg12[%get3A_758, %get3A_759] {strides = array<i32>} : memref<64x128xf32, #tpu.memory_space<vmem>>, vector<16xf32>,
        %mul3A_761 = arith.mulf %get3A_757, %get3A_760 : vector<16xf32>
        %add3A_762 = arith.addf %add3A_746, %mul3A_761 : vector<16xf32>
        %add3A_763 = arith.constant 136 : i32
        %add3A_764 = vector.broadcast %add3A_763 : i32 to vector<16xi32>
        %add3A_765 = arith.addi %iota3A, %add3A_764 : vector<16xi32>
        %add3A_766 = arith.addf %add3A_754, %add3A_762 : vector<16xf32>
        tpu.vector_store_idx %arg18[%add3A_765], %add3A_766 : memref<272xf32, #tpu.memory_space<vmem>>[vector<16xi32>], vector<16xf32>,
        %add3A_767 = arith.constant 9 : i32
        %add3A_768 = arith.addi %mul3A_155, %add3A_767 : i32
        %get3A_769 = arith.index_cast %add3A_768 : i32 to index
        %get3A_770 = arith.constant 0 : index
        %get3A_771 = tpu.vector_load %arg9[%get3A_769, %get3A_770] {strides = array<i32>} : memref<64x128xf32, #tpu.memory_space<vmem>>, vector<16xf32>,
        %get3A_772 = arith.index_cast %add3A_768 : i32 to index
        %get3A_773 = arith.constant 0 : index
        %get3A_774 = tpu.vector_load %arg12[%get3A_772, %get3A_773] {strides = array<i32>} : memref<64x128xf32, #tpu.memory_space<vmem>>, vector<16xf32>,
        %mul3A_775 = arith.mulf %get3A_771, %get3A_774 : vector<16xf32>
        %get3A_776 = arith.index_cast %add3A_768 : i32 to index
        %get3A_777 = arith.constant 16 : index
        %get3A_778 = tpu.vector_load %arg9[%get3A_776, %get3A_777] {strides = array<i32>} : memref<64x128xf32, #tpu.memory_space<vmem>>, vector<16xf32>,
        %get3A_779 = arith.index_cast %add3A_768 : i32 to index
        %get3A_780 = arith.constant 16 : index
        %get3A_781 = tpu.vector_load %arg12[%get3A_779, %get3A_780] {strides = array<i32>} : memref<64x128xf32, #tpu.memory_space<vmem>>, vector<16xf32>,
        %mul3A_782 = arith.mulf %get3A_778, %get3A_781 : vector<16xf32>
        %get3A_783 = arith.index_cast %add3A_768 : i32 to index
        %get3A_784 = arith.constant 32 : index
        %get3A_785 = tpu.vector_load %arg9[%get3A_783, %get3A_784] {strides = array<i32>} : memref<64x128xf32, #tpu.memory_space<vmem>>, vector<16xf32>,
        %get3A_786 = arith.index_cast %add3A_768 : i32 to index
        %get3A_787 = arith.constant 32 : index
        %get3A_788 = tpu.vector_load %arg12[%get3A_786, %get3A_787] {strides = array<i32>} : memref<64x128xf32, #tpu.memory_space<vmem>>, vector<16xf32>,
        %mul3A_789 = arith.mulf %get3A_785, %get3A_788 : vector<16xf32>
        %add3A_790 = arith.addf %mul3A_775, %mul3A_789 : vector<16xf32>
        %get3A_791 = arith.index_cast %add3A_768 : i32 to index
        %get3A_792 = arith.constant 48 : index
        %get3A_793 = tpu.vector_load %arg9[%get3A_791, %get3A_792] {strides = array<i32>} : memref<64x128xf32, #tpu.memory_space<vmem>>, vector<16xf32>,
        %get3A_794 = arith.index_cast %add3A_768 : i32 to index
        %get3A_795 = arith.constant 48 : index
        %get3A_796 = tpu.vector_load %arg12[%get3A_794, %get3A_795] {strides = array<i32>} : memref<64x128xf32, #tpu.memory_space<vmem>>, vector<16xf32>,
        %mul3A_797 = arith.mulf %get3A_793, %get3A_796 : vector<16xf32>
        %add3A_798 = arith.addf %mul3A_782, %mul3A_797 : vector<16xf32>
        %get3A_799 = arith.index_cast %add3A_768 : i32 to index
        %get3A_800 = arith.constant 64 : index
        %get3A_801 = tpu.vector_load %arg9[%get3A_799, %get3A_800] {strides = array<i32>} : memref<64x128xf32, #tpu.memory_space<vmem>>, vector<16xf32>,
        %get3A_802 = arith.index_cast %add3A_768 : i32 to index
        %get3A_803 = arith.constant 64 : index
        %get3A_804 = tpu.vector_load %arg12[%get3A_802, %get3A_803] {strides = array<i32>} : memref<64x128xf32, #tpu.memory_space<vmem>>, vector<16xf32>,
        %mul3A_805 = arith.mulf %get3A_801, %get3A_804 : vector<16xf32>
        %add3A_806 = arith.addf %add3A_790, %mul3A_805 : vector<16xf32>
        %get3A_807 = arith.index_cast %add3A_768 : i32 to index
        %get3A_808 = arith.constant 80 : index
        %get3A_809 = tpu.vector_load %arg9[%get3A_807, %get3A_808] {strides = array<i32>} : memref<64x128xf32, #tpu.memory_space<vmem>>, vector<16xf32>,
        %get3A_810 = arith.index_cast %add3A_768 : i32 to index
        %get3A_811 = arith.constant 80 : index
        %get3A_812 = tpu.vector_load %arg12[%get3A_810, %get3A_811] {strides = array<i32>} : memref<64x128xf32, #tpu.memory_space<vmem>>, vector<16xf32>,
        %mul3A_813 = arith.mulf %get3A_809, %get3A_812 : vector<16xf32>
        %add3A_814 = arith.addf %add3A_798, %mul3A_813 : vector<16xf32>
        %get3A_815 = arith.index_cast %add3A_768 : i32 to index
        %get3A_816 = arith.constant 96 : index
        %get3A_817 = tpu.vector_load %arg9[%get3A_815, %get3A_816] {strides = array<i32>} : memref<64x128xf32, #tpu.memory_space<vmem>>, vector<16xf32>,
        %get3A_818 = arith.index_cast %add3A_768 : i32 to index
        %get3A_819 = arith.constant 96 : index
        %get3A_820 = tpu.vector_load %arg12[%get3A_818, %get3A_819] {strides = array<i32>} : memref<64x128xf32, #tpu.memory_space<vmem>>, vector<16xf32>,
        %mul3A_821 = arith.mulf %get3A_817, %get3A_820 : vector<16xf32>
        %add3A_822 = arith.addf %add3A_806, %mul3A_821 : vector<16xf32>
        %get3A_823 = arith.index_cast %add3A_768 : i32 to index
        %get3A_824 = arith.constant 112 : index
        %get3A_825 = tpu.vector_load %arg9[%get3A_823, %get3A_824] {strides = array<i32>} : memref<64x128xf32, #tpu.memory_space<vmem>>, vector<16xf32>,
        %get3A_826 = arith.index_cast %add3A_768 : i32 to index
        %get3A_827 = arith.constant 112 : index
        %get3A_828 = tpu.vector_load %arg12[%get3A_826, %get3A_827] {strides = array<i32>} : memref<64x128xf32, #tpu.memory_space<vmem>>, vector<16xf32>,
        %mul3A_829 = arith.mulf %get3A_825, %get3A_828 : vector<16xf32>
        %add3A_830 = arith.addf %add3A_814, %mul3A_829 : vector<16xf32>
        %add3A_831 = arith.constant 153 : i32
        %add3A_832 = vector.broadcast %add3A_831 : i32 to vector<16xi32>
        %add3A_833 = arith.addi %iota3A, %add3A_832 : vector<16xi32>
        %add3A_834 = arith.addf %add3A_822, %add3A_830 : vector<16xf32>
        tpu.vector_store_idx %arg18[%add3A_833], %add3A_834 : memref<272xf32, #tpu.memory_space<vmem>>[vector<16xi32>], vector<16xf32>,
        %add3A_835 = arith.constant 10 : i32
        %add3A_836 = arith.addi %mul3A_155, %add3A_835 : i32
        %get3A_837 = arith.index_cast %add3A_836 : i32 to index
        %get3A_838 = arith.constant 0 : index
        %get3A_839 = tpu.vector_load %arg9[%get3A_837, %get3A_838] {strides = array<i32>} : memref<64x128xf32, #tpu.memory_space<vmem>>, vector<16xf32>,
        %get3A_840 = arith.index_cast %add3A_836 : i32 to index
        %get3A_841 = arith.constant 0 : index
        %get3A_842 = tpu.vector_load %arg12[%get3A_840, %get3A_841] {strides = array<i32>} : memref<64x128xf32, #tpu.memory_space<vmem>>, vector<16xf32>,
        %mul3A_843 = arith.mulf %get3A_839, %get3A_842 : vector<16xf32>
        %get3A_844 = arith.index_cast %add3A_836 : i32 to index
        %get3A_845 = arith.constant 16 : index
        %get3A_846 = tpu.vector_load %arg9[%get3A_844, %get3A_845] {strides = array<i32>} : memref<64x128xf32, #tpu.memory_space<vmem>>, vector<16xf32>,
        %get3A_847 = arith.index_cast %add3A_836 : i32 to index
        %get3A_848 = arith.constant 16 : index
        %get3A_849 = tpu.vector_load %arg12[%get3A_847, %get3A_848] {strides = array<i32>} : memref<64x128xf32, #tpu.memory_space<vmem>>, vector<16xf32>,
        %mul3A_850 = arith.mulf %get3A_846, %get3A_849 : vector<16xf32>
        %get3A_851 = arith.index_cast %add3A_836 : i32 to index
        %get3A_852 = arith.constant 32 : index
        %get3A_853 = tpu.vector_load %arg9[%get3A_851, %get3A_852] {strides = array<i32>} : memref<64x128xf32, #tpu.memory_space<vmem>>, vector<16xf32>,
        %get3A_854 = arith.index_cast %add3A_836 : i32 to index
        %get3A_855 = arith.constant 32 : index
        %get3A_856 = tpu.vector_load %arg12[%get3A_854, %get3A_855] {strides = array<i32>} : memref<64x128xf32, #tpu.memory_space<vmem>>, vector<16xf32>,
        %mul3A_857 = arith.mulf %get3A_853, %get3A_856 : vector<16xf32>
        %add3A_858 = arith.addf %mul3A_843, %mul3A_857 : vector<16xf32>
        %get3A_859 = arith.index_cast %add3A_836 : i32 to index
        %get3A_860 = arith.constant 48 : index
        %get3A_861 = tpu.vector_load %arg9[%get3A_859, %get3A_860] {strides = array<i32>} : memref<64x128xf32, #tpu.memory_space<vmem>>, vector<16xf32>,
        %get3A_862 = arith.index_cast %add3A_836 : i32 to index
        %get3A_863 = arith.constant 48 : index
        %get3A_864 = tpu.vector_load %arg12[%get3A_862, %get3A_863] {strides = array<i32>} : memref<64x128xf32, #tpu.memory_space<vmem>>, vector<16xf32>,
        %mul3A_865 = arith.mulf %get3A_861, %get3A_864 : vector<16xf32>
        %add3A_866 = arith.addf %mul3A_850, %mul3A_865 : vector<16xf32>
        %get3A_867 = arith.index_cast %add3A_836 : i32 to index
        %get3A_868 = arith.constant 64 : index
        %get3A_869 = tpu.vector_load %arg9[%get3A_867, %get3A_868] {strides = array<i32>} : memref<64x128xf32, #tpu.memory_space<vmem>>, vector<16xf32>,
        %get3A_870 = arith.index_cast %add3A_836 : i32 to index
        %get3A_871 = arith.constant 64 : index
        %get3A_872 = tpu.vector_load %arg12[%get3A_870, %get3A_871] {strides = array<i32>} : memref<64x128xf32, #tpu.memory_space<vmem>>, vector<16xf32>,
        %mul3A_873 = arith.mulf %get3A_869, %get3A_872 : vector<16xf32>
        %add3A_874 = arith.addf %add3A_858, %mul3A_873 : vector<16xf32>
        %get3A_875 = arith.index_cast %add3A_836 : i32 to index
        %get3A_876 = arith.constant 80 : index
        %get3A_877 = tpu.vector_load %arg9[%get3A_875, %get3A_876] {strides = array<i32>} : memref<64x128xf32, #tpu.memory_space<vmem>>, vector<16xf32>,
        %get3A_878 = arith.index_cast %add3A_836 : i32 to index
        %get3A_879 = arith.constant 80 : index
        %get3A_880 = tpu.vector_load %arg12[%get3A_878, %get3A_879] {strides = array<i32>} : memref<64x128xf32, #tpu.memory_space<vmem>>, vector<16xf32>,
        %mul3A_881 = arith.mulf %get3A_877, %get3A_880 : vector<16xf32>
        %add3A_882 = arith.addf %add3A_866, %mul3A_881 : vector<16xf32>
        %get3A_883 = arith.index_cast %add3A_836 : i32 to index
        %get3A_884 = arith.constant 96 : index
        %get3A_885 = tpu.vector_load %arg9[%get3A_883, %get3A_884] {strides = array<i32>} : memref<64x128xf32, #tpu.memory_space<vmem>>, vector<16xf32>,
        %get3A_886 = arith.index_cast %add3A_836 : i32 to index
        %get3A_887 = arith.constant 96 : index
        %get3A_888 = tpu.vector_load %arg12[%get3A_886, %get3A_887] {strides = array<i32>} : memref<64x128xf32, #tpu.memory_space<vmem>>, vector<16xf32>,
        %mul3A_889 = arith.mulf %get3A_885, %get3A_888 : vector<16xf32>
        %add3A_890 = arith.addf %add3A_874, %mul3A_889 : vector<16xf32>
        %get3A_891 = arith.index_cast %add3A_836 : i32 to index
        %get3A_892 = arith.constant 112 : index
        %get3A_893 = tpu.vector_load %arg9[%get3A_891, %get3A_892] {strides = array<i32>} : memref<64x128xf32, #tpu.memory_space<vmem>>, vector<16xf32>,
        %get3A_894 = arith.index_cast %add3A_836 : i32 to index
        %get3A_895 = arith.constant 112 : index
        %get3A_896 = tpu.vector_load %arg12[%get3A_894, %get3A_895] {strides = array<i32>} : memref<64x128xf32, #tpu.memory_space<vmem>>, vector<16xf32>,
        %mul3A_897 = arith.mulf %get3A_893, %get3A_896 : vector<16xf32>
        %add3A_898 = arith.addf %add3A_882, %mul3A_897 : vector<16xf32>
        %add3A_899 = arith.constant 170 : i32
        %add3A_900 = vector.broadcast %add3A_899 : i32 to vector<16xi32>
        %add3A_901 = arith.addi %iota3A, %add3A_900 : vector<16xi32>
        %add3A_902 = arith.addf %add3A_890, %add3A_898 : vector<16xf32>
        tpu.vector_store_idx %arg18[%add3A_901], %add3A_902 : memref<272xf32, #tpu.memory_space<vmem>>[vector<16xi32>], vector<16xf32>,
        %add3A_903 = arith.constant 11 : i32
        %add3A_904 = arith.addi %mul3A_155, %add3A_903 : i32
        %get3A_905 = arith.index_cast %add3A_904 : i32 to index
        %get3A_906 = arith.constant 0 : index
        %get3A_907 = tpu.vector_load %arg9[%get3A_905, %get3A_906] {strides = array<i32>} : memref<64x128xf32, #tpu.memory_space<vmem>>, vector<16xf32>,
        %get3A_908 = arith.index_cast %add3A_904 : i32 to index
        %get3A_909 = arith.constant 0 : index
        %get3A_910 = tpu.vector_load %arg12[%get3A_908, %get3A_909] {strides = array<i32>} : memref<64x128xf32, #tpu.memory_space<vmem>>, vector<16xf32>,
        %mul3A_911 = arith.mulf %get3A_907, %get3A_910 : vector<16xf32>
        %get3A_912 = arith.index_cast %add3A_904 : i32 to index
        %get3A_913 = arith.constant 16 : index
        %get3A_914 = tpu.vector_load %arg9[%get3A_912, %get3A_913] {strides = array<i32>} : memref<64x128xf32, #tpu.memory_space<vmem>>, vector<16xf32>,
        %get3A_915 = arith.index_cast %add3A_904 : i32 to index
        %get3A_916 = arith.constant 16 : index
        %get3A_917 = tpu.vector_load %arg12[%get3A_915, %get3A_916] {strides = array<i32>} : memref<64x128xf32, #tpu.memory_space<vmem>>, vector<16xf32>,
        %mul3A_918 = arith.mulf %get3A_914, %get3A_917 : vector<16xf32>
        %get3A_919 = arith.index_cast %add3A_904 : i32 to index
        %get3A_920 = arith.constant 32 : index
        %get3A_921 = tpu.vector_load %arg9[%get3A_919, %get3A_920] {strides = array<i32>} : memref<64x128xf32, #tpu.memory_space<vmem>>, vector<16xf32>,
        %get3A_922 = arith.index_cast %add3A_904 : i32 to index
        %get3A_923 = arith.constant 32 : index
        %get3A_924 = tpu.vector_load %arg12[%get3A_922, %get3A_923] {strides = array<i32>} : memref<64x128xf32, #tpu.memory_space<vmem>>, vector<16xf32>,
        %mul3A_925 = arith.mulf %get3A_921, %get3A_924 : vector<16xf32>
        %add3A_926 = arith.addf %mul3A_911, %mul3A_925 : vector<16xf32>
        %get3A_927 = arith.index_cast %add3A_904 : i32 to index
        %get3A_928 = arith.constant 48 : index
        %get3A_929 = tpu.vector_load %arg9[%get3A_927, %get3A_928] {strides = array<i32>} : memref<64x128xf32, #tpu.memory_space<vmem>>, vector<16xf32>,
        %get3A_930 = arith.index_cast %add3A_904 : i32 to index
        %get3A_931 = arith.constant 48 : index
        %get3A_932 = tpu.vector_load %arg12[%get3A_930, %get3A_931] {strides = array<i32>} : memref<64x128xf32, #tpu.memory_space<vmem>>, vector<16xf32>,
        %mul3A_933 = arith.mulf %get3A_929, %get3A_932 : vector<16xf32>
        %add3A_934 = arith.addf %mul3A_918, %mul3A_933 : vector<16xf32>
        %get3A_935 = arith.index_cast %add3A_904 : i32 to index
        %get3A_936 = arith.constant 64 : index
        %get3A_937 = tpu.vector_load %arg9[%get3A_935, %get3A_936] {strides = array<i32>} : memref<64x128xf32, #tpu.memory_space<vmem>>, vector<16xf32>,
        %get3A_938 = arith.index_cast %add3A_904 : i32 to index
        %get3A_939 = arith.constant 64 : index
        %get3A_940 = tpu.vector_load %arg12[%get3A_938, %get3A_939] {strides = array<i32>} : memref<64x128xf32, #tpu.memory_space<vmem>>, vector<16xf32>,
        %mul3A_941 = arith.mulf %get3A_937, %get3A_940 : vector<16xf32>
        %add3A_942 = arith.addf %add3A_926, %mul3A_941 : vector<16xf32>
        %get3A_943 = arith.index_cast %add3A_904 : i32 to index
        %get3A_944 = arith.constant 80 : index
        %get3A_945 = tpu.vector_load %arg9[%get3A_943, %get3A_944] {strides = array<i32>} : memref<64x128xf32, #tpu.memory_space<vmem>>, vector<16xf32>,
        %get3A_946 = arith.index_cast %add3A_904 : i32 to index
        %get3A_947 = arith.constant 80 : index
        %get3A_948 = tpu.vector_load %arg12[%get3A_946, %get3A_947] {strides = array<i32>} : memref<64x128xf32, #tpu.memory_space<vmem>>, vector<16xf32>,
        %mul3A_949 = arith.mulf %get3A_945, %get3A_948 : vector<16xf32>
        %add3A_950 = arith.addf %add3A_934, %mul3A_949 : vector<16xf32>
        %get3A_951 = arith.index_cast %add3A_904 : i32 to index
        %get3A_952 = arith.constant 96 : index
        %get3A_953 = tpu.vector_load %arg9[%get3A_951, %get3A_952] {strides = array<i32>} : memref<64x128xf32, #tpu.memory_space<vmem>>, vector<16xf32>,
        %get3A_954 = arith.index_cast %add3A_904 : i32 to index
        %get3A_955 = arith.constant 96 : index
        %get3A_956 = tpu.vector_load %arg12[%get3A_954, %get3A_955] {strides = array<i32>} : memref<64x128xf32, #tpu.memory_space<vmem>>, vector<16xf32>,
        %mul3A_957 = arith.mulf %get3A_953, %get3A_956 : vector<16xf32>
        %add3A_958 = arith.addf %add3A_942, %mul3A_957 : vector<16xf32>
        %get3A_959 = arith.index_cast %add3A_904 : i32 to index
        %get3A_960 = arith.constant 112 : index
        %get3A_961 = tpu.vector_load %arg9[%get3A_959, %get3A_960] {strides = array<i32>} : memref<64x128xf32, #tpu.memory_space<vmem>>, vector<16xf32>,
        %get3A_962 = arith.index_cast %add3A_904 : i32 to index
        %get3A_963 = arith.constant 112 : index
        %get3A_964 = tpu.vector_load %arg12[%get3A_962, %get3A_963] {strides = array<i32>} : memref<64x128xf32, #tpu.memory_space<vmem>>, vector<16xf32>,
        %mul3A_965 = arith.mulf %get3A_961, %get3A_964 : vector<16xf32>
        %add3A_966 = arith.addf %add3A_950, %mul3A_965 : vector<16xf32>
        %add3A_967 = arith.constant 187 : i32
        %add3A_968 = vector.broadcast %add3A_967 : i32 to vector<16xi32>
        %add3A_969 = arith.addi %iota3A, %add3A_968 : vector<16xi32>
        %add3A_970 = arith.addf %add3A_958, %add3A_966 : vector<16xf32>
        tpu.vector_store_idx %arg18[%add3A_969], %add3A_970 : memref<272xf32, #tpu.memory_space<vmem>>[vector<16xi32>], vector<16xf32>,
        %add3A_971 = arith.constant 12 : i32
        %add3A_972 = arith.addi %mul3A_155, %add3A_971 : i32
        %get3A_973 = arith.index_cast %add3A_972 : i32 to index
        %get3A_974 = arith.constant 0 : index
        %get3A_975 = tpu.vector_load %arg9[%get3A_973, %get3A_974] {strides = array<i32>} : memref<64x128xf32, #tpu.memory_space<vmem>>, vector<16xf32>,
        %get3A_976 = arith.index_cast %add3A_972 : i32 to index
        %get3A_977 = arith.constant 0 : index
        %get3A_978 = tpu.vector_load %arg12[%get3A_976, %get3A_977] {strides = array<i32>} : memref<64x128xf32, #tpu.memory_space<vmem>>, vector<16xf32>,
        %mul3A_979 = arith.mulf %get3A_975, %get3A_978 : vector<16xf32>
        %get3A_980 = arith.index_cast %add3A_972 : i32 to index
        %get3A_981 = arith.constant 16 : index
        %get3A_982 = tpu.vector_load %arg9[%get3A_980, %get3A_981] {strides = array<i32>} : memref<64x128xf32, #tpu.memory_space<vmem>>, vector<16xf32>,
        %get3A_983 = arith.index_cast %add3A_972 : i32 to index
        %get3A_984 = arith.constant 16 : index
        %get3A_985 = tpu.vector_load %arg12[%get3A_983, %get3A_984] {strides = array<i32>} : memref<64x128xf32, #tpu.memory_space<vmem>>, vector<16xf32>,
        %mul3A_986 = arith.mulf %get3A_982, %get3A_985 : vector<16xf32>
        %get3A_987 = arith.index_cast %add3A_972 : i32 to index
        %get3A_988 = arith.constant 32 : index
        %get3A_989 = tpu.vector_load %arg9[%get3A_987, %get3A_988] {strides = array<i32>} : memref<64x128xf32, #tpu.memory_space<vmem>>, vector<16xf32>,
        %get3A_990 = arith.index_cast %add3A_972 : i32 to index
        %get3A_991 = arith.constant 32 : index
        %get3A_992 = tpu.vector_load %arg12[%get3A_990, %get3A_991] {strides = array<i32>} : memref<64x128xf32, #tpu.memory_space<vmem>>, vector<16xf32>,
        %mul3A_993 = arith.mulf %get3A_989, %get3A_992 : vector<16xf32>
        %add3A_994 = arith.addf %mul3A_979, %mul3A_993 : vector<16xf32>
        %get3A_995 = arith.index_cast %add3A_972 : i32 to index
        %get3A_996 = arith.constant 48 : index
        %get3A_997 = tpu.vector_load %arg9[%get3A_995, %get3A_996] {strides = array<i32>} : memref<64x128xf32, #tpu.memory_space<vmem>>, vector<16xf32>,
        %get3A_998 = arith.index_cast %add3A_972 : i32 to index
        %get3A_999 = arith.constant 48 : index
        %get3A_1000 = tpu.vector_load %arg12[%get3A_998, %get3A_999] {strides = array<i32>} : memref<64x128xf32, #tpu.memory_space<vmem>>, vector<16xf32>,
        %mul3A_1001 = arith.mulf %get3A_997, %get3A_1000 : vector<16xf32>
        %add3A_1002 = arith.addf %mul3A_986, %mul3A_1001 : vector<16xf32>
        %get3A_1003 = arith.index_cast %add3A_972 : i32 to index
        %get3A_1004 = arith.constant 64 : index
        %get3A_1005 = tpu.vector_load %arg9[%get3A_1003, %get3A_1004] {strides = array<i32>} : memref<64x128xf32, #tpu.memory_space<vmem>>, vector<16xf32>,
        %get3A_1006 = arith.index_cast %add3A_972 : i32 to index
        %get3A_1007 = arith.constant 64 : index
        %get3A_1008 = tpu.vector_load %arg12[%get3A_1006, %get3A_1007] {strides = array<i32>} : memref<64x128xf32, #tpu.memory_space<vmem>>, vector<16xf32>,
        %mul3A_1009 = arith.mulf %get3A_1005, %get3A_1008 : vector<16xf32>
        %add3A_1010 = arith.addf %add3A_994, %mul3A_1009 : vector<16xf32>
        %get3A_1011 = arith.index_cast %add3A_972 : i32 to index
        %get3A_1012 = arith.constant 80 : index
        %get3A_1013 = tpu.vector_load %arg9[%get3A_1011, %get3A_1012] {strides = array<i32>} : memref<64x128xf32, #tpu.memory_space<vmem>>, vector<16xf32>,
        %get3A_1014 = arith.index_cast %add3A_972 : i32 to index
        %get3A_1015 = arith.constant 80 : index
        %get3A_1016 = tpu.vector_load %arg12[%get3A_1014, %get3A_1015] {strides = array<i32>} : memref<64x128xf32, #tpu.memory_space<vmem>>, vector<16xf32>,
        %mul3A_1017 = arith.mulf %get3A_1013, %get3A_1016 : vector<16xf32>
        %add3A_1018 = arith.addf %add3A_1002, %mul3A_1017 : vector<16xf32>
        %get3A_1019 = arith.index_cast %add3A_972 : i32 to index
        %get3A_1020 = arith.constant 96 : index
        %get3A_1021 = tpu.vector_load %arg9[%get3A_1019, %get3A_1020] {strides = array<i32>} : memref<64x128xf32, #tpu.memory_space<vmem>>, vector<16xf32>,
        %get3A_1022 = arith.index_cast %add3A_972 : i32 to index
        %get3A_1023 = arith.constant 96 : index
        %get3A_1024 = tpu.vector_load %arg12[%get3A_1022, %get3A_1023] {strides = array<i32>} : memref<64x128xf32, #tpu.memory_space<vmem>>, vector<16xf32>,
        %mul3A_1025 = arith.mulf %get3A_1021, %get3A_1024 : vector<16xf32>
        %add3A_1026 = arith.addf %add3A_1010, %mul3A_1025 : vector<16xf32>
        %get3A_1027 = arith.index_cast %add3A_972 : i32 to index
        %get3A_1028 = arith.constant 112 : index
        %get3A_1029 = tpu.vector_load %arg9[%get3A_1027, %get3A_1028] {strides = array<i32>} : memref<64x128xf32, #tpu.memory_space<vmem>>, vector<16xf32>,
        %get3A_1030 = arith.index_cast %add3A_972 : i32 to index
        %get3A_1031 = arith.constant 112 : index
        %get3A_1032 = tpu.vector_load %arg12[%get3A_1030, %get3A_1031] {strides = array<i32>} : memref<64x128xf32, #tpu.memory_space<vmem>>, vector<16xf32>,
        %mul3A_1033 = arith.mulf %get3A_1029, %get3A_1032 : vector<16xf32>
        %add3A_1034 = arith.addf %add3A_1018, %mul3A_1033 : vector<16xf32>
        %add3A_1035 = arith.constant 204 : i32
        %add3A_1036 = vector.broadcast %add3A_1035 : i32 to vector<16xi32>
        %add3A_1037 = arith.addi %iota3A, %add3A_1036 : vector<16xi32>
        %add3A_1038 = arith.addf %add3A_1026, %add3A_1034 : vector<16xf32>
        tpu.vector_store_idx %arg18[%add3A_1037], %add3A_1038 : memref<272xf32, #tpu.memory_space<vmem>>[vector<16xi32>], vector<16xf32>,
        %add3A_1039 = arith.constant 13 : i32
        %add3A_1040 = arith.addi %mul3A_155, %add3A_1039 : i32
        %get3A_1041 = arith.index_cast %add3A_1040 : i32 to index
        %get3A_1042 = arith.constant 0 : index
        %get3A_1043 = tpu.vector_load %arg9[%get3A_1041, %get3A_1042] {strides = array<i32>} : memref<64x128xf32, #tpu.memory_space<vmem>>, vector<16xf32>,
        %get3A_1044 = arith.index_cast %add3A_1040 : i32 to index
        %get3A_1045 = arith.constant 0 : index
        %get3A_1046 = tpu.vector_load %arg12[%get3A_1044, %get3A_1045] {strides = array<i32>} : memref<64x128xf32, #tpu.memory_space<vmem>>, vector<16xf32>,
        %mul3A_1047 = arith.mulf %get3A_1043, %get3A_1046 : vector<16xf32>
        %get3A_1048 = arith.index_cast %add3A_1040 : i32 to index
        %get3A_1049 = arith.constant 16 : index
        %get3A_1050 = tpu.vector_load %arg9[%get3A_1048, %get3A_1049] {strides = array<i32>} : memref<64x128xf32, #tpu.memory_space<vmem>>, vector<16xf32>,
        %get3A_1051 = arith.index_cast %add3A_1040 : i32 to index
        %get3A_1052 = arith.constant 16 : index
        %get3A_1053 = tpu.vector_load %arg12[%get3A_1051, %get3A_1052] {strides = array<i32>} : memref<64x128xf32, #tpu.memory_space<vmem>>, vector<16xf32>,
        %mul3A_1054 = arith.mulf %get3A_1050, %get3A_1053 : vector<16xf32>
        %get3A_1055 = arith.index_cast %add3A_1040 : i32 to index
        %get3A_1056 = arith.constant 32 : index
        %get3A_1057 = tpu.vector_load %arg9[%get3A_1055, %get3A_1056] {strides = array<i32>} : memref<64x128xf32, #tpu.memory_space<vmem>>, vector<16xf32>,
        %get3A_1058 = arith.index_cast %add3A_1040 : i32 to index
        %get3A_1059 = arith.constant 32 : index
        %get3A_1060 = tpu.vector_load %arg12[%get3A_1058, %get3A_1059] {strides = array<i32>} : memref<64x128xf32, #tpu.memory_space<vmem>>, vector<16xf32>,
        %mul3A_1061 = arith.mulf %get3A_1057, %get3A_1060 : vector<16xf32>
        %add3A_1062 = arith.addf %mul3A_1047, %mul3A_1061 : vector<16xf32>
        %get3A_1063 = arith.index_cast %add3A_1040 : i32 to index
        %get3A_1064 = arith.constant 48 : index
        %get3A_1065 = tpu.vector_load %arg9[%get3A_1063, %get3A_1064] {strides = array<i32>} : memref<64x128xf32, #tpu.memory_space<vmem>>, vector<16xf32>,
        %get3A_1066 = arith.index_cast %add3A_1040 : i32 to index
        %get3A_1067 = arith.constant 48 : index
        %get3A_1068 = tpu.vector_load %arg12[%get3A_1066, %get3A_1067] {strides = array<i32>} : memref<64x128xf32, #tpu.memory_space<vmem>>, vector<16xf32>,
        %mul3A_1069 = arith.mulf %get3A_1065, %get3A_1068 : vector<16xf32>
        %add3A_1070 = arith.addf %mul3A_1054, %mul3A_1069 : vector<16xf32>
        %get3A_1071 = arith.index_cast %add3A_1040 : i32 to index
        %get3A_1072 = arith.constant 64 : index
        %get3A_1073 = tpu.vector_load %arg9[%get3A_1071, %get3A_1072] {strides = array<i32>} : memref<64x128xf32, #tpu.memory_space<vmem>>, vector<16xf32>,
        %get3A_1074 = arith.index_cast %add3A_1040 : i32 to index
        %get3A_1075 = arith.constant 64 : index
        %get3A_1076 = tpu.vector_load %arg12[%get3A_1074, %get3A_1075] {strides = array<i32>} : memref<64x128xf32, #tpu.memory_space<vmem>>, vector<16xf32>,
        %mul3A_1077 = arith.mulf %get3A_1073, %get3A_1076 : vector<16xf32>
        %add3A_1078 = arith.addf %add3A_1062, %mul3A_1077 : vector<16xf32>
        %get3A_1079 = arith.index_cast %add3A_1040 : i32 to index
        %get3A_1080 = arith.constant 80 : index
        %get3A_1081 = tpu.vector_load %arg9[%get3A_1079, %get3A_1080] {strides = array<i32>} : memref<64x128xf32, #tpu.memory_space<vmem>>, vector<16xf32>,
        %get3A_1082 = arith.index_cast %add3A_1040 : i32 to index
        %get3A_1083 = arith.constant 80 : index
        %get3A_1084 = tpu.vector_load %arg12[%get3A_1082, %get3A_1083] {strides = array<i32>} : memref<64x128xf32, #tpu.memory_space<vmem>>, vector<16xf32>,
        %mul3A_1085 = arith.mulf %get3A_1081, %get3A_1084 : vector<16xf32>
        %add3A_1086 = arith.addf %add3A_1070, %mul3A_1085 : vector<16xf32>
        %get3A_1087 = arith.index_cast %add3A_1040 : i32 to index
        %get3A_1088 = arith.constant 96 : index
        %get3A_1089 = tpu.vector_load %arg9[%get3A_1087, %get3A_1088] {strides = array<i32>} : memref<64x128xf32, #tpu.memory_space<vmem>>, vector<16xf32>,
        %get3A_1090 = arith.index_cast %add3A_1040 : i32 to index
        %get3A_1091 = arith.constant 96 : index
        %get3A_1092 = tpu.vector_load %arg12[%get3A_1090, %get3A_1091] {strides = array<i32>} : memref<64x128xf32, #tpu.memory_space<vmem>>, vector<16xf32>,
        %mul3A_1093 = arith.mulf %get3A_1089, %get3A_1092 : vector<16xf32>
        %add3A_1094 = arith.addf %add3A_1078, %mul3A_1093 : vector<16xf32>
        %get3A_1095 = arith.index_cast %add3A_1040 : i32 to index
        %get3A_1096 = arith.constant 112 : index
        %get3A_1097 = tpu.vector_load %arg9[%get3A_1095, %get3A_1096] {strides = array<i32>} : memref<64x128xf32, #tpu.memory_space<vmem>>, vector<16xf32>,
        %get3A_1098 = arith.index_cast %add3A_1040 : i32 to index
        %get3A_1099 = arith.constant 112 : index
        %get3A_1100 = tpu.vector_load %arg12[%get3A_1098, %get3A_1099] {strides = array<i32>} : memref<64x128xf32, #tpu.memory_space<vmem>>, vector<16xf32>,
        %mul3A_1101 = arith.mulf %get3A_1097, %get3A_1100 : vector<16xf32>
        %add3A_1102 = arith.addf %add3A_1086, %mul3A_1101 : vector<16xf32>
        %add3A_1103 = arith.constant 221 : i32
        %add3A_1104 = vector.broadcast %add3A_1103 : i32 to vector<16xi32>
        %add3A_1105 = arith.addi %iota3A, %add3A_1104 : vector<16xi32>
        %add3A_1106 = arith.addf %add3A_1094, %add3A_1102 : vector<16xf32>
        tpu.vector_store_idx %arg18[%add3A_1105], %add3A_1106 : memref<272xf32, #tpu.memory_space<vmem>>[vector<16xi32>], vector<16xf32>,
        %add3A_1107 = arith.constant 14 : i32
        %add3A_1108 = arith.addi %mul3A_155, %add3A_1107 : i32
        %get3A_1109 = arith.index_cast %add3A_1108 : i32 to index
        %get3A_1110 = arith.constant 0 : index
        %get3A_1111 = tpu.vector_load %arg9[%get3A_1109, %get3A_1110] {strides = array<i32>} : memref<64x128xf32, #tpu.memory_space<vmem>>, vector<16xf32>,
        %get3A_1112 = arith.index_cast %add3A_1108 : i32 to index
        %get3A_1113 = arith.constant 0 : index
        %get3A_1114 = tpu.vector_load %arg12[%get3A_1112, %get3A_1113] {strides = array<i32>} : memref<64x128xf32, #tpu.memory_space<vmem>>, vector<16xf32>,
        %mul3A_1115 = arith.mulf %get3A_1111, %get3A_1114 : vector<16xf32>
        %get3A_1116 = arith.index_cast %add3A_1108 : i32 to index
        %get3A_1117 = arith.constant 16 : index
        %get3A_1118 = tpu.vector_load %arg9[%get3A_1116, %get3A_1117] {strides = array<i32>} : memref<64x128xf32, #tpu.memory_space<vmem>>, vector<16xf32>,
        %get3A_1119 = arith.index_cast %add3A_1108 : i32 to index
        %get3A_1120 = arith.constant 16 : index
        %get3A_1121 = tpu.vector_load %arg12[%get3A_1119, %get3A_1120] {strides = array<i32>} : memref<64x128xf32, #tpu.memory_space<vmem>>, vector<16xf32>,
        %mul3A_1122 = arith.mulf %get3A_1118, %get3A_1121 : vector<16xf32>
        %get3A_1123 = arith.index_cast %add3A_1108 : i32 to index
        %get3A_1124 = arith.constant 32 : index
        %get3A_1125 = tpu.vector_load %arg9[%get3A_1123, %get3A_1124] {strides = array<i32>} : memref<64x128xf32, #tpu.memory_space<vmem>>, vector<16xf32>,
        %get3A_1126 = arith.index_cast %add3A_1108 : i32 to index
        %get3A_1127 = arith.constant 32 : index
        %get3A_1128 = tpu.vector_load %arg12[%get3A_1126, %get3A_1127] {strides = array<i32>} : memref<64x128xf32, #tpu.memory_space<vmem>>, vector<16xf32>,
        %mul3A_1129 = arith.mulf %get3A_1125, %get3A_1128 : vector<16xf32>
        %add3A_1130 = arith.addf %mul3A_1115, %mul3A_1129 : vector<16xf32>
        %get3A_1131 = arith.index_cast %add3A_1108 : i32 to index
        %get3A_1132 = arith.constant 48 : index
        %get3A_1133 = tpu.vector_load %arg9[%get3A_1131, %get3A_1132] {strides = array<i32>} : memref<64x128xf32, #tpu.memory_space<vmem>>, vector<16xf32>,
        %get3A_1134 = arith.index_cast %add3A_1108 : i32 to index
        %get3A_1135 = arith.constant 48 : index
        %get3A_1136 = tpu.vector_load %arg12[%get3A_1134, %get3A_1135] {strides = array<i32>} : memref<64x128xf32, #tpu.memory_space<vmem>>, vector<16xf32>,
        %mul3A_1137 = arith.mulf %get3A_1133, %get3A_1136 : vector<16xf32>
        %add3A_1138 = arith.addf %mul3A_1122, %mul3A_1137 : vector<16xf32>
        %get3A_1139 = arith.index_cast %add3A_1108 : i32 to index
        %get3A_1140 = arith.constant 64 : index
        %get3A_1141 = tpu.vector_load %arg9[%get3A_1139, %get3A_1140] {strides = array<i32>} : memref<64x128xf32, #tpu.memory_space<vmem>>, vector<16xf32>,
        %get3A_1142 = arith.index_cast %add3A_1108 : i32 to index
        %get3A_1143 = arith.constant 64 : index
        %get3A_1144 = tpu.vector_load %arg12[%get3A_1142, %get3A_1143] {strides = array<i32>} : memref<64x128xf32, #tpu.memory_space<vmem>>, vector<16xf32>,
        %mul3A_1145 = arith.mulf %get3A_1141, %get3A_1144 : vector<16xf32>
        %add3A_1146 = arith.addf %add3A_1130, %mul3A_1145 : vector<16xf32>
        %get3A_1147 = arith.index_cast %add3A_1108 : i32 to index
        %get3A_1148 = arith.constant 80 : index
        %get3A_1149 = tpu.vector_load %arg9[%get3A_1147, %get3A_1148] {strides = array<i32>} : memref<64x128xf32, #tpu.memory_space<vmem>>, vector<16xf32>,
        %get3A_1150 = arith.index_cast %add3A_1108 : i32 to index
        %get3A_1151 = arith.constant 80 : index
        %get3A_1152 = tpu.vector_load %arg12[%get3A_1150, %get3A_1151] {strides = array<i32>} : memref<64x128xf32, #tpu.memory_space<vmem>>, vector<16xf32>,
        %mul3A_1153 = arith.mulf %get3A_1149, %get3A_1152 : vector<16xf32>
        %add3A_1154 = arith.addf %add3A_1138, %mul3A_1153 : vector<16xf32>
        %get3A_1155 = arith.index_cast %add3A_1108 : i32 to index
        %get3A_1156 = arith.constant 96 : index
        %get3A_1157 = tpu.vector_load %arg9[%get3A_1155, %get3A_1156] {strides = array<i32>} : memref<64x128xf32, #tpu.memory_space<vmem>>, vector<16xf32>,
        %get3A_1158 = arith.index_cast %add3A_1108 : i32 to index
        %get3A_1159 = arith.constant 96 : index
        %get3A_1160 = tpu.vector_load %arg12[%get3A_1158, %get3A_1159] {strides = array<i32>} : memref<64x128xf32, #tpu.memory_space<vmem>>, vector<16xf32>,
        %mul3A_1161 = arith.mulf %get3A_1157, %get3A_1160 : vector<16xf32>
        %add3A_1162 = arith.addf %add3A_1146, %mul3A_1161 : vector<16xf32>
        %get3A_1163 = arith.index_cast %add3A_1108 : i32 to index
        %get3A_1164 = arith.constant 112 : index
        %get3A_1165 = tpu.vector_load %arg9[%get3A_1163, %get3A_1164] {strides = array<i32>} : memref<64x128xf32, #tpu.memory_space<vmem>>, vector<16xf32>,
        %get3A_1166 = arith.index_cast %add3A_1108 : i32 to index
        %get3A_1167 = arith.constant 112 : index
        %get3A_1168 = tpu.vector_load %arg12[%get3A_1166, %get3A_1167] {strides = array<i32>} : memref<64x128xf32, #tpu.memory_space<vmem>>, vector<16xf32>,
        %mul3A_1169 = arith.mulf %get3A_1165, %get3A_1168 : vector<16xf32>
        %add3A_1170 = arith.addf %add3A_1154, %mul3A_1169 : vector<16xf32>
        %add3A_1171 = arith.constant 238 : i32
        %add3A_1172 = vector.broadcast %add3A_1171 : i32 to vector<16xi32>
        %add3A_1173 = arith.addi %iota3A, %add3A_1172 : vector<16xi32>
        %add3A_1174 = arith.addf %add3A_1162, %add3A_1170 : vector<16xf32>
        tpu.vector_store_idx %arg18[%add3A_1173], %add3A_1174 : memref<272xf32, #tpu.memory_space<vmem>>[vector<16xi32>], vector<16xf32>,
        %add3A_1175 = arith.constant 15 : i32
        %add3A_1176 = arith.addi %mul3A_155, %add3A_1175 : i32
        %get3A_1177 = arith.index_cast %add3A_1176 : i32 to index
        %get3A_1178 = arith.constant 0 : index
        %get3A_1179 = tpu.vector_load %arg9[%get3A_1177, %get3A_1178] {strides = array<i32>} : memref<64x128xf32, #tpu.memory_space<vmem>>, vector<16xf32>,
        %get3A_1180 = arith.index_cast %add3A_1176 : i32 to index
        %get3A_1181 = arith.constant 0 : index
        %get3A_1182 = tpu.vector_load %arg12[%get3A_1180, %get3A_1181] {strides = array<i32>} : memref<64x128xf32, #tpu.memory_space<vmem>>, vector<16xf32>,
        %mul3A_1183 = arith.mulf %get3A_1179, %get3A_1182 : vector<16xf32>
        %get3A_1184 = arith.index_cast %add3A_1176 : i32 to index
        %get3A_1185 = arith.constant 16 : index
        %get3A_1186 = tpu.vector_load %arg9[%get3A_1184, %get3A_1185] {strides = array<i32>} : memref<64x128xf32, #tpu.memory_space<vmem>>, vector<16xf32>,
        %get3A_1187 = arith.index_cast %add3A_1176 : i32 to index
        %get3A_1188 = arith.constant 16 : index
        %get3A_1189 = tpu.vector_load %arg12[%get3A_1187, %get3A_1188] {strides = array<i32>} : memref<64x128xf32, #tpu.memory_space<vmem>>, vector<16xf32>,
        %mul3A_1190 = arith.mulf %get3A_1186, %get3A_1189 : vector<16xf32>
        %get3A_1191 = arith.index_cast %add3A_1176 : i32 to index
        %get3A_1192 = arith.constant 32 : index
        %get3A_1193 = tpu.vector_load %arg9[%get3A_1191, %get3A_1192] {strides = array<i32>} : memref<64x128xf32, #tpu.memory_space<vmem>>, vector<16xf32>,
        %get3A_1194 = arith.index_cast %add3A_1176 : i32 to index
        %get3A_1195 = arith.constant 32 : index
        %get3A_1196 = tpu.vector_load %arg12[%get3A_1194, %get3A_1195] {strides = array<i32>} : memref<64x128xf32, #tpu.memory_space<vmem>>, vector<16xf32>,
        %mul3A_1197 = arith.mulf %get3A_1193, %get3A_1196 : vector<16xf32>
        %add3A_1198 = arith.addf %mul3A_1183, %mul3A_1197 : vector<16xf32>
        %get3A_1199 = arith.index_cast %add3A_1176 : i32 to index
        %get3A_1200 = arith.constant 48 : index
        %get3A_1201 = tpu.vector_load %arg9[%get3A_1199, %get3A_1200] {strides = array<i32>} : memref<64x128xf32, #tpu.memory_space<vmem>>, vector<16xf32>,
        %get3A_1202 = arith.index_cast %add3A_1176 : i32 to index
        %get3A_1203 = arith.constant 48 : index
        %get3A_1204 = tpu.vector_load %arg12[%get3A_1202, %get3A_1203] {strides = array<i32>} : memref<64x128xf32, #tpu.memory_space<vmem>>, vector<16xf32>,
        %mul3A_1205 = arith.mulf %get3A_1201, %get3A_1204 : vector<16xf32>
        %add3A_1206 = arith.addf %mul3A_1190, %mul3A_1205 : vector<16xf32>
        %get3A_1207 = arith.index_cast %add3A_1176 : i32 to index
        %get3A_1208 = arith.constant 64 : index
        %get3A_1209 = tpu.vector_load %arg9[%get3A_1207, %get3A_1208] {strides = array<i32>} : memref<64x128xf32, #tpu.memory_space<vmem>>, vector<16xf32>,
        %get3A_1210 = arith.index_cast %add3A_1176 : i32 to index
        %get3A_1211 = arith.constant 64 : index
        %get3A_1212 = tpu.vector_load %arg12[%get3A_1210, %get3A_1211] {strides = array<i32>} : memref<64x128xf32, #tpu.memory_space<vmem>>, vector<16xf32>,
        %mul3A_1213 = arith.mulf %get3A_1209, %get3A_1212 : vector<16xf32>
        %add3A_1214 = arith.addf %add3A_1198, %mul3A_1213 : vector<16xf32>
        %get3A_1215 = arith.index_cast %add3A_1176 : i32 to index
        %get3A_1216 = arith.constant 80 : index
        %get3A_1217 = tpu.vector_load %arg9[%get3A_1215, %get3A_1216] {strides = array<i32>} : memref<64x128xf32, #tpu.memory_space<vmem>>, vector<16xf32>,
        %get3A_1218 = arith.index_cast %add3A_1176 : i32 to index
        %get3A_1219 = arith.constant 80 : index
        %get3A_1220 = tpu.vector_load %arg12[%get3A_1218, %get3A_1219] {strides = array<i32>} : memref<64x128xf32, #tpu.memory_space<vmem>>, vector<16xf32>,
        %mul3A_1221 = arith.mulf %get3A_1217, %get3A_1220 : vector<16xf32>
        %add3A_1222 = arith.addf %add3A_1206, %mul3A_1221 : vector<16xf32>
        %get3A_1223 = arith.index_cast %add3A_1176 : i32 to index
        %get3A_1224 = arith.constant 96 : index
        %get3A_1225 = tpu.vector_load %arg9[%get3A_1223, %get3A_1224] {strides = array<i32>} : memref<64x128xf32, #tpu.memory_space<vmem>>, vector<16xf32>,
        %get3A_1226 = arith.index_cast %add3A_1176 : i32 to index
        %get3A_1227 = arith.constant 96 : index
        %get3A_1228 = tpu.vector_load %arg12[%get3A_1226, %get3A_1227] {strides = array<i32>} : memref<64x128xf32, #tpu.memory_space<vmem>>, vector<16xf32>,
        %mul3A_1229 = arith.mulf %get3A_1225, %get3A_1228 : vector<16xf32>
        %add3A_1230 = arith.addf %add3A_1214, %mul3A_1229 : vector<16xf32>
        %get3A_1231 = arith.index_cast %add3A_1176 : i32 to index
        %get3A_1232 = arith.constant 112 : index
        %get3A_1233 = tpu.vector_load %arg9[%get3A_1231, %get3A_1232] {strides = array<i32>} : memref<64x128xf32, #tpu.memory_space<vmem>>, vector<16xf32>,
        %get3A_1234 = arith.index_cast %add3A_1176 : i32 to index
        %get3A_1235 = arith.constant 112 : index
        %get3A_1236 = tpu.vector_load %arg12[%get3A_1234, %get3A_1235] {strides = array<i32>} : memref<64x128xf32, #tpu.memory_space<vmem>>, vector<16xf32>,
        %mul3A_1237 = arith.mulf %get3A_1233, %get3A_1236 : vector<16xf32>
        %add3A_1238 = arith.addf %add3A_1222, %mul3A_1237 : vector<16xf32>
        %add3A_1239 = arith.constant 255 : i32
        %add3A_1240 = vector.broadcast %add3A_1239 : i32 to vector<16xi32>
        %add3A_1241 = arith.addi %iota3A, %add3A_1240 : vector<16xi32>
        %add3A_1242 = arith.addf %add3A_1230, %add3A_1238 : vector<16xf32>
        tpu.vector_store_idx %arg18[%add3A_1241], %add3A_1242 : memref<272xf32, #tpu.memory_space<vmem>>[vector<16xi32>], vector<16xf32>,
        %gather3A = tpu.vector_load_idx %arg18[%mul3A_34] : memref<272xf32, #tpu.memory_space<vmem>>[vector<16xi32>], vector<16xf32>,
        %add3A_1243 = arith.constant 1 : i32
        %add3A_1244 = vector.broadcast %add3A_1243 : i32 to vector<16xi32>
        %add3A_1245 = arith.addi %mul3A_34, %add3A_1244 : vector<16xi32>
        %gather3A_1246 = tpu.vector_load_idx %arg18[%add3A_1245] : memref<272xf32, #tpu.memory_space<vmem>>[vector<16xi32>], vector<16xf32>,
        %add3A_1247 = arith.constant 2 : i32
        %add3A_1248 = vector.broadcast %add3A_1247 : i32 to vector<16xi32>
        %add3A_1249 = arith.addi %mul3A_34, %add3A_1248 : vector<16xi32>
        %gather3A_1250 = tpu.vector_load_idx %arg18[%add3A_1249] : memref<272xf32, #tpu.memory_space<vmem>>[vector<16xi32>], vector<16xf32>,
        %add3A_1251 = arith.addf %gather3A, %gather3A_1250 : vector<16xf32>
        %add3A_1252 = arith.constant 3 : i32
        %add3A_1253 = vector.broadcast %add3A_1252 : i32 to vector<16xi32>
        %add3A_1254 = arith.addi %mul3A_34, %add3A_1253 : vector<16xi32>
        %gather3A_1255 = tpu.vector_load_idx %arg18[%add3A_1254] : memref<272xf32, #tpu.memory_space<vmem>>[vector<16xi32>], vector<16xf32>,
        %add3A_1256 = arith.addf %gather3A_1246, %gather3A_1255 : vector<16xf32>
        %add3A_1257 = arith.constant 4 : i32
        %add3A_1258 = vector.broadcast %add3A_1257 : i32 to vector<16xi32>
        %add3A_1259 = arith.addi %mul3A_34, %add3A_1258 : vector<16xi32>
        %gather3A_1260 = tpu.vector_load_idx %arg18[%add3A_1259] : memref<272xf32, #tpu.memory_space<vmem>>[vector<16xi32>], vector<16xf32>,
        %add3A_1261 = arith.addf %add3A_1251, %gather3A_1260 : vector<16xf32>
        %add3A_1262 = arith.constant 5 : i32
        %add3A_1263 = vector.broadcast %add3A_1262 : i32 to vector<16xi32>
        %add3A_1264 = arith.addi %mul3A_34, %add3A_1263 : vector<16xi32>
        %gather3A_1265 = tpu.vector_load_idx %arg18[%add3A_1264] : memref<272xf32, #tpu.memory_space<vmem>>[vector<16xi32>], vector<16xf32>,
        %add3A_1266 = arith.addf %add3A_1256, %gather3A_1265 : vector<16xf32>
        %add3A_1267 = arith.constant 6 : i32
        %add3A_1268 = vector.broadcast %add3A_1267 : i32 to vector<16xi32>
        %add3A_1269 = arith.addi %mul3A_34, %add3A_1268 : vector<16xi32>
        %gather3A_1270 = tpu.vector_load_idx %arg18[%add3A_1269] : memref<272xf32, #tpu.memory_space<vmem>>[vector<16xi32>], vector<16xf32>,
        %add3A_1271 = arith.addf %add3A_1261, %gather3A_1270 : vector<16xf32>
        %add3A_1272 = arith.constant 7 : i32
        %add3A_1273 = vector.broadcast %add3A_1272 : i32 to vector<16xi32>
        %add3A_1274 = arith.addi %mul3A_34, %add3A_1273 : vector<16xi32>
        %gather3A_1275 = tpu.vector_load_idx %arg18[%add3A_1274] : memref<272xf32, #tpu.memory_space<vmem>>[vector<16xi32>], vector<16xf32>,
        %add3A_1276 = arith.addf %add3A_1266, %gather3A_1275 : vector<16xf32>
        %add3A_1277 = arith.constant 8 : i32
        %add3A_1278 = vector.broadcast %add3A_1277 : i32 to vector<16xi32>
        %add3A_1279 = arith.addi %mul3A_34, %add3A_1278 : vector<16xi32>
        %gather3A_1280 = tpu.vector_load_idx %arg18[%add3A_1279] : memref<272xf32, #tpu.memory_space<vmem>>[vector<16xi32>], vector<16xf32>,
        %add3A_1281 = arith.addf %add3A_1271, %gather3A_1280 : vector<16xf32>
        %add3A_1282 = arith.constant 9 : i32
        %add3A_1283 = vector.broadcast %add3A_1282 : i32 to vector<16xi32>
        %add3A_1284 = arith.addi %mul3A_34, %add3A_1283 : vector<16xi32>
        %gather3A_1285 = tpu.vector_load_idx %arg18[%add3A_1284] : memref<272xf32, #tpu.memory_space<vmem>>[vector<16xi32>], vector<16xf32>,
        %add3A_1286 = arith.addf %add3A_1276, %gather3A_1285 : vector<16xf32>
        %add3A_1287 = arith.constant 10 : i32
        %add3A_1288 = vector.broadcast %add3A_1287 : i32 to vector<16xi32>
        %add3A_1289 = arith.addi %mul3A_34, %add3A_1288 : vector<16xi32>
        %gather3A_1290 = tpu.vector_load_idx %arg18[%add3A_1289] : memref<272xf32, #tpu.memory_space<vmem>>[vector<16xi32>], vector<16xf32>,
        %add3A_1291 = arith.addf %add3A_1281, %gather3A_1290 : vector<16xf32>
        %add3A_1292 = arith.constant 11 : i32
        %add3A_1293 = vector.broadcast %add3A_1292 : i32 to vector<16xi32>
        %add3A_1294 = arith.addi %mul3A_34, %add3A_1293 : vector<16xi32>
        %gather3A_1295 = tpu.vector_load_idx %arg18[%add3A_1294] : memref<272xf32, #tpu.memory_space<vmem>>[vector<16xi32>], vector<16xf32>,
        %add3A_1296 = arith.addf %add3A_1286, %gather3A_1295 : vector<16xf32>
        %add3A_1297 = arith.constant 12 : i32
        %add3A_1298 = vector.broadcast %add3A_1297 : i32 to vector<16xi32>
        %add3A_1299 = arith.addi %mul3A_34, %add3A_1298 : vector<16xi32>
        %gather3A_1300 = tpu.vector_load_idx %arg18[%add3A_1299] : memref<272xf32, #tpu.memory_space<vmem>>[vector<16xi32>], vector<16xf32>,
        %add3A_1301 = arith.addf %add3A_1291, %gather3A_1300 : vector<16xf32>
        %add3A_1302 = arith.constant 13 : i32
        %add3A_1303 = vector.broadcast %add3A_1302 : i32 to vector<16xi32>
        %add3A_1304 = arith.addi %mul3A_34, %add3A_1303 : vector<16xi32>
        %gather3A_1305 = tpu.vector_load_idx %arg18[%add3A_1304] : memref<272xf32, #tpu.memory_space<vmem>>[vector<16xi32>], vector<16xf32>,
        %add3A_1306 = arith.addf %add3A_1296, %gather3A_1305 : vector<16xf32>
        %add3A_1307 = arith.constant 14 : i32
        %add3A_1308 = vector.broadcast %add3A_1307 : i32 to vector<16xi32>
        %add3A_1309 = arith.addi %mul3A_34, %add3A_1308 : vector<16xi32>
        %gather3A_1310 = tpu.vector_load_idx %arg18[%add3A_1309] : memref<272xf32, #tpu.memory_space<vmem>>[vector<16xi32>], vector<16xf32>,
        %add3A_1311 = arith.addf %add3A_1301, %gather3A_1310 : vector<16xf32>
        %add3A_1312 = arith.constant 15 : i32
        %add3A_1313 = vector.broadcast %add3A_1312 : i32 to vector<16xi32>
        %add3A_1314 = arith.addi %mul3A_34, %add3A_1313 : vector<16xi32>
        %gather3A_1315 = tpu.vector_load_idx %arg18[%add3A_1314] : memref<272xf32, #tpu.memory_space<vmem>>[vector<16xi32>], vector<16xf32>,
        %add3A_1316 = arith.addf %add3A_1306, %gather3A_1315 : vector<16xf32>
        %add3A_1317 = arith.addf %add3A_1311, %add3A_1316 : vector<16xf32>
        %swap3A = arith.index_cast %mul3A_155 : i32 to index
        %swap3A_1318 = tpu.vector_load %arg15[%swap3A] {strides = array<i32>} : memref<64xf32, #tpu.memory_space<vmem>>, vector<16xf32>,
        tpu.vector_store %arg15[%swap3A], %add3A_1317 {strides = array<i32>} : memref<64xf32, #tpu.memory_space<vmem>>, vector<16xf32>,
      }
      %scan3A_67 = arith.constant 4 : i32
      %mul3A_68 = arith.constant 64 : i32
      %mul3A_69 = arith.muli %add3A_49, %mul3A_68 : i32
      %add3A_70 = arith.addi %mul3A_2, %mul3A_69 : i32
      %dma_start3A_71 = tpu.memref_slice %arg6[%add3A_70] : memref<602112xf32, #tpu.memory_space<hbm>> -> memref<64xf32, #tpu.memory_space<hbm>>
      %dma_start3A_72 = tpu.memref_slice %arg6[%add3A_70] : memref<602112xf32, #tpu.memory_space<hbm>> -> memref<64xf32, #tpu.memory_space<hbm>>
      tpu.enqueue_dma source(%arg15 : memref<64xf32, #tpu.memory_space<vmem>>) target(%dma_start3A_72 : memref<64xf32, #tpu.memory_space<hbm>>) target_semaphore(%arg25 : memref<!tpu.dma_semaphore, #tpu.memory_space<semaphore_mem>>)
      %add3A_73 = arith.constant 3 : i32
      %add3A_74 = arith.addi %add3A_49, %add3A_73 : i32
      %lt3A = arith.constant 294 : i32
      %lt3A_75 = arith.cmpi slt, %add3A_74, %lt3A : i32
      %convert_element_type3A_76 = arith.extui %lt3A_75 : i1 to i32
      %cond3A_77 = arith.constant 0 : i32
      %cond3A_78 = arith.cmpi ne, %convert_element_type3A_76, %cond3A_77 : i32
      scf.if %cond3A_78 {
        %add3A_153 = arith.constant 3 : i32
        %add3A_154 = arith.addi %add3A_49, %add3A_153 : i32
        %mul3A_155 = arith.constant 64 : i32
        %mul3A_156 = arith.muli %add3A_154, %mul3A_155 : i32
        %mul3A_157 = arith.constant 64 : i32
        %mul3A_158 = arith.muli %add3A_154, %mul3A_157 : i32
        %dma_start3A_159 = tpu.memref_slice %arg7[%mul3A_156] : memref<18816xi32, #tpu.memory_space<vmem>> -> memref<64xi32, #tpu.memory_space<vmem>>
        %dma_start3A_160 = arith.constant 0 : i32
        %dma_start3A_161 = arith.constant 0 : i32
        %dma_start3A_162 = tpu.memref_slice %arg2[%dma_start3A_160, %dma_start3A_161] : memref<100000x128xf32, #tpu.memory_space<hbm>> -> memref<100000x128xf32, #tpu.memory_space<hbm>>
        tpu.enqueue_indirect_dma source(%dma_start3A_162 : memref<100000x128xf32, #tpu.memory_space<hbm>>) target(%arg9 : memref<64x128xf32, #tpu.memory_space<vmem>>) offsets(%dma_start3A_159 : memref<64xi32, #tpu.memory_space<vmem>>) semaphore(%arg19 : memref<!tpu.dma_semaphore, #tpu.memory_space<semaphore_mem>>)
        %dma_start3A_163 = tpu.memref_slice %arg8[%mul3A_158] : memref<18816xi32, #tpu.memory_space<vmem>> -> memref<64xi32, #tpu.memory_space<vmem>>
        %dma_start3A_164 = arith.constant 0 : i32
        %dma_start3A_165 = arith.constant 0 : i32
        %dma_start3A_166 = tpu.memref_slice %arg3[%dma_start3A_164, %dma_start3A_165] : memref<100000x128xf32, #tpu.memory_space<hbm>> -> memref<100000x128xf32, #tpu.memory_space<hbm>>
        tpu.enqueue_indirect_dma source(%dma_start3A_166 : memref<100000x128xf32, #tpu.memory_space<hbm>>) target(%arg12 : memref<64x128xf32, #tpu.memory_space<vmem>>) offsets(%dma_start3A_163 : memref<64xi32, #tpu.memory_space<vmem>>) semaphore(%arg22 : memref<!tpu.dma_semaphore, #tpu.memory_space<semaphore_mem>>)
      } else {
      }
      %mul3A_79 = arith.constant 3 : i32
      %mul3A_80 = arith.muli %scan3A_45, %mul3A_79 : i32
      %add3A_81 = arith.constant 1 : i32
      %add3A_82 = arith.addi %mul3A_80, %add3A_81 : i32
      %dma_wait3A_83 = arith.constant 0 : i32
      %dma_wait3A_84 = tpu.memref_slice %arg7[%dma_wait3A_83] : memref<18816xi32, #tpu.memory_space<vmem>> -> memref<64xi32, #tpu.memory_space<vmem>>
      %dma_wait3A_85 = arith.constant 0 : i32
      %dma_wait3A_86 = arith.constant 0 : i32
      %dma_wait3A_87 = tpu.memref_slice %arg2[%dma_wait3A_85, %dma_wait3A_86] : memref<100000x128xf32, #tpu.memory_space<hbm>> -> memref<100000x128xf32, #tpu.memory_space<hbm>>
      tpu.wait_indirect_dma semaphore(%arg20 : memref<!tpu.dma_semaphore, #tpu.memory_space<semaphore_mem>>) src(%dma_wait3A_87 : memref<100000x128xf32, #tpu.memory_space<hbm>>) dst(%arg10 : memref<64x128xf32, #tpu.memory_space<vmem>>)
      %dma_wait3A_88 = arith.constant 0 : i32
      %dma_wait3A_89 = tpu.memref_slice %arg8[%dma_wait3A_88] : memref<18816xi32, #tpu.memory_space<vmem>> -> memref<64xi32, #tpu.memory_space<vmem>>
      %dma_wait3A_90 = arith.constant 0 : i32
      %dma_wait3A_91 = arith.constant 0 : i32
      %dma_wait3A_92 = tpu.memref_slice %arg3[%dma_wait3A_90, %dma_wait3A_91] : memref<100000x128xf32, #tpu.memory_space<hbm>> -> memref<100000x128xf32, #tpu.memory_space<hbm>>
      tpu.wait_indirect_dma semaphore(%arg23 : memref<!tpu.dma_semaphore, #tpu.memory_space<semaphore_mem>>) src(%dma_wait3A_92 : memref<100000x128xf32, #tpu.memory_space<hbm>>) dst(%arg13 : memref<64x128xf32, #tpu.memory_space<vmem>>)
      %ge3A_93 = arith.constant 3 : i32
      %ge3A_94 = arith.cmpi sge, %add3A_82, %ge3A_93 : i32
      %convert_element_type3A_95 = arith.extui %ge3A_94 : i1 to i32
      %cond3A_96 = arith.constant 0 : i32
      %cond3A_97 = arith.cmpi ne, %convert_element_type3A_95, %cond3A_96 : i32
      scf.if %cond3A_97 {
        %dma_wait3A_153 = tpu.memref_slice %arg6[%mul3A_2] : memref<602112xf32, #tpu.memory_space<hbm>> -> memref<64xf32, #tpu.memory_space<hbm>>
        %dma_wait3A_154 = tpu.memref_slice %arg6[%mul3A_2] : memref<602112xf32, #tpu.memory_space<hbm>> -> memref<64xf32, #tpu.memory_space<hbm>>
        tpu.wait_dma2 semaphore(%arg26 : memref<!tpu.dma_semaphore, #tpu.memory_space<semaphore_mem>>) src(%arg16 : memref<64xf32, #tpu.memory_space<vmem>>) dst(%dma_wait3A_154 : memref<64xf32, #tpu.memory_space<hbm>>)
      } else {
      }
      %scan3A_98 = arith.constant 0 : i32
      %scan3A_99 = arith.constant 0 : i32
      %scan3A_100 = arith.constant 4 : i32
      %scan3A_101 = arith.addi %scan3A_99, %scan3A_100 : i32
      %scan3A_102 = arith.constant 1 : i32
      scf.for %scan3A_153 = %scan3A_99 to %scan3A_101 step %scan3A_102  : i32 {
        %mul3A_154 = arith.constant 16 : i32
        %mul3A_155 = arith.muli %scan3A_153, %mul3A_154 : i32
        %add3A_156 = arith.constant 0 : i32
        %add3A_157 = arith.addi %mul3A_155, %add3A_156 : i32
        %get3A = arith.index_cast %add3A_157 : i32 to index
        %get3A_158 = arith.constant 0 : index
        %get3A_159 = tpu.vector_load %arg10[%get3A, %get3A_158] {strides = array<i32>} : memref<64x128xf32, #tpu.memory_space<vmem>>, vector<16xf32>,
        %get3A_160 = arith.index_cast %add3A_157 : i32 to index
        %get3A_161 = arith.constant 0 : index
        %get3A_162 = tpu.vector_load %arg13[%get3A_160, %get3A_161] {strides = array<i32>} : memref<64x128xf32, #tpu.memory_space<vmem>>, vector<16xf32>,
        %mul3A_163 = arith.mulf %get3A_159, %get3A_162 : vector<16xf32>
        %get3A_164 = arith.index_cast %add3A_157 : i32 to index
        %get3A_165 = arith.constant 16 : index
        %get3A_166 = tpu.vector_load %arg10[%get3A_164, %get3A_165] {strides = array<i32>} : memref<64x128xf32, #tpu.memory_space<vmem>>, vector<16xf32>,
        %get3A_167 = arith.index_cast %add3A_157 : i32 to index
        %get3A_168 = arith.constant 16 : index
        %get3A_169 = tpu.vector_load %arg13[%get3A_167, %get3A_168] {strides = array<i32>} : memref<64x128xf32, #tpu.memory_space<vmem>>, vector<16xf32>,
        %mul3A_170 = arith.mulf %get3A_166, %get3A_169 : vector<16xf32>
        %get3A_171 = arith.index_cast %add3A_157 : i32 to index
        %get3A_172 = arith.constant 32 : index
        %get3A_173 = tpu.vector_load %arg10[%get3A_171, %get3A_172] {strides = array<i32>} : memref<64x128xf32, #tpu.memory_space<vmem>>, vector<16xf32>,
        %get3A_174 = arith.index_cast %add3A_157 : i32 to index
        %get3A_175 = arith.constant 32 : index
        %get3A_176 = tpu.vector_load %arg13[%get3A_174, %get3A_175] {strides = array<i32>} : memref<64x128xf32, #tpu.memory_space<vmem>>, vector<16xf32>,
        %mul3A_177 = arith.mulf %get3A_173, %get3A_176 : vector<16xf32>
        %add3A_178 = arith.addf %mul3A_163, %mul3A_177 : vector<16xf32>
        %get3A_179 = arith.index_cast %add3A_157 : i32 to index
        %get3A_180 = arith.constant 48 : index
        %get3A_181 = tpu.vector_load %arg10[%get3A_179, %get3A_180] {strides = array<i32>} : memref<64x128xf32, #tpu.memory_space<vmem>>, vector<16xf32>,
        %get3A_182 = arith.index_cast %add3A_157 : i32 to index
        %get3A_183 = arith.constant 48 : index
        %get3A_184 = tpu.vector_load %arg13[%get3A_182, %get3A_183] {strides = array<i32>} : memref<64x128xf32, #tpu.memory_space<vmem>>, vector<16xf32>,
        %mul3A_185 = arith.mulf %get3A_181, %get3A_184 : vector<16xf32>
        %add3A_186 = arith.addf %mul3A_170, %mul3A_185 : vector<16xf32>
        %get3A_187 = arith.index_cast %add3A_157 : i32 to index
        %get3A_188 = arith.constant 64 : index
        %get3A_189 = tpu.vector_load %arg10[%get3A_187, %get3A_188] {strides = array<i32>} : memref<64x128xf32, #tpu.memory_space<vmem>>, vector<16xf32>,
        %get3A_190 = arith.index_cast %add3A_157 : i32 to index
        %get3A_191 = arith.constant 64 : index
        %get3A_192 = tpu.vector_load %arg13[%get3A_190, %get3A_191] {strides = array<i32>} : memref<64x128xf32, #tpu.memory_space<vmem>>, vector<16xf32>,
        %mul3A_193 = arith.mulf %get3A_189, %get3A_192 : vector<16xf32>
        %add3A_194 = arith.addf %add3A_178, %mul3A_193 : vector<16xf32>
        %get3A_195 = arith.index_cast %add3A_157 : i32 to index
        %get3A_196 = arith.constant 80 : index
        %get3A_197 = tpu.vector_load %arg10[%get3A_195, %get3A_196] {strides = array<i32>} : memref<64x128xf32, #tpu.memory_space<vmem>>, vector<16xf32>,
        %get3A_198 = arith.index_cast %add3A_157 : i32 to index
        %get3A_199 = arith.constant 80 : index
        %get3A_200 = tpu.vector_load %arg13[%get3A_198, %get3A_199] {strides = array<i32>} : memref<64x128xf32, #tpu.memory_space<vmem>>, vector<16xf32>,
        %mul3A_201 = arith.mulf %get3A_197, %get3A_200 : vector<16xf32>
        %add3A_202 = arith.addf %add3A_186, %mul3A_201 : vector<16xf32>
        %get3A_203 = arith.index_cast %add3A_157 : i32 to index
        %get3A_204 = arith.constant 96 : index
        %get3A_205 = tpu.vector_load %arg10[%get3A_203, %get3A_204] {strides = array<i32>} : memref<64x128xf32, #tpu.memory_space<vmem>>, vector<16xf32>,
        %get3A_206 = arith.index_cast %add3A_157 : i32 to index
        %get3A_207 = arith.constant 96 : index
        %get3A_208 = tpu.vector_load %arg13[%get3A_206, %get3A_207] {strides = array<i32>} : memref<64x128xf32, #tpu.memory_space<vmem>>, vector<16xf32>,
        %mul3A_209 = arith.mulf %get3A_205, %get3A_208 : vector<16xf32>
        %add3A_210 = arith.addf %add3A_194, %mul3A_209 : vector<16xf32>
        %get3A_211 = arith.index_cast %add3A_157 : i32 to index
        %get3A_212 = arith.constant 112 : index
        %get3A_213 = tpu.vector_load %arg10[%get3A_211, %get3A_212] {strides = array<i32>} : memref<64x128xf32, #tpu.memory_space<vmem>>, vector<16xf32>,
        %get3A_214 = arith.index_cast %add3A_157 : i32 to index
        %get3A_215 = arith.constant 112 : index
        %get3A_216 = tpu.vector_load %arg13[%get3A_214, %get3A_215] {strides = array<i32>} : memref<64x128xf32, #tpu.memory_space<vmem>>, vector<16xf32>,
        %mul3A_217 = arith.mulf %get3A_213, %get3A_216 : vector<16xf32>
        %add3A_218 = arith.addf %add3A_202, %mul3A_217 : vector<16xf32>
        %add3A_219 = arith.constant 0 : i32
        %add3A_220 = vector.broadcast %add3A_219 : i32 to vector<16xi32>
        %add3A_221 = arith.addi %iota3A, %add3A_220 : vector<16xi32>
        %add3A_222 = arith.addf %add3A_210, %add3A_218 : vector<16xf32>
        tpu.vector_store_idx %arg18[%add3A_221], %add3A_222 : memref<272xf32, #tpu.memory_space<vmem>>[vector<16xi32>], vector<16xf32>,
        %add3A_223 = arith.constant 1 : i32
        %add3A_224 = arith.addi %mul3A_155, %add3A_223 : i32
        %get3A_225 = arith.index_cast %add3A_224 : i32 to index
        %get3A_226 = arith.constant 0 : index
        %get3A_227 = tpu.vector_load %arg10[%get3A_225, %get3A_226] {strides = array<i32>} : memref<64x128xf32, #tpu.memory_space<vmem>>, vector<16xf32>,
        %get3A_228 = arith.index_cast %add3A_224 : i32 to index
        %get3A_229 = arith.constant 0 : index
        %get3A_230 = tpu.vector_load %arg13[%get3A_228, %get3A_229] {strides = array<i32>} : memref<64x128xf32, #tpu.memory_space<vmem>>, vector<16xf32>,
        %mul3A_231 = arith.mulf %get3A_227, %get3A_230 : vector<16xf32>
        %get3A_232 = arith.index_cast %add3A_224 : i32 to index
        %get3A_233 = arith.constant 16 : index
        %get3A_234 = tpu.vector_load %arg10[%get3A_232, %get3A_233] {strides = array<i32>} : memref<64x128xf32, #tpu.memory_space<vmem>>, vector<16xf32>,
        %get3A_235 = arith.index_cast %add3A_224 : i32 to index
        %get3A_236 = arith.constant 16 : index
        %get3A_237 = tpu.vector_load %arg13[%get3A_235, %get3A_236] {strides = array<i32>} : memref<64x128xf32, #tpu.memory_space<vmem>>, vector<16xf32>,
        %mul3A_238 = arith.mulf %get3A_234, %get3A_237 : vector<16xf32>
        %get3A_239 = arith.index_cast %add3A_224 : i32 to index
        %get3A_240 = arith.constant 32 : index
        %get3A_241 = tpu.vector_load %arg10[%get3A_239, %get3A_240] {strides = array<i32>} : memref<64x128xf32, #tpu.memory_space<vmem>>, vector<16xf32>,
        %get3A_242 = arith.index_cast %add3A_224 : i32 to index
        %get3A_243 = arith.constant 32 : index
        %get3A_244 = tpu.vector_load %arg13[%get3A_242, %get3A_243] {strides = array<i32>} : memref<64x128xf32, #tpu.memory_space<vmem>>, vector<16xf32>,
        %mul3A_245 = arith.mulf %get3A_241, %get3A_244 : vector<16xf32>
        %add3A_246 = arith.addf %mul3A_231, %mul3A_245 : vector<16xf32>
        %get3A_247 = arith.index_cast %add3A_224 : i32 to index
        %get3A_248 = arith.constant 48 : index
        %get3A_249 = tpu.vector_load %arg10[%get3A_247, %get3A_248] {strides = array<i32>} : memref<64x128xf32, #tpu.memory_space<vmem>>, vector<16xf32>,
        %get3A_250 = arith.index_cast %add3A_224 : i32 to index
        %get3A_251 = arith.constant 48 : index
        %get3A_252 = tpu.vector_load %arg13[%get3A_250, %get3A_251] {strides = array<i32>} : memref<64x128xf32, #tpu.memory_space<vmem>>, vector<16xf32>,
        %mul3A_253 = arith.mulf %get3A_249, %get3A_252 : vector<16xf32>
        %add3A_254 = arith.addf %mul3A_238, %mul3A_253 : vector<16xf32>
        %get3A_255 = arith.index_cast %add3A_224 : i32 to index
        %get3A_256 = arith.constant 64 : index
        %get3A_257 = tpu.vector_load %arg10[%get3A_255, %get3A_256] {strides = array<i32>} : memref<64x128xf32, #tpu.memory_space<vmem>>, vector<16xf32>,
        %get3A_258 = arith.index_cast %add3A_224 : i32 to index
        %get3A_259 = arith.constant 64 : index
        %get3A_260 = tpu.vector_load %arg13[%get3A_258, %get3A_259] {strides = array<i32>} : memref<64x128xf32, #tpu.memory_space<vmem>>, vector<16xf32>,
        %mul3A_261 = arith.mulf %get3A_257, %get3A_260 : vector<16xf32>
        %add3A_262 = arith.addf %add3A_246, %mul3A_261 : vector<16xf32>
        %get3A_263 = arith.index_cast %add3A_224 : i32 to index
        %get3A_264 = arith.constant 80 : index
        %get3A_265 = tpu.vector_load %arg10[%get3A_263, %get3A_264] {strides = array<i32>} : memref<64x128xf32, #tpu.memory_space<vmem>>, vector<16xf32>,
        %get3A_266 = arith.index_cast %add3A_224 : i32 to index
        %get3A_267 = arith.constant 80 : index
        %get3A_268 = tpu.vector_load %arg13[%get3A_266, %get3A_267] {strides = array<i32>} : memref<64x128xf32, #tpu.memory_space<vmem>>, vector<16xf32>,
        %mul3A_269 = arith.mulf %get3A_265, %get3A_268 : vector<16xf32>
        %add3A_270 = arith.addf %add3A_254, %mul3A_269 : vector<16xf32>
        %get3A_271 = arith.index_cast %add3A_224 : i32 to index
        %get3A_272 = arith.constant 96 : index
        %get3A_273 = tpu.vector_load %arg10[%get3A_271, %get3A_272] {strides = array<i32>} : memref<64x128xf32, #tpu.memory_space<vmem>>, vector<16xf32>,
        %get3A_274 = arith.index_cast %add3A_224 : i32 to index
        %get3A_275 = arith.constant 96 : index
        %get3A_276 = tpu.vector_load %arg13[%get3A_274, %get3A_275] {strides = array<i32>} : memref<64x128xf32, #tpu.memory_space<vmem>>, vector<16xf32>,
        %mul3A_277 = arith.mulf %get3A_273, %get3A_276 : vector<16xf32>
        %add3A_278 = arith.addf %add3A_262, %mul3A_277 : vector<16xf32>
        %get3A_279 = arith.index_cast %add3A_224 : i32 to index
        %get3A_280 = arith.constant 112 : index
        %get3A_281 = tpu.vector_load %arg10[%get3A_279, %get3A_280] {strides = array<i32>} : memref<64x128xf32, #tpu.memory_space<vmem>>, vector<16xf32>,
        %get3A_282 = arith.index_cast %add3A_224 : i32 to index
        %get3A_283 = arith.constant 112 : index
        %get3A_284 = tpu.vector_load %arg13[%get3A_282, %get3A_283] {strides = array<i32>} : memref<64x128xf32, #tpu.memory_space<vmem>>, vector<16xf32>,
        %mul3A_285 = arith.mulf %get3A_281, %get3A_284 : vector<16xf32>
        %add3A_286 = arith.addf %add3A_270, %mul3A_285 : vector<16xf32>
        %add3A_287 = arith.constant 17 : i32
        %add3A_288 = vector.broadcast %add3A_287 : i32 to vector<16xi32>
        %add3A_289 = arith.addi %iota3A, %add3A_288 : vector<16xi32>
        %add3A_290 = arith.addf %add3A_278, %add3A_286 : vector<16xf32>
        tpu.vector_store_idx %arg18[%add3A_289], %add3A_290 : memref<272xf32, #tpu.memory_space<vmem>>[vector<16xi32>], vector<16xf32>,
        %add3A_291 = arith.constant 2 : i32
        %add3A_292 = arith.addi %mul3A_155, %add3A_291 : i32
        %get3A_293 = arith.index_cast %add3A_292 : i32 to index
        %get3A_294 = arith.constant 0 : index
        %get3A_295 = tpu.vector_load %arg10[%get3A_293, %get3A_294] {strides = array<i32>} : memref<64x128xf32, #tpu.memory_space<vmem>>, vector<16xf32>,
        %get3A_296 = arith.index_cast %add3A_292 : i32 to index
        %get3A_297 = arith.constant 0 : index
        %get3A_298 = tpu.vector_load %arg13[%get3A_296, %get3A_297] {strides = array<i32>} : memref<64x128xf32, #tpu.memory_space<vmem>>, vector<16xf32>,
        %mul3A_299 = arith.mulf %get3A_295, %get3A_298 : vector<16xf32>
        %get3A_300 = arith.index_cast %add3A_292 : i32 to index
        %get3A_301 = arith.constant 16 : index
        %get3A_302 = tpu.vector_load %arg10[%get3A_300, %get3A_301] {strides = array<i32>} : memref<64x128xf32, #tpu.memory_space<vmem>>, vector<16xf32>,
        %get3A_303 = arith.index_cast %add3A_292 : i32 to index
        %get3A_304 = arith.constant 16 : index
        %get3A_305 = tpu.vector_load %arg13[%get3A_303, %get3A_304] {strides = array<i32>} : memref<64x128xf32, #tpu.memory_space<vmem>>, vector<16xf32>,
        %mul3A_306 = arith.mulf %get3A_302, %get3A_305 : vector<16xf32>
        %get3A_307 = arith.index_cast %add3A_292 : i32 to index
        %get3A_308 = arith.constant 32 : index
        %get3A_309 = tpu.vector_load %arg10[%get3A_307, %get3A_308] {strides = array<i32>} : memref<64x128xf32, #tpu.memory_space<vmem>>, vector<16xf32>,
        %get3A_310 = arith.index_cast %add3A_292 : i32 to index
        %get3A_311 = arith.constant 32 : index
        %get3A_312 = tpu.vector_load %arg13[%get3A_310, %get3A_311] {strides = array<i32>} : memref<64x128xf32, #tpu.memory_space<vmem>>, vector<16xf32>,
        %mul3A_313 = arith.mulf %get3A_309, %get3A_312 : vector<16xf32>
        %add3A_314 = arith.addf %mul3A_299, %mul3A_313 : vector<16xf32>
        %get3A_315 = arith.index_cast %add3A_292 : i32 to index
        %get3A_316 = arith.constant 48 : index
        %get3A_317 = tpu.vector_load %arg10[%get3A_315, %get3A_316] {strides = array<i32>} : memref<64x128xf32, #tpu.memory_space<vmem>>, vector<16xf32>,
        %get3A_318 = arith.index_cast %add3A_292 : i32 to index
        %get3A_319 = arith.constant 48 : index
        %get3A_320 = tpu.vector_load %arg13[%get3A_318, %get3A_319] {strides = array<i32>} : memref<64x128xf32, #tpu.memory_space<vmem>>, vector<16xf32>,
        %mul3A_321 = arith.mulf %get3A_317, %get3A_320 : vector<16xf32>
        %add3A_322 = arith.addf %mul3A_306, %mul3A_321 : vector<16xf32>
        %get3A_323 = arith.index_cast %add3A_292 : i32 to index
        %get3A_324 = arith.constant 64 : index
        %get3A_325 = tpu.vector_load %arg10[%get3A_323, %get3A_324] {strides = array<i32>} : memref<64x128xf32, #tpu.memory_space<vmem>>, vector<16xf32>,
        %get3A_326 = arith.index_cast %add3A_292 : i32 to index
        %get3A_327 = arith.constant 64 : index
        %get3A_328 = tpu.vector_load %arg13[%get3A_326, %get3A_327] {strides = array<i32>} : memref<64x128xf32, #tpu.memory_space<vmem>>, vector<16xf32>,
        %mul3A_329 = arith.mulf %get3A_325, %get3A_328 : vector<16xf32>
        %add3A_330 = arith.addf %add3A_314, %mul3A_329 : vector<16xf32>
        %get3A_331 = arith.index_cast %add3A_292 : i32 to index
        %get3A_332 = arith.constant 80 : index
        %get3A_333 = tpu.vector_load %arg10[%get3A_331, %get3A_332] {strides = array<i32>} : memref<64x128xf32, #tpu.memory_space<vmem>>, vector<16xf32>,
        %get3A_334 = arith.index_cast %add3A_292 : i32 to index
        %get3A_335 = arith.constant 80 : index
        %get3A_336 = tpu.vector_load %arg13[%get3A_334, %get3A_335] {strides = array<i32>} : memref<64x128xf32, #tpu.memory_space<vmem>>, vector<16xf32>,
        %mul3A_337 = arith.mulf %get3A_333, %get3A_336 : vector<16xf32>
        %add3A_338 = arith.addf %add3A_322, %mul3A_337 : vector<16xf32>
        %get3A_339 = arith.index_cast %add3A_292 : i32 to index
        %get3A_340 = arith.constant 96 : index
        %get3A_341 = tpu.vector_load %arg10[%get3A_339, %get3A_340] {strides = array<i32>} : memref<64x128xf32, #tpu.memory_space<vmem>>, vector<16xf32>,
        %get3A_342 = arith.index_cast %add3A_292 : i32 to index
        %get3A_343 = arith.constant 96 : index
        %get3A_344 = tpu.vector_load %arg13[%get3A_342, %get3A_343] {strides = array<i32>} : memref<64x128xf32, #tpu.memory_space<vmem>>, vector<16xf32>,
        %mul3A_345 = arith.mulf %get3A_341, %get3A_344 : vector<16xf32>
        %add3A_346 = arith.addf %add3A_330, %mul3A_345 : vector<16xf32>
        %get3A_347 = arith.index_cast %add3A_292 : i32 to index
        %get3A_348 = arith.constant 112 : index
        %get3A_349 = tpu.vector_load %arg10[%get3A_347, %get3A_348] {strides = array<i32>} : memref<64x128xf32, #tpu.memory_space<vmem>>, vector<16xf32>,
        %get3A_350 = arith.index_cast %add3A_292 : i32 to index
        %get3A_351 = arith.constant 112 : index
        %get3A_352 = tpu.vector_load %arg13[%get3A_350, %get3A_351] {strides = array<i32>} : memref<64x128xf32, #tpu.memory_space<vmem>>, vector<16xf32>,
        %mul3A_353 = arith.mulf %get3A_349, %get3A_352 : vector<16xf32>
        %add3A_354 = arith.addf %add3A_338, %mul3A_353 : vector<16xf32>
        %add3A_355 = arith.constant 34 : i32
        %add3A_356 = vector.broadcast %add3A_355 : i32 to vector<16xi32>
        %add3A_357 = arith.addi %iota3A, %add3A_356 : vector<16xi32>
        %add3A_358 = arith.addf %add3A_346, %add3A_354 : vector<16xf32>
        tpu.vector_store_idx %arg18[%add3A_357], %add3A_358 : memref<272xf32, #tpu.memory_space<vmem>>[vector<16xi32>], vector<16xf32>,
        %add3A_359 = arith.constant 3 : i32
        %add3A_360 = arith.addi %mul3A_155, %add3A_359 : i32
        %get3A_361 = arith.index_cast %add3A_360 : i32 to index
        %get3A_362 = arith.constant 0 : index
        %get3A_363 = tpu.vector_load %arg10[%get3A_361, %get3A_362] {strides = array<i32>} : memref<64x128xf32, #tpu.memory_space<vmem>>, vector<16xf32>,
        %get3A_364 = arith.index_cast %add3A_360 : i32 to index
        %get3A_365 = arith.constant 0 : index
        %get3A_366 = tpu.vector_load %arg13[%get3A_364, %get3A_365] {strides = array<i32>} : memref<64x128xf32, #tpu.memory_space<vmem>>, vector<16xf32>,
        %mul3A_367 = arith.mulf %get3A_363, %get3A_366 : vector<16xf32>
        %get3A_368 = arith.index_cast %add3A_360 : i32 to index
        %get3A_369 = arith.constant 16 : index
        %get3A_370 = tpu.vector_load %arg10[%get3A_368, %get3A_369] {strides = array<i32>} : memref<64x128xf32, #tpu.memory_space<vmem>>, vector<16xf32>,
        %get3A_371 = arith.index_cast %add3A_360 : i32 to index
        %get3A_372 = arith.constant 16 : index
        %get3A_373 = tpu.vector_load %arg13[%get3A_371, %get3A_372] {strides = array<i32>} : memref<64x128xf32, #tpu.memory_space<vmem>>, vector<16xf32>,
        %mul3A_374 = arith.mulf %get3A_370, %get3A_373 : vector<16xf32>
        %get3A_375 = arith.index_cast %add3A_360 : i32 to index
        %get3A_376 = arith.constant 32 : index
        %get3A_377 = tpu.vector_load %arg10[%get3A_375, %get3A_376] {strides = array<i32>} : memref<64x128xf32, #tpu.memory_space<vmem>>, vector<16xf32>,
        %get3A_378 = arith.index_cast %add3A_360 : i32 to index
        %get3A_379 = arith.constant 32 : index
        %get3A_380 = tpu.vector_load %arg13[%get3A_378, %get3A_379] {strides = array<i32>} : memref<64x128xf32, #tpu.memory_space<vmem>>, vector<16xf32>,
        %mul3A_381 = arith.mulf %get3A_377, %get3A_380 : vector<16xf32>
        %add3A_382 = arith.addf %mul3A_367, %mul3A_381 : vector<16xf32>
        %get3A_383 = arith.index_cast %add3A_360 : i32 to index
        %get3A_384 = arith.constant 48 : index
        %get3A_385 = tpu.vector_load %arg10[%get3A_383, %get3A_384] {strides = array<i32>} : memref<64x128xf32, #tpu.memory_space<vmem>>, vector<16xf32>,
        %get3A_386 = arith.index_cast %add3A_360 : i32 to index
        %get3A_387 = arith.constant 48 : index
        %get3A_388 = tpu.vector_load %arg13[%get3A_386, %get3A_387] {strides = array<i32>} : memref<64x128xf32, #tpu.memory_space<vmem>>, vector<16xf32>,
        %mul3A_389 = arith.mulf %get3A_385, %get3A_388 : vector<16xf32>
        %add3A_390 = arith.addf %mul3A_374, %mul3A_389 : vector<16xf32>
        %get3A_391 = arith.index_cast %add3A_360 : i32 to index
        %get3A_392 = arith.constant 64 : index
        %get3A_393 = tpu.vector_load %arg10[%get3A_391, %get3A_392] {strides = array<i32>} : memref<64x128xf32, #tpu.memory_space<vmem>>, vector<16xf32>,
        %get3A_394 = arith.index_cast %add3A_360 : i32 to index
        %get3A_395 = arith.constant 64 : index
        %get3A_396 = tpu.vector_load %arg13[%get3A_394, %get3A_395] {strides = array<i32>} : memref<64x128xf32, #tpu.memory_space<vmem>>, vector<16xf32>,
        %mul3A_397 = arith.mulf %get3A_393, %get3A_396 : vector<16xf32>
        %add3A_398 = arith.addf %add3A_382, %mul3A_397 : vector<16xf32>
        %get3A_399 = arith.index_cast %add3A_360 : i32 to index
        %get3A_400 = arith.constant 80 : index
        %get3A_401 = tpu.vector_load %arg10[%get3A_399, %get3A_400] {strides = array<i32>} : memref<64x128xf32, #tpu.memory_space<vmem>>, vector<16xf32>,
        %get3A_402 = arith.index_cast %add3A_360 : i32 to index
        %get3A_403 = arith.constant 80 : index
        %get3A_404 = tpu.vector_load %arg13[%get3A_402, %get3A_403] {strides = array<i32>} : memref<64x128xf32, #tpu.memory_space<vmem>>, vector<16xf32>,
        %mul3A_405 = arith.mulf %get3A_401, %get3A_404 : vector<16xf32>
        %add3A_406 = arith.addf %add3A_390, %mul3A_405 : vector<16xf32>
        %get3A_407 = arith.index_cast %add3A_360 : i32 to index
        %get3A_408 = arith.constant 96 : index
        %get3A_409 = tpu.vector_load %arg10[%get3A_407, %get3A_408] {strides = array<i32>} : memref<64x128xf32, #tpu.memory_space<vmem>>, vector<16xf32>,
        %get3A_410 = arith.index_cast %add3A_360 : i32 to index
        %get3A_411 = arith.constant 96 : index
        %get3A_412 = tpu.vector_load %arg13[%get3A_410, %get3A_411] {strides = array<i32>} : memref<64x128xf32, #tpu.memory_space<vmem>>, vector<16xf32>,
        %mul3A_413 = arith.mulf %get3A_409, %get3A_412 : vector<16xf32>
        %add3A_414 = arith.addf %add3A_398, %mul3A_413 : vector<16xf32>
        %get3A_415 = arith.index_cast %add3A_360 : i32 to index
        %get3A_416 = arith.constant 112 : index
        %get3A_417 = tpu.vector_load %arg10[%get3A_415, %get3A_416] {strides = array<i32>} : memref<64x128xf32, #tpu.memory_space<vmem>>, vector<16xf32>,
        %get3A_418 = arith.index_cast %add3A_360 : i32 to index
        %get3A_419 = arith.constant 112 : index
        %get3A_420 = tpu.vector_load %arg13[%get3A_418, %get3A_419] {strides = array<i32>} : memref<64x128xf32, #tpu.memory_space<vmem>>, vector<16xf32>,
        %mul3A_421 = arith.mulf %get3A_417, %get3A_420 : vector<16xf32>
        %add3A_422 = arith.addf %add3A_406, %mul3A_421 : vector<16xf32>
        %add3A_423 = arith.constant 51 : i32
        %add3A_424 = vector.broadcast %add3A_423 : i32 to vector<16xi32>
        %add3A_425 = arith.addi %iota3A, %add3A_424 : vector<16xi32>
        %add3A_426 = arith.addf %add3A_414, %add3A_422 : vector<16xf32>
        tpu.vector_store_idx %arg18[%add3A_425], %add3A_426 : memref<272xf32, #tpu.memory_space<vmem>>[vector<16xi32>], vector<16xf32>,
        %add3A_427 = arith.constant 4 : i32
        %add3A_428 = arith.addi %mul3A_155, %add3A_427 : i32
        %get3A_429 = arith.index_cast %add3A_428 : i32 to index
        %get3A_430 = arith.constant 0 : index
        %get3A_431 = tpu.vector_load %arg10[%get3A_429, %get3A_430] {strides = array<i32>} : memref<64x128xf32, #tpu.memory_space<vmem>>, vector<16xf32>,
        %get3A_432 = arith.index_cast %add3A_428 : i32 to index
        %get3A_433 = arith.constant 0 : index
        %get3A_434 = tpu.vector_load %arg13[%get3A_432, %get3A_433] {strides = array<i32>} : memref<64x128xf32, #tpu.memory_space<vmem>>, vector<16xf32>,
        %mul3A_435 = arith.mulf %get3A_431, %get3A_434 : vector<16xf32>
        %get3A_436 = arith.index_cast %add3A_428 : i32 to index
        %get3A_437 = arith.constant 16 : index
        %get3A_438 = tpu.vector_load %arg10[%get3A_436, %get3A_437] {strides = array<i32>} : memref<64x128xf32, #tpu.memory_space<vmem>>, vector<16xf32>,
        %get3A_439 = arith.index_cast %add3A_428 : i32 to index
        %get3A_440 = arith.constant 16 : index
        %get3A_441 = tpu.vector_load %arg13[%get3A_439, %get3A_440] {strides = array<i32>} : memref<64x128xf32, #tpu.memory_space<vmem>>, vector<16xf32>,
        %mul3A_442 = arith.mulf %get3A_438, %get3A_441 : vector<16xf32>
        %get3A_443 = arith.index_cast %add3A_428 : i32 to index
        %get3A_444 = arith.constant 32 : index
        %get3A_445 = tpu.vector_load %arg10[%get3A_443, %get3A_444] {strides = array<i32>} : memref<64x128xf32, #tpu.memory_space<vmem>>, vector<16xf32>,
        %get3A_446 = arith.index_cast %add3A_428 : i32 to index
        %get3A_447 = arith.constant 32 : index
        %get3A_448 = tpu.vector_load %arg13[%get3A_446, %get3A_447] {strides = array<i32>} : memref<64x128xf32, #tpu.memory_space<vmem>>, vector<16xf32>,
        %mul3A_449 = arith.mulf %get3A_445, %get3A_448 : vector<16xf32>
        %add3A_450 = arith.addf %mul3A_435, %mul3A_449 : vector<16xf32>
        %get3A_451 = arith.index_cast %add3A_428 : i32 to index
        %get3A_452 = arith.constant 48 : index
        %get3A_453 = tpu.vector_load %arg10[%get3A_451, %get3A_452] {strides = array<i32>} : memref<64x128xf32, #tpu.memory_space<vmem>>, vector<16xf32>,
        %get3A_454 = arith.index_cast %add3A_428 : i32 to index
        %get3A_455 = arith.constant 48 : index
        %get3A_456 = tpu.vector_load %arg13[%get3A_454, %get3A_455] {strides = array<i32>} : memref<64x128xf32, #tpu.memory_space<vmem>>, vector<16xf32>,
        %mul3A_457 = arith.mulf %get3A_453, %get3A_456 : vector<16xf32>
        %add3A_458 = arith.addf %mul3A_442, %mul3A_457 : vector<16xf32>
        %get3A_459 = arith.index_cast %add3A_428 : i32 to index
        %get3A_460 = arith.constant 64 : index
        %get3A_461 = tpu.vector_load %arg10[%get3A_459, %get3A_460] {strides = array<i32>} : memref<64x128xf32, #tpu.memory_space<vmem>>, vector<16xf32>,
        %get3A_462 = arith.index_cast %add3A_428 : i32 to index
        %get3A_463 = arith.constant 64 : index
        %get3A_464 = tpu.vector_load %arg13[%get3A_462, %get3A_463] {strides = array<i32>} : memref<64x128xf32, #tpu.memory_space<vmem>>, vector<16xf32>,
        %mul3A_465 = arith.mulf %get3A_461, %get3A_464 : vector<16xf32>
        %add3A_466 = arith.addf %add3A_450, %mul3A_465 : vector<16xf32>
        %get3A_467 = arith.index_cast %add3A_428 : i32 to index
        %get3A_468 = arith.constant 80 : index
        %get3A_469 = tpu.vector_load %arg10[%get3A_467, %get3A_468] {strides = array<i32>} : memref<64x128xf32, #tpu.memory_space<vmem>>, vector<16xf32>,
        %get3A_470 = arith.index_cast %add3A_428 : i32 to index
        %get3A_471 = arith.constant 80 : index
        %get3A_472 = tpu.vector_load %arg13[%get3A_470, %get3A_471] {strides = array<i32>} : memref<64x128xf32, #tpu.memory_space<vmem>>, vector<16xf32>,
        %mul3A_473 = arith.mulf %get3A_469, %get3A_472 : vector<16xf32>
        %add3A_474 = arith.addf %add3A_458, %mul3A_473 : vector<16xf32>
        %get3A_475 = arith.index_cast %add3A_428 : i32 to index
        %get3A_476 = arith.constant 96 : index
        %get3A_477 = tpu.vector_load %arg10[%get3A_475, %get3A_476] {strides = array<i32>} : memref<64x128xf32, #tpu.memory_space<vmem>>, vector<16xf32>,
        %get3A_478 = arith.index_cast %add3A_428 : i32 to index
        %get3A_479 = arith.constant 96 : index
        %get3A_480 = tpu.vector_load %arg13[%get3A_478, %get3A_479] {strides = array<i32>} : memref<64x128xf32, #tpu.memory_space<vmem>>, vector<16xf32>,
        %mul3A_481 = arith.mulf %get3A_477, %get3A_480 : vector<16xf32>
        %add3A_482 = arith.addf %add3A_466, %mul3A_481 : vector<16xf32>
        %get3A_483 = arith.index_cast %add3A_428 : i32 to index
        %get3A_484 = arith.constant 112 : index
        %get3A_485 = tpu.vector_load %arg10[%get3A_483, %get3A_484] {strides = array<i32>} : memref<64x128xf32, #tpu.memory_space<vmem>>, vector<16xf32>,
        %get3A_486 = arith.index_cast %add3A_428 : i32 to index
        %get3A_487 = arith.constant 112 : index
        %get3A_488 = tpu.vector_load %arg13[%get3A_486, %get3A_487] {strides = array<i32>} : memref<64x128xf32, #tpu.memory_space<vmem>>, vector<16xf32>,
        %mul3A_489 = arith.mulf %get3A_485, %get3A_488 : vector<16xf32>
        %add3A_490 = arith.addf %add3A_474, %mul3A_489 : vector<16xf32>
        %add3A_491 = arith.constant 68 : i32
        %add3A_492 = vector.broadcast %add3A_491 : i32 to vector<16xi32>
        %add3A_493 = arith.addi %iota3A, %add3A_492 : vector<16xi32>
        %add3A_494 = arith.addf %add3A_482, %add3A_490 : vector<16xf32>
        tpu.vector_store_idx %arg18[%add3A_493], %add3A_494 : memref<272xf32, #tpu.memory_space<vmem>>[vector<16xi32>], vector<16xf32>,
        %add3A_495 = arith.constant 5 : i32
        %add3A_496 = arith.addi %mul3A_155, %add3A_495 : i32
        %get3A_497 = arith.index_cast %add3A_496 : i32 to index
        %get3A_498 = arith.constant 0 : index
        %get3A_499 = tpu.vector_load %arg10[%get3A_497, %get3A_498] {strides = array<i32>} : memref<64x128xf32, #tpu.memory_space<vmem>>, vector<16xf32>,
        %get3A_500 = arith.index_cast %add3A_496 : i32 to index
        %get3A_501 = arith.constant 0 : index
        %get3A_502 = tpu.vector_load %arg13[%get3A_500, %get3A_501] {strides = array<i32>} : memref<64x128xf32, #tpu.memory_space<vmem>>, vector<16xf32>,
        %mul3A_503 = arith.mulf %get3A_499, %get3A_502 : vector<16xf32>
        %get3A_504 = arith.index_cast %add3A_496 : i32 to index
        %get3A_505 = arith.constant 16 : index
        %get3A_506 = tpu.vector_load %arg10[%get3A_504, %get3A_505] {strides = array<i32>} : memref<64x128xf32, #tpu.memory_space<vmem>>, vector<16xf32>,
        %get3A_507 = arith.index_cast %add3A_496 : i32 to index
        %get3A_508 = arith.constant 16 : index
        %get3A_509 = tpu.vector_load %arg13[%get3A_507, %get3A_508] {strides = array<i32>} : memref<64x128xf32, #tpu.memory_space<vmem>>, vector<16xf32>,
        %mul3A_510 = arith.mulf %get3A_506, %get3A_509 : vector<16xf32>
        %get3A_511 = arith.index_cast %add3A_496 : i32 to index
        %get3A_512 = arith.constant 32 : index
        %get3A_513 = tpu.vector_load %arg10[%get3A_511, %get3A_512] {strides = array<i32>} : memref<64x128xf32, #tpu.memory_space<vmem>>, vector<16xf32>,
        %get3A_514 = arith.index_cast %add3A_496 : i32 to index
        %get3A_515 = arith.constant 32 : index
        %get3A_516 = tpu.vector_load %arg13[%get3A_514, %get3A_515] {strides = array<i32>} : memref<64x128xf32, #tpu.memory_space<vmem>>, vector<16xf32>,
        %mul3A_517 = arith.mulf %get3A_513, %get3A_516 : vector<16xf32>
        %add3A_518 = arith.addf %mul3A_503, %mul3A_517 : vector<16xf32>
        %get3A_519 = arith.index_cast %add3A_496 : i32 to index
        %get3A_520 = arith.constant 48 : index
        %get3A_521 = tpu.vector_load %arg10[%get3A_519, %get3A_520] {strides = array<i32>} : memref<64x128xf32, #tpu.memory_space<vmem>>, vector<16xf32>,
        %get3A_522 = arith.index_cast %add3A_496 : i32 to index
        %get3A_523 = arith.constant 48 : index
        %get3A_524 = tpu.vector_load %arg13[%get3A_522, %get3A_523] {strides = array<i32>} : memref<64x128xf32, #tpu.memory_space<vmem>>, vector<16xf32>,
        %mul3A_525 = arith.mulf %get3A_521, %get3A_524 : vector<16xf32>
        %add3A_526 = arith.addf %mul3A_510, %mul3A_525 : vector<16xf32>
        %get3A_527 = arith.index_cast %add3A_496 : i32 to index
        %get3A_528 = arith.constant 64 : index
        %get3A_529 = tpu.vector_load %arg10[%get3A_527, %get3A_528] {strides = array<i32>} : memref<64x128xf32, #tpu.memory_space<vmem>>, vector<16xf32>,
        %get3A_530 = arith.index_cast %add3A_496 : i32 to index
        %get3A_531 = arith.constant 64 : index
        %get3A_532 = tpu.vector_load %arg13[%get3A_530, %get3A_531] {strides = array<i32>} : memref<64x128xf32, #tpu.memory_space<vmem>>, vector<16xf32>,
        %mul3A_533 = arith.mulf %get3A_529, %get3A_532 : vector<16xf32>
        %add3A_534 = arith.addf %add3A_518, %mul3A_533 : vector<16xf32>
        %get3A_535 = arith.index_cast %add3A_496 : i32 to index
        %get3A_536 = arith.constant 80 : index
        %get3A_537 = tpu.vector_load %arg10[%get3A_535, %get3A_536] {strides = array<i32>} : memref<64x128xf32, #tpu.memory_space<vmem>>, vector<16xf32>,
        %get3A_538 = arith.index_cast %add3A_496 : i32 to index
        %get3A_539 = arith.constant 80 : index
        %get3A_540 = tpu.vector_load %arg13[%get3A_538, %get3A_539] {strides = array<i32>} : memref<64x128xf32, #tpu.memory_space<vmem>>, vector<16xf32>,
        %mul3A_541 = arith.mulf %get3A_537, %get3A_540 : vector<16xf32>
        %add3A_542 = arith.addf %add3A_526, %mul3A_541 : vector<16xf32>
        %get3A_543 = arith.index_cast %add3A_496 : i32 to index
        %get3A_544 = arith.constant 96 : index
        %get3A_545 = tpu.vector_load %arg10[%get3A_543, %get3A_544] {strides = array<i32>} : memref<64x128xf32, #tpu.memory_space<vmem>>, vector<16xf32>,
        %get3A_546 = arith.index_cast %add3A_496 : i32 to index
        %get3A_547 = arith.constant 96 : index
        %get3A_548 = tpu.vector_load %arg13[%get3A_546, %get3A_547] {strides = array<i32>} : memref<64x128xf32, #tpu.memory_space<vmem>>, vector<16xf32>,
        %mul3A_549 = arith.mulf %get3A_545, %get3A_548 : vector<16xf32>
        %add3A_550 = arith.addf %add3A_534, %mul3A_549 : vector<16xf32>
        %get3A_551 = arith.index_cast %add3A_496 : i32 to index
        %get3A_552 = arith.constant 112 : index
        %get3A_553 = tpu.vector_load %arg10[%get3A_551, %get3A_552] {strides = array<i32>} : memref<64x128xf32, #tpu.memory_space<vmem>>, vector<16xf32>,
        %get3A_554 = arith.index_cast %add3A_496 : i32 to index
        %get3A_555 = arith.constant 112 : index
        %get3A_556 = tpu.vector_load %arg13[%get3A_554, %get3A_555] {strides = array<i32>} : memref<64x128xf32, #tpu.memory_space<vmem>>, vector<16xf32>,
        %mul3A_557 = arith.mulf %get3A_553, %get3A_556 : vector<16xf32>
        %add3A_558 = arith.addf %add3A_542, %mul3A_557 : vector<16xf32>
        %add3A_559 = arith.constant 85 : i32
        %add3A_560 = vector.broadcast %add3A_559 : i32 to vector<16xi32>
        %add3A_561 = arith.addi %iota3A, %add3A_560 : vector<16xi32>
        %add3A_562 = arith.addf %add3A_550, %add3A_558 : vector<16xf32>
        tpu.vector_store_idx %arg18[%add3A_561], %add3A_562 : memref<272xf32, #tpu.memory_space<vmem>>[vector<16xi32>], vector<16xf32>,
        %add3A_563 = arith.constant 6 : i32
        %add3A_564 = arith.addi %mul3A_155, %add3A_563 : i32
        %get3A_565 = arith.index_cast %add3A_564 : i32 to index
        %get3A_566 = arith.constant 0 : index
        %get3A_567 = tpu.vector_load %arg10[%get3A_565, %get3A_566] {strides = array<i32>} : memref<64x128xf32, #tpu.memory_space<vmem>>, vector<16xf32>,
        %get3A_568 = arith.index_cast %add3A_564 : i32 to index
        %get3A_569 = arith.constant 0 : index
        %get3A_570 = tpu.vector_load %arg13[%get3A_568, %get3A_569] {strides = array<i32>} : memref<64x128xf32, #tpu.memory_space<vmem>>, vector<16xf32>,
        %mul3A_571 = arith.mulf %get3A_567, %get3A_570 : vector<16xf32>
        %get3A_572 = arith.index_cast %add3A_564 : i32 to index
        %get3A_573 = arith.constant 16 : index
        %get3A_574 = tpu.vector_load %arg10[%get3A_572, %get3A_573] {strides = array<i32>} : memref<64x128xf32, #tpu.memory_space<vmem>>, vector<16xf32>,
        %get3A_575 = arith.index_cast %add3A_564 : i32 to index
        %get3A_576 = arith.constant 16 : index
        %get3A_577 = tpu.vector_load %arg13[%get3A_575, %get3A_576] {strides = array<i32>} : memref<64x128xf32, #tpu.memory_space<vmem>>, vector<16xf32>,
        %mul3A_578 = arith.mulf %get3A_574, %get3A_577 : vector<16xf32>
        %get3A_579 = arith.index_cast %add3A_564 : i32 to index
        %get3A_580 = arith.constant 32 : index
        %get3A_581 = tpu.vector_load %arg10[%get3A_579, %get3A_580] {strides = array<i32>} : memref<64x128xf32, #tpu.memory_space<vmem>>, vector<16xf32>,
        %get3A_582 = arith.index_cast %add3A_564 : i32 to index
        %get3A_583 = arith.constant 32 : index
        %get3A_584 = tpu.vector_load %arg13[%get3A_582, %get3A_583] {strides = array<i32>} : memref<64x128xf32, #tpu.memory_space<vmem>>, vector<16xf32>,
        %mul3A_585 = arith.mulf %get3A_581, %get3A_584 : vector<16xf32>
        %add3A_586 = arith.addf %mul3A_571, %mul3A_585 : vector<16xf32>
        %get3A_587 = arith.index_cast %add3A_564 : i32 to index
        %get3A_588 = arith.constant 48 : index
        %get3A_589 = tpu.vector_load %arg10[%get3A_587, %get3A_588] {strides = array<i32>} : memref<64x128xf32, #tpu.memory_space<vmem>>, vector<16xf32>,
        %get3A_590 = arith.index_cast %add3A_564 : i32 to index
        %get3A_591 = arith.constant 48 : index
        %get3A_592 = tpu.vector_load %arg13[%get3A_590, %get3A_591] {strides = array<i32>} : memref<64x128xf32, #tpu.memory_space<vmem>>, vector<16xf32>,
        %mul3A_593 = arith.mulf %get3A_589, %get3A_592 : vector<16xf32>
        %add3A_594 = arith.addf %mul3A_578, %mul3A_593 : vector<16xf32>
        %get3A_595 = arith.index_cast %add3A_564 : i32 to index
        %get3A_596 = arith.constant 64 : index
        %get3A_597 = tpu.vector_load %arg10[%get3A_595, %get3A_596] {strides = array<i32>} : memref<64x128xf32, #tpu.memory_space<vmem>>, vector<16xf32>,
        %get3A_598 = arith.index_cast %add3A_564 : i32 to index
        %get3A_599 = arith.constant 64 : index
        %get3A_600 = tpu.vector_load %arg13[%get3A_598, %get3A_599] {strides = array<i32>} : memref<64x128xf32, #tpu.memory_space<vmem>>, vector<16xf32>,
        %mul3A_601 = arith.mulf %get3A_597, %get3A_600 : vector<16xf32>
        %add3A_602 = arith.addf %add3A_586, %mul3A_601 : vector<16xf32>
        %get3A_603 = arith.index_cast %add3A_564 : i32 to index
        %get3A_604 = arith.constant 80 : index
        %get3A_605 = tpu.vector_load %arg10[%get3A_603, %get3A_604] {strides = array<i32>} : memref<64x128xf32, #tpu.memory_space<vmem>>, vector<16xf32>,
        %get3A_606 = arith.index_cast %add3A_564 : i32 to index
        %get3A_607 = arith.constant 80 : index
        %get3A_608 = tpu.vector_load %arg13[%get3A_606, %get3A_607] {strides = array<i32>} : memref<64x128xf32, #tpu.memory_space<vmem>>, vector<16xf32>,
        %mul3A_609 = arith.mulf %get3A_605, %get3A_608 : vector<16xf32>
        %add3A_610 = arith.addf %add3A_594, %mul3A_609 : vector<16xf32>
        %get3A_611 = arith.index_cast %add3A_564 : i32 to index
        %get3A_612 = arith.constant 96 : index
        %get3A_613 = tpu.vector_load %arg10[%get3A_611, %get3A_612] {strides = array<i32>} : memref<64x128xf32, #tpu.memory_space<vmem>>, vector<16xf32>,
        %get3A_614 = arith.index_cast %add3A_564 : i32 to index
        %get3A_615 = arith.constant 96 : index
        %get3A_616 = tpu.vector_load %arg13[%get3A_614, %get3A_615] {strides = array<i32>} : memref<64x128xf32, #tpu.memory_space<vmem>>, vector<16xf32>,
        %mul3A_617 = arith.mulf %get3A_613, %get3A_616 : vector<16xf32>
        %add3A_618 = arith.addf %add3A_602, %mul3A_617 : vector<16xf32>
        %get3A_619 = arith.index_cast %add3A_564 : i32 to index
        %get3A_620 = arith.constant 112 : index
        %get3A_621 = tpu.vector_load %arg10[%get3A_619, %get3A_620] {strides = array<i32>} : memref<64x128xf32, #tpu.memory_space<vmem>>, vector<16xf32>,
        %get3A_622 = arith.index_cast %add3A_564 : i32 to index
        %get3A_623 = arith.constant 112 : index
        %get3A_624 = tpu.vector_load %arg13[%get3A_622, %get3A_623] {strides = array<i32>} : memref<64x128xf32, #tpu.memory_space<vmem>>, vector<16xf32>,
        %mul3A_625 = arith.mulf %get3A_621, %get3A_624 : vector<16xf32>
        %add3A_626 = arith.addf %add3A_610, %mul3A_625 : vector<16xf32>
        %add3A_627 = arith.constant 102 : i32
        %add3A_628 = vector.broadcast %add3A_627 : i32 to vector<16xi32>
        %add3A_629 = arith.addi %iota3A, %add3A_628 : vector<16xi32>
        %add3A_630 = arith.addf %add3A_618, %add3A_626 : vector<16xf32>
        tpu.vector_store_idx %arg18[%add3A_629], %add3A_630 : memref<272xf32, #tpu.memory_space<vmem>>[vector<16xi32>], vector<16xf32>,
        %add3A_631 = arith.constant 7 : i32
        %add3A_632 = arith.addi %mul3A_155, %add3A_631 : i32
        %get3A_633 = arith.index_cast %add3A_632 : i32 to index
        %get3A_634 = arith.constant 0 : index
        %get3A_635 = tpu.vector_load %arg10[%get3A_633, %get3A_634] {strides = array<i32>} : memref<64x128xf32, #tpu.memory_space<vmem>>, vector<16xf32>,
        %get3A_636 = arith.index_cast %add3A_632 : i32 to index
        %get3A_637 = arith.constant 0 : index
        %get3A_638 = tpu.vector_load %arg13[%get3A_636, %get3A_637] {strides = array<i32>} : memref<64x128xf32, #tpu.memory_space<vmem>>, vector<16xf32>,
        %mul3A_639 = arith.mulf %get3A_635, %get3A_638 : vector<16xf32>
        %get3A_640 = arith.index_cast %add3A_632 : i32 to index
        %get3A_641 = arith.constant 16 : index
        %get3A_642 = tpu.vector_load %arg10[%get3A_640, %get3A_641] {strides = array<i32>} : memref<64x128xf32, #tpu.memory_space<vmem>>, vector<16xf32>,
        %get3A_643 = arith.index_cast %add3A_632 : i32 to index
        %get3A_644 = arith.constant 16 : index
        %get3A_645 = tpu.vector_load %arg13[%get3A_643, %get3A_644] {strides = array<i32>} : memref<64x128xf32, #tpu.memory_space<vmem>>, vector<16xf32>,
        %mul3A_646 = arith.mulf %get3A_642, %get3A_645 : vector<16xf32>
        %get3A_647 = arith.index_cast %add3A_632 : i32 to index
        %get3A_648 = arith.constant 32 : index
        %get3A_649 = tpu.vector_load %arg10[%get3A_647, %get3A_648] {strides = array<i32>} : memref<64x128xf32, #tpu.memory_space<vmem>>, vector<16xf32>,
        %get3A_650 = arith.index_cast %add3A_632 : i32 to index
        %get3A_651 = arith.constant 32 : index
        %get3A_652 = tpu.vector_load %arg13[%get3A_650, %get3A_651] {strides = array<i32>} : memref<64x128xf32, #tpu.memory_space<vmem>>, vector<16xf32>,
        %mul3A_653 = arith.mulf %get3A_649, %get3A_652 : vector<16xf32>
        %add3A_654 = arith.addf %mul3A_639, %mul3A_653 : vector<16xf32>
        %get3A_655 = arith.index_cast %add3A_632 : i32 to index
        %get3A_656 = arith.constant 48 : index
        %get3A_657 = tpu.vector_load %arg10[%get3A_655, %get3A_656] {strides = array<i32>} : memref<64x128xf32, #tpu.memory_space<vmem>>, vector<16xf32>,
        %get3A_658 = arith.index_cast %add3A_632 : i32 to index
        %get3A_659 = arith.constant 48 : index
        %get3A_660 = tpu.vector_load %arg13[%get3A_658, %get3A_659] {strides = array<i32>} : memref<64x128xf32, #tpu.memory_space<vmem>>, vector<16xf32>,
        %mul3A_661 = arith.mulf %get3A_657, %get3A_660 : vector<16xf32>
        %add3A_662 = arith.addf %mul3A_646, %mul3A_661 : vector<16xf32>
        %get3A_663 = arith.index_cast %add3A_632 : i32 to index
        %get3A_664 = arith.constant 64 : index
        %get3A_665 = tpu.vector_load %arg10[%get3A_663, %get3A_664] {strides = array<i32>} : memref<64x128xf32, #tpu.memory_space<vmem>>, vector<16xf32>,
        %get3A_666 = arith.index_cast %add3A_632 : i32 to index
        %get3A_667 = arith.constant 64 : index
        %get3A_668 = tpu.vector_load %arg13[%get3A_666, %get3A_667] {strides = array<i32>} : memref<64x128xf32, #tpu.memory_space<vmem>>, vector<16xf32>,
        %mul3A_669 = arith.mulf %get3A_665, %get3A_668 : vector<16xf32>
        %add3A_670 = arith.addf %add3A_654, %mul3A_669 : vector<16xf32>
        %get3A_671 = arith.index_cast %add3A_632 : i32 to index
        %get3A_672 = arith.constant 80 : index
        %get3A_673 = tpu.vector_load %arg10[%get3A_671, %get3A_672] {strides = array<i32>} : memref<64x128xf32, #tpu.memory_space<vmem>>, vector<16xf32>,
        %get3A_674 = arith.index_cast %add3A_632 : i32 to index
        %get3A_675 = arith.constant 80 : index
        %get3A_676 = tpu.vector_load %arg13[%get3A_674, %get3A_675] {strides = array<i32>} : memref<64x128xf32, #tpu.memory_space<vmem>>, vector<16xf32>,
        %mul3A_677 = arith.mulf %get3A_673, %get3A_676 : vector<16xf32>
        %add3A_678 = arith.addf %add3A_662, %mul3A_677 : vector<16xf32>
        %get3A_679 = arith.index_cast %add3A_632 : i32 to index
        %get3A_680 = arith.constant 96 : index
        %get3A_681 = tpu.vector_load %arg10[%get3A_679, %get3A_680] {strides = array<i32>} : memref<64x128xf32, #tpu.memory_space<vmem>>, vector<16xf32>,
        %get3A_682 = arith.index_cast %add3A_632 : i32 to index
        %get3A_683 = arith.constant 96 : index
        %get3A_684 = tpu.vector_load %arg13[%get3A_682, %get3A_683] {strides = array<i32>} : memref<64x128xf32, #tpu.memory_space<vmem>>, vector<16xf32>,
        %mul3A_685 = arith.mulf %get3A_681, %get3A_684 : vector<16xf32>
        %add3A_686 = arith.addf %add3A_670, %mul3A_685 : vector<16xf32>
        %get3A_687 = arith.index_cast %add3A_632 : i32 to index
        %get3A_688 = arith.constant 112 : index
        %get3A_689 = tpu.vector_load %arg10[%get3A_687, %get3A_688] {strides = array<i32>} : memref<64x128xf32, #tpu.memory_space<vmem>>, vector<16xf32>,
        %get3A_690 = arith.index_cast %add3A_632 : i32 to index
        %get3A_691 = arith.constant 112 : index
        %get3A_692 = tpu.vector_load %arg13[%get3A_690, %get3A_691] {strides = array<i32>} : memref<64x128xf32, #tpu.memory_space<vmem>>, vector<16xf32>,
        %mul3A_693 = arith.mulf %get3A_689, %get3A_692 : vector<16xf32>
        %add3A_694 = arith.addf %add3A_678, %mul3A_693 : vector<16xf32>
        %add3A_695 = arith.constant 119 : i32
        %add3A_696 = vector.broadcast %add3A_695 : i32 to vector<16xi32>
        %add3A_697 = arith.addi %iota3A, %add3A_696 : vector<16xi32>
        %add3A_698 = arith.addf %add3A_686, %add3A_694 : vector<16xf32>
        tpu.vector_store_idx %arg18[%add3A_697], %add3A_698 : memref<272xf32, #tpu.memory_space<vmem>>[vector<16xi32>], vector<16xf32>,
        %add3A_699 = arith.constant 8 : i32
        %add3A_700 = arith.addi %mul3A_155, %add3A_699 : i32
        %get3A_701 = arith.index_cast %add3A_700 : i32 to index
        %get3A_702 = arith.constant 0 : index
        %get3A_703 = tpu.vector_load %arg10[%get3A_701, %get3A_702] {strides = array<i32>} : memref<64x128xf32, #tpu.memory_space<vmem>>, vector<16xf32>,
        %get3A_704 = arith.index_cast %add3A_700 : i32 to index
        %get3A_705 = arith.constant 0 : index
        %get3A_706 = tpu.vector_load %arg13[%get3A_704, %get3A_705] {strides = array<i32>} : memref<64x128xf32, #tpu.memory_space<vmem>>, vector<16xf32>,
        %mul3A_707 = arith.mulf %get3A_703, %get3A_706 : vector<16xf32>
        %get3A_708 = arith.index_cast %add3A_700 : i32 to index
        %get3A_709 = arith.constant 16 : index
        %get3A_710 = tpu.vector_load %arg10[%get3A_708, %get3A_709] {strides = array<i32>} : memref<64x128xf32, #tpu.memory_space<vmem>>, vector<16xf32>,
        %get3A_711 = arith.index_cast %add3A_700 : i32 to index
        %get3A_712 = arith.constant 16 : index
        %get3A_713 = tpu.vector_load %arg13[%get3A_711, %get3A_712] {strides = array<i32>} : memref<64x128xf32, #tpu.memory_space<vmem>>, vector<16xf32>,
        %mul3A_714 = arith.mulf %get3A_710, %get3A_713 : vector<16xf32>
        %get3A_715 = arith.index_cast %add3A_700 : i32 to index
        %get3A_716 = arith.constant 32 : index
        %get3A_717 = tpu.vector_load %arg10[%get3A_715, %get3A_716] {strides = array<i32>} : memref<64x128xf32, #tpu.memory_space<vmem>>, vector<16xf32>,
        %get3A_718 = arith.index_cast %add3A_700 : i32 to index
        %get3A_719 = arith.constant 32 : index
        %get3A_720 = tpu.vector_load %arg13[%get3A_718, %get3A_719] {strides = array<i32>} : memref<64x128xf32, #tpu.memory_space<vmem>>, vector<16xf32>,
        %mul3A_721 = arith.mulf %get3A_717, %get3A_720 : vector<16xf32>
        %add3A_722 = arith.addf %mul3A_707, %mul3A_721 : vector<16xf32>
        %get3A_723 = arith.index_cast %add3A_700 : i32 to index
        %get3A_724 = arith.constant 48 : index
        %get3A_725 = tpu.vector_load %arg10[%get3A_723, %get3A_724] {strides = array<i32>} : memref<64x128xf32, #tpu.memory_space<vmem>>, vector<16xf32>,
        %get3A_726 = arith.index_cast %add3A_700 : i32 to index
        %get3A_727 = arith.constant 48 : index
        %get3A_728 = tpu.vector_load %arg13[%get3A_726, %get3A_727] {strides = array<i32>} : memref<64x128xf32, #tpu.memory_space<vmem>>, vector<16xf32>,
        %mul3A_729 = arith.mulf %get3A_725, %get3A_728 : vector<16xf32>
        %add3A_730 = arith.addf %mul3A_714, %mul3A_729 : vector<16xf32>
        %get3A_731 = arith.index_cast %add3A_700 : i32 to index
        %get3A_732 = arith.constant 64 : index
        %get3A_733 = tpu.vector_load %arg10[%get3A_731, %get3A_732] {strides = array<i32>} : memref<64x128xf32, #tpu.memory_space<vmem>>, vector<16xf32>,
        %get3A_734 = arith.index_cast %add3A_700 : i32 to index
        %get3A_735 = arith.constant 64 : index
        %get3A_736 = tpu.vector_load %arg13[%get3A_734, %get3A_735] {strides = array<i32>} : memref<64x128xf32, #tpu.memory_space<vmem>>, vector<16xf32>,
        %mul3A_737 = arith.mulf %get3A_733, %get3A_736 : vector<16xf32>
        %add3A_738 = arith.addf %add3A_722, %mul3A_737 : vector<16xf32>
        %get3A_739 = arith.index_cast %add3A_700 : i32 to index
        %get3A_740 = arith.constant 80 : index
        %get3A_741 = tpu.vector_load %arg10[%get3A_739, %get3A_740] {strides = array<i32>} : memref<64x128xf32, #tpu.memory_space<vmem>>, vector<16xf32>,
        %get3A_742 = arith.index_cast %add3A_700 : i32 to index
        %get3A_743 = arith.constant 80 : index
        %get3A_744 = tpu.vector_load %arg13[%get3A_742, %get3A_743] {strides = array<i32>} : memref<64x128xf32, #tpu.memory_space<vmem>>, vector<16xf32>,
        %mul3A_745 = arith.mulf %get3A_741, %get3A_744 : vector<16xf32>
        %add3A_746 = arith.addf %add3A_730, %mul3A_745 : vector<16xf32>
        %get3A_747 = arith.index_cast %add3A_700 : i32 to index
        %get3A_748 = arith.constant 96 : index
        %get3A_749 = tpu.vector_load %arg10[%get3A_747, %get3A_748] {strides = array<i32>} : memref<64x128xf32, #tpu.memory_space<vmem>>, vector<16xf32>,
        %get3A_750 = arith.index_cast %add3A_700 : i32 to index
        %get3A_751 = arith.constant 96 : index
        %get3A_752 = tpu.vector_load %arg13[%get3A_750, %get3A_751] {strides = array<i32>} : memref<64x128xf32, #tpu.memory_space<vmem>>, vector<16xf32>,
        %mul3A_753 = arith.mulf %get3A_749, %get3A_752 : vector<16xf32>
        %add3A_754 = arith.addf %add3A_738, %mul3A_753 : vector<16xf32>
        %get3A_755 = arith.index_cast %add3A_700 : i32 to index
        %get3A_756 = arith.constant 112 : index
        %get3A_757 = tpu.vector_load %arg10[%get3A_755, %get3A_756] {strides = array<i32>} : memref<64x128xf32, #tpu.memory_space<vmem>>, vector<16xf32>,
        %get3A_758 = arith.index_cast %add3A_700 : i32 to index
        %get3A_759 = arith.constant 112 : index
        %get3A_760 = tpu.vector_load %arg13[%get3A_758, %get3A_759] {strides = array<i32>} : memref<64x128xf32, #tpu.memory_space<vmem>>, vector<16xf32>,
        %mul3A_761 = arith.mulf %get3A_757, %get3A_760 : vector<16xf32>
        %add3A_762 = arith.addf %add3A_746, %mul3A_761 : vector<16xf32>
        %add3A_763 = arith.constant 136 : i32
        %add3A_764 = vector.broadcast %add3A_763 : i32 to vector<16xi32>
        %add3A_765 = arith.addi %iota3A, %add3A_764 : vector<16xi32>
        %add3A_766 = arith.addf %add3A_754, %add3A_762 : vector<16xf32>
        tpu.vector_store_idx %arg18[%add3A_765], %add3A_766 : memref<272xf32, #tpu.memory_space<vmem>>[vector<16xi32>], vector<16xf32>,
        %add3A_767 = arith.constant 9 : i32
        %add3A_768 = arith.addi %mul3A_155, %add3A_767 : i32
        %get3A_769 = arith.index_cast %add3A_768 : i32 to index
        %get3A_770 = arith.constant 0 : index
        %get3A_771 = tpu.vector_load %arg10[%get3A_769, %get3A_770] {strides = array<i32>} : memref<64x128xf32, #tpu.memory_space<vmem>>, vector<16xf32>,
        %get3A_772 = arith.index_cast %add3A_768 : i32 to index
        %get3A_773 = arith.constant 0 : index
        %get3A_774 = tpu.vector_load %arg13[%get3A_772, %get3A_773] {strides = array<i32>} : memref<64x128xf32, #tpu.memory_space<vmem>>, vector<16xf32>,
        %mul3A_775 = arith.mulf %get3A_771, %get3A_774 : vector<16xf32>
        %get3A_776 = arith.index_cast %add3A_768 : i32 to index
        %get3A_777 = arith.constant 16 : index
        %get3A_778 = tpu.vector_load %arg10[%get3A_776, %get3A_777] {strides = array<i32>} : memref<64x128xf32, #tpu.memory_space<vmem>>, vector<16xf32>,
        %get3A_779 = arith.index_cast %add3A_768 : i32 to index
        %get3A_780 = arith.constant 16 : index
        %get3A_781 = tpu.vector_load %arg13[%get3A_779, %get3A_780] {strides = array<i32>} : memref<64x128xf32, #tpu.memory_space<vmem>>, vector<16xf32>,
        %mul3A_782 = arith.mulf %get3A_778, %get3A_781 : vector<16xf32>
        %get3A_783 = arith.index_cast %add3A_768 : i32 to index
        %get3A_784 = arith.constant 32 : index
        %get3A_785 = tpu.vector_load %arg10[%get3A_783, %get3A_784] {strides = array<i32>} : memref<64x128xf32, #tpu.memory_space<vmem>>, vector<16xf32>,
        %get3A_786 = arith.index_cast %add3A_768 : i32 to index
        %get3A_787 = arith.constant 32 : index
        %get3A_788 = tpu.vector_load %arg13[%get3A_786, %get3A_787] {strides = array<i32>} : memref<64x128xf32, #tpu.memory_space<vmem>>, vector<16xf32>,
        %mul3A_789 = arith.mulf %get3A_785, %get3A_788 : vector<16xf32>
        %add3A_790 = arith.addf %mul3A_775, %mul3A_789 : vector<16xf32>
        %get3A_791 = arith.index_cast %add3A_768 : i32 to index
        %get3A_792 = arith.constant 48 : index
        %get3A_793 = tpu.vector_load %arg10[%get3A_791, %get3A_792] {strides = array<i32>} : memref<64x128xf32, #tpu.memory_space<vmem>>, vector<16xf32>,
        %get3A_794 = arith.index_cast %add3A_768 : i32 to index
        %get3A_795 = arith.constant 48 : index
        %get3A_796 = tpu.vector_load %arg13[%get3A_794, %get3A_795] {strides = array<i32>} : memref<64x128xf32, #tpu.memory_space<vmem>>, vector<16xf32>,
        %mul3A_797 = arith.mulf %get3A_793, %get3A_796 : vector<16xf32>
        %add3A_798 = arith.addf %mul3A_782, %mul3A_797 : vector<16xf32>
        %get3A_799 = arith.index_cast %add3A_768 : i32 to index
        %get3A_800 = arith.constant 64 : index
        %get3A_801 = tpu.vector_load %arg10[%get3A_799, %get3A_800] {strides = array<i32>} : memref<64x128xf32, #tpu.memory_space<vmem>>, vector<16xf32>,
        %get3A_802 = arith.index_cast %add3A_768 : i32 to index
        %get3A_803 = arith.constant 64 : index
        %get3A_804 = tpu.vector_load %arg13[%get3A_802, %get3A_803] {strides = array<i32>} : memref<64x128xf32, #tpu.memory_space<vmem>>, vector<16xf32>,
        %mul3A_805 = arith.mulf %get3A_801, %get3A_804 : vector<16xf32>
        %add3A_806 = arith.addf %add3A_790, %mul3A_805 : vector<16xf32>
        %get3A_807 = arith.index_cast %add3A_768 : i32 to index
        %get3A_808 = arith.constant 80 : index
        %get3A_809 = tpu.vector_load %arg10[%get3A_807, %get3A_808] {strides = array<i32>} : memref<64x128xf32, #tpu.memory_space<vmem>>, vector<16xf32>,
        %get3A_810 = arith.index_cast %add3A_768 : i32 to index
        %get3A_811 = arith.constant 80 : index
        %get3A_812 = tpu.vector_load %arg13[%get3A_810, %get3A_811] {strides = array<i32>} : memref<64x128xf32, #tpu.memory_space<vmem>>, vector<16xf32>,
        %mul3A_813 = arith.mulf %get3A_809, %get3A_812 : vector<16xf32>
        %add3A_814 = arith.addf %add3A_798, %mul3A_813 : vector<16xf32>
        %get3A_815 = arith.index_cast %add3A_768 : i32 to index
        %get3A_816 = arith.constant 96 : index
        %get3A_817 = tpu.vector_load %arg10[%get3A_815, %get3A_816] {strides = array<i32>} : memref<64x128xf32, #tpu.memory_space<vmem>>, vector<16xf32>,
        %get3A_818 = arith.index_cast %add3A_768 : i32 to index
        %get3A_819 = arith.constant 96 : index
        %get3A_820 = tpu.vector_load %arg13[%get3A_818, %get3A_819] {strides = array<i32>} : memref<64x128xf32, #tpu.memory_space<vmem>>, vector<16xf32>,
        %mul3A_821 = arith.mulf %get3A_817, %get3A_820 : vector<16xf32>
        %add3A_822 = arith.addf %add3A_806, %mul3A_821 : vector<16xf32>
        %get3A_823 = arith.index_cast %add3A_768 : i32 to index
        %get3A_824 = arith.constant 112 : index
        %get3A_825 = tpu.vector_load %arg10[%get3A_823, %get3A_824] {strides = array<i32>} : memref<64x128xf32, #tpu.memory_space<vmem>>, vector<16xf32>,
        %get3A_826 = arith.index_cast %add3A_768 : i32 to index
        %get3A_827 = arith.constant 112 : index
        %get3A_828 = tpu.vector_load %arg13[%get3A_826, %get3A_827] {strides = array<i32>} : memref<64x128xf32, #tpu.memory_space<vmem>>, vector<16xf32>,
        %mul3A_829 = arith.mulf %get3A_825, %get3A_828 : vector<16xf32>
        %add3A_830 = arith.addf %add3A_814, %mul3A_829 : vector<16xf32>
        %add3A_831 = arith.constant 153 : i32
        %add3A_832 = vector.broadcast %add3A_831 : i32 to vector<16xi32>
        %add3A_833 = arith.addi %iota3A, %add3A_832 : vector<16xi32>
        %add3A_834 = arith.addf %add3A_822, %add3A_830 : vector<16xf32>
        tpu.vector_store_idx %arg18[%add3A_833], %add3A_834 : memref<272xf32, #tpu.memory_space<vmem>>[vector<16xi32>], vector<16xf32>,
        %add3A_835 = arith.constant 10 : i32
        %add3A_836 = arith.addi %mul3A_155, %add3A_835 : i32
        %get3A_837 = arith.index_cast %add3A_836 : i32 to index
        %get3A_838 = arith.constant 0 : index
        %get3A_839 = tpu.vector_load %arg10[%get3A_837, %get3A_838] {strides = array<i32>} : memref<64x128xf32, #tpu.memory_space<vmem>>, vector<16xf32>,
        %get3A_840 = arith.index_cast %add3A_836 : i32 to index
        %get3A_841 = arith.constant 0 : index
        %get3A_842 = tpu.vector_load %arg13[%get3A_840, %get3A_841] {strides = array<i32>} : memref<64x128xf32, #tpu.memory_space<vmem>>, vector<16xf32>,
        %mul3A_843 = arith.mulf %get3A_839, %get3A_842 : vector<16xf32>
        %get3A_844 = arith.index_cast %add3A_836 : i32 to index
        %get3A_845 = arith.constant 16 : index
        %get3A_846 = tpu.vector_load %arg10[%get3A_844, %get3A_845] {strides = array<i32>} : memref<64x128xf32, #tpu.memory_space<vmem>>, vector<16xf32>,
        %get3A_847 = arith.index_cast %add3A_836 : i32 to index
        %get3A_848 = arith.constant 16 : index
        %get3A_849 = tpu.vector_load %arg13[%get3A_847, %get3A_848] {strides = array<i32>} : memref<64x128xf32, #tpu.memory_space<vmem>>, vector<16xf32>,
        %mul3A_850 = arith.mulf %get3A_846, %get3A_849 : vector<16xf32>
        %get3A_851 = arith.index_cast %add3A_836 : i32 to index
        %get3A_852 = arith.constant 32 : index
        %get3A_853 = tpu.vector_load %arg10[%get3A_851, %get3A_852] {strides = array<i32>} : memref<64x128xf32, #tpu.memory_space<vmem>>, vector<16xf32>,
        %get3A_854 = arith.index_cast %add3A_836 : i32 to index
        %get3A_855 = arith.constant 32 : index
        %get3A_856 = tpu.vector_load %arg13[%get3A_854, %get3A_855] {strides = array<i32>} : memref<64x128xf32, #tpu.memory_space<vmem>>, vector<16xf32>,
        %mul3A_857 = arith.mulf %get3A_853, %get3A_856 : vector<16xf32>
        %add3A_858 = arith.addf %mul3A_843, %mul3A_857 : vector<16xf32>
        %get3A_859 = arith.index_cast %add3A_836 : i32 to index
        %get3A_860 = arith.constant 48 : index
        %get3A_861 = tpu.vector_load %arg10[%get3A_859, %get3A_860] {strides = array<i32>} : memref<64x128xf32, #tpu.memory_space<vmem>>, vector<16xf32>,
        %get3A_862 = arith.index_cast %add3A_836 : i32 to index
        %get3A_863 = arith.constant 48 : index
        %get3A_864 = tpu.vector_load %arg13[%get3A_862, %get3A_863] {strides = array<i32>} : memref<64x128xf32, #tpu.memory_space<vmem>>, vector<16xf32>,
        %mul3A_865 = arith.mulf %get3A_861, %get3A_864 : vector<16xf32>
        %add3A_866 = arith.addf %mul3A_850, %mul3A_865 : vector<16xf32>
        %get3A_867 = arith.index_cast %add3A_836 : i32 to index
        %get3A_868 = arith.constant 64 : index
        %get3A_869 = tpu.vector_load %arg10[%get3A_867, %get3A_868] {strides = array<i32>} : memref<64x128xf32, #tpu.memory_space<vmem>>, vector<16xf32>,
        %get3A_870 = arith.index_cast %add3A_836 : i32 to index
        %get3A_871 = arith.constant 64 : index
        %get3A_872 = tpu.vector_load %arg13[%get3A_870, %get3A_871] {strides = array<i32>} : memref<64x128xf32, #tpu.memory_space<vmem>>, vector<16xf32>,
        %mul3A_873 = arith.mulf %get3A_869, %get3A_872 : vector<16xf32>
        %add3A_874 = arith.addf %add3A_858, %mul3A_873 : vector<16xf32>
        %get3A_875 = arith.index_cast %add3A_836 : i32 to index
        %get3A_876 = arith.constant 80 : index
        %get3A_877 = tpu.vector_load %arg10[%get3A_875, %get3A_876] {strides = array<i32>} : memref<64x128xf32, #tpu.memory_space<vmem>>, vector<16xf32>,
        %get3A_878 = arith.index_cast %add3A_836 : i32 to index
        %get3A_879 = arith.constant 80 : index
        %get3A_880 = tpu.vector_load %arg13[%get3A_878, %get3A_879] {strides = array<i32>} : memref<64x128xf32, #tpu.memory_space<vmem>>, vector<16xf32>,
        %mul3A_881 = arith.mulf %get3A_877, %get3A_880 : vector<16xf32>
        %add3A_882 = arith.addf %add3A_866, %mul3A_881 : vector<16xf32>
        %get3A_883 = arith.index_cast %add3A_836 : i32 to index
        %get3A_884 = arith.constant 96 : index
        %get3A_885 = tpu.vector_load %arg10[%get3A_883, %get3A_884] {strides = array<i32>} : memref<64x128xf32, #tpu.memory_space<vmem>>, vector<16xf32>,
        %get3A_886 = arith.index_cast %add3A_836 : i32 to index
        %get3A_887 = arith.constant 96 : index
        %get3A_888 = tpu.vector_load %arg13[%get3A_886, %get3A_887] {strides = array<i32>} : memref<64x128xf32, #tpu.memory_space<vmem>>, vector<16xf32>,
        %mul3A_889 = arith.mulf %get3A_885, %get3A_888 : vector<16xf32>
        %add3A_890 = arith.addf %add3A_874, %mul3A_889 : vector<16xf32>
        %get3A_891 = arith.index_cast %add3A_836 : i32 to index
        %get3A_892 = arith.constant 112 : index
        %get3A_893 = tpu.vector_load %arg10[%get3A_891, %get3A_892] {strides = array<i32>} : memref<64x128xf32, #tpu.memory_space<vmem>>, vector<16xf32>,
        %get3A_894 = arith.index_cast %add3A_836 : i32 to index
        %get3A_895 = arith.constant 112 : index
        %get3A_896 = tpu.vector_load %arg13[%get3A_894, %get3A_895] {strides = array<i32>} : memref<64x128xf32, #tpu.memory_space<vmem>>, vector<16xf32>,
        %mul3A_897 = arith.mulf %get3A_893, %get3A_896 : vector<16xf32>
        %add3A_898 = arith.addf %add3A_882, %mul3A_897 : vector<16xf32>
        %add3A_899 = arith.constant 170 : i32
        %add3A_900 = vector.broadcast %add3A_899 : i32 to vector<16xi32>
        %add3A_901 = arith.addi %iota3A, %add3A_900 : vector<16xi32>
        %add3A_902 = arith.addf %add3A_890, %add3A_898 : vector<16xf32>
        tpu.vector_store_idx %arg18[%add3A_901], %add3A_902 : memref<272xf32, #tpu.memory_space<vmem>>[vector<16xi32>], vector<16xf32>,
        %add3A_903 = arith.constant 11 : i32
        %add3A_904 = arith.addi %mul3A_155, %add3A_903 : i32
        %get3A_905 = arith.index_cast %add3A_904 : i32 to index
        %get3A_906 = arith.constant 0 : index
        %get3A_907 = tpu.vector_load %arg10[%get3A_905, %get3A_906] {strides = array<i32>} : memref<64x128xf32, #tpu.memory_space<vmem>>, vector<16xf32>,
        %get3A_908 = arith.index_cast %add3A_904 : i32 to index
        %get3A_909 = arith.constant 0 : index
        %get3A_910 = tpu.vector_load %arg13[%get3A_908, %get3A_909] {strides = array<i32>} : memref<64x128xf32, #tpu.memory_space<vmem>>, vector<16xf32>,
        %mul3A_911 = arith.mulf %get3A_907, %get3A_910 : vector<16xf32>
        %get3A_912 = arith.index_cast %add3A_904 : i32 to index
        %get3A_913 = arith.constant 16 : index
        %get3A_914 = tpu.vector_load %arg10[%get3A_912, %get3A_913] {strides = array<i32>} : memref<64x128xf32, #tpu.memory_space<vmem>>, vector<16xf32>,
        %get3A_915 = arith.index_cast %add3A_904 : i32 to index
        %get3A_916 = arith.constant 16 : index
        %get3A_917 = tpu.vector_load %arg13[%get3A_915, %get3A_916] {strides = array<i32>} : memref<64x128xf32, #tpu.memory_space<vmem>>, vector<16xf32>,
        %mul3A_918 = arith.mulf %get3A_914, %get3A_917 : vector<16xf32>
        %get3A_919 = arith.index_cast %add3A_904 : i32 to index
        %get3A_920 = arith.constant 32 : index
        %get3A_921 = tpu.vector_load %arg10[%get3A_919, %get3A_920] {strides = array<i32>} : memref<64x128xf32, #tpu.memory_space<vmem>>, vector<16xf32>,
        %get3A_922 = arith.index_cast %add3A_904 : i32 to index
        %get3A_923 = arith.constant 32 : index
        %get3A_924 = tpu.vector_load %arg13[%get3A_922, %get3A_923] {strides = array<i32>} : memref<64x128xf32, #tpu.memory_space<vmem>>, vector<16xf32>,
        %mul3A_925 = arith.mulf %get3A_921, %get3A_924 : vector<16xf32>
        %add3A_926 = arith.addf %mul3A_911, %mul3A_925 : vector<16xf32>
        %get3A_927 = arith.index_cast %add3A_904 : i32 to index
        %get3A_928 = arith.constant 48 : index
        %get3A_929 = tpu.vector_load %arg10[%get3A_927, %get3A_928] {strides = array<i32>} : memref<64x128xf32, #tpu.memory_space<vmem>>, vector<16xf32>,
        %get3A_930 = arith.index_cast %add3A_904 : i32 to index
        %get3A_931 = arith.constant 48 : index
        %get3A_932 = tpu.vector_load %arg13[%get3A_930, %get3A_931] {strides = array<i32>} : memref<64x128xf32, #tpu.memory_space<vmem>>, vector<16xf32>,
        %mul3A_933 = arith.mulf %get3A_929, %get3A_932 : vector<16xf32>
        %add3A_934 = arith.addf %mul3A_918, %mul3A_933 : vector<16xf32>
        %get3A_935 = arith.index_cast %add3A_904 : i32 to index
        %get3A_936 = arith.constant 64 : index
        %get3A_937 = tpu.vector_load %arg10[%get3A_935, %get3A_936] {strides = array<i32>} : memref<64x128xf32, #tpu.memory_space<vmem>>, vector<16xf32>,
        %get3A_938 = arith.index_cast %add3A_904 : i32 to index
        %get3A_939 = arith.constant 64 : index
        %get3A_940 = tpu.vector_load %arg13[%get3A_938, %get3A_939] {strides = array<i32>} : memref<64x128xf32, #tpu.memory_space<vmem>>, vector<16xf32>,
        %mul3A_941 = arith.mulf %get3A_937, %get3A_940 : vector<16xf32>
        %add3A_942 = arith.addf %add3A_926, %mul3A_941 : vector<16xf32>
        %get3A_943 = arith.index_cast %add3A_904 : i32 to index
        %get3A_944 = arith.constant 80 : index
        %get3A_945 = tpu.vector_load %arg10[%get3A_943, %get3A_944] {strides = array<i32>} : memref<64x128xf32, #tpu.memory_space<vmem>>, vector<16xf32>,
        %get3A_946 = arith.index_cast %add3A_904 : i32 to index
        %get3A_947 = arith.constant 80 : index
        %get3A_948 = tpu.vector_load %arg13[%get3A_946, %get3A_947] {strides = array<i32>} : memref<64x128xf32, #tpu.memory_space<vmem>>, vector<16xf32>,
        %mul3A_949 = arith.mulf %get3A_945, %get3A_948 : vector<16xf32>
        %add3A_950 = arith.addf %add3A_934, %mul3A_949 : vector<16xf32>
        %get3A_951 = arith.index_cast %add3A_904 : i32 to index
        %get3A_952 = arith.constant 96 : index
        %get3A_953 = tpu.vector_load %arg10[%get3A_951, %get3A_952] {strides = array<i32>} : memref<64x128xf32, #tpu.memory_space<vmem>>, vector<16xf32>,
        %get3A_954 = arith.index_cast %add3A_904 : i32 to index
        %get3A_955 = arith.constant 96 : index
        %get3A_956 = tpu.vector_load %arg13[%get3A_954, %get3A_955] {strides = array<i32>} : memref<64x128xf32, #tpu.memory_space<vmem>>, vector<16xf32>,
        %mul3A_957 = arith.mulf %get3A_953, %get3A_956 : vector<16xf32>
        %add3A_958 = arith.addf %add3A_942, %mul3A_957 : vector<16xf32>
        %get3A_959 = arith.index_cast %add3A_904 : i32 to index
        %get3A_960 = arith.constant 112 : index
        %get3A_961 = tpu.vector_load %arg10[%get3A_959, %get3A_960] {strides = array<i32>} : memref<64x128xf32, #tpu.memory_space<vmem>>, vector<16xf32>,
        %get3A_962 = arith.index_cast %add3A_904 : i32 to index
        %get3A_963 = arith.constant 112 : index
        %get3A_964 = tpu.vector_load %arg13[%get3A_962, %get3A_963] {strides = array<i32>} : memref<64x128xf32, #tpu.memory_space<vmem>>, vector<16xf32>,
        %mul3A_965 = arith.mulf %get3A_961, %get3A_964 : vector<16xf32>
        %add3A_966 = arith.addf %add3A_950, %mul3A_965 : vector<16xf32>
        %add3A_967 = arith.constant 187 : i32
        %add3A_968 = vector.broadcast %add3A_967 : i32 to vector<16xi32>
        %add3A_969 = arith.addi %iota3A, %add3A_968 : vector<16xi32>
        %add3A_970 = arith.addf %add3A_958, %add3A_966 : vector<16xf32>
        tpu.vector_store_idx %arg18[%add3A_969], %add3A_970 : memref<272xf32, #tpu.memory_space<vmem>>[vector<16xi32>], vector<16xf32>,
        %add3A_971 = arith.constant 12 : i32
        %add3A_972 = arith.addi %mul3A_155, %add3A_971 : i32
        %get3A_973 = arith.index_cast %add3A_972 : i32 to index
        %get3A_974 = arith.constant 0 : index
        %get3A_975 = tpu.vector_load %arg10[%get3A_973, %get3A_974] {strides = array<i32>} : memref<64x128xf32, #tpu.memory_space<vmem>>, vector<16xf32>,
        %get3A_976 = arith.index_cast %add3A_972 : i32 to index
        %get3A_977 = arith.constant 0 : index
        %get3A_978 = tpu.vector_load %arg13[%get3A_976, %get3A_977] {strides = array<i32>} : memref<64x128xf32, #tpu.memory_space<vmem>>, vector<16xf32>,
        %mul3A_979 = arith.mulf %get3A_975, %get3A_978 : vector<16xf32>
        %get3A_980 = arith.index_cast %add3A_972 : i32 to index
        %get3A_981 = arith.constant 16 : index
        %get3A_982 = tpu.vector_load %arg10[%get3A_980, %get3A_981] {strides = array<i32>} : memref<64x128xf32, #tpu.memory_space<vmem>>, vector<16xf32>,
        %get3A_983 = arith.index_cast %add3A_972 : i32 to index
        %get3A_984 = arith.constant 16 : index
        %get3A_985 = tpu.vector_load %arg13[%get3A_983, %get3A_984] {strides = array<i32>} : memref<64x128xf32, #tpu.memory_space<vmem>>, vector<16xf32>,
        %mul3A_986 = arith.mulf %get3A_982, %get3A_985 : vector<16xf32>
        %get3A_987 = arith.index_cast %add3A_972 : i32 to index
        %get3A_988 = arith.constant 32 : index
        %get3A_989 = tpu.vector_load %arg10[%get3A_987, %get3A_988] {strides = array<i32>} : memref<64x128xf32, #tpu.memory_space<vmem>>, vector<16xf32>,
        %get3A_990 = arith.index_cast %add3A_972 : i32 to index
        %get3A_991 = arith.constant 32 : index
        %get3A_992 = tpu.vector_load %arg13[%get3A_990, %get3A_991] {strides = array<i32>} : memref<64x128xf32, #tpu.memory_space<vmem>>, vector<16xf32>,
        %mul3A_993 = arith.mulf %get3A_989, %get3A_992 : vector<16xf32>
        %add3A_994 = arith.addf %mul3A_979, %mul3A_993 : vector<16xf32>
        %get3A_995 = arith.index_cast %add3A_972 : i32 to index
        %get3A_996 = arith.constant 48 : index
        %get3A_997 = tpu.vector_load %arg10[%get3A_995, %get3A_996] {strides = array<i32>} : memref<64x128xf32, #tpu.memory_space<vmem>>, vector<16xf32>,
        %get3A_998 = arith.index_cast %add3A_972 : i32 to index
        %get3A_999 = arith.constant 48 : index
        %get3A_1000 = tpu.vector_load %arg13[%get3A_998, %get3A_999] {strides = array<i32>} : memref<64x128xf32, #tpu.memory_space<vmem>>, vector<16xf32>,
        %mul3A_1001 = arith.mulf %get3A_997, %get3A_1000 : vector<16xf32>
        %add3A_1002 = arith.addf %mul3A_986, %mul3A_1001 : vector<16xf32>
        %get3A_1003 = arith.index_cast %add3A_972 : i32 to index
        %get3A_1004 = arith.constant 64 : index
        %get3A_1005 = tpu.vector_load %arg10[%get3A_1003, %get3A_1004] {strides = array<i32>} : memref<64x128xf32, #tpu.memory_space<vmem>>, vector<16xf32>,
        %get3A_1006 = arith.index_cast %add3A_972 : i32 to index
        %get3A_1007 = arith.constant 64 : index
        %get3A_1008 = tpu.vector_load %arg13[%get3A_1006, %get3A_1007] {strides = array<i32>} : memref<64x128xf32, #tpu.memory_space<vmem>>, vector<16xf32>,
        %mul3A_1009 = arith.mulf %get3A_1005, %get3A_1008 : vector<16xf32>
        %add3A_1010 = arith.addf %add3A_994, %mul3A_1009 : vector<16xf32>
        %get3A_1011 = arith.index_cast %add3A_972 : i32 to index
        %get3A_1012 = arith.constant 80 : index
        %get3A_1013 = tpu.vector_load %arg10[%get3A_1011, %get3A_1012] {strides = array<i32>} : memref<64x128xf32, #tpu.memory_space<vmem>>, vector<16xf32>,
        %get3A_1014 = arith.index_cast %add3A_972 : i32 to index
        %get3A_1015 = arith.constant 80 : index
        %get3A_1016 = tpu.vector_load %arg13[%get3A_1014, %get3A_1015] {strides = array<i32>} : memref<64x128xf32, #tpu.memory_space<vmem>>, vector<16xf32>,
        %mul3A_1017 = arith.mulf %get3A_1013, %get3A_1016 : vector<16xf32>
        %add3A_1018 = arith.addf %add3A_1002, %mul3A_1017 : vector<16xf32>
        %get3A_1019 = arith.index_cast %add3A_972 : i32 to index
        %get3A_1020 = arith.constant 96 : index
        %get3A_1021 = tpu.vector_load %arg10[%get3A_1019, %get3A_1020] {strides = array<i32>} : memref<64x128xf32, #tpu.memory_space<vmem>>, vector<16xf32>,
        %get3A_1022 = arith.index_cast %add3A_972 : i32 to index
        %get3A_1023 = arith.constant 96 : index
        %get3A_1024 = tpu.vector_load %arg13[%get3A_1022, %get3A_1023] {strides = array<i32>} : memref<64x128xf32, #tpu.memory_space<vmem>>, vector<16xf32>,
        %mul3A_1025 = arith.mulf %get3A_1021, %get3A_1024 : vector<16xf32>
        %add3A_1026 = arith.addf %add3A_1010, %mul3A_1025 : vector<16xf32>
        %get3A_1027 = arith.index_cast %add3A_972 : i32 to index
        %get3A_1028 = arith.constant 112 : index
        %get3A_1029 = tpu.vector_load %arg10[%get3A_1027, %get3A_1028] {strides = array<i32>} : memref<64x128xf32, #tpu.memory_space<vmem>>, vector<16xf32>,
        %get3A_1030 = arith.index_cast %add3A_972 : i32 to index
        %get3A_1031 = arith.constant 112 : index
        %get3A_1032 = tpu.vector_load %arg13[%get3A_1030, %get3A_1031] {strides = array<i32>} : memref<64x128xf32, #tpu.memory_space<vmem>>, vector<16xf32>,
        %mul3A_1033 = arith.mulf %get3A_1029, %get3A_1032 : vector<16xf32>
        %add3A_1034 = arith.addf %add3A_1018, %mul3A_1033 : vector<16xf32>
        %add3A_1035 = arith.constant 204 : i32
        %add3A_1036 = vector.broadcast %add3A_1035 : i32 to vector<16xi32>
        %add3A_1037 = arith.addi %iota3A, %add3A_1036 : vector<16xi32>
        %add3A_1038 = arith.addf %add3A_1026, %add3A_1034 : vector<16xf32>
        tpu.vector_store_idx %arg18[%add3A_1037], %add3A_1038 : memref<272xf32, #tpu.memory_space<vmem>>[vector<16xi32>], vector<16xf32>,
        %add3A_1039 = arith.constant 13 : i32
        %add3A_1040 = arith.addi %mul3A_155, %add3A_1039 : i32
        %get3A_1041 = arith.index_cast %add3A_1040 : i32 to index
        %get3A_1042 = arith.constant 0 : index
        %get3A_1043 = tpu.vector_load %arg10[%get3A_1041, %get3A_1042] {strides = array<i32>} : memref<64x128xf32, #tpu.memory_space<vmem>>, vector<16xf32>,
        %get3A_1044 = arith.index_cast %add3A_1040 : i32 to index
        %get3A_1045 = arith.constant 0 : index
        %get3A_1046 = tpu.vector_load %arg13[%get3A_1044, %get3A_1045] {strides = array<i32>} : memref<64x128xf32, #tpu.memory_space<vmem>>, vector<16xf32>,
        %mul3A_1047 = arith.mulf %get3A_1043, %get3A_1046 : vector<16xf32>
        %get3A_1048 = arith.index_cast %add3A_1040 : i32 to index
        %get3A_1049 = arith.constant 16 : index
        %get3A_1050 = tpu.vector_load %arg10[%get3A_1048, %get3A_1049] {strides = array<i32>} : memref<64x128xf32, #tpu.memory_space<vmem>>, vector<16xf32>,
        %get3A_1051 = arith.index_cast %add3A_1040 : i32 to index
        %get3A_1052 = arith.constant 16 : index
        %get3A_1053 = tpu.vector_load %arg13[%get3A_1051, %get3A_1052] {strides = array<i32>} : memref<64x128xf32, #tpu.memory_space<vmem>>, vector<16xf32>,
        %mul3A_1054 = arith.mulf %get3A_1050, %get3A_1053 : vector<16xf32>
        %get3A_1055 = arith.index_cast %add3A_1040 : i32 to index
        %get3A_1056 = arith.constant 32 : index
        %get3A_1057 = tpu.vector_load %arg10[%get3A_1055, %get3A_1056] {strides = array<i32>} : memref<64x128xf32, #tpu.memory_space<vmem>>, vector<16xf32>,
        %get3A_1058 = arith.index_cast %add3A_1040 : i32 to index
        %get3A_1059 = arith.constant 32 : index
        %get3A_1060 = tpu.vector_load %arg13[%get3A_1058, %get3A_1059] {strides = array<i32>} : memref<64x128xf32, #tpu.memory_space<vmem>>, vector<16xf32>,
        %mul3A_1061 = arith.mulf %get3A_1057, %get3A_1060 : vector<16xf32>
        %add3A_1062 = arith.addf %mul3A_1047, %mul3A_1061 : vector<16xf32>
        %get3A_1063 = arith.index_cast %add3A_1040 : i32 to index
        %get3A_1064 = arith.constant 48 : index
        %get3A_1065 = tpu.vector_load %arg10[%get3A_1063, %get3A_1064] {strides = array<i32>} : memref<64x128xf32, #tpu.memory_space<vmem>>, vector<16xf32>,
        %get3A_1066 = arith.index_cast %add3A_1040 : i32 to index
        %get3A_1067 = arith.constant 48 : index
        %get3A_1068 = tpu.vector_load %arg13[%get3A_1066, %get3A_1067] {strides = array<i32>} : memref<64x128xf32, #tpu.memory_space<vmem>>, vector<16xf32>,
        %mul3A_1069 = arith.mulf %get3A_1065, %get3A_1068 : vector<16xf32>
        %add3A_1070 = arith.addf %mul3A_1054, %mul3A_1069 : vector<16xf32>
        %get3A_1071 = arith.index_cast %add3A_1040 : i32 to index
        %get3A_1072 = arith.constant 64 : index
        %get3A_1073 = tpu.vector_load %arg10[%get3A_1071, %get3A_1072] {strides = array<i32>} : memref<64x128xf32, #tpu.memory_space<vmem>>, vector<16xf32>,
        %get3A_1074 = arith.index_cast %add3A_1040 : i32 to index
        %get3A_1075 = arith.constant 64 : index
        %get3A_1076 = tpu.vector_load %arg13[%get3A_1074, %get3A_1075] {strides = array<i32>} : memref<64x128xf32, #tpu.memory_space<vmem>>, vector<16xf32>,
        %mul3A_1077 = arith.mulf %get3A_1073, %get3A_1076 : vector<16xf32>
        %add3A_1078 = arith.addf %add3A_1062, %mul3A_1077 : vector<16xf32>
        %get3A_1079 = arith.index_cast %add3A_1040 : i32 to index
        %get3A_1080 = arith.constant 80 : index
        %get3A_1081 = tpu.vector_load %arg10[%get3A_1079, %get3A_1080] {strides = array<i32>} : memref<64x128xf32, #tpu.memory_space<vmem>>, vector<16xf32>,
        %get3A_1082 = arith.index_cast %add3A_1040 : i32 to index
        %get3A_1083 = arith.constant 80 : index
        %get3A_1084 = tpu.vector_load %arg13[%get3A_1082, %get3A_1083] {strides = array<i32>} : memref<64x128xf32, #tpu.memory_space<vmem>>, vector<16xf32>,
        %mul3A_1085 = arith.mulf %get3A_1081, %get3A_1084 : vector<16xf32>
        %add3A_1086 = arith.addf %add3A_1070, %mul3A_1085 : vector<16xf32>
        %get3A_1087 = arith.index_cast %add3A_1040 : i32 to index
        %get3A_1088 = arith.constant 96 : index
        %get3A_1089 = tpu.vector_load %arg10[%get3A_1087, %get3A_1088] {strides = array<i32>} : memref<64x128xf32, #tpu.memory_space<vmem>>, vector<16xf32>,
        %get3A_1090 = arith.index_cast %add3A_1040 : i32 to index
        %get3A_1091 = arith.constant 96 : index
        %get3A_1092 = tpu.vector_load %arg13[%get3A_1090, %get3A_1091] {strides = array<i32>} : memref<64x128xf32, #tpu.memory_space<vmem>>, vector<16xf32>,
        %mul3A_1093 = arith.mulf %get3A_1089, %get3A_1092 : vector<16xf32>
        %add3A_1094 = arith.addf %add3A_1078, %mul3A_1093 : vector<16xf32>
        %get3A_1095 = arith.index_cast %add3A_1040 : i32 to index
        %get3A_1096 = arith.constant 112 : index
        %get3A_1097 = tpu.vector_load %arg10[%get3A_1095, %get3A_1096] {strides = array<i32>} : memref<64x128xf32, #tpu.memory_space<vmem>>, vector<16xf32>,
        %get3A_1098 = arith.index_cast %add3A_1040 : i32 to index
        %get3A_1099 = arith.constant 112 : index
        %get3A_1100 = tpu.vector_load %arg13[%get3A_1098, %get3A_1099] {strides = array<i32>} : memref<64x128xf32, #tpu.memory_space<vmem>>, vector<16xf32>,
        %mul3A_1101 = arith.mulf %get3A_1097, %get3A_1100 : vector<16xf32>
        %add3A_1102 = arith.addf %add3A_1086, %mul3A_1101 : vector<16xf32>
        %add3A_1103 = arith.constant 221 : i32
        %add3A_1104 = vector.broadcast %add3A_1103 : i32 to vector<16xi32>
        %add3A_1105 = arith.addi %iota3A, %add3A_1104 : vector<16xi32>
        %add3A_1106 = arith.addf %add3A_1094, %add3A_1102 : vector<16xf32>
        tpu.vector_store_idx %arg18[%add3A_1105], %add3A_1106 : memref<272xf32, #tpu.memory_space<vmem>>[vector<16xi32>], vector<16xf32>,
        %add3A_1107 = arith.constant 14 : i32
        %add3A_1108 = arith.addi %mul3A_155, %add3A_1107 : i32
        %get3A_1109 = arith.index_cast %add3A_1108 : i32 to index
        %get3A_1110 = arith.constant 0 : index
        %get3A_1111 = tpu.vector_load %arg10[%get3A_1109, %get3A_1110] {strides = array<i32>} : memref<64x128xf32, #tpu.memory_space<vmem>>, vector<16xf32>,
        %get3A_1112 = arith.index_cast %add3A_1108 : i32 to index
        %get3A_1113 = arith.constant 0 : index
        %get3A_1114 = tpu.vector_load %arg13[%get3A_1112, %get3A_1113] {strides = array<i32>} : memref<64x128xf32, #tpu.memory_space<vmem>>, vector<16xf32>,
        %mul3A_1115 = arith.mulf %get3A_1111, %get3A_1114 : vector<16xf32>
        %get3A_1116 = arith.index_cast %add3A_1108 : i32 to index
        %get3A_1117 = arith.constant 16 : index
        %get3A_1118 = tpu.vector_load %arg10[%get3A_1116, %get3A_1117] {strides = array<i32>} : memref<64x128xf32, #tpu.memory_space<vmem>>, vector<16xf32>,
        %get3A_1119 = arith.index_cast %add3A_1108 : i32 to index
        %get3A_1120 = arith.constant 16 : index
        %get3A_1121 = tpu.vector_load %arg13[%get3A_1119, %get3A_1120] {strides = array<i32>} : memref<64x128xf32, #tpu.memory_space<vmem>>, vector<16xf32>,
        %mul3A_1122 = arith.mulf %get3A_1118, %get3A_1121 : vector<16xf32>
        %get3A_1123 = arith.index_cast %add3A_1108 : i32 to index
        %get3A_1124 = arith.constant 32 : index
        %get3A_1125 = tpu.vector_load %arg10[%get3A_1123, %get3A_1124] {strides = array<i32>} : memref<64x128xf32, #tpu.memory_space<vmem>>, vector<16xf32>,
        %get3A_1126 = arith.index_cast %add3A_1108 : i32 to index
        %get3A_1127 = arith.constant 32 : index
        %get3A_1128 = tpu.vector_load %arg13[%get3A_1126, %get3A_1127] {strides = array<i32>} : memref<64x128xf32, #tpu.memory_space<vmem>>, vector<16xf32>,
        %mul3A_1129 = arith.mulf %get3A_1125, %get3A_1128 : vector<16xf32>
        %add3A_1130 = arith.addf %mul3A_1115, %mul3A_1129 : vector<16xf32>
        %get3A_1131 = arith.index_cast %add3A_1108 : i32 to index
        %get3A_1132 = arith.constant 48 : index
        %get3A_1133 = tpu.vector_load %arg10[%get3A_1131, %get3A_1132] {strides = array<i32>} : memref<64x128xf32, #tpu.memory_space<vmem>>, vector<16xf32>,
        %get3A_1134 = arith.index_cast %add3A_1108 : i32 to index
        %get3A_1135 = arith.constant 48 : index
        %get3A_1136 = tpu.vector_load %arg13[%get3A_1134, %get3A_1135] {strides = array<i32>} : memref<64x128xf32, #tpu.memory_space<vmem>>, vector<16xf32>,
        %mul3A_1137 = arith.mulf %get3A_1133, %get3A_1136 : vector<16xf32>
        %add3A_1138 = arith.addf %mul3A_1122, %mul3A_1137 : vector<16xf32>
        %get3A_1139 = arith.index_cast %add3A_1108 : i32 to index
        %get3A_1140 = arith.constant 64 : index
        %get3A_1141 = tpu.vector_load %arg10[%get3A_1139, %get3A_1140] {strides = array<i32>} : memref<64x128xf32, #tpu.memory_space<vmem>>, vector<16xf32>,
        %get3A_1142 = arith.index_cast %add3A_1108 : i32 to index
        %get3A_1143 = arith.constant 64 : index
        %get3A_1144 = tpu.vector_load %arg13[%get3A_1142, %get3A_1143] {strides = array<i32>} : memref<64x128xf32, #tpu.memory_space<vmem>>, vector<16xf32>,
        %mul3A_1145 = arith.mulf %get3A_1141, %get3A_1144 : vector<16xf32>
        %add3A_1146 = arith.addf %add3A_1130, %mul3A_1145 : vector<16xf32>
        %get3A_1147 = arith.index_cast %add3A_1108 : i32 to index
        %get3A_1148 = arith.constant 80 : index
        %get3A_1149 = tpu.vector_load %arg10[%get3A_1147, %get3A_1148] {strides = array<i32>} : memref<64x128xf32, #tpu.memory_space<vmem>>, vector<16xf32>,
        %get3A_1150 = arith.index_cast %add3A_1108 : i32 to index
        %get3A_1151 = arith.constant 80 : index
        %get3A_1152 = tpu.vector_load %arg13[%get3A_1150, %get3A_1151] {strides = array<i32>} : memref<64x128xf32, #tpu.memory_space<vmem>>, vector<16xf32>,
        %mul3A_1153 = arith.mulf %get3A_1149, %get3A_1152 : vector<16xf32>
        %add3A_1154 = arith.addf %add3A_1138, %mul3A_1153 : vector<16xf32>
        %get3A_1155 = arith.index_cast %add3A_1108 : i32 to index
        %get3A_1156 = arith.constant 96 : index
        %get3A_1157 = tpu.vector_load %arg10[%get3A_1155, %get3A_1156] {strides = array<i32>} : memref<64x128xf32, #tpu.memory_space<vmem>>, vector<16xf32>,
        %get3A_1158 = arith.index_cast %add3A_1108 : i32 to index
        %get3A_1159 = arith.constant 96 : index
        %get3A_1160 = tpu.vector_load %arg13[%get3A_1158, %get3A_1159] {strides = array<i32>} : memref<64x128xf32, #tpu.memory_space<vmem>>, vector<16xf32>,
        %mul3A_1161 = arith.mulf %get3A_1157, %get3A_1160 : vector<16xf32>
        %add3A_1162 = arith.addf %add3A_1146, %mul3A_1161 : vector<16xf32>
        %get3A_1163 = arith.index_cast %add3A_1108 : i32 to index
        %get3A_1164 = arith.constant 112 : index
        %get3A_1165 = tpu.vector_load %arg10[%get3A_1163, %get3A_1164] {strides = array<i32>} : memref<64x128xf32, #tpu.memory_space<vmem>>, vector<16xf32>,
        %get3A_1166 = arith.index_cast %add3A_1108 : i32 to index
        %get3A_1167 = arith.constant 112 : index
        %get3A_1168 = tpu.vector_load %arg13[%get3A_1166, %get3A_1167] {strides = array<i32>} : memref<64x128xf32, #tpu.memory_space<vmem>>, vector<16xf32>,
        %mul3A_1169 = arith.mulf %get3A_1165, %get3A_1168 : vector<16xf32>
        %add3A_1170 = arith.addf %add3A_1154, %mul3A_1169 : vector<16xf32>
        %add3A_1171 = arith.constant 238 : i32
        %add3A_1172 = vector.broadcast %add3A_1171 : i32 to vector<16xi32>
        %add3A_1173 = arith.addi %iota3A, %add3A_1172 : vector<16xi32>
        %add3A_1174 = arith.addf %add3A_1162, %add3A_1170 : vector<16xf32>
        tpu.vector_store_idx %arg18[%add3A_1173], %add3A_1174 : memref<272xf32, #tpu.memory_space<vmem>>[vector<16xi32>], vector<16xf32>,
        %add3A_1175 = arith.constant 15 : i32
        %add3A_1176 = arith.addi %mul3A_155, %add3A_1175 : i32
        %get3A_1177 = arith.index_cast %add3A_1176 : i32 to index
        %get3A_1178 = arith.constant 0 : index
        %get3A_1179 = tpu.vector_load %arg10[%get3A_1177, %get3A_1178] {strides = array<i32>} : memref<64x128xf32, #tpu.memory_space<vmem>>, vector<16xf32>,
        %get3A_1180 = arith.index_cast %add3A_1176 : i32 to index
        %get3A_1181 = arith.constant 0 : index
        %get3A_1182 = tpu.vector_load %arg13[%get3A_1180, %get3A_1181] {strides = array<i32>} : memref<64x128xf32, #tpu.memory_space<vmem>>, vector<16xf32>,
        %mul3A_1183 = arith.mulf %get3A_1179, %get3A_1182 : vector<16xf32>
        %get3A_1184 = arith.index_cast %add3A_1176 : i32 to index
        %get3A_1185 = arith.constant 16 : index
        %get3A_1186 = tpu.vector_load %arg10[%get3A_1184, %get3A_1185] {strides = array<i32>} : memref<64x128xf32, #tpu.memory_space<vmem>>, vector<16xf32>,
        %get3A_1187 = arith.index_cast %add3A_1176 : i32 to index
        %get3A_1188 = arith.constant 16 : index
        %get3A_1189 = tpu.vector_load %arg13[%get3A_1187, %get3A_1188] {strides = array<i32>} : memref<64x128xf32, #tpu.memory_space<vmem>>, vector<16xf32>,
        %mul3A_1190 = arith.mulf %get3A_1186, %get3A_1189 : vector<16xf32>
        %get3A_1191 = arith.index_cast %add3A_1176 : i32 to index
        %get3A_1192 = arith.constant 32 : index
        %get3A_1193 = tpu.vector_load %arg10[%get3A_1191, %get3A_1192] {strides = array<i32>} : memref<64x128xf32, #tpu.memory_space<vmem>>, vector<16xf32>,
        %get3A_1194 = arith.index_cast %add3A_1176 : i32 to index
        %get3A_1195 = arith.constant 32 : index
        %get3A_1196 = tpu.vector_load %arg13[%get3A_1194, %get3A_1195] {strides = array<i32>} : memref<64x128xf32, #tpu.memory_space<vmem>>, vector<16xf32>,
        %mul3A_1197 = arith.mulf %get3A_1193, %get3A_1196 : vector<16xf32>
        %add3A_1198 = arith.addf %mul3A_1183, %mul3A_1197 : vector<16xf32>
        %get3A_1199 = arith.index_cast %add3A_1176 : i32 to index
        %get3A_1200 = arith.constant 48 : index
        %get3A_1201 = tpu.vector_load %arg10[%get3A_1199, %get3A_1200] {strides = array<i32>} : memref<64x128xf32, #tpu.memory_space<vmem>>, vector<16xf32>,
        %get3A_1202 = arith.index_cast %add3A_1176 : i32 to index
        %get3A_1203 = arith.constant 48 : index
        %get3A_1204 = tpu.vector_load %arg13[%get3A_1202, %get3A_1203] {strides = array<i32>} : memref<64x128xf32, #tpu.memory_space<vmem>>, vector<16xf32>,
        %mul3A_1205 = arith.mulf %get3A_1201, %get3A_1204 : vector<16xf32>
        %add3A_1206 = arith.addf %mul3A_1190, %mul3A_1205 : vector<16xf32>
        %get3A_1207 = arith.index_cast %add3A_1176 : i32 to index
        %get3A_1208 = arith.constant 64 : index
        %get3A_1209 = tpu.vector_load %arg10[%get3A_1207, %get3A_1208] {strides = array<i32>} : memref<64x128xf32, #tpu.memory_space<vmem>>, vector<16xf32>,
        %get3A_1210 = arith.index_cast %add3A_1176 : i32 to index
        %get3A_1211 = arith.constant 64 : index
        %get3A_1212 = tpu.vector_load %arg13[%get3A_1210, %get3A_1211] {strides = array<i32>} : memref<64x128xf32, #tpu.memory_space<vmem>>, vector<16xf32>,
        %mul3A_1213 = arith.mulf %get3A_1209, %get3A_1212 : vector<16xf32>
        %add3A_1214 = arith.addf %add3A_1198, %mul3A_1213 : vector<16xf32>
        %get3A_1215 = arith.index_cast %add3A_1176 : i32 to index
        %get3A_1216 = arith.constant 80 : index
        %get3A_1217 = tpu.vector_load %arg10[%get3A_1215, %get3A_1216] {strides = array<i32>} : memref<64x128xf32, #tpu.memory_space<vmem>>, vector<16xf32>,
        %get3A_1218 = arith.index_cast %add3A_1176 : i32 to index
        %get3A_1219 = arith.constant 80 : index
        %get3A_1220 = tpu.vector_load %arg13[%get3A_1218, %get3A_1219] {strides = array<i32>} : memref<64x128xf32, #tpu.memory_space<vmem>>, vector<16xf32>,
        %mul3A_1221 = arith.mulf %get3A_1217, %get3A_1220 : vector<16xf32>
        %add3A_1222 = arith.addf %add3A_1206, %mul3A_1221 : vector<16xf32>
        %get3A_1223 = arith.index_cast %add3A_1176 : i32 to index
        %get3A_1224 = arith.constant 96 : index
        %get3A_1225 = tpu.vector_load %arg10[%get3A_1223, %get3A_1224] {strides = array<i32>} : memref<64x128xf32, #tpu.memory_space<vmem>>, vector<16xf32>,
        %get3A_1226 = arith.index_cast %add3A_1176 : i32 to index
        %get3A_1227 = arith.constant 96 : index
        %get3A_1228 = tpu.vector_load %arg13[%get3A_1226, %get3A_1227] {strides = array<i32>} : memref<64x128xf32, #tpu.memory_space<vmem>>, vector<16xf32>,
        %mul3A_1229 = arith.mulf %get3A_1225, %get3A_1228 : vector<16xf32>
        %add3A_1230 = arith.addf %add3A_1214, %mul3A_1229 : vector<16xf32>
        %get3A_1231 = arith.index_cast %add3A_1176 : i32 to index
        %get3A_1232 = arith.constant 112 : index
        %get3A_1233 = tpu.vector_load %arg10[%get3A_1231, %get3A_1232] {strides = array<i32>} : memref<64x128xf32, #tpu.memory_space<vmem>>, vector<16xf32>,
        %get3A_1234 = arith.index_cast %add3A_1176 : i32 to index
        %get3A_1235 = arith.constant 112 : index
        %get3A_1236 = tpu.vector_load %arg13[%get3A_1234, %get3A_1235] {strides = array<i32>} : memref<64x128xf32, #tpu.memory_space<vmem>>, vector<16xf32>,
        %mul3A_1237 = arith.mulf %get3A_1233, %get3A_1236 : vector<16xf32>
        %add3A_1238 = arith.addf %add3A_1222, %mul3A_1237 : vector<16xf32>
        %add3A_1239 = arith.constant 255 : i32
        %add3A_1240 = vector.broadcast %add3A_1239 : i32 to vector<16xi32>
        %add3A_1241 = arith.addi %iota3A, %add3A_1240 : vector<16xi32>
        %add3A_1242 = arith.addf %add3A_1230, %add3A_1238 : vector<16xf32>
        tpu.vector_store_idx %arg18[%add3A_1241], %add3A_1242 : memref<272xf32, #tpu.memory_space<vmem>>[vector<16xi32>], vector<16xf32>,
        %gather3A = tpu.vector_load_idx %arg18[%mul3A_34] : memref<272xf32, #tpu.memory_space<vmem>>[vector<16xi32>], vector<16xf32>,
        %add3A_1243 = arith.constant 1 : i32
        %add3A_1244 = vector.broadcast %add3A_1243 : i32 to vector<16xi32>
        %add3A_1245 = arith.addi %mul3A_34, %add3A_1244 : vector<16xi32>
        %gather3A_1246 = tpu.vector_load_idx %arg18[%add3A_1245] : memref<272xf32, #tpu.memory_space<vmem>>[vector<16xi32>], vector<16xf32>,
        %add3A_1247 = arith.constant 2 : i32
        %add3A_1248 = vector.broadcast %add3A_1247 : i32 to vector<16xi32>
        %add3A_1249 = arith.addi %mul3A_34, %add3A_1248 : vector<16xi32>
        %gather3A_1250 = tpu.vector_load_idx %arg18[%add3A_1249] : memref<272xf32, #tpu.memory_space<vmem>>[vector<16xi32>], vector<16xf32>,
        %add3A_1251 = arith.addf %gather3A, %gather3A_1250 : vector<16xf32>
        %add3A_1252 = arith.constant 3 : i32
        %add3A_1253 = vector.broadcast %add3A_1252 : i32 to vector<16xi32>
        %add3A_1254 = arith.addi %mul3A_34, %add3A_1253 : vector<16xi32>
        %gather3A_1255 = tpu.vector_load_idx %arg18[%add3A_1254] : memref<272xf32, #tpu.memory_space<vmem>>[vector<16xi32>], vector<16xf32>,
        %add3A_1256 = arith.addf %gather3A_1246, %gather3A_1255 : vector<16xf32>
        %add3A_1257 = arith.constant 4 : i32
        %add3A_1258 = vector.broadcast %add3A_1257 : i32 to vector<16xi32>
        %add3A_1259 = arith.addi %mul3A_34, %add3A_1258 : vector<16xi32>
        %gather3A_1260 = tpu.vector_load_idx %arg18[%add3A_1259] : memref<272xf32, #tpu.memory_space<vmem>>[vector<16xi32>], vector<16xf32>,
        %add3A_1261 = arith.addf %add3A_1251, %gather3A_1260 : vector<16xf32>
        %add3A_1262 = arith.constant 5 : i32
        %add3A_1263 = vector.broadcast %add3A_1262 : i32 to vector<16xi32>
        %add3A_1264 = arith.addi %mul3A_34, %add3A_1263 : vector<16xi32>
        %gather3A_1265 = tpu.vector_load_idx %arg18[%add3A_1264] : memref<272xf32, #tpu.memory_space<vmem>>[vector<16xi32>], vector<16xf32>,
        %add3A_1266 = arith.addf %add3A_1256, %gather3A_1265 : vector<16xf32>
        %add3A_1267 = arith.constant 6 : i32
        %add3A_1268 = vector.broadcast %add3A_1267 : i32 to vector<16xi32>
        %add3A_1269 = arith.addi %mul3A_34, %add3A_1268 : vector<16xi32>
        %gather3A_1270 = tpu.vector_load_idx %arg18[%add3A_1269] : memref<272xf32, #tpu.memory_space<vmem>>[vector<16xi32>], vector<16xf32>,
        %add3A_1271 = arith.addf %add3A_1261, %gather3A_1270 : vector<16xf32>
        %add3A_1272 = arith.constant 7 : i32
        %add3A_1273 = vector.broadcast %add3A_1272 : i32 to vector<16xi32>
        %add3A_1274 = arith.addi %mul3A_34, %add3A_1273 : vector<16xi32>
        %gather3A_1275 = tpu.vector_load_idx %arg18[%add3A_1274] : memref<272xf32, #tpu.memory_space<vmem>>[vector<16xi32>], vector<16xf32>,
        %add3A_1276 = arith.addf %add3A_1266, %gather3A_1275 : vector<16xf32>
        %add3A_1277 = arith.constant 8 : i32
        %add3A_1278 = vector.broadcast %add3A_1277 : i32 to vector<16xi32>
        %add3A_1279 = arith.addi %mul3A_34, %add3A_1278 : vector<16xi32>
        %gather3A_1280 = tpu.vector_load_idx %arg18[%add3A_1279] : memref<272xf32, #tpu.memory_space<vmem>>[vector<16xi32>], vector<16xf32>,
        %add3A_1281 = arith.addf %add3A_1271, %gather3A_1280 : vector<16xf32>
        %add3A_1282 = arith.constant 9 : i32
        %add3A_1283 = vector.broadcast %add3A_1282 : i32 to vector<16xi32>
        %add3A_1284 = arith.addi %mul3A_34, %add3A_1283 : vector<16xi32>
        %gather3A_1285 = tpu.vector_load_idx %arg18[%add3A_1284] : memref<272xf32, #tpu.memory_space<vmem>>[vector<16xi32>], vector<16xf32>,
        %add3A_1286 = arith.addf %add3A_1276, %gather3A_1285 : vector<16xf32>
        %add3A_1287 = arith.constant 10 : i32
        %add3A_1288 = vector.broadcast %add3A_1287 : i32 to vector<16xi32>
        %add3A_1289 = arith.addi %mul3A_34, %add3A_1288 : vector<16xi32>
        %gather3A_1290 = tpu.vector_load_idx %arg18[%add3A_1289] : memref<272xf32, #tpu.memory_space<vmem>>[vector<16xi32>], vector<16xf32>,
        %add3A_1291 = arith.addf %add3A_1281, %gather3A_1290 : vector<16xf32>
        %add3A_1292 = arith.constant 11 : i32
        %add3A_1293 = vector.broadcast %add3A_1292 : i32 to vector<16xi32>
        %add3A_1294 = arith.addi %mul3A_34, %add3A_1293 : vector<16xi32>
        %gather3A_1295 = tpu.vector_load_idx %arg18[%add3A_1294] : memref<272xf32, #tpu.memory_space<vmem>>[vector<16xi32>], vector<16xf32>,
        %add3A_1296 = arith.addf %add3A_1286, %gather3A_1295 : vector<16xf32>
        %add3A_1297 = arith.constant 12 : i32
        %add3A_1298 = vector.broadcast %add3A_1297 : i32 to vector<16xi32>
        %add3A_1299 = arith.addi %mul3A_34, %add3A_1298 : vector<16xi32>
        %gather3A_1300 = tpu.vector_load_idx %arg18[%add3A_1299] : memref<272xf32, #tpu.memory_space<vmem>>[vector<16xi32>], vector<16xf32>,
        %add3A_1301 = arith.addf %add3A_1291, %gather3A_1300 : vector<16xf32>
        %add3A_1302 = arith.constant 13 : i32
        %add3A_1303 = vector.broadcast %add3A_1302 : i32 to vector<16xi32>
        %add3A_1304 = arith.addi %mul3A_34, %add3A_1303 : vector<16xi32>
        %gather3A_1305 = tpu.vector_load_idx %arg18[%add3A_1304] : memref<272xf32, #tpu.memory_space<vmem>>[vector<16xi32>], vector<16xf32>,
        %add3A_1306 = arith.addf %add3A_1296, %gather3A_1305 : vector<16xf32>
        %add3A_1307 = arith.constant 14 : i32
        %add3A_1308 = vector.broadcast %add3A_1307 : i32 to vector<16xi32>
        %add3A_1309 = arith.addi %mul3A_34, %add3A_1308 : vector<16xi32>
        %gather3A_1310 = tpu.vector_load_idx %arg18[%add3A_1309] : memref<272xf32, #tpu.memory_space<vmem>>[vector<16xi32>], vector<16xf32>,
        %add3A_1311 = arith.addf %add3A_1301, %gather3A_1310 : vector<16xf32>
        %add3A_1312 = arith.constant 15 : i32
        %add3A_1313 = vector.broadcast %add3A_1312 : i32 to vector<16xi32>
        %add3A_1314 = arith.addi %mul3A_34, %add3A_1313 : vector<16xi32>
        %gather3A_1315 = tpu.vector_load_idx %arg18[%add3A_1314] : memref<272xf32, #tpu.memory_space<vmem>>[vector<16xi32>], vector<16xf32>,
        %add3A_1316 = arith.addf %add3A_1306, %gather3A_1315 : vector<16xf32>
        %add3A_1317 = arith.addf %add3A_1311, %add3A_1316 : vector<16xf32>
        %swap3A = arith.index_cast %mul3A_155 : i32 to index
        %swap3A_1318 = tpu.vector_load %arg16[%swap3A] {strides = array<i32>} : memref<64xf32, #tpu.memory_space<vmem>>, vector<16xf32>,
        tpu.vector_store %arg16[%swap3A], %add3A_1317 {strides = array<i32>} : memref<64xf32, #tpu.memory_space<vmem>>, vector<16xf32>,
      }
      %scan3A_103 = arith.constant 4 : i32
      %mul3A_104 = arith.constant 64 : i32
      %mul3A_105 = arith.muli %add3A_82, %mul3A_104 : i32
      %add3A_106 = arith.addi %mul3A_2, %mul3A_105 : i32
      %dma_start3A_107 = tpu.memref_slice %arg6[%add3A_106] : memref<602112xf32, #tpu.memory_space<hbm>> -> memref<64xf32, #tpu.memory_space<hbm>>
      %dma_start3A_108 = tpu.memref_slice %arg6[%add3A_106] : memref<602112xf32, #tpu.memory_space<hbm>> -> memref<64xf32, #tpu.memory_space<hbm>>
      tpu.enqueue_dma source(%arg16 : memref<64xf32, #tpu.memory_space<vmem>>) target(%dma_start3A_108 : memref<64xf32, #tpu.memory_space<hbm>>) target_semaphore(%arg26 : memref<!tpu.dma_semaphore, #tpu.memory_space<semaphore_mem>>)
      %add3A_109 = arith.constant 3 : i32
      %add3A_110 = arith.addi %add3A_82, %add3A_109 : i32
      %lt3A_111 = arith.constant 294 : i32
      %lt3A_112 = arith.cmpi slt, %add3A_110, %lt3A_111 : i32
      %convert_element_type3A_113 = arith.extui %lt3A_112 : i1 to i32
      %cond3A_114 = arith.constant 0 : i32
      %cond3A_115 = arith.cmpi ne, %convert_element_type3A_113, %cond3A_114 : i32
      scf.if %cond3A_115 {
        %add3A_153 = arith.constant 3 : i32
        %add3A_154 = arith.addi %add3A_82, %add3A_153 : i32
        %mul3A_155 = arith.constant 64 : i32
        %mul3A_156 = arith.muli %add3A_154, %mul3A_155 : i32
        %mul3A_157 = arith.constant 64 : i32
        %mul3A_158 = arith.muli %add3A_154, %mul3A_157 : i32
        %dma_start3A_159 = tpu.memref_slice %arg7[%mul3A_156] : memref<18816xi32, #tpu.memory_space<vmem>> -> memref<64xi32, #tpu.memory_space<vmem>>
        %dma_start3A_160 = arith.constant 0 : i32
        %dma_start3A_161 = arith.constant 0 : i32
        %dma_start3A_162 = tpu.memref_slice %arg2[%dma_start3A_160, %dma_start3A_161] : memref<100000x128xf32, #tpu.memory_space<hbm>> -> memref<100000x128xf32, #tpu.memory_space<hbm>>
        tpu.enqueue_indirect_dma source(%dma_start3A_162 : memref<100000x128xf32, #tpu.memory_space<hbm>>) target(%arg10 : memref<64x128xf32, #tpu.memory_space<vmem>>) offsets(%dma_start3A_159 : memref<64xi32, #tpu.memory_space<vmem>>) semaphore(%arg20 : memref<!tpu.dma_semaphore, #tpu.memory_space<semaphore_mem>>)
        %dma_start3A_163 = tpu.memref_slice %arg8[%mul3A_158] : memref<18816xi32, #tpu.memory_space<vmem>> -> memref<64xi32, #tpu.memory_space<vmem>>
        %dma_start3A_164 = arith.constant 0 : i32
        %dma_start3A_165 = arith.constant 0 : i32
        %dma_start3A_166 = tpu.memref_slice %arg3[%dma_start3A_164, %dma_start3A_165] : memref<100000x128xf32, #tpu.memory_space<hbm>> -> memref<100000x128xf32, #tpu.memory_space<hbm>>
        tpu.enqueue_indirect_dma source(%dma_start3A_166 : memref<100000x128xf32, #tpu.memory_space<hbm>>) target(%arg13 : memref<64x128xf32, #tpu.memory_space<vmem>>) offsets(%dma_start3A_163 : memref<64xi32, #tpu.memory_space<vmem>>) semaphore(%arg23 : memref<!tpu.dma_semaphore, #tpu.memory_space<semaphore_mem>>)
      } else {
      }
      %mul3A_116 = arith.constant 3 : i32
      %mul3A_117 = arith.muli %scan3A_45, %mul3A_116 : i32
      %add3A_118 = arith.constant 2 : i32
      %add3A_119 = arith.addi %mul3A_117, %add3A_118 : i32
      %dma_wait3A_120 = arith.constant 0 : i32
      %dma_wait3A_121 = tpu.memref_slice %arg7[%dma_wait3A_120] : memref<18816xi32, #tpu.memory_space<vmem>> -> memref<64xi32, #tpu.memory_space<vmem>>
      %dma_wait3A_122 = arith.constant 0 : i32
      %dma_wait3A_123 = arith.constant 0 : i32
      %dma_wait3A_124 = tpu.memref_slice %arg2[%dma_wait3A_122, %dma_wait3A_123] : memref<100000x128xf32, #tpu.memory_space<hbm>> -> memref<100000x128xf32, #tpu.memory_space<hbm>>
      tpu.wait_indirect_dma semaphore(%arg21 : memref<!tpu.dma_semaphore, #tpu.memory_space<semaphore_mem>>) src(%dma_wait3A_124 : memref<100000x128xf32, #tpu.memory_space<hbm>>) dst(%arg11 : memref<64x128xf32, #tpu.memory_space<vmem>>)
      %dma_wait3A_125 = arith.constant 0 : i32
      %dma_wait3A_126 = tpu.memref_slice %arg8[%dma_wait3A_125] : memref<18816xi32, #tpu.memory_space<vmem>> -> memref<64xi32, #tpu.memory_space<vmem>>
      %dma_wait3A_127 = arith.constant 0 : i32
      %dma_wait3A_128 = arith.constant 0 : i32
      %dma_wait3A_129 = tpu.memref_slice %arg3[%dma_wait3A_127, %dma_wait3A_128] : memref<100000x128xf32, #tpu.memory_space<hbm>> -> memref<100000x128xf32, #tpu.memory_space<hbm>>
      tpu.wait_indirect_dma semaphore(%arg24 : memref<!tpu.dma_semaphore, #tpu.memory_space<semaphore_mem>>) src(%dma_wait3A_129 : memref<100000x128xf32, #tpu.memory_space<hbm>>) dst(%arg14 : memref<64x128xf32, #tpu.memory_space<vmem>>)
      %ge3A_130 = arith.constant 3 : i32
      %ge3A_131 = arith.cmpi sge, %add3A_119, %ge3A_130 : i32
      %convert_element_type3A_132 = arith.extui %ge3A_131 : i1 to i32
      %cond3A_133 = arith.constant 0 : i32
      %cond3A_134 = arith.cmpi ne, %convert_element_type3A_132, %cond3A_133 : i32
      scf.if %cond3A_134 {
        %dma_wait3A_153 = tpu.memref_slice %arg6[%mul3A_2] : memref<602112xf32, #tpu.memory_space<hbm>> -> memref<64xf32, #tpu.memory_space<hbm>>
        %dma_wait3A_154 = tpu.memref_slice %arg6[%mul3A_2] : memref<602112xf32, #tpu.memory_space<hbm>> -> memref<64xf32, #tpu.memory_space<hbm>>
        tpu.wait_dma2 semaphore(%arg27 : memref<!tpu.dma_semaphore, #tpu.memory_space<semaphore_mem>>) src(%arg17 : memref<64xf32, #tpu.memory_space<vmem>>) dst(%dma_wait3A_154 : memref<64xf32, #tpu.memory_space<hbm>>)
      } else {
      }
      %scan3A_135 = arith.constant 0 : i32
      %scan3A_136 = arith.constant 0 : i32
      %scan3A_137 = arith.constant 4 : i32
      %scan3A_138 = arith.addi %scan3A_136, %scan3A_137 : i32
      %scan3A_139 = arith.constant 1 : i32
      scf.for %scan3A_153 = %scan3A_136 to %scan3A_138 step %scan3A_139  : i32 {
        %mul3A_154 = arith.constant 16 : i32
        %mul3A_155 = arith.muli %scan3A_153, %mul3A_154 : i32
        %add3A_156 = arith.constant 0 : i32
        %add3A_157 = arith.addi %mul3A_155, %add3A_156 : i32
        %get3A = arith.index_cast %add3A_157 : i32 to index
        %get3A_158 = arith.constant 0 : index
        %get3A_159 = tpu.vector_load %arg11[%get3A, %get3A_158] {strides = array<i32>} : memref<64x128xf32, #tpu.memory_space<vmem>>, vector<16xf32>,
        %get3A_160 = arith.index_cast %add3A_157 : i32 to index
        %get3A_161 = arith.constant 0 : index
        %get3A_162 = tpu.vector_load %arg14[%get3A_160, %get3A_161] {strides = array<i32>} : memref<64x128xf32, #tpu.memory_space<vmem>>, vector<16xf32>,
        %mul3A_163 = arith.mulf %get3A_159, %get3A_162 : vector<16xf32>
        %get3A_164 = arith.index_cast %add3A_157 : i32 to index
        %get3A_165 = arith.constant 16 : index
        %get3A_166 = tpu.vector_load %arg11[%get3A_164, %get3A_165] {strides = array<i32>} : memref<64x128xf32, #tpu.memory_space<vmem>>, vector<16xf32>,
        %get3A_167 = arith.index_cast %add3A_157 : i32 to index
        %get3A_168 = arith.constant 16 : index
        %get3A_169 = tpu.vector_load %arg14[%get3A_167, %get3A_168] {strides = array<i32>} : memref<64x128xf32, #tpu.memory_space<vmem>>, vector<16xf32>,
        %mul3A_170 = arith.mulf %get3A_166, %get3A_169 : vector<16xf32>
        %get3A_171 = arith.index_cast %add3A_157 : i32 to index
        %get3A_172 = arith.constant 32 : index
        %get3A_173 = tpu.vector_load %arg11[%get3A_171, %get3A_172] {strides = array<i32>} : memref<64x128xf32, #tpu.memory_space<vmem>>, vector<16xf32>,
        %get3A_174 = arith.index_cast %add3A_157 : i32 to index
        %get3A_175 = arith.constant 32 : index
        %get3A_176 = tpu.vector_load %arg14[%get3A_174, %get3A_175] {strides = array<i32>} : memref<64x128xf32, #tpu.memory_space<vmem>>, vector<16xf32>,
        %mul3A_177 = arith.mulf %get3A_173, %get3A_176 : vector<16xf32>
        %add3A_178 = arith.addf %mul3A_163, %mul3A_177 : vector<16xf32>
        %get3A_179 = arith.index_cast %add3A_157 : i32 to index
        %get3A_180 = arith.constant 48 : index
        %get3A_181 = tpu.vector_load %arg11[%get3A_179, %get3A_180] {strides = array<i32>} : memref<64x128xf32, #tpu.memory_space<vmem>>, vector<16xf32>,
        %get3A_182 = arith.index_cast %add3A_157 : i32 to index
        %get3A_183 = arith.constant 48 : index
        %get3A_184 = tpu.vector_load %arg14[%get3A_182, %get3A_183] {strides = array<i32>} : memref<64x128xf32, #tpu.memory_space<vmem>>, vector<16xf32>,
        %mul3A_185 = arith.mulf %get3A_181, %get3A_184 : vector<16xf32>
        %add3A_186 = arith.addf %mul3A_170, %mul3A_185 : vector<16xf32>
        %get3A_187 = arith.index_cast %add3A_157 : i32 to index
        %get3A_188 = arith.constant 64 : index
        %get3A_189 = tpu.vector_load %arg11[%get3A_187, %get3A_188] {strides = array<i32>} : memref<64x128xf32, #tpu.memory_space<vmem>>, vector<16xf32>,
        %get3A_190 = arith.index_cast %add3A_157 : i32 to index
        %get3A_191 = arith.constant 64 : index
        %get3A_192 = tpu.vector_load %arg14[%get3A_190, %get3A_191] {strides = array<i32>} : memref<64x128xf32, #tpu.memory_space<vmem>>, vector<16xf32>,
        %mul3A_193 = arith.mulf %get3A_189, %get3A_192 : vector<16xf32>
        %add3A_194 = arith.addf %add3A_178, %mul3A_193 : vector<16xf32>
        %get3A_195 = arith.index_cast %add3A_157 : i32 to index
        %get3A_196 = arith.constant 80 : index
        %get3A_197 = tpu.vector_load %arg11[%get3A_195, %get3A_196] {strides = array<i32>} : memref<64x128xf32, #tpu.memory_space<vmem>>, vector<16xf32>,
        %get3A_198 = arith.index_cast %add3A_157 : i32 to index
        %get3A_199 = arith.constant 80 : index
        %get3A_200 = tpu.vector_load %arg14[%get3A_198, %get3A_199] {strides = array<i32>} : memref<64x128xf32, #tpu.memory_space<vmem>>, vector<16xf32>,
        %mul3A_201 = arith.mulf %get3A_197, %get3A_200 : vector<16xf32>
        %add3A_202 = arith.addf %add3A_186, %mul3A_201 : vector<16xf32>
        %get3A_203 = arith.index_cast %add3A_157 : i32 to index
        %get3A_204 = arith.constant 96 : index
        %get3A_205 = tpu.vector_load %arg11[%get3A_203, %get3A_204] {strides = array<i32>} : memref<64x128xf32, #tpu.memory_space<vmem>>, vector<16xf32>,
        %get3A_206 = arith.index_cast %add3A_157 : i32 to index
        %get3A_207 = arith.constant 96 : index
        %get3A_208 = tpu.vector_load %arg14[%get3A_206, %get3A_207] {strides = array<i32>} : memref<64x128xf32, #tpu.memory_space<vmem>>, vector<16xf32>,
        %mul3A_209 = arith.mulf %get3A_205, %get3A_208 : vector<16xf32>
        %add3A_210 = arith.addf %add3A_194, %mul3A_209 : vector<16xf32>
        %get3A_211 = arith.index_cast %add3A_157 : i32 to index
        %get3A_212 = arith.constant 112 : index
        %get3A_213 = tpu.vector_load %arg11[%get3A_211, %get3A_212] {strides = array<i32>} : memref<64x128xf32, #tpu.memory_space<vmem>>, vector<16xf32>,
        %get3A_214 = arith.index_cast %add3A_157 : i32 to index
        %get3A_215 = arith.constant 112 : index
        %get3A_216 = tpu.vector_load %arg14[%get3A_214, %get3A_215] {strides = array<i32>} : memref<64x128xf32, #tpu.memory_space<vmem>>, vector<16xf32>,
        %mul3A_217 = arith.mulf %get3A_213, %get3A_216 : vector<16xf32>
        %add3A_218 = arith.addf %add3A_202, %mul3A_217 : vector<16xf32>
        %add3A_219 = arith.constant 0 : i32
        %add3A_220 = vector.broadcast %add3A_219 : i32 to vector<16xi32>
        %add3A_221 = arith.addi %iota3A, %add3A_220 : vector<16xi32>
        %add3A_222 = arith.addf %add3A_210, %add3A_218 : vector<16xf32>
        tpu.vector_store_idx %arg18[%add3A_221], %add3A_222 : memref<272xf32, #tpu.memory_space<vmem>>[vector<16xi32>], vector<16xf32>,
        %add3A_223 = arith.constant 1 : i32
        %add3A_224 = arith.addi %mul3A_155, %add3A_223 : i32
        %get3A_225 = arith.index_cast %add3A_224 : i32 to index
        %get3A_226 = arith.constant 0 : index
        %get3A_227 = tpu.vector_load %arg11[%get3A_225, %get3A_226] {strides = array<i32>} : memref<64x128xf32, #tpu.memory_space<vmem>>, vector<16xf32>,
        %get3A_228 = arith.index_cast %add3A_224 : i32 to index
        %get3A_229 = arith.constant 0 : index
        %get3A_230 = tpu.vector_load %arg14[%get3A_228, %get3A_229] {strides = array<i32>} : memref<64x128xf32, #tpu.memory_space<vmem>>, vector<16xf32>,
        %mul3A_231 = arith.mulf %get3A_227, %get3A_230 : vector<16xf32>
        %get3A_232 = arith.index_cast %add3A_224 : i32 to index
        %get3A_233 = arith.constant 16 : index
        %get3A_234 = tpu.vector_load %arg11[%get3A_232, %get3A_233] {strides = array<i32>} : memref<64x128xf32, #tpu.memory_space<vmem>>, vector<16xf32>,
        %get3A_235 = arith.index_cast %add3A_224 : i32 to index
        %get3A_236 = arith.constant 16 : index
        %get3A_237 = tpu.vector_load %arg14[%get3A_235, %get3A_236] {strides = array<i32>} : memref<64x128xf32, #tpu.memory_space<vmem>>, vector<16xf32>,
        %mul3A_238 = arith.mulf %get3A_234, %get3A_237 : vector<16xf32>
        %get3A_239 = arith.index_cast %add3A_224 : i32 to index
        %get3A_240 = arith.constant 32 : index
        %get3A_241 = tpu.vector_load %arg11[%get3A_239, %get3A_240] {strides = array<i32>} : memref<64x128xf32, #tpu.memory_space<vmem>>, vector<16xf32>,
        %get3A_242 = arith.index_cast %add3A_224 : i32 to index
        %get3A_243 = arith.constant 32 : index
        %get3A_244 = tpu.vector_load %arg14[%get3A_242, %get3A_243] {strides = array<i32>} : memref<64x128xf32, #tpu.memory_space<vmem>>, vector<16xf32>,
        %mul3A_245 = arith.mulf %get3A_241, %get3A_244 : vector<16xf32>
        %add3A_246 = arith.addf %mul3A_231, %mul3A_245 : vector<16xf32>
        %get3A_247 = arith.index_cast %add3A_224 : i32 to index
        %get3A_248 = arith.constant 48 : index
        %get3A_249 = tpu.vector_load %arg11[%get3A_247, %get3A_248] {strides = array<i32>} : memref<64x128xf32, #tpu.memory_space<vmem>>, vector<16xf32>,
        %get3A_250 = arith.index_cast %add3A_224 : i32 to index
        %get3A_251 = arith.constant 48 : index
        %get3A_252 = tpu.vector_load %arg14[%get3A_250, %get3A_251] {strides = array<i32>} : memref<64x128xf32, #tpu.memory_space<vmem>>, vector<16xf32>,
        %mul3A_253 = arith.mulf %get3A_249, %get3A_252 : vector<16xf32>
        %add3A_254 = arith.addf %mul3A_238, %mul3A_253 : vector<16xf32>
        %get3A_255 = arith.index_cast %add3A_224 : i32 to index
        %get3A_256 = arith.constant 64 : index
        %get3A_257 = tpu.vector_load %arg11[%get3A_255, %get3A_256] {strides = array<i32>} : memref<64x128xf32, #tpu.memory_space<vmem>>, vector<16xf32>,
        %get3A_258 = arith.index_cast %add3A_224 : i32 to index
        %get3A_259 = arith.constant 64 : index
        %get3A_260 = tpu.vector_load %arg14[%get3A_258, %get3A_259] {strides = array<i32>} : memref<64x128xf32, #tpu.memory_space<vmem>>, vector<16xf32>,
        %mul3A_261 = arith.mulf %get3A_257, %get3A_260 : vector<16xf32>
        %add3A_262 = arith.addf %add3A_246, %mul3A_261 : vector<16xf32>
        %get3A_263 = arith.index_cast %add3A_224 : i32 to index
        %get3A_264 = arith.constant 80 : index
        %get3A_265 = tpu.vector_load %arg11[%get3A_263, %get3A_264] {strides = array<i32>} : memref<64x128xf32, #tpu.memory_space<vmem>>, vector<16xf32>,
        %get3A_266 = arith.index_cast %add3A_224 : i32 to index
        %get3A_267 = arith.constant 80 : index
        %get3A_268 = tpu.vector_load %arg14[%get3A_266, %get3A_267] {strides = array<i32>} : memref<64x128xf32, #tpu.memory_space<vmem>>, vector<16xf32>,
        %mul3A_269 = arith.mulf %get3A_265, %get3A_268 : vector<16xf32>
        %add3A_270 = arith.addf %add3A_254, %mul3A_269 : vector<16xf32>
        %get3A_271 = arith.index_cast %add3A_224 : i32 to index
        %get3A_272 = arith.constant 96 : index
        %get3A_273 = tpu.vector_load %arg11[%get3A_271, %get3A_272] {strides = array<i32>} : memref<64x128xf32, #tpu.memory_space<vmem>>, vector<16xf32>,
        %get3A_274 = arith.index_cast %add3A_224 : i32 to index
        %get3A_275 = arith.constant 96 : index
        %get3A_276 = tpu.vector_load %arg14[%get3A_274, %get3A_275] {strides = array<i32>} : memref<64x128xf32, #tpu.memory_space<vmem>>, vector<16xf32>,
        %mul3A_277 = arith.mulf %get3A_273, %get3A_276 : vector<16xf32>
        %add3A_278 = arith.addf %add3A_262, %mul3A_277 : vector<16xf32>
        %get3A_279 = arith.index_cast %add3A_224 : i32 to index
        %get3A_280 = arith.constant 112 : index
        %get3A_281 = tpu.vector_load %arg11[%get3A_279, %get3A_280] {strides = array<i32>} : memref<64x128xf32, #tpu.memory_space<vmem>>, vector<16xf32>,
        %get3A_282 = arith.index_cast %add3A_224 : i32 to index
        %get3A_283 = arith.constant 112 : index
        %get3A_284 = tpu.vector_load %arg14[%get3A_282, %get3A_283] {strides = array<i32>} : memref<64x128xf32, #tpu.memory_space<vmem>>, vector<16xf32>,
        %mul3A_285 = arith.mulf %get3A_281, %get3A_284 : vector<16xf32>
        %add3A_286 = arith.addf %add3A_270, %mul3A_285 : vector<16xf32>
        %add3A_287 = arith.constant 17 : i32
        %add3A_288 = vector.broadcast %add3A_287 : i32 to vector<16xi32>
        %add3A_289 = arith.addi %iota3A, %add3A_288 : vector<16xi32>
        %add3A_290 = arith.addf %add3A_278, %add3A_286 : vector<16xf32>
        tpu.vector_store_idx %arg18[%add3A_289], %add3A_290 : memref<272xf32, #tpu.memory_space<vmem>>[vector<16xi32>], vector<16xf32>,
        %add3A_291 = arith.constant 2 : i32
        %add3A_292 = arith.addi %mul3A_155, %add3A_291 : i32
        %get3A_293 = arith.index_cast %add3A_292 : i32 to index
        %get3A_294 = arith.constant 0 : index
        %get3A_295 = tpu.vector_load %arg11[%get3A_293, %get3A_294] {strides = array<i32>} : memref<64x128xf32, #tpu.memory_space<vmem>>, vector<16xf32>,
        %get3A_296 = arith.index_cast %add3A_292 : i32 to index
        %get3A_297 = arith.constant 0 : index
        %get3A_298 = tpu.vector_load %arg14[%get3A_296, %get3A_297] {strides = array<i32>} : memref<64x128xf32, #tpu.memory_space<vmem>>, vector<16xf32>,
        %mul3A_299 = arith.mulf %get3A_295, %get3A_298 : vector<16xf32>
        %get3A_300 = arith.index_cast %add3A_292 : i32 to index
        %get3A_301 = arith.constant 16 : index
        %get3A_302 = tpu.vector_load %arg11[%get3A_300, %get3A_301] {strides = array<i32>} : memref<64x128xf32, #tpu.memory_space<vmem>>, vector<16xf32>,
        %get3A_303 = arith.index_cast %add3A_292 : i32 to index
        %get3A_304 = arith.constant 16 : index
        %get3A_305 = tpu.vector_load %arg14[%get3A_303, %get3A_304] {strides = array<i32>} : memref<64x128xf32, #tpu.memory_space<vmem>>, vector<16xf32>,
        %mul3A_306 = arith.mulf %get3A_302, %get3A_305 : vector<16xf32>
        %get3A_307 = arith.index_cast %add3A_292 : i32 to index
        %get3A_308 = arith.constant 32 : index
        %get3A_309 = tpu.vector_load %arg11[%get3A_307, %get3A_308] {strides = array<i32>} : memref<64x128xf32, #tpu.memory_space<vmem>>, vector<16xf32>,
        %get3A_310 = arith.index_cast %add3A_292 : i32 to index
        %get3A_311 = arith.constant 32 : index
        %get3A_312 = tpu.vector_load %arg14[%get3A_310, %get3A_311] {strides = array<i32>} : memref<64x128xf32, #tpu.memory_space<vmem>>, vector<16xf32>,
        %mul3A_313 = arith.mulf %get3A_309, %get3A_312 : vector<16xf32>
        %add3A_314 = arith.addf %mul3A_299, %mul3A_313 : vector<16xf32>
        %get3A_315 = arith.index_cast %add3A_292 : i32 to index
        %get3A_316 = arith.constant 48 : index
        %get3A_317 = tpu.vector_load %arg11[%get3A_315, %get3A_316] {strides = array<i32>} : memref<64x128xf32, #tpu.memory_space<vmem>>, vector<16xf32>,
        %get3A_318 = arith.index_cast %add3A_292 : i32 to index
        %get3A_319 = arith.constant 48 : index
        %get3A_320 = tpu.vector_load %arg14[%get3A_318, %get3A_319] {strides = array<i32>} : memref<64x128xf32, #tpu.memory_space<vmem>>, vector<16xf32>,
        %mul3A_321 = arith.mulf %get3A_317, %get3A_320 : vector<16xf32>
        %add3A_322 = arith.addf %mul3A_306, %mul3A_321 : vector<16xf32>
        %get3A_323 = arith.index_cast %add3A_292 : i32 to index
        %get3A_324 = arith.constant 64 : index
        %get3A_325 = tpu.vector_load %arg11[%get3A_323, %get3A_324] {strides = array<i32>} : memref<64x128xf32, #tpu.memory_space<vmem>>, vector<16xf32>,
        %get3A_326 = arith.index_cast %add3A_292 : i32 to index
        %get3A_327 = arith.constant 64 : index
        %get3A_328 = tpu.vector_load %arg14[%get3A_326, %get3A_327] {strides = array<i32>} : memref<64x128xf32, #tpu.memory_space<vmem>>, vector<16xf32>,
        %mul3A_329 = arith.mulf %get3A_325, %get3A_328 : vector<16xf32>
        %add3A_330 = arith.addf %add3A_314, %mul3A_329 : vector<16xf32>
        %get3A_331 = arith.index_cast %add3A_292 : i32 to index
        %get3A_332 = arith.constant 80 : index
        %get3A_333 = tpu.vector_load %arg11[%get3A_331, %get3A_332] {strides = array<i32>} : memref<64x128xf32, #tpu.memory_space<vmem>>, vector<16xf32>,
        %get3A_334 = arith.index_cast %add3A_292 : i32 to index
        %get3A_335 = arith.constant 80 : index
        %get3A_336 = tpu.vector_load %arg14[%get3A_334, %get3A_335] {strides = array<i32>} : memref<64x128xf32, #tpu.memory_space<vmem>>, vector<16xf32>,
        %mul3A_337 = arith.mulf %get3A_333, %get3A_336 : vector<16xf32>
        %add3A_338 = arith.addf %add3A_322, %mul3A_337 : vector<16xf32>
        %get3A_339 = arith.index_cast %add3A_292 : i32 to index
        %get3A_340 = arith.constant 96 : index
        %get3A_341 = tpu.vector_load %arg11[%get3A_339, %get3A_340] {strides = array<i32>} : memref<64x128xf32, #tpu.memory_space<vmem>>, vector<16xf32>,
        %get3A_342 = arith.index_cast %add3A_292 : i32 to index
        %get3A_343 = arith.constant 96 : index
        %get3A_344 = tpu.vector_load %arg14[%get3A_342, %get3A_343] {strides = array<i32>} : memref<64x128xf32, #tpu.memory_space<vmem>>, vector<16xf32>,
        %mul3A_345 = arith.mulf %get3A_341, %get3A_344 : vector<16xf32>
        %add3A_346 = arith.addf %add3A_330, %mul3A_345 : vector<16xf32>
        %get3A_347 = arith.index_cast %add3A_292 : i32 to index
        %get3A_348 = arith.constant 112 : index
        %get3A_349 = tpu.vector_load %arg11[%get3A_347, %get3A_348] {strides = array<i32>} : memref<64x128xf32, #tpu.memory_space<vmem>>, vector<16xf32>,
        %get3A_350 = arith.index_cast %add3A_292 : i32 to index
        %get3A_351 = arith.constant 112 : index
        %get3A_352 = tpu.vector_load %arg14[%get3A_350, %get3A_351] {strides = array<i32>} : memref<64x128xf32, #tpu.memory_space<vmem>>, vector<16xf32>,
        %mul3A_353 = arith.mulf %get3A_349, %get3A_352 : vector<16xf32>
        %add3A_354 = arith.addf %add3A_338, %mul3A_353 : vector<16xf32>
        %add3A_355 = arith.constant 34 : i32
        %add3A_356 = vector.broadcast %add3A_355 : i32 to vector<16xi32>
        %add3A_357 = arith.addi %iota3A, %add3A_356 : vector<16xi32>
        %add3A_358 = arith.addf %add3A_346, %add3A_354 : vector<16xf32>
        tpu.vector_store_idx %arg18[%add3A_357], %add3A_358 : memref<272xf32, #tpu.memory_space<vmem>>[vector<16xi32>], vector<16xf32>,
        %add3A_359 = arith.constant 3 : i32
        %add3A_360 = arith.addi %mul3A_155, %add3A_359 : i32
        %get3A_361 = arith.index_cast %add3A_360 : i32 to index
        %get3A_362 = arith.constant 0 : index
        %get3A_363 = tpu.vector_load %arg11[%get3A_361, %get3A_362] {strides = array<i32>} : memref<64x128xf32, #tpu.memory_space<vmem>>, vector<16xf32>,
        %get3A_364 = arith.index_cast %add3A_360 : i32 to index
        %get3A_365 = arith.constant 0 : index
        %get3A_366 = tpu.vector_load %arg14[%get3A_364, %get3A_365] {strides = array<i32>} : memref<64x128xf32, #tpu.memory_space<vmem>>, vector<16xf32>,
        %mul3A_367 = arith.mulf %get3A_363, %get3A_366 : vector<16xf32>
        %get3A_368 = arith.index_cast %add3A_360 : i32 to index
        %get3A_369 = arith.constant 16 : index
        %get3A_370 = tpu.vector_load %arg11[%get3A_368, %get3A_369] {strides = array<i32>} : memref<64x128xf32, #tpu.memory_space<vmem>>, vector<16xf32>,
        %get3A_371 = arith.index_cast %add3A_360 : i32 to index
        %get3A_372 = arith.constant 16 : index
        %get3A_373 = tpu.vector_load %arg14[%get3A_371, %get3A_372] {strides = array<i32>} : memref<64x128xf32, #tpu.memory_space<vmem>>, vector<16xf32>,
        %mul3A_374 = arith.mulf %get3A_370, %get3A_373 : vector<16xf32>
        %get3A_375 = arith.index_cast %add3A_360 : i32 to index
        %get3A_376 = arith.constant 32 : index
        %get3A_377 = tpu.vector_load %arg11[%get3A_375, %get3A_376] {strides = array<i32>} : memref<64x128xf32, #tpu.memory_space<vmem>>, vector<16xf32>,
        %get3A_378 = arith.index_cast %add3A_360 : i32 to index
        %get3A_379 = arith.constant 32 : index
        %get3A_380 = tpu.vector_load %arg14[%get3A_378, %get3A_379] {strides = array<i32>} : memref<64x128xf32, #tpu.memory_space<vmem>>, vector<16xf32>,
        %mul3A_381 = arith.mulf %get3A_377, %get3A_380 : vector<16xf32>
        %add3A_382 = arith.addf %mul3A_367, %mul3A_381 : vector<16xf32>
        %get3A_383 = arith.index_cast %add3A_360 : i32 to index
        %get3A_384 = arith.constant 48 : index
        %get3A_385 = tpu.vector_load %arg11[%get3A_383, %get3A_384] {strides = array<i32>} : memref<64x128xf32, #tpu.memory_space<vmem>>, vector<16xf32>,
        %get3A_386 = arith.index_cast %add3A_360 : i32 to index
        %get3A_387 = arith.constant 48 : index
        %get3A_388 = tpu.vector_load %arg14[%get3A_386, %get3A_387] {strides = array<i32>} : memref<64x128xf32, #tpu.memory_space<vmem>>, vector<16xf32>,
        %mul3A_389 = arith.mulf %get3A_385, %get3A_388 : vector<16xf32>
        %add3A_390 = arith.addf %mul3A_374, %mul3A_389 : vector<16xf32>
        %get3A_391 = arith.index_cast %add3A_360 : i32 to index
        %get3A_392 = arith.constant 64 : index
        %get3A_393 = tpu.vector_load %arg11[%get3A_391, %get3A_392] {strides = array<i32>} : memref<64x128xf32, #tpu.memory_space<vmem>>, vector<16xf32>,
        %get3A_394 = arith.index_cast %add3A_360 : i32 to index
        %get3A_395 = arith.constant 64 : index
        %get3A_396 = tpu.vector_load %arg14[%get3A_394, %get3A_395] {strides = array<i32>} : memref<64x128xf32, #tpu.memory_space<vmem>>, vector<16xf32>,
        %mul3A_397 = arith.mulf %get3A_393, %get3A_396 : vector<16xf32>
        %add3A_398 = arith.addf %add3A_382, %mul3A_397 : vector<16xf32>
        %get3A_399 = arith.index_cast %add3A_360 : i32 to index
        %get3A_400 = arith.constant 80 : index
        %get3A_401 = tpu.vector_load %arg11[%get3A_399, %get3A_400] {strides = array<i32>} : memref<64x128xf32, #tpu.memory_space<vmem>>, vector<16xf32>,
        %get3A_402 = arith.index_cast %add3A_360 : i32 to index
        %get3A_403 = arith.constant 80 : index
        %get3A_404 = tpu.vector_load %arg14[%get3A_402, %get3A_403] {strides = array<i32>} : memref<64x128xf32, #tpu.memory_space<vmem>>, vector<16xf32>,
        %mul3A_405 = arith.mulf %get3A_401, %get3A_404 : vector<16xf32>
        %add3A_406 = arith.addf %add3A_390, %mul3A_405 : vector<16xf32>
        %get3A_407 = arith.index_cast %add3A_360 : i32 to index
        %get3A_408 = arith.constant 96 : index
        %get3A_409 = tpu.vector_load %arg11[%get3A_407, %get3A_408] {strides = array<i32>} : memref<64x128xf32, #tpu.memory_space<vmem>>, vector<16xf32>,
        %get3A_410 = arith.index_cast %add3A_360 : i32 to index
        %get3A_411 = arith.constant 96 : index
        %get3A_412 = tpu.vector_load %arg14[%get3A_410, %get3A_411] {strides = array<i32>} : memref<64x128xf32, #tpu.memory_space<vmem>>, vector<16xf32>,
        %mul3A_413 = arith.mulf %get3A_409, %get3A_412 : vector<16xf32>
        %add3A_414 = arith.addf %add3A_398, %mul3A_413 : vector<16xf32>
        %get3A_415 = arith.index_cast %add3A_360 : i32 to index
        %get3A_416 = arith.constant 112 : index
        %get3A_417 = tpu.vector_load %arg11[%get3A_415, %get3A_416] {strides = array<i32>} : memref<64x128xf32, #tpu.memory_space<vmem>>, vector<16xf32>,
        %get3A_418 = arith.index_cast %add3A_360 : i32 to index
        %get3A_419 = arith.constant 112 : index
        %get3A_420 = tpu.vector_load %arg14[%get3A_418, %get3A_419] {strides = array<i32>} : memref<64x128xf32, #tpu.memory_space<vmem>>, vector<16xf32>,
        %mul3A_421 = arith.mulf %get3A_417, %get3A_420 : vector<16xf32>
        %add3A_422 = arith.addf %add3A_406, %mul3A_421 : vector<16xf32>
        %add3A_423 = arith.constant 51 : i32
        %add3A_424 = vector.broadcast %add3A_423 : i32 to vector<16xi32>
        %add3A_425 = arith.addi %iota3A, %add3A_424 : vector<16xi32>
        %add3A_426 = arith.addf %add3A_414, %add3A_422 : vector<16xf32>
        tpu.vector_store_idx %arg18[%add3A_425], %add3A_426 : memref<272xf32, #tpu.memory_space<vmem>>[vector<16xi32>], vector<16xf32>,
        %add3A_427 = arith.constant 4 : i32
        %add3A_428 = arith.addi %mul3A_155, %add3A_427 : i32
        %get3A_429 = arith.index_cast %add3A_428 : i32 to index
        %get3A_430 = arith.constant 0 : index
        %get3A_431 = tpu.vector_load %arg11[%get3A_429, %get3A_430] {strides = array<i32>} : memref<64x128xf32, #tpu.memory_space<vmem>>, vector<16xf32>,
        %get3A_432 = arith.index_cast %add3A_428 : i32 to index
        %get3A_433 = arith.constant 0 : index
        %get3A_434 = tpu.vector_load %arg14[%get3A_432, %get3A_433] {strides = array<i32>} : memref<64x128xf32, #tpu.memory_space<vmem>>, vector<16xf32>,
        %mul3A_435 = arith.mulf %get3A_431, %get3A_434 : vector<16xf32>
        %get3A_436 = arith.index_cast %add3A_428 : i32 to index
        %get3A_437 = arith.constant 16 : index
        %get3A_438 = tpu.vector_load %arg11[%get3A_436, %get3A_437] {strides = array<i32>} : memref<64x128xf32, #tpu.memory_space<vmem>>, vector<16xf32>,
        %get3A_439 = arith.index_cast %add3A_428 : i32 to index
        %get3A_440 = arith.constant 16 : index
        %get3A_441 = tpu.vector_load %arg14[%get3A_439, %get3A_440] {strides = array<i32>} : memref<64x128xf32, #tpu.memory_space<vmem>>, vector<16xf32>,
        %mul3A_442 = arith.mulf %get3A_438, %get3A_441 : vector<16xf32>
        %get3A_443 = arith.index_cast %add3A_428 : i32 to index
        %get3A_444 = arith.constant 32 : index
        %get3A_445 = tpu.vector_load %arg11[%get3A_443, %get3A_444] {strides = array<i32>} : memref<64x128xf32, #tpu.memory_space<vmem>>, vector<16xf32>,
        %get3A_446 = arith.index_cast %add3A_428 : i32 to index
        %get3A_447 = arith.constant 32 : index
        %get3A_448 = tpu.vector_load %arg14[%get3A_446, %get3A_447] {strides = array<i32>} : memref<64x128xf32, #tpu.memory_space<vmem>>, vector<16xf32>,
        %mul3A_449 = arith.mulf %get3A_445, %get3A_448 : vector<16xf32>
        %add3A_450 = arith.addf %mul3A_435, %mul3A_449 : vector<16xf32>
        %get3A_451 = arith.index_cast %add3A_428 : i32 to index
        %get3A_452 = arith.constant 48 : index
        %get3A_453 = tpu.vector_load %arg11[%get3A_451, %get3A_452] {strides = array<i32>} : memref<64x128xf32, #tpu.memory_space<vmem>>, vector<16xf32>,
        %get3A_454 = arith.index_cast %add3A_428 : i32 to index
        %get3A_455 = arith.constant 48 : index
        %get3A_456 = tpu.vector_load %arg14[%get3A_454, %get3A_455] {strides = array<i32>} : memref<64x128xf32, #tpu.memory_space<vmem>>, vector<16xf32>,
        %mul3A_457 = arith.mulf %get3A_453, %get3A_456 : vector<16xf32>
        %add3A_458 = arith.addf %mul3A_442, %mul3A_457 : vector<16xf32>
        %get3A_459 = arith.index_cast %add3A_428 : i32 to index
        %get3A_460 = arith.constant 64 : index
        %get3A_461 = tpu.vector_load %arg11[%get3A_459, %get3A_460] {strides = array<i32>} : memref<64x128xf32, #tpu.memory_space<vmem>>, vector<16xf32>,
        %get3A_462 = arith.index_cast %add3A_428 : i32 to index
        %get3A_463 = arith.constant 64 : index
        %get3A_464 = tpu.vector_load %arg14[%get3A_462, %get3A_463] {strides = array<i32>} : memref<64x128xf32, #tpu.memory_space<vmem>>, vector<16xf32>,
        %mul3A_465 = arith.mulf %get3A_461, %get3A_464 : vector<16xf32>
        %add3A_466 = arith.addf %add3A_450, %mul3A_465 : vector<16xf32>
        %get3A_467 = arith.index_cast %add3A_428 : i32 to index
        %get3A_468 = arith.constant 80 : index
        %get3A_469 = tpu.vector_load %arg11[%get3A_467, %get3A_468] {strides = array<i32>} : memref<64x128xf32, #tpu.memory_space<vmem>>, vector<16xf32>,
        %get3A_470 = arith.index_cast %add3A_428 : i32 to index
        %get3A_471 = arith.constant 80 : index
        %get3A_472 = tpu.vector_load %arg14[%get3A_470, %get3A_471] {strides = array<i32>} : memref<64x128xf32, #tpu.memory_space<vmem>>, vector<16xf32>,
        %mul3A_473 = arith.mulf %get3A_469, %get3A_472 : vector<16xf32>
        %add3A_474 = arith.addf %add3A_458, %mul3A_473 : vector<16xf32>
        %get3A_475 = arith.index_cast %add3A_428 : i32 to index
        %get3A_476 = arith.constant 96 : index
        %get3A_477 = tpu.vector_load %arg11[%get3A_475, %get3A_476] {strides = array<i32>} : memref<64x128xf32, #tpu.memory_space<vmem>>, vector<16xf32>,
        %get3A_478 = arith.index_cast %add3A_428 : i32 to index
        %get3A_479 = arith.constant 96 : index
        %get3A_480 = tpu.vector_load %arg14[%get3A_478, %get3A_479] {strides = array<i32>} : memref<64x128xf32, #tpu.memory_space<vmem>>, vector<16xf32>,
        %mul3A_481 = arith.mulf %get3A_477, %get3A_480 : vector<16xf32>
        %add3A_482 = arith.addf %add3A_466, %mul3A_481 : vector<16xf32>
        %get3A_483 = arith.index_cast %add3A_428 : i32 to index
        %get3A_484 = arith.constant 112 : index
        %get3A_485 = tpu.vector_load %arg11[%get3A_483, %get3A_484] {strides = array<i32>} : memref<64x128xf32, #tpu.memory_space<vmem>>, vector<16xf32>,
        %get3A_486 = arith.index_cast %add3A_428 : i32 to index
        %get3A_487 = arith.constant 112 : index
        %get3A_488 = tpu.vector_load %arg14[%get3A_486, %get3A_487] {strides = array<i32>} : memref<64x128xf32, #tpu.memory_space<vmem>>, vector<16xf32>,
        %mul3A_489 = arith.mulf %get3A_485, %get3A_488 : vector<16xf32>
        %add3A_490 = arith.addf %add3A_474, %mul3A_489 : vector<16xf32>
        %add3A_491 = arith.constant 68 : i32
        %add3A_492 = vector.broadcast %add3A_491 : i32 to vector<16xi32>
        %add3A_493 = arith.addi %iota3A, %add3A_492 : vector<16xi32>
        %add3A_494 = arith.addf %add3A_482, %add3A_490 : vector<16xf32>
        tpu.vector_store_idx %arg18[%add3A_493], %add3A_494 : memref<272xf32, #tpu.memory_space<vmem>>[vector<16xi32>], vector<16xf32>,
        %add3A_495 = arith.constant 5 : i32
        %add3A_496 = arith.addi %mul3A_155, %add3A_495 : i32
        %get3A_497 = arith.index_cast %add3A_496 : i32 to index
        %get3A_498 = arith.constant 0 : index
        %get3A_499 = tpu.vector_load %arg11[%get3A_497, %get3A_498] {strides = array<i32>} : memref<64x128xf32, #tpu.memory_space<vmem>>, vector<16xf32>,
        %get3A_500 = arith.index_cast %add3A_496 : i32 to index
        %get3A_501 = arith.constant 0 : index
        %get3A_502 = tpu.vector_load %arg14[%get3A_500, %get3A_501] {strides = array<i32>} : memref<64x128xf32, #tpu.memory_space<vmem>>, vector<16xf32>,
        %mul3A_503 = arith.mulf %get3A_499, %get3A_502 : vector<16xf32>
        %get3A_504 = arith.index_cast %add3A_496 : i32 to index
        %get3A_505 = arith.constant 16 : index
        %get3A_506 = tpu.vector_load %arg11[%get3A_504, %get3A_505] {strides = array<i32>} : memref<64x128xf32, #tpu.memory_space<vmem>>, vector<16xf32>,
        %get3A_507 = arith.index_cast %add3A_496 : i32 to index
        %get3A_508 = arith.constant 16 : index
        %get3A_509 = tpu.vector_load %arg14[%get3A_507, %get3A_508] {strides = array<i32>} : memref<64x128xf32, #tpu.memory_space<vmem>>, vector<16xf32>,
        %mul3A_510 = arith.mulf %get3A_506, %get3A_509 : vector<16xf32>
        %get3A_511 = arith.index_cast %add3A_496 : i32 to index
        %get3A_512 = arith.constant 32 : index
        %get3A_513 = tpu.vector_load %arg11[%get3A_511, %get3A_512] {strides = array<i32>} : memref<64x128xf32, #tpu.memory_space<vmem>>, vector<16xf32>,
        %get3A_514 = arith.index_cast %add3A_496 : i32 to index
        %get3A_515 = arith.constant 32 : index
        %get3A_516 = tpu.vector_load %arg14[%get3A_514, %get3A_515] {strides = array<i32>} : memref<64x128xf32, #tpu.memory_space<vmem>>, vector<16xf32>,
        %mul3A_517 = arith.mulf %get3A_513, %get3A_516 : vector<16xf32>
        %add3A_518 = arith.addf %mul3A_503, %mul3A_517 : vector<16xf32>
        %get3A_519 = arith.index_cast %add3A_496 : i32 to index
        %get3A_520 = arith.constant 48 : index
        %get3A_521 = tpu.vector_load %arg11[%get3A_519, %get3A_520] {strides = array<i32>} : memref<64x128xf32, #tpu.memory_space<vmem>>, vector<16xf32>,
        %get3A_522 = arith.index_cast %add3A_496 : i32 to index
        %get3A_523 = arith.constant 48 : index
        %get3A_524 = tpu.vector_load %arg14[%get3A_522, %get3A_523] {strides = array<i32>} : memref<64x128xf32, #tpu.memory_space<vmem>>, vector<16xf32>,
        %mul3A_525 = arith.mulf %get3A_521, %get3A_524 : vector<16xf32>
        %add3A_526 = arith.addf %mul3A_510, %mul3A_525 : vector<16xf32>
        %get3A_527 = arith.index_cast %add3A_496 : i32 to index
        %get3A_528 = arith.constant 64 : index
        %get3A_529 = tpu.vector_load %arg11[%get3A_527, %get3A_528] {strides = array<i32>} : memref<64x128xf32, #tpu.memory_space<vmem>>, vector<16xf32>,
        %get3A_530 = arith.index_cast %add3A_496 : i32 to index
        %get3A_531 = arith.constant 64 : index
        %get3A_532 = tpu.vector_load %arg14[%get3A_530, %get3A_531] {strides = array<i32>} : memref<64x128xf32, #tpu.memory_space<vmem>>, vector<16xf32>,
        %mul3A_533 = arith.mulf %get3A_529, %get3A_532 : vector<16xf32>
        %add3A_534 = arith.addf %add3A_518, %mul3A_533 : vector<16xf32>
        %get3A_535 = arith.index_cast %add3A_496 : i32 to index
        %get3A_536 = arith.constant 80 : index
        %get3A_537 = tpu.vector_load %arg11[%get3A_535, %get3A_536] {strides = array<i32>} : memref<64x128xf32, #tpu.memory_space<vmem>>, vector<16xf32>,
        %get3A_538 = arith.index_cast %add3A_496 : i32 to index
        %get3A_539 = arith.constant 80 : index
        %get3A_540 = tpu.vector_load %arg14[%get3A_538, %get3A_539] {strides = array<i32>} : memref<64x128xf32, #tpu.memory_space<vmem>>, vector<16xf32>,
        %mul3A_541 = arith.mulf %get3A_537, %get3A_540 : vector<16xf32>
        %add3A_542 = arith.addf %add3A_526, %mul3A_541 : vector<16xf32>
        %get3A_543 = arith.index_cast %add3A_496 : i32 to index
        %get3A_544 = arith.constant 96 : index
        %get3A_545 = tpu.vector_load %arg11[%get3A_543, %get3A_544] {strides = array<i32>} : memref<64x128xf32, #tpu.memory_space<vmem>>, vector<16xf32>,
        %get3A_546 = arith.index_cast %add3A_496 : i32 to index
        %get3A_547 = arith.constant 96 : index
        %get3A_548 = tpu.vector_load %arg14[%get3A_546, %get3A_547] {strides = array<i32>} : memref<64x128xf32, #tpu.memory_space<vmem>>, vector<16xf32>,
        %mul3A_549 = arith.mulf %get3A_545, %get3A_548 : vector<16xf32>
        %add3A_550 = arith.addf %add3A_534, %mul3A_549 : vector<16xf32>
        %get3A_551 = arith.index_cast %add3A_496 : i32 to index
        %get3A_552 = arith.constant 112 : index
        %get3A_553 = tpu.vector_load %arg11[%get3A_551, %get3A_552] {strides = array<i32>} : memref<64x128xf32, #tpu.memory_space<vmem>>, vector<16xf32>,
        %get3A_554 = arith.index_cast %add3A_496 : i32 to index
        %get3A_555 = arith.constant 112 : index
        %get3A_556 = tpu.vector_load %arg14[%get3A_554, %get3A_555] {strides = array<i32>} : memref<64x128xf32, #tpu.memory_space<vmem>>, vector<16xf32>,
        %mul3A_557 = arith.mulf %get3A_553, %get3A_556 : vector<16xf32>
        %add3A_558 = arith.addf %add3A_542, %mul3A_557 : vector<16xf32>
        %add3A_559 = arith.constant 85 : i32
        %add3A_560 = vector.broadcast %add3A_559 : i32 to vector<16xi32>
        %add3A_561 = arith.addi %iota3A, %add3A_560 : vector<16xi32>
        %add3A_562 = arith.addf %add3A_550, %add3A_558 : vector<16xf32>
        tpu.vector_store_idx %arg18[%add3A_561], %add3A_562 : memref<272xf32, #tpu.memory_space<vmem>>[vector<16xi32>], vector<16xf32>,
        %add3A_563 = arith.constant 6 : i32
        %add3A_564 = arith.addi %mul3A_155, %add3A_563 : i32
        %get3A_565 = arith.index_cast %add3A_564 : i32 to index
        %get3A_566 = arith.constant 0 : index
        %get3A_567 = tpu.vector_load %arg11[%get3A_565, %get3A_566] {strides = array<i32>} : memref<64x128xf32, #tpu.memory_space<vmem>>, vector<16xf32>,
        %get3A_568 = arith.index_cast %add3A_564 : i32 to index
        %get3A_569 = arith.constant 0 : index
        %get3A_570 = tpu.vector_load %arg14[%get3A_568, %get3A_569] {strides = array<i32>} : memref<64x128xf32, #tpu.memory_space<vmem>>, vector<16xf32>,
        %mul3A_571 = arith.mulf %get3A_567, %get3A_570 : vector<16xf32>
        %get3A_572 = arith.index_cast %add3A_564 : i32 to index
        %get3A_573 = arith.constant 16 : index
        %get3A_574 = tpu.vector_load %arg11[%get3A_572, %get3A_573] {strides = array<i32>} : memref<64x128xf32, #tpu.memory_space<vmem>>, vector<16xf32>,
        %get3A_575 = arith.index_cast %add3A_564 : i32 to index
        %get3A_576 = arith.constant 16 : index
        %get3A_577 = tpu.vector_load %arg14[%get3A_575, %get3A_576] {strides = array<i32>} : memref<64x128xf32, #tpu.memory_space<vmem>>, vector<16xf32>,
        %mul3A_578 = arith.mulf %get3A_574, %get3A_577 : vector<16xf32>
        %get3A_579 = arith.index_cast %add3A_564 : i32 to index
        %get3A_580 = arith.constant 32 : index
        %get3A_581 = tpu.vector_load %arg11[%get3A_579, %get3A_580] {strides = array<i32>} : memref<64x128xf32, #tpu.memory_space<vmem>>, vector<16xf32>,
        %get3A_582 = arith.index_cast %add3A_564 : i32 to index
        %get3A_583 = arith.constant 32 : index
        %get3A_584 = tpu.vector_load %arg14[%get3A_582, %get3A_583] {strides = array<i32>} : memref<64x128xf32, #tpu.memory_space<vmem>>, vector<16xf32>,
        %mul3A_585 = arith.mulf %get3A_581, %get3A_584 : vector<16xf32>
        %add3A_586 = arith.addf %mul3A_571, %mul3A_585 : vector<16xf32>
        %get3A_587 = arith.index_cast %add3A_564 : i32 to index
        %get3A_588 = arith.constant 48 : index
        %get3A_589 = tpu.vector_load %arg11[%get3A_587, %get3A_588] {strides = array<i32>} : memref<64x128xf32, #tpu.memory_space<vmem>>, vector<16xf32>,
        %get3A_590 = arith.index_cast %add3A_564 : i32 to index
        %get3A_591 = arith.constant 48 : index
        %get3A_592 = tpu.vector_load %arg14[%get3A_590, %get3A_591] {strides = array<i32>} : memref<64x128xf32, #tpu.memory_space<vmem>>, vector<16xf32>,
        %mul3A_593 = arith.mulf %get3A_589, %get3A_592 : vector<16xf32>
        %add3A_594 = arith.addf %mul3A_578, %mul3A_593 : vector<16xf32>
        %get3A_595 = arith.index_cast %add3A_564 : i32 to index
        %get3A_596 = arith.constant 64 : index
        %get3A_597 = tpu.vector_load %arg11[%get3A_595, %get3A_596] {strides = array<i32>} : memref<64x128xf32, #tpu.memory_space<vmem>>, vector<16xf32>,
        %get3A_598 = arith.index_cast %add3A_564 : i32 to index
        %get3A_599 = arith.constant 64 : index
        %get3A_600 = tpu.vector_load %arg14[%get3A_598, %get3A_599] {strides = array<i32>} : memref<64x128xf32, #tpu.memory_space<vmem>>, vector<16xf32>,
        %mul3A_601 = arith.mulf %get3A_597, %get3A_600 : vector<16xf32>
        %add3A_602 = arith.addf %add3A_586, %mul3A_601 : vector<16xf32>
        %get3A_603 = arith.index_cast %add3A_564 : i32 to index
        %get3A_604 = arith.constant 80 : index
        %get3A_605 = tpu.vector_load %arg11[%get3A_603, %get3A_604] {strides = array<i32>} : memref<64x128xf32, #tpu.memory_space<vmem>>, vector<16xf32>,
        %get3A_606 = arith.index_cast %add3A_564 : i32 to index
        %get3A_607 = arith.constant 80 : index
        %get3A_608 = tpu.vector_load %arg14[%get3A_606, %get3A_607] {strides = array<i32>} : memref<64x128xf32, #tpu.memory_space<vmem>>, vector<16xf32>,
        %mul3A_609 = arith.mulf %get3A_605, %get3A_608 : vector<16xf32>
        %add3A_610 = arith.addf %add3A_594, %mul3A_609 : vector<16xf32>
        %get3A_611 = arith.index_cast %add3A_564 : i32 to index
        %get3A_612 = arith.constant 96 : index
        %get3A_613 = tpu.vector_load %arg11[%get3A_611, %get3A_612] {strides = array<i32>} : memref<64x128xf32, #tpu.memory_space<vmem>>, vector<16xf32>,
        %get3A_614 = arith.index_cast %add3A_564 : i32 to index
        %get3A_615 = arith.constant 96 : index
        %get3A_616 = tpu.vector_load %arg14[%get3A_614, %get3A_615] {strides = array<i32>} : memref<64x128xf32, #tpu.memory_space<vmem>>, vector<16xf32>,
        %mul3A_617 = arith.mulf %get3A_613, %get3A_616 : vector<16xf32>
        %add3A_618 = arith.addf %add3A_602, %mul3A_617 : vector<16xf32>
        %get3A_619 = arith.index_cast %add3A_564 : i32 to index
        %get3A_620 = arith.constant 112 : index
        %get3A_621 = tpu.vector_load %arg11[%get3A_619, %get3A_620] {strides = array<i32>} : memref<64x128xf32, #tpu.memory_space<vmem>>, vector<16xf32>,
        %get3A_622 = arith.index_cast %add3A_564 : i32 to index
        %get3A_623 = arith.constant 112 : index
        %get3A_624 = tpu.vector_load %arg14[%get3A_622, %get3A_623] {strides = array<i32>} : memref<64x128xf32, #tpu.memory_space<vmem>>, vector<16xf32>,
        %mul3A_625 = arith.mulf %get3A_621, %get3A_624 : vector<16xf32>
        %add3A_626 = arith.addf %add3A_610, %mul3A_625 : vector<16xf32>
        %add3A_627 = arith.constant 102 : i32
        %add3A_628 = vector.broadcast %add3A_627 : i32 to vector<16xi32>
        %add3A_629 = arith.addi %iota3A, %add3A_628 : vector<16xi32>
        %add3A_630 = arith.addf %add3A_618, %add3A_626 : vector<16xf32>
        tpu.vector_store_idx %arg18[%add3A_629], %add3A_630 : memref<272xf32, #tpu.memory_space<vmem>>[vector<16xi32>], vector<16xf32>,
        %add3A_631 = arith.constant 7 : i32
        %add3A_632 = arith.addi %mul3A_155, %add3A_631 : i32
        %get3A_633 = arith.index_cast %add3A_632 : i32 to index
        %get3A_634 = arith.constant 0 : index
        %get3A_635 = tpu.vector_load %arg11[%get3A_633, %get3A_634] {strides = array<i32>} : memref<64x128xf32, #tpu.memory_space<vmem>>, vector<16xf32>,
        %get3A_636 = arith.index_cast %add3A_632 : i32 to index
        %get3A_637 = arith.constant 0 : index
        %get3A_638 = tpu.vector_load %arg14[%get3A_636, %get3A_637] {strides = array<i32>} : memref<64x128xf32, #tpu.memory_space<vmem>>, vector<16xf32>,
        %mul3A_639 = arith.mulf %get3A_635, %get3A_638 : vector<16xf32>
        %get3A_640 = arith.index_cast %add3A_632 : i32 to index
        %get3A_641 = arith.constant 16 : index
        %get3A_642 = tpu.vector_load %arg11[%get3A_640, %get3A_641] {strides = array<i32>} : memref<64x128xf32, #tpu.memory_space<vmem>>, vector<16xf32>,
        %get3A_643 = arith.index_cast %add3A_632 : i32 to index
        %get3A_644 = arith.constant 16 : index
        %get3A_645 = tpu.vector_load %arg14[%get3A_643, %get3A_644] {strides = array<i32>} : memref<64x128xf32, #tpu.memory_space<vmem>>, vector<16xf32>,
        %mul3A_646 = arith.mulf %get3A_642, %get3A_645 : vector<16xf32>
        %get3A_647 = arith.index_cast %add3A_632 : i32 to index
        %get3A_648 = arith.constant 32 : index
        %get3A_649 = tpu.vector_load %arg11[%get3A_647, %get3A_648] {strides = array<i32>} : memref<64x128xf32, #tpu.memory_space<vmem>>, vector<16xf32>,
        %get3A_650 = arith.index_cast %add3A_632 : i32 to index
        %get3A_651 = arith.constant 32 : index
        %get3A_652 = tpu.vector_load %arg14[%get3A_650, %get3A_651] {strides = array<i32>} : memref<64x128xf32, #tpu.memory_space<vmem>>, vector<16xf32>,
        %mul3A_653 = arith.mulf %get3A_649, %get3A_652 : vector<16xf32>
        %add3A_654 = arith.addf %mul3A_639, %mul3A_653 : vector<16xf32>
        %get3A_655 = arith.index_cast %add3A_632 : i32 to index
        %get3A_656 = arith.constant 48 : index
        %get3A_657 = tpu.vector_load %arg11[%get3A_655, %get3A_656] {strides = array<i32>} : memref<64x128xf32, #tpu.memory_space<vmem>>, vector<16xf32>,
        %get3A_658 = arith.index_cast %add3A_632 : i32 to index
        %get3A_659 = arith.constant 48 : index
        %get3A_660 = tpu.vector_load %arg14[%get3A_658, %get3A_659] {strides = array<i32>} : memref<64x128xf32, #tpu.memory_space<vmem>>, vector<16xf32>,
        %mul3A_661 = arith.mulf %get3A_657, %get3A_660 : vector<16xf32>
        %add3A_662 = arith.addf %mul3A_646, %mul3A_661 : vector<16xf32>
        %get3A_663 = arith.index_cast %add3A_632 : i32 to index
        %get3A_664 = arith.constant 64 : index
        %get3A_665 = tpu.vector_load %arg11[%get3A_663, %get3A_664] {strides = array<i32>} : memref<64x128xf32, #tpu.memory_space<vmem>>, vector<16xf32>,
        %get3A_666 = arith.index_cast %add3A_632 : i32 to index
        %get3A_667 = arith.constant 64 : index
        %get3A_668 = tpu.vector_load %arg14[%get3A_666, %get3A_667] {strides = array<i32>} : memref<64x128xf32, #tpu.memory_space<vmem>>, vector<16xf32>,
        %mul3A_669 = arith.mulf %get3A_665, %get3A_668 : vector<16xf32>
        %add3A_670 = arith.addf %add3A_654, %mul3A_669 : vector<16xf32>
        %get3A_671 = arith.index_cast %add3A_632 : i32 to index
        %get3A_672 = arith.constant 80 : index
        %get3A_673 = tpu.vector_load %arg11[%get3A_671, %get3A_672] {strides = array<i32>} : memref<64x128xf32, #tpu.memory_space<vmem>>, vector<16xf32>,
        %get3A_674 = arith.index_cast %add3A_632 : i32 to index
        %get3A_675 = arith.constant 80 : index
        %get3A_676 = tpu.vector_load %arg14[%get3A_674, %get3A_675] {strides = array<i32>} : memref<64x128xf32, #tpu.memory_space<vmem>>, vector<16xf32>,
        %mul3A_677 = arith.mulf %get3A_673, %get3A_676 : vector<16xf32>
        %add3A_678 = arith.addf %add3A_662, %mul3A_677 : vector<16xf32>
        %get3A_679 = arith.index_cast %add3A_632 : i32 to index
        %get3A_680 = arith.constant 96 : index
        %get3A_681 = tpu.vector_load %arg11[%get3A_679, %get3A_680] {strides = array<i32>} : memref<64x128xf32, #tpu.memory_space<vmem>>, vector<16xf32>,
        %get3A_682 = arith.index_cast %add3A_632 : i32 to index
        %get3A_683 = arith.constant 96 : index
        %get3A_684 = tpu.vector_load %arg14[%get3A_682, %get3A_683] {strides = array<i32>} : memref<64x128xf32, #tpu.memory_space<vmem>>, vector<16xf32>,
        %mul3A_685 = arith.mulf %get3A_681, %get3A_684 : vector<16xf32>
        %add3A_686 = arith.addf %add3A_670, %mul3A_685 : vector<16xf32>
        %get3A_687 = arith.index_cast %add3A_632 : i32 to index
        %get3A_688 = arith.constant 112 : index
        %get3A_689 = tpu.vector_load %arg11[%get3A_687, %get3A_688] {strides = array<i32>} : memref<64x128xf32, #tpu.memory_space<vmem>>, vector<16xf32>,
        %get3A_690 = arith.index_cast %add3A_632 : i32 to index
        %get3A_691 = arith.constant 112 : index
        %get3A_692 = tpu.vector_load %arg14[%get3A_690, %get3A_691] {strides = array<i32>} : memref<64x128xf32, #tpu.memory_space<vmem>>, vector<16xf32>,
        %mul3A_693 = arith.mulf %get3A_689, %get3A_692 : vector<16xf32>
        %add3A_694 = arith.addf %add3A_678, %mul3A_693 : vector<16xf32>
        %add3A_695 = arith.constant 119 : i32
        %add3A_696 = vector.broadcast %add3A_695 : i32 to vector<16xi32>
        %add3A_697 = arith.addi %iota3A, %add3A_696 : vector<16xi32>
        %add3A_698 = arith.addf %add3A_686, %add3A_694 : vector<16xf32>
        tpu.vector_store_idx %arg18[%add3A_697], %add3A_698 : memref<272xf32, #tpu.memory_space<vmem>>[vector<16xi32>], vector<16xf32>,
        %add3A_699 = arith.constant 8 : i32
        %add3A_700 = arith.addi %mul3A_155, %add3A_699 : i32
        %get3A_701 = arith.index_cast %add3A_700 : i32 to index
        %get3A_702 = arith.constant 0 : index
        %get3A_703 = tpu.vector_load %arg11[%get3A_701, %get3A_702] {strides = array<i32>} : memref<64x128xf32, #tpu.memory_space<vmem>>, vector<16xf32>,
        %get3A_704 = arith.index_cast %add3A_700 : i32 to index
        %get3A_705 = arith.constant 0 : index
        %get3A_706 = tpu.vector_load %arg14[%get3A_704, %get3A_705] {strides = array<i32>} : memref<64x128xf32, #tpu.memory_space<vmem>>, vector<16xf32>,
        %mul3A_707 = arith.mulf %get3A_703, %get3A_706 : vector<16xf32>
        %get3A_708 = arith.index_cast %add3A_700 : i32 to index
        %get3A_709 = arith.constant 16 : index
        %get3A_710 = tpu.vector_load %arg11[%get3A_708, %get3A_709] {strides = array<i32>} : memref<64x128xf32, #tpu.memory_space<vmem>>, vector<16xf32>,
        %get3A_711 = arith.index_cast %add3A_700 : i32 to index
        %get3A_712 = arith.constant 16 : index
        %get3A_713 = tpu.vector_load %arg14[%get3A_711, %get3A_712] {strides = array<i32>} : memref<64x128xf32, #tpu.memory_space<vmem>>, vector<16xf32>,
        %mul3A_714 = arith.mulf %get3A_710, %get3A_713 : vector<16xf32>
        %get3A_715 = arith.index_cast %add3A_700 : i32 to index
        %get3A_716 = arith.constant 32 : index
        %get3A_717 = tpu.vector_load %arg11[%get3A_715, %get3A_716] {strides = array<i32>} : memref<64x128xf32, #tpu.memory_space<vmem>>, vector<16xf32>,
        %get3A_718 = arith.index_cast %add3A_700 : i32 to index
        %get3A_719 = arith.constant 32 : index
        %get3A_720 = tpu.vector_load %arg14[%get3A_718, %get3A_719] {strides = array<i32>} : memref<64x128xf32, #tpu.memory_space<vmem>>, vector<16xf32>,
        %mul3A_721 = arith.mulf %get3A_717, %get3A_720 : vector<16xf32>
        %add3A_722 = arith.addf %mul3A_707, %mul3A_721 : vector<16xf32>
        %get3A_723 = arith.index_cast %add3A_700 : i32 to index
        %get3A_724 = arith.constant 48 : index
        %get3A_725 = tpu.vector_load %arg11[%get3A_723, %get3A_724] {strides = array<i32>} : memref<64x128xf32, #tpu.memory_space<vmem>>, vector<16xf32>,
        %get3A_726 = arith.index_cast %add3A_700 : i32 to index
        %get3A_727 = arith.constant 48 : index
        %get3A_728 = tpu.vector_load %arg14[%get3A_726, %get3A_727] {strides = array<i32>} : memref<64x128xf32, #tpu.memory_space<vmem>>, vector<16xf32>,
        %mul3A_729 = arith.mulf %get3A_725, %get3A_728 : vector<16xf32>
        %add3A_730 = arith.addf %mul3A_714, %mul3A_729 : vector<16xf32>
        %get3A_731 = arith.index_cast %add3A_700 : i32 to index
        %get3A_732 = arith.constant 64 : index
        %get3A_733 = tpu.vector_load %arg11[%get3A_731, %get3A_732] {strides = array<i32>} : memref<64x128xf32, #tpu.memory_space<vmem>>, vector<16xf32>,
        %get3A_734 = arith.index_cast %add3A_700 : i32 to index
        %get3A_735 = arith.constant 64 : index
        %get3A_736 = tpu.vector_load %arg14[%get3A_734, %get3A_735] {strides = array<i32>} : memref<64x128xf32, #tpu.memory_space<vmem>>, vector<16xf32>,
        %mul3A_737 = arith.mulf %get3A_733, %get3A_736 : vector<16xf32>
        %add3A_738 = arith.addf %add3A_722, %mul3A_737 : vector<16xf32>
        %get3A_739 = arith.index_cast %add3A_700 : i32 to index
        %get3A_740 = arith.constant 80 : index
        %get3A_741 = tpu.vector_load %arg11[%get3A_739, %get3A_740] {strides = array<i32>} : memref<64x128xf32, #tpu.memory_space<vmem>>, vector<16xf32>,
        %get3A_742 = arith.index_cast %add3A_700 : i32 to index
        %get3A_743 = arith.constant 80 : index
        %get3A_744 = tpu.vector_load %arg14[%get3A_742, %get3A_743] {strides = array<i32>} : memref<64x128xf32, #tpu.memory_space<vmem>>, vector<16xf32>,
        %mul3A_745 = arith.mulf %get3A_741, %get3A_744 : vector<16xf32>
        %add3A_746 = arith.addf %add3A_730, %mul3A_745 : vector<16xf32>
        %get3A_747 = arith.index_cast %add3A_700 : i32 to index
        %get3A_748 = arith.constant 96 : index
        %get3A_749 = tpu.vector_load %arg11[%get3A_747, %get3A_748] {strides = array<i32>} : memref<64x128xf32, #tpu.memory_space<vmem>>, vector<16xf32>,
        %get3A_750 = arith.index_cast %add3A_700 : i32 to index
        %get3A_751 = arith.constant 96 : index
        %get3A_752 = tpu.vector_load %arg14[%get3A_750, %get3A_751] {strides = array<i32>} : memref<64x128xf32, #tpu.memory_space<vmem>>, vector<16xf32>,
        %mul3A_753 = arith.mulf %get3A_749, %get3A_752 : vector<16xf32>
        %add3A_754 = arith.addf %add3A_738, %mul3A_753 : vector<16xf32>
        %get3A_755 = arith.index_cast %add3A_700 : i32 to index
        %get3A_756 = arith.constant 112 : index
        %get3A_757 = tpu.vector_load %arg11[%get3A_755, %get3A_756] {strides = array<i32>} : memref<64x128xf32, #tpu.memory_space<vmem>>, vector<16xf32>,
        %get3A_758 = arith.index_cast %add3A_700 : i32 to index
        %get3A_759 = arith.constant 112 : index
        %get3A_760 = tpu.vector_load %arg14[%get3A_758, %get3A_759] {strides = array<i32>} : memref<64x128xf32, #tpu.memory_space<vmem>>, vector<16xf32>,
        %mul3A_761 = arith.mulf %get3A_757, %get3A_760 : vector<16xf32>
        %add3A_762 = arith.addf %add3A_746, %mul3A_761 : vector<16xf32>
        %add3A_763 = arith.constant 136 : i32
        %add3A_764 = vector.broadcast %add3A_763 : i32 to vector<16xi32>
        %add3A_765 = arith.addi %iota3A, %add3A_764 : vector<16xi32>
        %add3A_766 = arith.addf %add3A_754, %add3A_762 : vector<16xf32>
        tpu.vector_store_idx %arg18[%add3A_765], %add3A_766 : memref<272xf32, #tpu.memory_space<vmem>>[vector<16xi32>], vector<16xf32>,
        %add3A_767 = arith.constant 9 : i32
        %add3A_768 = arith.addi %mul3A_155, %add3A_767 : i32
        %get3A_769 = arith.index_cast %add3A_768 : i32 to index
        %get3A_770 = arith.constant 0 : index
        %get3A_771 = tpu.vector_load %arg11[%get3A_769, %get3A_770] {strides = array<i32>} : memref<64x128xf32, #tpu.memory_space<vmem>>, vector<16xf32>,
        %get3A_772 = arith.index_cast %add3A_768 : i32 to index
        %get3A_773 = arith.constant 0 : index
        %get3A_774 = tpu.vector_load %arg14[%get3A_772, %get3A_773] {strides = array<i32>} : memref<64x128xf32, #tpu.memory_space<vmem>>, vector<16xf32>,
        %mul3A_775 = arith.mulf %get3A_771, %get3A_774 : vector<16xf32>
        %get3A_776 = arith.index_cast %add3A_768 : i32 to index
        %get3A_777 = arith.constant 16 : index
        %get3A_778 = tpu.vector_load %arg11[%get3A_776, %get3A_777] {strides = array<i32>} : memref<64x128xf32, #tpu.memory_space<vmem>>, vector<16xf32>,
        %get3A_779 = arith.index_cast %add3A_768 : i32 to index
        %get3A_780 = arith.constant 16 : index
        %get3A_781 = tpu.vector_load %arg14[%get3A_779, %get3A_780] {strides = array<i32>} : memref<64x128xf32, #tpu.memory_space<vmem>>, vector<16xf32>,
        %mul3A_782 = arith.mulf %get3A_778, %get3A_781 : vector<16xf32>
        %get3A_783 = arith.index_cast %add3A_768 : i32 to index
        %get3A_784 = arith.constant 32 : index
        %get3A_785 = tpu.vector_load %arg11[%get3A_783, %get3A_784] {strides = array<i32>} : memref<64x128xf32, #tpu.memory_space<vmem>>, vector<16xf32>,
        %get3A_786 = arith.index_cast %add3A_768 : i32 to index
        %get3A_787 = arith.constant 32 : index
        %get3A_788 = tpu.vector_load %arg14[%get3A_786, %get3A_787] {strides = array<i32>} : memref<64x128xf32, #tpu.memory_space<vmem>>, vector<16xf32>,
        %mul3A_789 = arith.mulf %get3A_785, %get3A_788 : vector<16xf32>
        %add3A_790 = arith.addf %mul3A_775, %mul3A_789 : vector<16xf32>
        %get3A_791 = arith.index_cast %add3A_768 : i32 to index
        %get3A_792 = arith.constant 48 : index
        %get3A_793 = tpu.vector_load %arg11[%get3A_791, %get3A_792] {strides = array<i32>} : memref<64x128xf32, #tpu.memory_space<vmem>>, vector<16xf32>,
        %get3A_794 = arith.index_cast %add3A_768 : i32 to index
        %get3A_795 = arith.constant 48 : index
        %get3A_796 = tpu.vector_load %arg14[%get3A_794, %get3A_795] {strides = array<i32>} : memref<64x128xf32, #tpu.memory_space<vmem>>, vector<16xf32>,
        %mul3A_797 = arith.mulf %get3A_793, %get3A_796 : vector<16xf32>
        %add3A_798 = arith.addf %mul3A_782, %mul3A_797 : vector<16xf32>
        %get3A_799 = arith.index_cast %add3A_768 : i32 to index
        %get3A_800 = arith.constant 64 : index
        %get3A_801 = tpu.vector_load %arg11[%get3A_799, %get3A_800] {strides = array<i32>} : memref<64x128xf32, #tpu.memory_space<vmem>>, vector<16xf32>,
        %get3A_802 = arith.index_cast %add3A_768 : i32 to index
        %get3A_803 = arith.constant 64 : index
        %get3A_804 = tpu.vector_load %arg14[%get3A_802, %get3A_803] {strides = array<i32>} : memref<64x128xf32, #tpu.memory_space<vmem>>, vector<16xf32>,
        %mul3A_805 = arith.mulf %get3A_801, %get3A_804 : vector<16xf32>
        %add3A_806 = arith.addf %add3A_790, %mul3A_805 : vector<16xf32>
        %get3A_807 = arith.index_cast %add3A_768 : i32 to index
        %get3A_808 = arith.constant 80 : index
        %get3A_809 = tpu.vector_load %arg11[%get3A_807, %get3A_808] {strides = array<i32>} : memref<64x128xf32, #tpu.memory_space<vmem>>, vector<16xf32>,
        %get3A_810 = arith.index_cast %add3A_768 : i32 to index
        %get3A_811 = arith.constant 80 : index
        %get3A_812 = tpu.vector_load %arg14[%get3A_810, %get3A_811] {strides = array<i32>} : memref<64x128xf32, #tpu.memory_space<vmem>>, vector<16xf32>,
        %mul3A_813 = arith.mulf %get3A_809, %get3A_812 : vector<16xf32>
        %add3A_814 = arith.addf %add3A_798, %mul3A_813 : vector<16xf32>
        %get3A_815 = arith.index_cast %add3A_768 : i32 to index
        %get3A_816 = arith.constant 96 : index
        %get3A_817 = tpu.vector_load %arg11[%get3A_815, %get3A_816] {strides = array<i32>} : memref<64x128xf32, #tpu.memory_space<vmem>>, vector<16xf32>,
        %get3A_818 = arith.index_cast %add3A_768 : i32 to index
        %get3A_819 = arith.constant 96 : index
        %get3A_820 = tpu.vector_load %arg14[%get3A_818, %get3A_819] {strides = array<i32>} : memref<64x128xf32, #tpu.memory_space<vmem>>, vector<16xf32>,
        %mul3A_821 = arith.mulf %get3A_817, %get3A_820 : vector<16xf32>
        %add3A_822 = arith.addf %add3A_806, %mul3A_821 : vector<16xf32>
        %get3A_823 = arith.index_cast %add3A_768 : i32 to index
        %get3A_824 = arith.constant 112 : index
        %get3A_825 = tpu.vector_load %arg11[%get3A_823, %get3A_824] {strides = array<i32>} : memref<64x128xf32, #tpu.memory_space<vmem>>, vector<16xf32>,
        %get3A_826 = arith.index_cast %add3A_768 : i32 to index
        %get3A_827 = arith.constant 112 : index
        %get3A_828 = tpu.vector_load %arg14[%get3A_826, %get3A_827] {strides = array<i32>} : memref<64x128xf32, #tpu.memory_space<vmem>>, vector<16xf32>,
        %mul3A_829 = arith.mulf %get3A_825, %get3A_828 : vector<16xf32>
        %add3A_830 = arith.addf %add3A_814, %mul3A_829 : vector<16xf32>
        %add3A_831 = arith.constant 153 : i32
        %add3A_832 = vector.broadcast %add3A_831 : i32 to vector<16xi32>
        %add3A_833 = arith.addi %iota3A, %add3A_832 : vector<16xi32>
        %add3A_834 = arith.addf %add3A_822, %add3A_830 : vector<16xf32>
        tpu.vector_store_idx %arg18[%add3A_833], %add3A_834 : memref<272xf32, #tpu.memory_space<vmem>>[vector<16xi32>], vector<16xf32>,
        %add3A_835 = arith.constant 10 : i32
        %add3A_836 = arith.addi %mul3A_155, %add3A_835 : i32
        %get3A_837 = arith.index_cast %add3A_836 : i32 to index
        %get3A_838 = arith.constant 0 : index
        %get3A_839 = tpu.vector_load %arg11[%get3A_837, %get3A_838] {strides = array<i32>} : memref<64x128xf32, #tpu.memory_space<vmem>>, vector<16xf32>,
        %get3A_840 = arith.index_cast %add3A_836 : i32 to index
        %get3A_841 = arith.constant 0 : index
        %get3A_842 = tpu.vector_load %arg14[%get3A_840, %get3A_841] {strides = array<i32>} : memref<64x128xf32, #tpu.memory_space<vmem>>, vector<16xf32>,
        %mul3A_843 = arith.mulf %get3A_839, %get3A_842 : vector<16xf32>
        %get3A_844 = arith.index_cast %add3A_836 : i32 to index
        %get3A_845 = arith.constant 16 : index
        %get3A_846 = tpu.vector_load %arg11[%get3A_844, %get3A_845] {strides = array<i32>} : memref<64x128xf32, #tpu.memory_space<vmem>>, vector<16xf32>,
        %get3A_847 = arith.index_cast %add3A_836 : i32 to index
        %get3A_848 = arith.constant 16 : index
        %get3A_849 = tpu.vector_load %arg14[%get3A_847, %get3A_848] {strides = array<i32>} : memref<64x128xf32, #tpu.memory_space<vmem>>, vector<16xf32>,
        %mul3A_850 = arith.mulf %get3A_846, %get3A_849 : vector<16xf32>
        %get3A_851 = arith.index_cast %add3A_836 : i32 to index
        %get3A_852 = arith.constant 32 : index
        %get3A_853 = tpu.vector_load %arg11[%get3A_851, %get3A_852] {strides = array<i32>} : memref<64x128xf32, #tpu.memory_space<vmem>>, vector<16xf32>,
        %get3A_854 = arith.index_cast %add3A_836 : i32 to index
        %get3A_855 = arith.constant 32 : index
        %get3A_856 = tpu.vector_load %arg14[%get3A_854, %get3A_855] {strides = array<i32>} : memref<64x128xf32, #tpu.memory_space<vmem>>, vector<16xf32>,
        %mul3A_857 = arith.mulf %get3A_853, %get3A_856 : vector<16xf32>
        %add3A_858 = arith.addf %mul3A_843, %mul3A_857 : vector<16xf32>
        %get3A_859 = arith.index_cast %add3A_836 : i32 to index
        %get3A_860 = arith.constant 48 : index
        %get3A_861 = tpu.vector_load %arg11[%get3A_859, %get3A_860] {strides = array<i32>} : memref<64x128xf32, #tpu.memory_space<vmem>>, vector<16xf32>,
        %get3A_862 = arith.index_cast %add3A_836 : i32 to index
        %get3A_863 = arith.constant 48 : index
        %get3A_864 = tpu.vector_load %arg14[%get3A_862, %get3A_863] {strides = array<i32>} : memref<64x128xf32, #tpu.memory_space<vmem>>, vector<16xf32>,
        %mul3A_865 = arith.mulf %get3A_861, %get3A_864 : vector<16xf32>
        %add3A_866 = arith.addf %mul3A_850, %mul3A_865 : vector<16xf32>
        %get3A_867 = arith.index_cast %add3A_836 : i32 to index
        %get3A_868 = arith.constant 64 : index
        %get3A_869 = tpu.vector_load %arg11[%get3A_867, %get3A_868] {strides = array<i32>} : memref<64x128xf32, #tpu.memory_space<vmem>>, vector<16xf32>,
        %get3A_870 = arith.index_cast %add3A_836 : i32 to index
        %get3A_871 = arith.constant 64 : index
        %get3A_872 = tpu.vector_load %arg14[%get3A_870, %get3A_871] {strides = array<i32>} : memref<64x128xf32, #tpu.memory_space<vmem>>, vector<16xf32>,
        %mul3A_873 = arith.mulf %get3A_869, %get3A_872 : vector<16xf32>
        %add3A_874 = arith.addf %add3A_858, %mul3A_873 : vector<16xf32>
        %get3A_875 = arith.index_cast %add3A_836 : i32 to index
        %get3A_876 = arith.constant 80 : index
        %get3A_877 = tpu.vector_load %arg11[%get3A_875, %get3A_876] {strides = array<i32>} : memref<64x128xf32, #tpu.memory_space<vmem>>, vector<16xf32>,
        %get3A_878 = arith.index_cast %add3A_836 : i32 to index
        %get3A_879 = arith.constant 80 : index
        %get3A_880 = tpu.vector_load %arg14[%get3A_878, %get3A_879] {strides = array<i32>} : memref<64x128xf32, #tpu.memory_space<vmem>>, vector<16xf32>,
        %mul3A_881 = arith.mulf %get3A_877, %get3A_880 : vector<16xf32>
        %add3A_882 = arith.addf %add3A_866, %mul3A_881 : vector<16xf32>
        %get3A_883 = arith.index_cast %add3A_836 : i32 to index
        %get3A_884 = arith.constant 96 : index
        %get3A_885 = tpu.vector_load %arg11[%get3A_883, %get3A_884] {strides = array<i32>} : memref<64x128xf32, #tpu.memory_space<vmem>>, vector<16xf32>,
        %get3A_886 = arith.index_cast %add3A_836 : i32 to index
        %get3A_887 = arith.constant 96 : index
        %get3A_888 = tpu.vector_load %arg14[%get3A_886, %get3A_887] {strides = array<i32>} : memref<64x128xf32, #tpu.memory_space<vmem>>, vector<16xf32>,
        %mul3A_889 = arith.mulf %get3A_885, %get3A_888 : vector<16xf32>
        %add3A_890 = arith.addf %add3A_874, %mul3A_889 : vector<16xf32>
        %get3A_891 = arith.index_cast %add3A_836 : i32 to index
        %get3A_892 = arith.constant 112 : index
        %get3A_893 = tpu.vector_load %arg11[%get3A_891, %get3A_892] {strides = array<i32>} : memref<64x128xf32, #tpu.memory_space<vmem>>, vector<16xf32>,
        %get3A_894 = arith.index_cast %add3A_836 : i32 to index
        %get3A_895 = arith.constant 112 : index
        %get3A_896 = tpu.vector_load %arg14[%get3A_894, %get3A_895] {strides = array<i32>} : memref<64x128xf32, #tpu.memory_space<vmem>>, vector<16xf32>,
        %mul3A_897 = arith.mulf %get3A_893, %get3A_896 : vector<16xf32>
        %add3A_898 = arith.addf %add3A_882, %mul3A_897 : vector<16xf32>
        %add3A_899 = arith.constant 170 : i32
        %add3A_900 = vector.broadcast %add3A_899 : i32 to vector<16xi32>
        %add3A_901 = arith.addi %iota3A, %add3A_900 : vector<16xi32>
        %add3A_902 = arith.addf %add3A_890, %add3A_898 : vector<16xf32>
        tpu.vector_store_idx %arg18[%add3A_901], %add3A_902 : memref<272xf32, #tpu.memory_space<vmem>>[vector<16xi32>], vector<16xf32>,
        %add3A_903 = arith.constant 11 : i32
        %add3A_904 = arith.addi %mul3A_155, %add3A_903 : i32
        %get3A_905 = arith.index_cast %add3A_904 : i32 to index
        %get3A_906 = arith.constant 0 : index
        %get3A_907 = tpu.vector_load %arg11[%get3A_905, %get3A_906] {strides = array<i32>} : memref<64x128xf32, #tpu.memory_space<vmem>>, vector<16xf32>,
        %get3A_908 = arith.index_cast %add3A_904 : i32 to index
        %get3A_909 = arith.constant 0 : index
        %get3A_910 = tpu.vector_load %arg14[%get3A_908, %get3A_909] {strides = array<i32>} : memref<64x128xf32, #tpu.memory_space<vmem>>, vector<16xf32>,
        %mul3A_911 = arith.mulf %get3A_907, %get3A_910 : vector<16xf32>
        %get3A_912 = arith.index_cast %add3A_904 : i32 to index
        %get3A_913 = arith.constant 16 : index
        %get3A_914 = tpu.vector_load %arg11[%get3A_912, %get3A_913] {strides = array<i32>} : memref<64x128xf32, #tpu.memory_space<vmem>>, vector<16xf32>,
        %get3A_915 = arith.index_cast %add3A_904 : i32 to index
        %get3A_916 = arith.constant 16 : index
        %get3A_917 = tpu.vector_load %arg14[%get3A_915, %get3A_916] {strides = array<i32>} : memref<64x128xf32, #tpu.memory_space<vmem>>, vector<16xf32>,
        %mul3A_918 = arith.mulf %get3A_914, %get3A_917 : vector<16xf32>
        %get3A_919 = arith.index_cast %add3A_904 : i32 to index
        %get3A_920 = arith.constant 32 : index
        %get3A_921 = tpu.vector_load %arg11[%get3A_919, %get3A_920] {strides = array<i32>} : memref<64x128xf32, #tpu.memory_space<vmem>>, vector<16xf32>,
        %get3A_922 = arith.index_cast %add3A_904 : i32 to index
        %get3A_923 = arith.constant 32 : index
        %get3A_924 = tpu.vector_load %arg14[%get3A_922, %get3A_923] {strides = array<i32>} : memref<64x128xf32, #tpu.memory_space<vmem>>, vector<16xf32>,
        %mul3A_925 = arith.mulf %get3A_921, %get3A_924 : vector<16xf32>
        %add3A_926 = arith.addf %mul3A_911, %mul3A_925 : vector<16xf32>
        %get3A_927 = arith.index_cast %add3A_904 : i32 to index
        %get3A_928 = arith.constant 48 : index
        %get3A_929 = tpu.vector_load %arg11[%get3A_927, %get3A_928] {strides = array<i32>} : memref<64x128xf32, #tpu.memory_space<vmem>>, vector<16xf32>,
        %get3A_930 = arith.index_cast %add3A_904 : i32 to index
        %get3A_931 = arith.constant 48 : index
        %get3A_932 = tpu.vector_load %arg14[%get3A_930, %get3A_931] {strides = array<i32>} : memref<64x128xf32, #tpu.memory_space<vmem>>, vector<16xf32>,
        %mul3A_933 = arith.mulf %get3A_929, %get3A_932 : vector<16xf32>
        %add3A_934 = arith.addf %mul3A_918, %mul3A_933 : vector<16xf32>
        %get3A_935 = arith.index_cast %add3A_904 : i32 to index
        %get3A_936 = arith.constant 64 : index
        %get3A_937 = tpu.vector_load %arg11[%get3A_935, %get3A_936] {strides = array<i32>} : memref<64x128xf32, #tpu.memory_space<vmem>>, vector<16xf32>,
        %get3A_938 = arith.index_cast %add3A_904 : i32 to index
        %get3A_939 = arith.constant 64 : index
        %get3A_940 = tpu.vector_load %arg14[%get3A_938, %get3A_939] {strides = array<i32>} : memref<64x128xf32, #tpu.memory_space<vmem>>, vector<16xf32>,
        %mul3A_941 = arith.mulf %get3A_937, %get3A_940 : vector<16xf32>
        %add3A_942 = arith.addf %add3A_926, %mul3A_941 : vector<16xf32>
        %get3A_943 = arith.index_cast %add3A_904 : i32 to index
        %get3A_944 = arith.constant 80 : index
        %get3A_945 = tpu.vector_load %arg11[%get3A_943, %get3A_944] {strides = array<i32>} : memref<64x128xf32, #tpu.memory_space<vmem>>, vector<16xf32>,
        %get3A_946 = arith.index_cast %add3A_904 : i32 to index
        %get3A_947 = arith.constant 80 : index
        %get3A_948 = tpu.vector_load %arg14[%get3A_946, %get3A_947] {strides = array<i32>} : memref<64x128xf32, #tpu.memory_space<vmem>>, vector<16xf32>,
        %mul3A_949 = arith.mulf %get3A_945, %get3A_948 : vector<16xf32>
        %add3A_950 = arith.addf %add3A_934, %mul3A_949 : vector<16xf32>
        %get3A_951 = arith.index_cast %add3A_904 : i32 to index
        %get3A_952 = arith.constant 96 : index
        %get3A_953 = tpu.vector_load %arg11[%get3A_951, %get3A_952] {strides = array<i32>} : memref<64x128xf32, #tpu.memory_space<vmem>>, vector<16xf32>,
        %get3A_954 = arith.index_cast %add3A_904 : i32 to index
        %get3A_955 = arith.constant 96 : index
        %get3A_956 = tpu.vector_load %arg14[%get3A_954, %get3A_955] {strides = array<i32>} : memref<64x128xf32, #tpu.memory_space<vmem>>, vector<16xf32>,
        %mul3A_957 = arith.mulf %get3A_953, %get3A_956 : vector<16xf32>
        %add3A_958 = arith.addf %add3A_942, %mul3A_957 : vector<16xf32>
        %get3A_959 = arith.index_cast %add3A_904 : i32 to index
        %get3A_960 = arith.constant 112 : index
        %get3A_961 = tpu.vector_load %arg11[%get3A_959, %get3A_960] {strides = array<i32>} : memref<64x128xf32, #tpu.memory_space<vmem>>, vector<16xf32>,
        %get3A_962 = arith.index_cast %add3A_904 : i32 to index
        %get3A_963 = arith.constant 112 : index
        %get3A_964 = tpu.vector_load %arg14[%get3A_962, %get3A_963] {strides = array<i32>} : memref<64x128xf32, #tpu.memory_space<vmem>>, vector<16xf32>,
        %mul3A_965 = arith.mulf %get3A_961, %get3A_964 : vector<16xf32>
        %add3A_966 = arith.addf %add3A_950, %mul3A_965 : vector<16xf32>
        %add3A_967 = arith.constant 187 : i32
        %add3A_968 = vector.broadcast %add3A_967 : i32 to vector<16xi32>
        %add3A_969 = arith.addi %iota3A, %add3A_968 : vector<16xi32>
        %add3A_970 = arith.addf %add3A_958, %add3A_966 : vector<16xf32>
        tpu.vector_store_idx %arg18[%add3A_969], %add3A_970 : memref<272xf32, #tpu.memory_space<vmem>>[vector<16xi32>], vector<16xf32>,
        %add3A_971 = arith.constant 12 : i32
        %add3A_972 = arith.addi %mul3A_155, %add3A_971 : i32
        %get3A_973 = arith.index_cast %add3A_972 : i32 to index
        %get3A_974 = arith.constant 0 : index
        %get3A_975 = tpu.vector_load %arg11[%get3A_973, %get3A_974] {strides = array<i32>} : memref<64x128xf32, #tpu.memory_space<vmem>>, vector<16xf32>,
        %get3A_976 = arith.index_cast %add3A_972 : i32 to index
        %get3A_977 = arith.constant 0 : index
        %get3A_978 = tpu.vector_load %arg14[%get3A_976, %get3A_977] {strides = array<i32>} : memref<64x128xf32, #tpu.memory_space<vmem>>, vector<16xf32>,
        %mul3A_979 = arith.mulf %get3A_975, %get3A_978 : vector<16xf32>
        %get3A_980 = arith.index_cast %add3A_972 : i32 to index
        %get3A_981 = arith.constant 16 : index
        %get3A_982 = tpu.vector_load %arg11[%get3A_980, %get3A_981] {strides = array<i32>} : memref<64x128xf32, #tpu.memory_space<vmem>>, vector<16xf32>,
        %get3A_983 = arith.index_cast %add3A_972 : i32 to index
        %get3A_984 = arith.constant 16 : index
        %get3A_985 = tpu.vector_load %arg14[%get3A_983, %get3A_984] {strides = array<i32>} : memref<64x128xf32, #tpu.memory_space<vmem>>, vector<16xf32>,
        %mul3A_986 = arith.mulf %get3A_982, %get3A_985 : vector<16xf32>
        %get3A_987 = arith.index_cast %add3A_972 : i32 to index
        %get3A_988 = arith.constant 32 : index
        %get3A_989 = tpu.vector_load %arg11[%get3A_987, %get3A_988] {strides = array<i32>} : memref<64x128xf32, #tpu.memory_space<vmem>>, vector<16xf32>,
        %get3A_990 = arith.index_cast %add3A_972 : i32 to index
        %get3A_991 = arith.constant 32 : index
        %get3A_992 = tpu.vector_load %arg14[%get3A_990, %get3A_991] {strides = array<i32>} : memref<64x128xf32, #tpu.memory_space<vmem>>, vector<16xf32>,
        %mul3A_993 = arith.mulf %get3A_989, %get3A_992 : vector<16xf32>
        %add3A_994 = arith.addf %mul3A_979, %mul3A_993 : vector<16xf32>
        %get3A_995 = arith.index_cast %add3A_972 : i32 to index
        %get3A_996 = arith.constant 48 : index
        %get3A_997 = tpu.vector_load %arg11[%get3A_995, %get3A_996] {strides = array<i32>} : memref<64x128xf32, #tpu.memory_space<vmem>>, vector<16xf32>,
        %get3A_998 = arith.index_cast %add3A_972 : i32 to index
        %get3A_999 = arith.constant 48 : index
        %get3A_1000 = tpu.vector_load %arg14[%get3A_998, %get3A_999] {strides = array<i32>} : memref<64x128xf32, #tpu.memory_space<vmem>>, vector<16xf32>,
        %mul3A_1001 = arith.mulf %get3A_997, %get3A_1000 : vector<16xf32>
        %add3A_1002 = arith.addf %mul3A_986, %mul3A_1001 : vector<16xf32>
        %get3A_1003 = arith.index_cast %add3A_972 : i32 to index
        %get3A_1004 = arith.constant 64 : index
        %get3A_1005 = tpu.vector_load %arg11[%get3A_1003, %get3A_1004] {strides = array<i32>} : memref<64x128xf32, #tpu.memory_space<vmem>>, vector<16xf32>,
        %get3A_1006 = arith.index_cast %add3A_972 : i32 to index
        %get3A_1007 = arith.constant 64 : index
        %get3A_1008 = tpu.vector_load %arg14[%get3A_1006, %get3A_1007] {strides = array<i32>} : memref<64x128xf32, #tpu.memory_space<vmem>>, vector<16xf32>,
        %mul3A_1009 = arith.mulf %get3A_1005, %get3A_1008 : vector<16xf32>
        %add3A_1010 = arith.addf %add3A_994, %mul3A_1009 : vector<16xf32>
        %get3A_1011 = arith.index_cast %add3A_972 : i32 to index
        %get3A_1012 = arith.constant 80 : index
        %get3A_1013 = tpu.vector_load %arg11[%get3A_1011, %get3A_1012] {strides = array<i32>} : memref<64x128xf32, #tpu.memory_space<vmem>>, vector<16xf32>,
        %get3A_1014 = arith.index_cast %add3A_972 : i32 to index
        %get3A_1015 = arith.constant 80 : index
        %get3A_1016 = tpu.vector_load %arg14[%get3A_1014, %get3A_1015] {strides = array<i32>} : memref<64x128xf32, #tpu.memory_space<vmem>>, vector<16xf32>,
        %mul3A_1017 = arith.mulf %get3A_1013, %get3A_1016 : vector<16xf32>
        %add3A_1018 = arith.addf %add3A_1002, %mul3A_1017 : vector<16xf32>
        %get3A_1019 = arith.index_cast %add3A_972 : i32 to index
        %get3A_1020 = arith.constant 96 : index
        %get3A_1021 = tpu.vector_load %arg11[%get3A_1019, %get3A_1020] {strides = array<i32>} : memref<64x128xf32, #tpu.memory_space<vmem>>, vector<16xf32>,
        %get3A_1022 = arith.index_cast %add3A_972 : i32 to index
        %get3A_1023 = arith.constant 96 : index
        %get3A_1024 = tpu.vector_load %arg14[%get3A_1022, %get3A_1023] {strides = array<i32>} : memref<64x128xf32, #tpu.memory_space<vmem>>, vector<16xf32>,
        %mul3A_1025 = arith.mulf %get3A_1021, %get3A_1024 : vector<16xf32>
        %add3A_1026 = arith.addf %add3A_1010, %mul3A_1025 : vector<16xf32>
        %get3A_1027 = arith.index_cast %add3A_972 : i32 to index
        %get3A_1028 = arith.constant 112 : index
        %get3A_1029 = tpu.vector_load %arg11[%get3A_1027, %get3A_1028] {strides = array<i32>} : memref<64x128xf32, #tpu.memory_space<vmem>>, vector<16xf32>,
        %get3A_1030 = arith.index_cast %add3A_972 : i32 to index
        %get3A_1031 = arith.constant 112 : index
        %get3A_1032 = tpu.vector_load %arg14[%get3A_1030, %get3A_1031] {strides = array<i32>} : memref<64x128xf32, #tpu.memory_space<vmem>>, vector<16xf32>,
        %mul3A_1033 = arith.mulf %get3A_1029, %get3A_1032 : vector<16xf32>
        %add3A_1034 = arith.addf %add3A_1018, %mul3A_1033 : vector<16xf32>
        %add3A_1035 = arith.constant 204 : i32
        %add3A_1036 = vector.broadcast %add3A_1035 : i32 to vector<16xi32>
        %add3A_1037 = arith.addi %iota3A, %add3A_1036 : vector<16xi32>
        %add3A_1038 = arith.addf %add3A_1026, %add3A_1034 : vector<16xf32>
        tpu.vector_store_idx %arg18[%add3A_1037], %add3A_1038 : memref<272xf32, #tpu.memory_space<vmem>>[vector<16xi32>], vector<16xf32>,
        %add3A_1039 = arith.constant 13 : i32
        %add3A_1040 = arith.addi %mul3A_155, %add3A_1039 : i32
        %get3A_1041 = arith.index_cast %add3A_1040 : i32 to index
        %get3A_1042 = arith.constant 0 : index
        %get3A_1043 = tpu.vector_load %arg11[%get3A_1041, %get3A_1042] {strides = array<i32>} : memref<64x128xf32, #tpu.memory_space<vmem>>, vector<16xf32>,
        %get3A_1044 = arith.index_cast %add3A_1040 : i32 to index
        %get3A_1045 = arith.constant 0 : index
        %get3A_1046 = tpu.vector_load %arg14[%get3A_1044, %get3A_1045] {strides = array<i32>} : memref<64x128xf32, #tpu.memory_space<vmem>>, vector<16xf32>,
        %mul3A_1047 = arith.mulf %get3A_1043, %get3A_1046 : vector<16xf32>
        %get3A_1048 = arith.index_cast %add3A_1040 : i32 to index
        %get3A_1049 = arith.constant 16 : index
        %get3A_1050 = tpu.vector_load %arg11[%get3A_1048, %get3A_1049] {strides = array<i32>} : memref<64x128xf32, #tpu.memory_space<vmem>>, vector<16xf32>,
        %get3A_1051 = arith.index_cast %add3A_1040 : i32 to index
        %get3A_1052 = arith.constant 16 : index
        %get3A_1053 = tpu.vector_load %arg14[%get3A_1051, %get3A_1052] {strides = array<i32>} : memref<64x128xf32, #tpu.memory_space<vmem>>, vector<16xf32>,
        %mul3A_1054 = arith.mulf %get3A_1050, %get3A_1053 : vector<16xf32>
        %get3A_1055 = arith.index_cast %add3A_1040 : i32 to index
        %get3A_1056 = arith.constant 32 : index
        %get3A_1057 = tpu.vector_load %arg11[%get3A_1055, %get3A_1056] {strides = array<i32>} : memref<64x128xf32, #tpu.memory_space<vmem>>, vector<16xf32>,
        %get3A_1058 = arith.index_cast %add3A_1040 : i32 to index
        %get3A_1059 = arith.constant 32 : index
        %get3A_1060 = tpu.vector_load %arg14[%get3A_1058, %get3A_1059] {strides = array<i32>} : memref<64x128xf32, #tpu.memory_space<vmem>>, vector<16xf32>,
        %mul3A_1061 = arith.mulf %get3A_1057, %get3A_1060 : vector<16xf32>
        %add3A_1062 = arith.addf %mul3A_1047, %mul3A_1061 : vector<16xf32>
        %get3A_1063 = arith.index_cast %add3A_1040 : i32 to index
        %get3A_1064 = arith.constant 48 : index
        %get3A_1065 = tpu.vector_load %arg11[%get3A_1063, %get3A_1064] {strides = array<i32>} : memref<64x128xf32, #tpu.memory_space<vmem>>, vector<16xf32>,
        %get3A_1066 = arith.index_cast %add3A_1040 : i32 to index
        %get3A_1067 = arith.constant 48 : index
        %get3A_1068 = tpu.vector_load %arg14[%get3A_1066, %get3A_1067] {strides = array<i32>} : memref<64x128xf32, #tpu.memory_space<vmem>>, vector<16xf32>,
        %mul3A_1069 = arith.mulf %get3A_1065, %get3A_1068 : vector<16xf32>
        %add3A_1070 = arith.addf %mul3A_1054, %mul3A_1069 : vector<16xf32>
        %get3A_1071 = arith.index_cast %add3A_1040 : i32 to index
        %get3A_1072 = arith.constant 64 : index
        %get3A_1073 = tpu.vector_load %arg11[%get3A_1071, %get3A_1072] {strides = array<i32>} : memref<64x128xf32, #tpu.memory_space<vmem>>, vector<16xf32>,
        %get3A_1074 = arith.index_cast %add3A_1040 : i32 to index
        %get3A_1075 = arith.constant 64 : index
        %get3A_1076 = tpu.vector_load %arg14[%get3A_1074, %get3A_1075] {strides = array<i32>} : memref<64x128xf32, #tpu.memory_space<vmem>>, vector<16xf32>,
        %mul3A_1077 = arith.mulf %get3A_1073, %get3A_1076 : vector<16xf32>
        %add3A_1078 = arith.addf %add3A_1062, %mul3A_1077 : vector<16xf32>
        %get3A_1079 = arith.index_cast %add3A_1040 : i32 to index
        %get3A_1080 = arith.constant 80 : index
        %get3A_1081 = tpu.vector_load %arg11[%get3A_1079, %get3A_1080] {strides = array<i32>} : memref<64x128xf32, #tpu.memory_space<vmem>>, vector<16xf32>,
        %get3A_1082 = arith.index_cast %add3A_1040 : i32 to index
        %get3A_1083 = arith.constant 80 : index
        %get3A_1084 = tpu.vector_load %arg14[%get3A_1082, %get3A_1083] {strides = array<i32>} : memref<64x128xf32, #tpu.memory_space<vmem>>, vector<16xf32>,
        %mul3A_1085 = arith.mulf %get3A_1081, %get3A_1084 : vector<16xf32>
        %add3A_1086 = arith.addf %add3A_1070, %mul3A_1085 : vector<16xf32>
        %get3A_1087 = arith.index_cast %add3A_1040 : i32 to index
        %get3A_1088 = arith.constant 96 : index
        %get3A_1089 = tpu.vector_load %arg11[%get3A_1087, %get3A_1088] {strides = array<i32>} : memref<64x128xf32, #tpu.memory_space<vmem>>, vector<16xf32>,
        %get3A_1090 = arith.index_cast %add3A_1040 : i32 to index
        %get3A_1091 = arith.constant 96 : index
        %get3A_1092 = tpu.vector_load %arg14[%get3A_1090, %get3A_1091] {strides = array<i32>} : memref<64x128xf32, #tpu.memory_space<vmem>>, vector<16xf32>,
        %mul3A_1093 = arith.mulf %get3A_1089, %get3A_1092 : vector<16xf32>
        %add3A_1094 = arith.addf %add3A_1078, %mul3A_1093 : vector<16xf32>
        %get3A_1095 = arith.index_cast %add3A_1040 : i32 to index
        %get3A_1096 = arith.constant 112 : index
        %get3A_1097 = tpu.vector_load %arg11[%get3A_1095, %get3A_1096] {strides = array<i32>} : memref<64x128xf32, #tpu.memory_space<vmem>>, vector<16xf32>,
        %get3A_1098 = arith.index_cast %add3A_1040 : i32 to index
        %get3A_1099 = arith.constant 112 : index
        %get3A_1100 = tpu.vector_load %arg14[%get3A_1098, %get3A_1099] {strides = array<i32>} : memref<64x128xf32, #tpu.memory_space<vmem>>, vector<16xf32>,
        %mul3A_1101 = arith.mulf %get3A_1097, %get3A_1100 : vector<16xf32>
        %add3A_1102 = arith.addf %add3A_1086, %mul3A_1101 : vector<16xf32>
        %add3A_1103 = arith.constant 221 : i32
        %add3A_1104 = vector.broadcast %add3A_1103 : i32 to vector<16xi32>
        %add3A_1105 = arith.addi %iota3A, %add3A_1104 : vector<16xi32>
        %add3A_1106 = arith.addf %add3A_1094, %add3A_1102 : vector<16xf32>
        tpu.vector_store_idx %arg18[%add3A_1105], %add3A_1106 : memref<272xf32, #tpu.memory_space<vmem>>[vector<16xi32>], vector<16xf32>,
        %add3A_1107 = arith.constant 14 : i32
        %add3A_1108 = arith.addi %mul3A_155, %add3A_1107 : i32
        %get3A_1109 = arith.index_cast %add3A_1108 : i32 to index
        %get3A_1110 = arith.constant 0 : index
        %get3A_1111 = tpu.vector_load %arg11[%get3A_1109, %get3A_1110] {strides = array<i32>} : memref<64x128xf32, #tpu.memory_space<vmem>>, vector<16xf32>,
        %get3A_1112 = arith.index_cast %add3A_1108 : i32 to index
        %get3A_1113 = arith.constant 0 : index
        %get3A_1114 = tpu.vector_load %arg14[%get3A_1112, %get3A_1113] {strides = array<i32>} : memref<64x128xf32, #tpu.memory_space<vmem>>, vector<16xf32>,
        %mul3A_1115 = arith.mulf %get3A_1111, %get3A_1114 : vector<16xf32>
        %get3A_1116 = arith.index_cast %add3A_1108 : i32 to index
        %get3A_1117 = arith.constant 16 : index
        %get3A_1118 = tpu.vector_load %arg11[%get3A_1116, %get3A_1117] {strides = array<i32>} : memref<64x128xf32, #tpu.memory_space<vmem>>, vector<16xf32>,
        %get3A_1119 = arith.index_cast %add3A_1108 : i32 to index
        %get3A_1120 = arith.constant 16 : index
        %get3A_1121 = tpu.vector_load %arg14[%get3A_1119, %get3A_1120] {strides = array<i32>} : memref<64x128xf32, #tpu.memory_space<vmem>>, vector<16xf32>,
        %mul3A_1122 = arith.mulf %get3A_1118, %get3A_1121 : vector<16xf32>
        %get3A_1123 = arith.index_cast %add3A_1108 : i32 to index
        %get3A_1124 = arith.constant 32 : index
        %get3A_1125 = tpu.vector_load %arg11[%get3A_1123, %get3A_1124] {strides = array<i32>} : memref<64x128xf32, #tpu.memory_space<vmem>>, vector<16xf32>,
        %get3A_1126 = arith.index_cast %add3A_1108 : i32 to index
        %get3A_1127 = arith.constant 32 : index
        %get3A_1128 = tpu.vector_load %arg14[%get3A_1126, %get3A_1127] {strides = array<i32>} : memref<64x128xf32, #tpu.memory_space<vmem>>, vector<16xf32>,
        %mul3A_1129 = arith.mulf %get3A_1125, %get3A_1128 : vector<16xf32>
        %add3A_1130 = arith.addf %mul3A_1115, %mul3A_1129 : vector<16xf32>
        %get3A_1131 = arith.index_cast %add3A_1108 : i32 to index
        %get3A_1132 = arith.constant 48 : index
        %get3A_1133 = tpu.vector_load %arg11[%get3A_1131, %get3A_1132] {strides = array<i32>} : memref<64x128xf32, #tpu.memory_space<vmem>>, vector<16xf32>,
        %get3A_1134 = arith.index_cast %add3A_1108 : i32 to index
        %get3A_1135 = arith.constant 48 : index
        %get3A_1136 = tpu.vector_load %arg14[%get3A_1134, %get3A_1135] {strides = array<i32>} : memref<64x128xf32, #tpu.memory_space<vmem>>, vector<16xf32>,
        %mul3A_1137 = arith.mulf %get3A_1133, %get3A_1136 : vector<16xf32>
        %add3A_1138 = arith.addf %mul3A_1122, %mul3A_1137 : vector<16xf32>
        %get3A_1139 = arith.index_cast %add3A_1108 : i32 to index
        %get3A_1140 = arith.constant 64 : index
        %get3A_1141 = tpu.vector_load %arg11[%get3A_1139, %get3A_1140] {strides = array<i32>} : memref<64x128xf32, #tpu.memory_space<vmem>>, vector<16xf32>,
        %get3A_1142 = arith.index_cast %add3A_1108 : i32 to index
        %get3A_1143 = arith.constant 64 : index
        %get3A_1144 = tpu.vector_load %arg14[%get3A_1142, %get3A_1143] {strides = array<i32>} : memref<64x128xf32, #tpu.memory_space<vmem>>, vector<16xf32>,
        %mul3A_1145 = arith.mulf %get3A_1141, %get3A_1144 : vector<16xf32>
        %add3A_1146 = arith.addf %add3A_1130, %mul3A_1145 : vector<16xf32>
        %get3A_1147 = arith.index_cast %add3A_1108 : i32 to index
        %get3A_1148 = arith.constant 80 : index
        %get3A_1149 = tpu.vector_load %arg11[%get3A_1147, %get3A_1148] {strides = array<i32>} : memref<64x128xf32, #tpu.memory_space<vmem>>, vector<16xf32>,
        %get3A_1150 = arith.index_cast %add3A_1108 : i32 to index
        %get3A_1151 = arith.constant 80 : index
        %get3A_1152 = tpu.vector_load %arg14[%get3A_1150, %get3A_1151] {strides = array<i32>} : memref<64x128xf32, #tpu.memory_space<vmem>>, vector<16xf32>,
        %mul3A_1153 = arith.mulf %get3A_1149, %get3A_1152 : vector<16xf32>
        %add3A_1154 = arith.addf %add3A_1138, %mul3A_1153 : vector<16xf32>
        %get3A_1155 = arith.index_cast %add3A_1108 : i32 to index
        %get3A_1156 = arith.constant 96 : index
        %get3A_1157 = tpu.vector_load %arg11[%get3A_1155, %get3A_1156] {strides = array<i32>} : memref<64x128xf32, #tpu.memory_space<vmem>>, vector<16xf32>,
        %get3A_1158 = arith.index_cast %add3A_1108 : i32 to index
        %get3A_1159 = arith.constant 96 : index
        %get3A_1160 = tpu.vector_load %arg14[%get3A_1158, %get3A_1159] {strides = array<i32>} : memref<64x128xf32, #tpu.memory_space<vmem>>, vector<16xf32>,
        %mul3A_1161 = arith.mulf %get3A_1157, %get3A_1160 : vector<16xf32>
        %add3A_1162 = arith.addf %add3A_1146, %mul3A_1161 : vector<16xf32>
        %get3A_1163 = arith.index_cast %add3A_1108 : i32 to index
        %get3A_1164 = arith.constant 112 : index
        %get3A_1165 = tpu.vector_load %arg11[%get3A_1163, %get3A_1164] {strides = array<i32>} : memref<64x128xf32, #tpu.memory_space<vmem>>, vector<16xf32>,
        %get3A_1166 = arith.index_cast %add3A_1108 : i32 to index
        %get3A_1167 = arith.constant 112 : index
        %get3A_1168 = tpu.vector_load %arg14[%get3A_1166, %get3A_1167] {strides = array<i32>} : memref<64x128xf32, #tpu.memory_space<vmem>>, vector<16xf32>,
        %mul3A_1169 = arith.mulf %get3A_1165, %get3A_1168 : vector<16xf32>
        %add3A_1170 = arith.addf %add3A_1154, %mul3A_1169 : vector<16xf32>
        %add3A_1171 = arith.constant 238 : i32
        %add3A_1172 = vector.broadcast %add3A_1171 : i32 to vector<16xi32>
        %add3A_1173 = arith.addi %iota3A, %add3A_1172 : vector<16xi32>
        %add3A_1174 = arith.addf %add3A_1162, %add3A_1170 : vector<16xf32>
        tpu.vector_store_idx %arg18[%add3A_1173], %add3A_1174 : memref<272xf32, #tpu.memory_space<vmem>>[vector<16xi32>], vector<16xf32>,
        %add3A_1175 = arith.constant 15 : i32
        %add3A_1176 = arith.addi %mul3A_155, %add3A_1175 : i32
        %get3A_1177 = arith.index_cast %add3A_1176 : i32 to index
        %get3A_1178 = arith.constant 0 : index
        %get3A_1179 = tpu.vector_load %arg11[%get3A_1177, %get3A_1178] {strides = array<i32>} : memref<64x128xf32, #tpu.memory_space<vmem>>, vector<16xf32>,
        %get3A_1180 = arith.index_cast %add3A_1176 : i32 to index
        %get3A_1181 = arith.constant 0 : index
        %get3A_1182 = tpu.vector_load %arg14[%get3A_1180, %get3A_1181] {strides = array<i32>} : memref<64x128xf32, #tpu.memory_space<vmem>>, vector<16xf32>,
        %mul3A_1183 = arith.mulf %get3A_1179, %get3A_1182 : vector<16xf32>
        %get3A_1184 = arith.index_cast %add3A_1176 : i32 to index
        %get3A_1185 = arith.constant 16 : index
        %get3A_1186 = tpu.vector_load %arg11[%get3A_1184, %get3A_1185] {strides = array<i32>} : memref<64x128xf32, #tpu.memory_space<vmem>>, vector<16xf32>,
        %get3A_1187 = arith.index_cast %add3A_1176 : i32 to index
        %get3A_1188 = arith.constant 16 : index
        %get3A_1189 = tpu.vector_load %arg14[%get3A_1187, %get3A_1188] {strides = array<i32>} : memref<64x128xf32, #tpu.memory_space<vmem>>, vector<16xf32>,
        %mul3A_1190 = arith.mulf %get3A_1186, %get3A_1189 : vector<16xf32>
        %get3A_1191 = arith.index_cast %add3A_1176 : i32 to index
        %get3A_1192 = arith.constant 32 : index
        %get3A_1193 = tpu.vector_load %arg11[%get3A_1191, %get3A_1192] {strides = array<i32>} : memref<64x128xf32, #tpu.memory_space<vmem>>, vector<16xf32>,
        %get3A_1194 = arith.index_cast %add3A_1176 : i32 to index
        %get3A_1195 = arith.constant 32 : index
        %get3A_1196 = tpu.vector_load %arg14[%get3A_1194, %get3A_1195] {strides = array<i32>} : memref<64x128xf32, #tpu.memory_space<vmem>>, vector<16xf32>,
        %mul3A_1197 = arith.mulf %get3A_1193, %get3A_1196 : vector<16xf32>
        %add3A_1198 = arith.addf %mul3A_1183, %mul3A_1197 : vector<16xf32>
        %get3A_1199 = arith.index_cast %add3A_1176 : i32 to index
        %get3A_1200 = arith.constant 48 : index
        %get3A_1201 = tpu.vector_load %arg11[%get3A_1199, %get3A_1200] {strides = array<i32>} : memref<64x128xf32, #tpu.memory_space<vmem>>, vector<16xf32>,
        %get3A_1202 = arith.index_cast %add3A_1176 : i32 to index
        %get3A_1203 = arith.constant 48 : index
        %get3A_1204 = tpu.vector_load %arg14[%get3A_1202, %get3A_1203] {strides = array<i32>} : memref<64x128xf32, #tpu.memory_space<vmem>>, vector<16xf32>,
        %mul3A_1205 = arith.mulf %get3A_1201, %get3A_1204 : vector<16xf32>
        %add3A_1206 = arith.addf %mul3A_1190, %mul3A_1205 : vector<16xf32>
        %get3A_1207 = arith.index_cast %add3A_1176 : i32 to index
        %get3A_1208 = arith.constant 64 : index
        %get3A_1209 = tpu.vector_load %arg11[%get3A_1207, %get3A_1208] {strides = array<i32>} : memref<64x128xf32, #tpu.memory_space<vmem>>, vector<16xf32>,
        %get3A_1210 = arith.index_cast %add3A_1176 : i32 to index
        %get3A_1211 = arith.constant 64 : index
        %get3A_1212 = tpu.vector_load %arg14[%get3A_1210, %get3A_1211] {strides = array<i32>} : memref<64x128xf32, #tpu.memory_space<vmem>>, vector<16xf32>,
        %mul3A_1213 = arith.mulf %get3A_1209, %get3A_1212 : vector<16xf32>
        %add3A_1214 = arith.addf %add3A_1198, %mul3A_1213 : vector<16xf32>
        %get3A_1215 = arith.index_cast %add3A_1176 : i32 to index
        %get3A_1216 = arith.constant 80 : index
        %get3A_1217 = tpu.vector_load %arg11[%get3A_1215, %get3A_1216] {strides = array<i32>} : memref<64x128xf32, #tpu.memory_space<vmem>>, vector<16xf32>,
        %get3A_1218 = arith.index_cast %add3A_1176 : i32 to index
        %get3A_1219 = arith.constant 80 : index
        %get3A_1220 = tpu.vector_load %arg14[%get3A_1218, %get3A_1219] {strides = array<i32>} : memref<64x128xf32, #tpu.memory_space<vmem>>, vector<16xf32>,
        %mul3A_1221 = arith.mulf %get3A_1217, %get3A_1220 : vector<16xf32>
        %add3A_1222 = arith.addf %add3A_1206, %mul3A_1221 : vector<16xf32>
        %get3A_1223 = arith.index_cast %add3A_1176 : i32 to index
        %get3A_1224 = arith.constant 96 : index
        %get3A_1225 = tpu.vector_load %arg11[%get3A_1223, %get3A_1224] {strides = array<i32>} : memref<64x128xf32, #tpu.memory_space<vmem>>, vector<16xf32>,
        %get3A_1226 = arith.index_cast %add3A_1176 : i32 to index
        %get3A_1227 = arith.constant 96 : index
        %get3A_1228 = tpu.vector_load %arg14[%get3A_1226, %get3A_1227] {strides = array<i32>} : memref<64x128xf32, #tpu.memory_space<vmem>>, vector<16xf32>,
        %mul3A_1229 = arith.mulf %get3A_1225, %get3A_1228 : vector<16xf32>
        %add3A_1230 = arith.addf %add3A_1214, %mul3A_1229 : vector<16xf32>
        %get3A_1231 = arith.index_cast %add3A_1176 : i32 to index
        %get3A_1232 = arith.constant 112 : index
        %get3A_1233 = tpu.vector_load %arg11[%get3A_1231, %get3A_1232] {strides = array<i32>} : memref<64x128xf32, #tpu.memory_space<vmem>>, vector<16xf32>,
        %get3A_1234 = arith.index_cast %add3A_1176 : i32 to index
        %get3A_1235 = arith.constant 112 : index
        %get3A_1236 = tpu.vector_load %arg14[%get3A_1234, %get3A_1235] {strides = array<i32>} : memref<64x128xf32, #tpu.memory_space<vmem>>, vector<16xf32>,
        %mul3A_1237 = arith.mulf %get3A_1233, %get3A_1236 : vector<16xf32>
        %add3A_1238 = arith.addf %add3A_1222, %mul3A_1237 : vector<16xf32>
        %add3A_1239 = arith.constant 255 : i32
        %add3A_1240 = vector.broadcast %add3A_1239 : i32 to vector<16xi32>
        %add3A_1241 = arith.addi %iota3A, %add3A_1240 : vector<16xi32>
        %add3A_1242 = arith.addf %add3A_1230, %add3A_1238 : vector<16xf32>
        tpu.vector_store_idx %arg18[%add3A_1241], %add3A_1242 : memref<272xf32, #tpu.memory_space<vmem>>[vector<16xi32>], vector<16xf32>,
        %gather3A = tpu.vector_load_idx %arg18[%mul3A_34] : memref<272xf32, #tpu.memory_space<vmem>>[vector<16xi32>], vector<16xf32>,
        %add3A_1243 = arith.constant 1 : i32
        %add3A_1244 = vector.broadcast %add3A_1243 : i32 to vector<16xi32>
        %add3A_1245 = arith.addi %mul3A_34, %add3A_1244 : vector<16xi32>
        %gather3A_1246 = tpu.vector_load_idx %arg18[%add3A_1245] : memref<272xf32, #tpu.memory_space<vmem>>[vector<16xi32>], vector<16xf32>,
        %add3A_1247 = arith.constant 2 : i32
        %add3A_1248 = vector.broadcast %add3A_1247 : i32 to vector<16xi32>
        %add3A_1249 = arith.addi %mul3A_34, %add3A_1248 : vector<16xi32>
        %gather3A_1250 = tpu.vector_load_idx %arg18[%add3A_1249] : memref<272xf32, #tpu.memory_space<vmem>>[vector<16xi32>], vector<16xf32>,
        %add3A_1251 = arith.addf %gather3A, %gather3A_1250 : vector<16xf32>
        %add3A_1252 = arith.constant 3 : i32
        %add3A_1253 = vector.broadcast %add3A_1252 : i32 to vector<16xi32>
        %add3A_1254 = arith.addi %mul3A_34, %add3A_1253 : vector<16xi32>
        %gather3A_1255 = tpu.vector_load_idx %arg18[%add3A_1254] : memref<272xf32, #tpu.memory_space<vmem>>[vector<16xi32>], vector<16xf32>,
        %add3A_1256 = arith.addf %gather3A_1246, %gather3A_1255 : vector<16xf32>
        %add3A_1257 = arith.constant 4 : i32
        %add3A_1258 = vector.broadcast %add3A_1257 : i32 to vector<16xi32>
        %add3A_1259 = arith.addi %mul3A_34, %add3A_1258 : vector<16xi32>
        %gather3A_1260 = tpu.vector_load_idx %arg18[%add3A_1259] : memref<272xf32, #tpu.memory_space<vmem>>[vector<16xi32>], vector<16xf32>,
        %add3A_1261 = arith.addf %add3A_1251, %gather3A_1260 : vector<16xf32>
        %add3A_1262 = arith.constant 5 : i32
        %add3A_1263 = vector.broadcast %add3A_1262 : i32 to vector<16xi32>
        %add3A_1264 = arith.addi %mul3A_34, %add3A_1263 : vector<16xi32>
        %gather3A_1265 = tpu.vector_load_idx %arg18[%add3A_1264] : memref<272xf32, #tpu.memory_space<vmem>>[vector<16xi32>], vector<16xf32>,
        %add3A_1266 = arith.addf %add3A_1256, %gather3A_1265 : vector<16xf32>
        %add3A_1267 = arith.constant 6 : i32
        %add3A_1268 = vector.broadcast %add3A_1267 : i32 to vector<16xi32>
        %add3A_1269 = arith.addi %mul3A_34, %add3A_1268 : vector<16xi32>
        %gather3A_1270 = tpu.vector_load_idx %arg18[%add3A_1269] : memref<272xf32, #tpu.memory_space<vmem>>[vector<16xi32>], vector<16xf32>,
        %add3A_1271 = arith.addf %add3A_1261, %gather3A_1270 : vector<16xf32>
        %add3A_1272 = arith.constant 7 : i32
        %add3A_1273 = vector.broadcast %add3A_1272 : i32 to vector<16xi32>
        %add3A_1274 = arith.addi %mul3A_34, %add3A_1273 : vector<16xi32>
        %gather3A_1275 = tpu.vector_load_idx %arg18[%add3A_1274] : memref<272xf32, #tpu.memory_space<vmem>>[vector<16xi32>], vector<16xf32>,
        %add3A_1276 = arith.addf %add3A_1266, %gather3A_1275 : vector<16xf32>
        %add3A_1277 = arith.constant 8 : i32
        %add3A_1278 = vector.broadcast %add3A_1277 : i32 to vector<16xi32>
        %add3A_1279 = arith.addi %mul3A_34, %add3A_1278 : vector<16xi32>
        %gather3A_1280 = tpu.vector_load_idx %arg18[%add3A_1279] : memref<272xf32, #tpu.memory_space<vmem>>[vector<16xi32>], vector<16xf32>,
        %add3A_1281 = arith.addf %add3A_1271, %gather3A_1280 : vector<16xf32>
        %add3A_1282 = arith.constant 9 : i32
        %add3A_1283 = vector.broadcast %add3A_1282 : i32 to vector<16xi32>
        %add3A_1284 = arith.addi %mul3A_34, %add3A_1283 : vector<16xi32>
        %gather3A_1285 = tpu.vector_load_idx %arg18[%add3A_1284] : memref<272xf32, #tpu.memory_space<vmem>>[vector<16xi32>], vector<16xf32>,
        %add3A_1286 = arith.addf %add3A_1276, %gather3A_1285 : vector<16xf32>
        %add3A_1287 = arith.constant 10 : i32
        %add3A_1288 = vector.broadcast %add3A_1287 : i32 to vector<16xi32>
        %add3A_1289 = arith.addi %mul3A_34, %add3A_1288 : vector<16xi32>
        %gather3A_1290 = tpu.vector_load_idx %arg18[%add3A_1289] : memref<272xf32, #tpu.memory_space<vmem>>[vector<16xi32>], vector<16xf32>,
        %add3A_1291 = arith.addf %add3A_1281, %gather3A_1290 : vector<16xf32>
        %add3A_1292 = arith.constant 11 : i32
        %add3A_1293 = vector.broadcast %add3A_1292 : i32 to vector<16xi32>
        %add3A_1294 = arith.addi %mul3A_34, %add3A_1293 : vector<16xi32>
        %gather3A_1295 = tpu.vector_load_idx %arg18[%add3A_1294] : memref<272xf32, #tpu.memory_space<vmem>>[vector<16xi32>], vector<16xf32>,
        %add3A_1296 = arith.addf %add3A_1286, %gather3A_1295 : vector<16xf32>
        %add3A_1297 = arith.constant 12 : i32
        %add3A_1298 = vector.broadcast %add3A_1297 : i32 to vector<16xi32>
        %add3A_1299 = arith.addi %mul3A_34, %add3A_1298 : vector<16xi32>
        %gather3A_1300 = tpu.vector_load_idx %arg18[%add3A_1299] : memref<272xf32, #tpu.memory_space<vmem>>[vector<16xi32>], vector<16xf32>,
        %add3A_1301 = arith.addf %add3A_1291, %gather3A_1300 : vector<16xf32>
        %add3A_1302 = arith.constant 13 : i32
        %add3A_1303 = vector.broadcast %add3A_1302 : i32 to vector<16xi32>
        %add3A_1304 = arith.addi %mul3A_34, %add3A_1303 : vector<16xi32>
        %gather3A_1305 = tpu.vector_load_idx %arg18[%add3A_1304] : memref<272xf32, #tpu.memory_space<vmem>>[vector<16xi32>], vector<16xf32>,
        %add3A_1306 = arith.addf %add3A_1296, %gather3A_1305 : vector<16xf32>
        %add3A_1307 = arith.constant 14 : i32
        %add3A_1308 = vector.broadcast %add3A_1307 : i32 to vector<16xi32>
        %add3A_1309 = arith.addi %mul3A_34, %add3A_1308 : vector<16xi32>
        %gather3A_1310 = tpu.vector_load_idx %arg18[%add3A_1309] : memref<272xf32, #tpu.memory_space<vmem>>[vector<16xi32>], vector<16xf32>,
        %add3A_1311 = arith.addf %add3A_1301, %gather3A_1310 : vector<16xf32>
        %add3A_1312 = arith.constant 15 : i32
        %add3A_1313 = vector.broadcast %add3A_1312 : i32 to vector<16xi32>
        %add3A_1314 = arith.addi %mul3A_34, %add3A_1313 : vector<16xi32>
        %gather3A_1315 = tpu.vector_load_idx %arg18[%add3A_1314] : memref<272xf32, #tpu.memory_space<vmem>>[vector<16xi32>], vector<16xf32>,
        %add3A_1316 = arith.addf %add3A_1306, %gather3A_1315 : vector<16xf32>
        %add3A_1317 = arith.addf %add3A_1311, %add3A_1316 : vector<16xf32>
        %swap3A = arith.index_cast %mul3A_155 : i32 to index
        %swap3A_1318 = tpu.vector_load %arg17[%swap3A] {strides = array<i32>} : memref<64xf32, #tpu.memory_space<vmem>>, vector<16xf32>,
        tpu.vector_store %arg17[%swap3A], %add3A_1317 {strides = array<i32>} : memref<64xf32, #tpu.memory_space<vmem>>, vector<16xf32>,
      }
      %scan3A_140 = arith.constant 4 : i32
      %mul3A_141 = arith.constant 64 : i32
      %mul3A_142 = arith.muli %add3A_119, %mul3A_141 : i32
      %add3A_143 = arith.addi %mul3A_2, %mul3A_142 : i32
      %dma_start3A_144 = tpu.memref_slice %arg6[%add3A_143] : memref<602112xf32, #tpu.memory_space<hbm>> -> memref<64xf32, #tpu.memory_space<hbm>>
      %dma_start3A_145 = tpu.memref_slice %arg6[%add3A_143] : memref<602112xf32, #tpu.memory_space<hbm>> -> memref<64xf32, #tpu.memory_space<hbm>>
      tpu.enqueue_dma source(%arg17 : memref<64xf32, #tpu.memory_space<vmem>>) target(%dma_start3A_145 : memref<64xf32, #tpu.memory_space<hbm>>) target_semaphore(%arg27 : memref<!tpu.dma_semaphore, #tpu.memory_space<semaphore_mem>>)
      %add3A_146 = arith.constant 3 : i32
      %add3A_147 = arith.addi %add3A_119, %add3A_146 : i32
      %lt3A_148 = arith.constant 294 : i32
      %lt3A_149 = arith.cmpi slt, %add3A_147, %lt3A_148 : i32
      %convert_element_type3A_150 = arith.extui %lt3A_149 : i1 to i32
      %cond3A_151 = arith.constant 0 : i32
      %cond3A_152 = arith.cmpi ne, %convert_element_type3A_150, %cond3A_151 : i32
      scf.if %cond3A_152 {
        %add3A_153 = arith.constant 3 : i32
        %add3A_154 = arith.addi %add3A_119, %add3A_153 : i32
        %mul3A_155 = arith.constant 64 : i32
        %mul3A_156 = arith.muli %add3A_154, %mul3A_155 : i32
        %mul3A_157 = arith.constant 64 : i32
        %mul3A_158 = arith.muli %add3A_154, %mul3A_157 : i32
        %dma_start3A_159 = tpu.memref_slice %arg7[%mul3A_156] : memref<18816xi32, #tpu.memory_space<vmem>> -> memref<64xi32, #tpu.memory_space<vmem>>
        %dma_start3A_160 = arith.constant 0 : i32
        %dma_start3A_161 = arith.constant 0 : i32
        %dma_start3A_162 = tpu.memref_slice %arg2[%dma_start3A_160, %dma_start3A_161] : memref<100000x128xf32, #tpu.memory_space<hbm>> -> memref<100000x128xf32, #tpu.memory_space<hbm>>
        tpu.enqueue_indirect_dma source(%dma_start3A_162 : memref<100000x128xf32, #tpu.memory_space<hbm>>) target(%arg11 : memref<64x128xf32, #tpu.memory_space<vmem>>) offsets(%dma_start3A_159 : memref<64xi32, #tpu.memory_space<vmem>>) semaphore(%arg21 : memref<!tpu.dma_semaphore, #tpu.memory_space<semaphore_mem>>)
        %dma_start3A_163 = tpu.memref_slice %arg8[%mul3A_158] : memref<18816xi32, #tpu.memory_space<vmem>> -> memref<64xi32, #tpu.memory_space<vmem>>
        %dma_start3A_164 = arith.constant 0 : i32
        %dma_start3A_165 = arith.constant 0 : i32
        %dma_start3A_166 = tpu.memref_slice %arg3[%dma_start3A_164, %dma_start3A_165] : memref<100000x128xf32, #tpu.memory_space<hbm>> -> memref<100000x128xf32, #tpu.memory_space<hbm>>
        tpu.enqueue_indirect_dma source(%dma_start3A_166 : memref<100000x128xf32, #tpu.memory_space<hbm>>) target(%arg14 : memref<64x128xf32, #tpu.memory_space<vmem>>) offsets(%dma_start3A_163 : memref<64xi32, #tpu.memory_space<vmem>>) semaphore(%arg24 : memref<!tpu.dma_semaphore, #tpu.memory_space<semaphore_mem>>)
      } else {
      }
    }
    %scan3A_39 = arith.constant 98 : i32
    %dma_wait3A = tpu.memref_slice %arg6[%mul3A_2] : memref<602112xf32, #tpu.memory_space<hbm>> -> memref<64xf32, #tpu.memory_space<hbm>>
    %dma_wait3A_40 = tpu.memref_slice %arg6[%mul3A_2] : memref<602112xf32, #tpu.memory_space<hbm>> -> memref<64xf32, #tpu.memory_space<hbm>>
    tpu.wait_dma2 semaphore(%arg25 : memref<!tpu.dma_semaphore, #tpu.memory_space<semaphore_mem>>) src(%arg15 : memref<64xf32, #tpu.memory_space<vmem>>) dst(%dma_wait3A_40 : memref<64xf32, #tpu.memory_space<hbm>>)
    %dma_wait3A_41 = tpu.memref_slice %arg6[%mul3A_2] : memref<602112xf32, #tpu.memory_space<hbm>> -> memref<64xf32, #tpu.memory_space<hbm>>
    %dma_wait3A_42 = tpu.memref_slice %arg6[%mul3A_2] : memref<602112xf32, #tpu.memory_space<hbm>> -> memref<64xf32, #tpu.memory_space<hbm>>
    tpu.wait_dma2 semaphore(%arg26 : memref<!tpu.dma_semaphore, #tpu.memory_space<semaphore_mem>>) src(%arg16 : memref<64xf32, #tpu.memory_space<vmem>>) dst(%dma_wait3A_42 : memref<64xf32, #tpu.memory_space<hbm>>)
    %dma_wait3A_43 = tpu.memref_slice %arg6[%mul3A_2] : memref<602112xf32, #tpu.memory_space<hbm>> -> memref<64xf32, #tpu.memory_space<hbm>>
    %dma_wait3A_44 = tpu.memref_slice %arg6[%mul3A_2] : memref<602112xf32, #tpu.memory_space<hbm>> -> memref<64xf32, #tpu.memory_space<hbm>>
    tpu.wait_dma2 semaphore(%arg27 : memref<!tpu.dma_semaphore, #tpu.memory_space<semaphore_mem>>) src(%arg17 : memref<64xf32, #tpu.memory_space<vmem>>) dst(%dma_wait3A_44 : memref<64xf32, #tpu.memory_space<hbm>>)
    return
  }
}

</mosaic_0001>

<sc_bundles>
// kernel: _run.3.cloned.1.call-start
scs
__scs_entry_jumppad:
0x0: {  	(pc) =	sbr.rel $0x88, $3  }
0x1: {  	(tag) =	ssettag $0x0;
	lr =	simm.s32 $0x1  }
0x2: {  	[smem:$0x3F9D] =	sst lr;
	_ =	strace $0xD0000000  }
0x3: {  	_ = 	snop  }
0x4: {  	_ = 	snop  }
0x5: {  	_ = 	snop  }
0x6: {  	_ = 	snop  }
0x7: {  	_ = 	snop  }
__scs_overlays_trampoline_lowered:
0x8: {  	[smem:$0x3FAC] =	sst s0  }
0x9: {  	[smem:$0x3FAD] =	sst s1  }
0xa: {  	[smem:$0x3FAE] =	sst s2  }
0xb: {  	[smem:$0x3FAF] =	sst s3  }
0xc: {  	[smem:$0x3FB0] =	sst s4  }
0xd: {  	[smem:$0x3FB1] =	sst s5  }
0xe: {  	[smem:$0x3FB2] =	sst s6  }
0xf: {  	[smem:$0x3FB3] =	sst s7  }
0x10: {  	[smem:$0x3FB4] =	sst s8  }
0x11: {  	[smem:$0x3FB5] =	sst s9;
	s0 =	simm.s32 @!p0 $0x0  }
0x12: {  	s1 =	sld [smem:$0x3F9B];
	s0 =	simm.s32 @p0 $0x1  }
0x13: {  	[smem:$0x3FB6] =	sst s0;
	s0 =	simm.s32 @!p1 $0x0  }
0x14: {  	s2 =	sld [smem:$0x3F9A];
	s0 =	simm.s32 @p1 $0x1  }
0x15: {  	[smem:$0x3FB7] =	sst s0;
	s0 =	simm.s32 @!p2 $0x0  }
0x16: {  	s3 =	sld [smem:$0x3FDB];
	s0 =	simm.s32 @p2 $0x1  }
0x17: {  	s4 =	simm.s32 $0x1BF5;
	[smem:$0x3FB9] =	sst s0  }
0x18: {  	s0 =	sld [smem:$0x3F9C];
	_ =	swait.ge [sflag:s4], $0x0  }
0x19: {  	s7 =	sld [smem:$0x3F9D]  }
0x1a: {  	s8 =	sadd.s32 $0xFFFFE003, lr  }
0x1b: {  	s9 =	sadd.s32 $0xFFFFFEF7, lr;
	s5 =	simm.s32 $0xFFFFFFFF;
	p2 =	slt.u32 s8, $0xFFFFF086  }
0x1c: {  	p1 =	slt.u32 s9, $0xF7A;
	s5 =	simm.s32 @!p2 $0x0  }
0x1d: {  	s5 =	simm.s32 @p1 $0x1;
	p0 =	seq.s32 s7, s2  }
0x1e: {  	s7 =	smul.u32 @!p0 $0xF7A, s2;
	p2 =	seq.s32 @!p0 s5, $0x0  }
0x1f: {  	s9 =	smul.u32 $0xF7A, s1;
	s8 =	simm.s32 @!p0 $0x1BF5;
	p2 =	por !p2, p0  }
0x20: {  	[sflag:s8] =	ssyncset.s32 @!p0 $0xFFFFF086;
	s6 =	sadd.s32 @!p0 s3, s7;
	s7 =	simm.s32 @!p0 $0x108  }
0x21: {  	s3 =	sadd.s32 s3, s9;
	s6 =	sadd.s32 @!p0 $0x88, s6;
	s7 =	simm.s32 @p2 $0x1082  }
0x22: {  	[simem:s7], [sflag:s8] =	dma.local @!p0 [hbm:s6], $0xF7A  }
0x23: {  	s9 =	sor.u32 $0xD0000000, s2;
	s6 =	simm.s32 $0x108;
	_ =	swait.ge @!p0 [sflag:s8], $0x0  }
0x24: {  	s3 =	sadd.s32 $0x88, s3;
	s6 =	simm.s32 @!p1 $0x1082;
	[sflag:s4] =	ssyncset.s32 $0xFFFFF086  }
0x25: {  	[simem:s6], [sflag:s4] =	dma.local [hbm:s3], $0xF7A  }
0x26: {  	[smem:$0x3F9D] =	sst s1;
	(tag) =	ssettag s2;
	_ =	strace s9  }
0x27: {  	s1 =	sld [smem:$0x3FAD]  }
0x28: {  	s2 =	sld [smem:$0x3FAE]  }
0x29: {  	s4 =	sld [smem:$0x3FB0]  }
0x2a: {  	p0 =	seq.s32 s5, $0x0;
	s5 =	sld [smem:$0x3FB1]  }
0x2b: {  	s6 =	sld [smem:$0x3FB2]  }
0x2c: {  	s7 =	sld [smem:$0x3FB3]  }
0x2d: {  	s3 =	simm.s32 $0x108;
	s8 =	sld [smem:$0x3FB4]  }
0x2e: {  	s3 =	simm.s32 @!p0 $0x1082;
	s9 =	sld [smem:$0x3FB5]  }
0x2f: {  	lr =	sadd.s32 s0, s3;
	s0 =	sld [smem:$0x3FAC]  }
0x30: {  	s3 =	sld [smem:$0x3FAF]  }
0x31: {  	[smem:$0x3FB8] =	sst s10  }
0x32: {  	s10 =	sld [smem:$0x3FB6];
	_ =	sdelay $0x3  }
0x33: {  	p0 =	seq.s32 s10, $0x1;
	s10 =	sld [smem:$0x3FB8];
	_ =	sdelay $0x3  }
0x34: {  	[smem:$0x3FB8] =	sst s10  }
0x35: {  	s10 =	sld [smem:$0x3FB7];
	_ =	sdelay $0x3  }
0x36: {  	p1 =	seq.s32 s10, $0x1;
	s10 =	sld [smem:$0x3FB8];
	_ =	sdelay $0x3  }
0x37: {  	[smem:$0x3FB8] =	sst s10  }
0x38: {  	s10 =	sld [smem:$0x3FB9]  }
0x39: {  	_ = 	snop;
	(pc) =	sbr.ind lr, $3  }
0x3a: {  	_ = 	snop  }
0x3b: {  	_ = 	snop  }
0x3c: {  	p2 =	seq.s32 s10, $0x1;
	s10 =	sld [smem:$0x3FB8]  }
0x3d: {  	_ =	shalt  }
0x3e: {  	_ =	shalt  }
0x3f: {  	_ =	shalt  }
0x40: {  	_ =	shalt  }
0x41: {  	_ =	shalt  }
0x42: {  	_ =	shalt  }
0x43: {  	_ =	shalt  }
0x44: {  	_ =	shalt  }
0x45: {  	_ =	shalt  }
0x46: {  	_ =	shalt  }
0x47: {  	_ =	shalt  }
0x48: {  	_ =	shalt  }
0x49: {  	_ =	shalt  }
0x4a: {  	_ =	shalt  }
0x4b: {  	_ =	shalt  }
0x4c: {  	_ =	shalt  }
0x4d: {  	_ =	shalt  }
0x4e: {  	_ =	shalt  }
0x4f: {  	_ =	shalt  }
0x50: {  	_ =	shalt  }
0x51: {  	_ =	shalt  }
0x52: {  	_ =	shalt  }
0x53: {  	_ =	shalt  }
0x54: {  	_ =	shalt  }
0x55: {  	_ =	shalt  }
0x56: {  	_ =	shalt  }
0x57: {  	_ =	shalt  }
0x58: {  	_ =	shalt  }
0x59: {  	_ =	shalt  }
0x5a: {  	_ =	shalt  }
0x5b: {  	_ =	shalt  }
0x5c: {  	_ =	shalt  }
0x5d: {  	_ =	shalt  }
0x5e: {  	_ =	shalt  }
0x5f: {  	_ =	shalt  }
0x60: {  	_ =	shalt  }
0x61: {  	_ =	shalt  }
0x62: {  	_ =	shalt  }
0x63: {  	_ =	shalt  }
0x64: {  	_ =	shalt  }
0x65: {  	_ =	shalt  }
0x66: {  	_ =	shalt  }
0x67: {  	_ =	shalt  }
0x68: {  	_ =	shalt  }
0x69: {  	_ =	shalt  }
0x6a: {  	_ =	shalt  }
0x6b: {  	_ =	shalt  }
0x6c: {  	_ =	shalt  }
0x6d: {  	_ =	shalt  }
0x6e: {  	_ =	shalt  }
0x6f: {  	_ =	shalt  }
0x70: {  	_ =	shalt  }
0x71: {  	_ =	shalt  }
0x72: {  	_ =	shalt  }
0x73: {  	_ =	shalt  }
0x74: {  	_ =	shalt  }
0x75: {  	_ =	shalt  }
0x76: {  	_ =	shalt  }
0x77: {  	_ =	shalt  }
0x78: {  	_ =	shalt  }
0x79: {  	_ =	shalt  }
0x7a: {  	_ =	shalt  }
0x7b: {  	_ =	shalt  }
0x7c: {  	_ =	shalt  }
0x7d: {  	_ =	shalt  }
0x7e: {  	_ =	shalt  }
0x7f: {  	_ =	shalt  }
0x80: {  	_ =	shalt  }
0x81: {  	_ =	shalt  }
0x82: {  	_ =	shalt  }
0x83: {  	_ =	shalt  }
0x84: {  	_ =	shalt  }
0x85: {  	_ =	shalt  }
0x86: {  	_ =	shalt  }
0x87: {  	_ =	shalt  }
.Lfunc_end0:
.L_simem_size_0:
called_computation_lowered:
.L_overlay_start_0:
0x88: {  	s2 =	sld [smem:$0x3FD9]  }
0x89: {  	s3 =	sld [smem:$0x3FFE];
	_ =	sdelay $0x1  }
0x8a: {  	s1 =	srdreg.scid  }
0x8b: {  	s0 =	sand.u32 $0x1, s1  }
0x8c: {  	s18 =	sshll.u32 s0, $0xA;
	s2 =	sadd.s32 s3, s2  }
0x8d: {  	s2 =	sadd.s32 s2, s18  }
0x8e: {  	[smem:$0x3FC4] =	sst s2  }
0x8f: {  	_ = 	snop  }
0x90: {  	s2 =	sld [smem:$0x3FC9]  }
0x91: {  	s19 =	sld [smem:$0x3FC8]  }
0x92: {  	s4 =	sld [smem:$0x3FC7]  }
0x93: {  	s5 =	sld [smem:$0x3FC6]  }
0x94: {  	s6 =	sld [smem:$0x3FD0];
	(tm) =	ssettm $0x1  }
0x95: {  	s7 =	sld [smem:$0x3FFB];
	_ =	sdelay $0x3  }
0x96: {  	_ =	strace s7  }
0x97: {  	s7 =	sld [smem:$0x3FFC];
	_ =	sdelay $0x3  }
0x98: {  	_ =	strace s7  }
0x99: {  	s7 =	sld [smem:$0x3FFD];
	_ =	sdelay $0x3  }
0x9a: {  	_ =	strace s7  }
0x9b: {  	_ =	strace $0x8FFFFFFF  }
0x9c: {  	s20 =	sld [smem:$0x3FDB];
	_ =	sdelay $0x1  }
0x9d: {  	s8 =	simm.s32 $_scs_section_size  }
0x9e: {  	s9 =	simm.s32 $_size__tile_overlayer_lowered;
	s10 =	simm.s32 $_tile_overlayer_lowered  }
0x9f: {  	s23 =	simm.s32 $0x1BFF;
	s22 =	sshll.u32 s10, $0x1;
	s7 =	sadd.s32 s8, s20  }
0xa0: {  	s11 =	simm.s32 $0x0;
	s21 =	sshll.u32 s9, $0x1;
	s9 =	sadd.s32 s22, s7  }
0xa1: {  	[timem:s11], [sflag:s23] =	dma.local [hbm:s9], s21  }
0xa2: {  	_ =	swait.ge [sflag:s23], s21  }
0xa3: {  	s8 =	ssub.s32 $0x0, s21;
	[sflag:s23] =	ssyncset.done $0x0  }
0xa4: {  	[sflag:s23] =	ssyncadd.s32 s8;
	_ =	sdelay $0x1  }
0xa5: {  	s24 =	simm.s32 $0x1B8B  }
0xa6: {  	_ =	swait.ge [sflag:s24], $0x1  }
0xa7: {  	[sflag:s24] =	ssyncset.done $0x0  }
0xa8: {  	s25 =	simm.s32 $0x1B8E;
	[sflag:s24] =	ssyncadd.s32 $0xFFFFFFFF  }
0xa9: {  	s26 =	simm.s32 $execute0_lowered;
	[smem:$0x3FD2] =	sst s25  }
0xaa: {  	s8 =	sshll.u32 s26, $0x1;
	_ =	strace $0x80000046;
	[dreg:$0x1] =	wrdreg $0xFFFFFFFF  }
0xab: {  	s28 =	simm.s32 $_size_execute0_lowered;
	s7 =	sadd.s32 s7, s8;
	[dreg:$0x0] =	wrdreg $0x0  }
0xac: {  	s8 =	sshll.u32 s28, $0x1;
	[dreg:$0x2] =	wrdreg s7  }
0xad: {  	[dreg:$0x3] =	wrdreg s8  }
0xae: {  	[dreg:$0x4] =	wrdreg $0xC0  }
0xaf: {  	_ =	task [dreg:s11], $0x5FFFF  }
0xb0: {  	[dreg:$0x1] =	wrdreg $0xFFFFFFFF  }
0xb1: {  	[dreg:$0x0] =	wrdreg $0x60  }
0xb2: {  	[dreg:$0x2] =	wrdreg s2  }
0xb3: {  	[dreg:$0x3] =	wrdreg s19  }
0xb4: {  	[dreg:$0x4] =	wrdreg s4  }
0xb5: {  	[dreg:$0x5] =	wrdreg s5  }
0xb6: {  	[dreg:$0x6] =	wrdreg s6  }
0xb7: {  	[dreg:$0x7] =	wrdreg $0x9  }
0xb8: {  	_ =	task.clear_ibuf [dreg:s11], $0x8FFFF;
	_ =	strace $0x90000046  }
0xb9: {  	s29 =	simm.s32 $0x9;
	_ =	strace $0x80000048  }
0xba: {  	_ =	swait.ge [sflag:s29], $0x1  }
0xbb: {  	[sflag:s29] =	ssyncadd.s32 $0xFFFFFFFF  }
0xbc: {  	_ =	strace $0x90000048  }
0xbd: {  	_ =	sfence  }
0xbe: {  	s30 =	sld [smem:$0x0];
	_ =	sdelay $0x2  }
0xbf: {  	s31 =	sshll.u32 s1, $0xD;
	s1 =	sshrl.u32 s1, $0x2  }
0xc0: {  	s3 =	sand.u32 $0x4000, s31;
	s1 =	sadd.s32 s1, s30  }
0xc1: {  	s0 =	sor.u32 s3, s0;
	s1 =	sshll.u32 s1, $0x11  }
0xc2: {  	s0 =	sor.u32 s1, s0  }
0xc3: {  	s0 =	sadd.s32 $0x8F2B, s0  }
0xc4: {  	[sflag:s0] =	ssyncadd.remote.s32 $0x1  }
0xc5: {  	_ =	sfence.sel $0xFFFF  }
0xc6: {  	[dreg:$0x0] =	wrdreg $0xFFFFFFFF;
	(pc) =	sbr.abs _section_cstart, $3  }
0xc7: {  	[dreg:$0x1] =	wrdreg $0xFFFFFFFF  }
0xc8: {  	_ =	task.clear_ibuf [dreg:s11], $0x2FFFF;
	_ =	strace $0x9FFFFFFF  }
0xc9: {  	(tm) =	ssettm $0x7FFFFFFF  }
tec
execute0_lowered:
.L_overlay_start_1:
0x0: {  	(tag) =	ssettag $0x1  }
0x1: {  	s1 =	rddreg [dreg:$0x0]  }
0x2: {  	s2 =	rddreg [dreg:$0x1];
	s0 =	srdreg.scid  }
0x3: {  	s4 =	stileid.u32;
	s3 =	rddreg [dreg:$0x2]  }
0x4: {  	s7 =	rddreg [dreg:$0x3];
	s6 =	simm.s32 $0x0;
	s12 =	simm.s32 $0xA  }
0x5: {  	v0 =	vlaneseq.u32;
	s14 =	simm.s32 $0x40;
	s21 =	simm.s32 $0xD300;
	s23 =	simm.s32 $0x13300  }
0x6: {  	s24 =	simm.s32 $0x1;
	s25 =	simm.s32 $0x4;
	s28 =	simm.s32 $0x15300;
	v1 =	vadd.s32 $0x11, v0  }
0x7: {  	s29 =	simm.s32 $0x2;
	s30 =	simm.s32 $0x5;
	s31 =	simm.s32 $0x15380;
	v2 =	vadd.s32 $0x22, v0;
	v3 =	vadd.s32 $0x33, v0;
	v4 =	vadd.s32 $0x44, v0  }
0x8: {  	s15 =	simm.s32 $0x15400;
	s16 =	simm.s32 $0x7;
	s17 =	simm.s32 $0x8;
	v5 =	vadd.s32 $0x55, v0;
	v6 =	vadd.s32 $0x66, v0;
	v7 =	vadd.s32 $0x77, v0  }
0x9: {  	s18 =	simm.s32 $0x9;
	s0 =	sand.u32 $0x1, s0;
	s4 =	sshll.u32 s4, $0x1;
	v8 =	vadd.s32 $0x88, v0;
	v9 =	vadd.s32 $0x99, v0;
	v10 =	vadd.s32 $0xAA, v0  }
0xa: {  	s19 =	simm.s32 $0x0;
	[smem:$0x7FF] =	sst s6;
	v11 =	vadd.s32 $0xBB, v0;
	v12 =	vadd.s32 $0xCC, v0;
	v13 =	vmul.u32 $0x11, v0;
	s5 =	sor.u32 s0, s4  }
0xb: {  	v14 =	vadd.s32 $0xDD, v0;
	v15 =	vadd.s32 $0xEE, v0;
	v16 =	vadd.s32 $0xFF, v0;
	s4 =	rddreg [dreg:$0x4];
	s0 =	ssub.s32 $0x2, s0;
	s5 =	smul.u32 $0x4980, s5  }
.Ltmp0:
0xc: {  	_ =	strace $0x80000047;
	s8 =	sshrl.u32 s0, $0x1;
	v17 =	vadd.s32 $0x1, v13;
	v18 =	vadd.s32 $0x2, v13;
	v19 =	vadd.s32 $0x3, v13;
	(pc) =	sbr.rel .LBB2_1-.Ltmp0, $4  }
0xd: {  	v20 =	vadd.s32 $0x4, v13;
	v21 =	vadd.s32 $0x5, v13;
	v22 =	vadd.s32 $0x6, v13;
	s0 =	ssub.s32 s0, s8;
	s9 =	sshrl.u32 s5, $0x3;
	s10 =	sadd.s32 $0x80, s5  }
0xe: {  	v23 =	vadd.s32 $0x7, v13;
	v24 =	vadd.s32 $0x8, v13;
	v25 =	vadd.s32 $0x9, v13;
	s11 =	smax.u32 s0, $0x1;
	s0 =	simm.s32 $0x6;
	s3 =	sadd.s32 s3, s9  }
0xf: {  	v26 =	vadd.s32 $0xA, v13;
	v27 =	vadd.s32 $0xB, v13;
	v28 =	vadd.s32 $0xC, v13;
	s26 =	sadd.s32 s7, s9;
	s9 =	sor.u32 $0x40, s5;
	[dreg:$0x6] =	wrdreg s3  }
0x10: {  	v29 =	vadd.s32 $0xD, v13;
	v30 =	vadd.s32 $0xE, v13;
	v31 =	vadd.s32 $0xF, v13;
	[dreg:$0x7] =	wrdreg s26;
	s26 =	simm.s32 $0x15480;
	s3 =	simm.s32 $0x3  }
.LBB2_10:
0x11: {  	_ =	swait.ge [sflag:s16], $0x40  }
0x12: {  	[sflag:s16] =	ssyncset.done $0x0  }
0x13: {  	s19 =	sadd.s32 $0x1, s19;
	[sflag:s16] =	ssyncadd.s32 $0xFFFFFFC0  }
0x14: {  	p0 =	sne.s32 s19, s11;
	_ =	swait.ge [sflag:s17], $0x40  }
.Ltmp1:
0x15: {  	[sflag:s17] =	ssyncset.done $0x0;
	(pc) =	sbr.rel @!p0 .LBB2_11-.Ltmp1, $4  }
0x16: {  	[sflag:s17] =	ssyncadd.s32 $0xFFFFFFC0  }
0x17: {  	_ =	swait.ge [sflag:s18], $0x40  }
0x18: {  	[sflag:s18] =	ssyncset.done $0x0  }
0x19: {  	[sflag:s18] =	ssyncadd.s32 $0xFFFFFFC0  }
.LBB2_1:
0x1a: {  	s7 =	rddreg [dreg:$0x6]  }
0x1b: {  	[tilespmem:s6], [sflag:$0xA] =	stream.linear.gather [hbm4b:s7+s6], $0x4980, $0x38;
	[tilespmem:$0x15600] =	vst v63  }
0x1c: {  	_ =	swait.ge [sflag:s12], $0x4980  }
0x1d: {  	[sflag:s12] =	ssyncset.done $0x0  }
0x1e: {  	s8 =	simm.s32 $0x4980;
	s22 =	rddreg [dreg:$0x7];
	[sflag:s12] =	ssyncadd.s32 $0xFFFFB680  }
0x1f: {  	[tilespmem:s8], [sflag:$0xA] =	stream.linear.gather [hbm4b:s22+s6], $0x4980, $0x38;
	[tilespmem:$0x15600] =	vst v63  }
0x20: {  	_ =	swait.ge [sflag:s12], $0x4980  }
0x21: {  	[sflag:s12] =	ssyncset.done $0x0  }
0x22: {  	s13 =	simm.s32 $0x9300;
	[sflag:s12] =	ssyncadd.s32 $0xFFFFB680  }
0x23: {  	[tilespmem:s13], [sflag:$0x1] =	stream.indirect.gather [hbm4b:s1+s14], $0x80, s6, s14, $0xb8;
	[tilespmem:$0x15600] =	vst v63  }
0x24: {  	s20 =	simm.s32 $0xF300  }
0x25: {  	[tilespmem:s20], [sflag:$0x4] =	stream.indirect.gather [hbm4b:s2+s14], $0x80, s8, s14, $0xb8;
	[tilespmem:$0x15600] =	vst v63  }
0x26: {  	s22 =	simm.s32 $0xB300  }
0x27: {  	[tilespmem:s22], [sflag:$0x2] =	stream.indirect.gather [hbm4b:s1+s14], $0x80, s14, s14, $0xb8;
	[tilespmem:$0x15600] =	vst v63  }
0x28: {  	s13 =	simm.s32 $0x11300;
	s8 =	simm.s32 $0x49C0  }
0x29: {  	[tilespmem:s13], [sflag:$0x5] =	stream.indirect.gather [hbm4b:s2+s14], $0x80, s8, s14, $0xb8;
	[tilespmem:$0x15600] =	vst v63  }
0x2a: {  	s20 =	simm.s32 $0x80  }
0x2b: {  	[tilespmem:s21], [sflag:$0x3] =	stream.indirect.gather [hbm4b:s1+s14], $0x80, s20, s14, $0xb8;
	[tilespmem:$0x15600] =	vst v63  }
0x2c: {  	s22 =	simm.s32 $0x4A00;
	s20 =	simm.s32 $0x0  }
0x2d: {  	[tilespmem:s23], [sflag:$0x6] =	stream.indirect.gather [hbm4b:s2+s14], $0x80, s22, s14, $0xb8;
	[tilespmem:$0x15600] =	vst v63  }
.LBB2_2:
0x2e: {  	_ =	swait.ge [sflag:s24], $0x2000  }
0x2f: {  	[sflag:s24] =	ssyncset.done $0x0  }
0x30: {  	[sflag:s24] =	ssyncadd.s32 $0xFFFFE000  }
0x31: {  	_ =	swait.ge [sflag:s25], $0x2000  }
0x32: {  	p0 =	seq.s32 s20, $0x0;
	[sflag:s25] =	ssyncset.done $0x0  }
0x33: {  	s7 =	simm.s32 @!p0 $0x7;
	[sflag:s25] =	ssyncadd.s32 $0xFFFFE000  }
0x34: {  	_ =	swait.ge @!p0 [sflag:s7], $0x40  }
0x35: {  	[sflag:s7] =	ssyncset.done @!p0 $0x0  }
0x36: {  	s22 =	simm.s32 $0x0;
	[sflag:s7] =	ssyncadd.s32 @!p0 $0xFFFFFFC0  }
.LBB2_3:
0x37: {  	s13 =	sshll.u32 s22, $0xB  }
0x38: {  	v32 =	vld [tilespmem:s13+$0x9300]  }
0x39: {  	v33 =	vld [tilespmem:s13+$0xF300]  }
0x3a: {  	v34 =	vld [tilespmem:s13+$0x9310]  }
0x3b: {  	v35 =	vld [tilespmem:s13+$0xF310]  }
0x3c: {  	v36 =	vld [tilespmem:s13+$0x9320]  }
0x3d: {  	v37 =	vld [tilespmem:s13+$0xF320]  }
0x3e: {  	v38 =	vld [tilespmem:s13+$0x9330]  }
0x3f: {  	v39 =	vld [tilespmem:s13+$0xF330]  }
0x40: {  	v40 =	vld [tilespmem:s13+$0x9340]  }
0x41: {  	v41 =	vld [tilespmem:s13+$0xF340]  }
0x42: {  	v42 =	vld [tilespmem:s13+$0x9350]  }
0x43: {  	v43 =	vld [tilespmem:s13+$0xF350]  }
0x44: {  	v44 =	vld [tilespmem:s13+$0x9360]  }
0x45: {  	v45 =	vld [tilespmem:s13+$0xF360]  }
0x46: {  	v46 =	vld [tilespmem:s13+$0x9370]  }
0x47: {  	v63 =	vld [tilespmem:s13+$0xF370];
	v32 =	vmul.f32 v33, v32;
	v62 =	vmul.f32 v37, v36  }
0x48: {  	v34 =	vmul.f32 v35, v34;
	v39 =	vmul.f32 v39, v38  }
0x49: {  	v41 =	vmul.f32 v41, v40  }
0x4a: {  	v42 =	vmul.f32 v43, v42;
	v32 =	vadd.f32 v62, v32;
	v34 =	vadd.f32 v39, v34  }
0x4b: {  	v45 =	vmul.f32 v45, v44  }
0x4c: {  	v47 =	vmul.f32 v63, v46;
	v32 =	vadd.f32 v41, v32;
	v43 =	vadd.f32 v42, v34;
	_ =	sdelay $0x1  }
0x4d: {  	v32 =	vadd.f32 v45, v32;
	v33 =	vadd.f32 v47, v43;
	_ =	sdelay $0x1  }
0x4e: {  	v32 =	vadd.f32 v33, v32;
	_ =	sdelay $0x1  }
0x4f: {  	[tilespmem:v0+s26+$0x0] =	vst.idx.msk $0xffff, v32  }
0x50: {  	v32 =	vld [tilespmem:s13+$0x9380]  }
0x51: {  	v48 =	vld [tilespmem:s13+$0xF380]  }
0x52: {  	v49 =	vld [tilespmem:s13+$0x9390]  }
0x53: {  	v50 =	vld [tilespmem:s13+$0xF390]  }
0x54: {  	v51 =	vld [tilespmem:s13+$0x93A0]  }
0x55: {  	v52 =	vld [tilespmem:s13+$0xF3A0]  }
0x56: {  	v53 =	vld [tilespmem:s13+$0x93B0]  }
0x57: {  	v54 =	vld [tilespmem:s13+$0xF3B0]  }
0x58: {  	v55 =	vld [tilespmem:s13+$0x93C0]  }
0x59: {  	v56 =	vld [tilespmem:s13+$0xF3C0]  }
0x5a: {  	v57 =	vld [tilespmem:s13+$0x93D0]  }
0x5b: {  	v58 =	vld [tilespmem:s13+$0xF3D0]  }
0x5c: {  	v59 =	vld [tilespmem:s13+$0x93E0]  }
0x5d: {  	v60 =	vld [tilespmem:s13+$0xF3E0]  }
0x5e: {  	v61 =	vld [tilespmem:s13+$0x93F0]  }
0x5f: {  	v63 =	vld [tilespmem:s13+$0xF3F0];
	v32 =	vmul.f32 v48, v32;
	v62 =	vmul.f32 v52, v51  }
0x60: {  	v34 =	vmul.f32 v50, v49;
	v39 =	vmul.f32 v54, v53  }
0x61: {  	v41 =	vmul.f32 v56, v55  }
0x62: {  	v42 =	vmul.f32 v58, v57;
	v32 =	vadd.f32 v62, v32;
	v34 =	vadd.f32 v39, v34  }
0x63: {  	v45 =	vmul.f32 v60, v59  }
0x64: {  	v47 =	vmul.f32 v63, v61;
	v32 =	vadd.f32 v41, v32;
	v43 =	vadd.f32 v42, v34;
	_ =	sdelay $0x1  }
0x65: {  	v32 =	vadd.f32 v45, v32;
	v33 =	vadd.f32 v47, v43;
	_ =	sdelay $0x1  }
0x66: {  	v32 =	vadd.f32 v33, v32;
	_ =	sdelay $0x1  }
0x67: {  	[tilespmem:v1+s26+$0x0] =	vst.idx.msk $0xffff, v32  }
0x68: {  	v32 =	vld [tilespmem:s13+$0x9400]  }
0x69: {  	v48 =	vld [tilespmem:s13+$0xF400]  }
0x6a: {  	v49 =	vld [tilespmem:s13+$0x9410]  }
0x6b: {  	v50 =	vld [tilespmem:s13+$0xF410]  }
0x6c: {  	v51 =	vld [tilespmem:s13+$0x9420]  }
0x6d: {  	v52 =	vld [tilespmem:s13+$0xF420]  }
0x6e: {  	v53 =	vld [tilespmem:s13+$0x9430]  }
0x6f: {  	v54 =	vld [tilespmem:s13+$0xF430]  }
0x70: {  	v55 =	vld [tilespmem:s13+$0x9440]  }
0x71: {  	v56 =	vld [tilespmem:s13+$0xF440]  }
0x72: {  	v57 =	vld [tilespmem:s13+$0x9450]  }
0x73: {  	v58 =	vld [tilespmem:s13+$0xF450]  }
0x74: {  	v59 =	vld [tilespmem:s13+$0x9460]  }
0x75: {  	v60 =	vld [tilespmem:s13+$0xF460]  }
0x76: {  	v61 =	vld [tilespmem:s13+$0x9470]  }
0x77: {  	v63 =	vld [tilespmem:s13+$0xF470];
	v32 =	vmul.f32 v48, v32;
	v62 =	vmul.f32 v52, v51  }
0x78: {  	v34 =	vmul.f32 v50, v49;
	v39 =	vmul.f32 v54, v53  }
0x79: {  	v41 =	vmul.f32 v56, v55  }
0x7a: {  	v42 =	vmul.f32 v58, v57;
	v32 =	vadd.f32 v62, v32;
	v34 =	vadd.f32 v39, v34  }
0x7b: {  	v45 =	vmul.f32 v60, v59  }
0x7c: {  	v47 =	vmul.f32 v63, v61;
	v32 =	vadd.f32 v41, v32;
	v43 =	vadd.f32 v42, v34;
	_ =	sdelay $0x1  }
0x7d: {  	v32 =	vadd.f32 v45, v32;
	v33 =	vadd.f32 v47, v43;
	_ =	sdelay $0x1  }
0x7e: {  	v32 =	vadd.f32 v33, v32;
	_ =	sdelay $0x1  }
0x7f: {  	[tilespmem:v2+s26+$0x0] =	vst.idx.msk $0xffff, v32  }
0x80: {  	v32 =	vld [tilespmem:s13+$0x9480]  }
0x81: {  	v48 =	vld [tilespmem:s13+$0xF480]  }
0x82: {  	v49 =	vld [tilespmem:s13+$0x9490]  }
0x83: {  	v50 =	vld [tilespmem:s13+$0xF490]  }
0x84: {  	v51 =	vld [tilespmem:s13+$0x94A0]  }
0x85: {  	v52 =	vld [tilespmem:s13+$0xF4A0]  }
0x86: {  	v53 =	vld [tilespmem:s13+$0x94B0]  }
0x87: {  	v54 =	vld [tilespmem:s13+$0xF4B0]  }
0x88: {  	v55 =	vld [tilespmem:s13+$0x94C0]  }
0x89: {  	v56 =	vld [tilespmem:s13+$0xF4C0]  }
0x8a: {  	v57 =	vld [tilespmem:s13+$0x94D0]  }
0x8b: {  	v58 =	vld [tilespmem:s13+$0xF4D0]  }
0x8c: {  	v59 =	vld [tilespmem:s13+$0x94E0]  }
0x8d: {  	v60 =	vld [tilespmem:s13+$0xF4E0]  }
0x8e: {  	v61 =	vld [tilespmem:s13+$0x94F0]  }
0x8f: {  	v63 =	vld [tilespmem:s13+$0xF4F0];
	v32 =	vmul.f32 v48, v32;
	v62 =	vmul.f32 v52, v51  }
0x90: {  	v34 =	vmul.f32 v50, v49;
	v39 =	vmul.f32 v54, v53  }
0x91: {  	v41 =	vmul.f32 v56, v55  }
0x92: {  	v42 =	vmul.f32 v58, v57;
	v32 =	vadd.f32 v62, v32;
	v34 =	vadd.f32 v39, v34  }
0x93: {  	v45 =	vmul.f32 v60, v59  }
0x94: {  	v47 =	vmul.f32 v63, v61;
	v32 =	vadd.f32 v41, v32;
	v43 =	vadd.f32 v42, v34;
	_ =	sdelay $0x1  }
0x95: {  	v32 =	vadd.f32 v45, v32;
	v33 =	vadd.f32 v47, v43;
	_ =	sdelay $0x1  }
0x96: {  	v32 =	vadd.f32 v33, v32;
	_ =	sdelay $0x1  }
0x97: {  	[tilespmem:v3+s26+$0x0] =	vst.idx.msk $0xffff, v32  }
0x98: {  	v32 =	vld [tilespmem:s13+$0x9500]  }
0x99: {  	v48 =	vld [tilespmem:s13+$0xF500]  }
0x9a: {  	v49 =	vld [tilespmem:s13+$0x9510]  }
0x9b: {  	v50 =	vld [tilespmem:s13+$0xF510]  }
0x9c: {  	v51 =	vld [tilespmem:s13+$0x9520]  }
0x9d: {  	v52 =	vld [tilespmem:s13+$0xF520]  }
0x9e: {  	v53 =	vld [tilespmem:s13+$0x9530]  }
0x9f: {  	v54 =	vld [tilespmem:s13+$0xF530]  }
0xa0: {  	v55 =	vld [tilespmem:s13+$0x9540]  }
0xa1: {  	v56 =	vld [tilespmem:s13+$0xF540]  }
0xa2: {  	v57 =	vld [tilespmem:s13+$0x9550]  }
0xa3: {  	v58 =	vld [tilespmem:s13+$0xF550]  }
0xa4: {  	v59 =	vld [tilespmem:s13+$0x9560]  }
0xa5: {  	v60 =	vld [tilespmem:s13+$0xF560]  }
0xa6: {  	v61 =	vld [tilespmem:s13+$0x9570]  }
0xa7: {  	v63 =	vld [tilespmem:s13+$0xF570];
	v32 =	vmul.f32 v48, v32;
	v62 =	vmul.f32 v52, v51  }
0xa8: {  	v34 =	vmul.f32 v50, v49;
	v39 =	vmul.f32 v54, v53  }
0xa9: {  	v41 =	vmul.f32 v56, v55  }
0xaa: {  	v42 =	vmul.f32 v58, v57;
	v32 =	vadd.f32 v62, v32;
	v34 =	vadd.f32 v39, v34  }
0xab: {  	v45 =	vmul.f32 v60, v59  }
0xac: {  	v47 =	vmul.f32 v63, v61;
	v32 =	vadd.f32 v41, v32;
	v43 =	vadd.f32 v42, v34;
	_ =	sdelay $0x1  }
0xad: {  	v32 =	vadd.f32 v45, v32;
	v33 =	vadd.f32 v47, v43;
	_ =	sdelay $0x1  }
0xae: {  	v32 =	vadd.f32 v33, v32;
	_ =	sdelay $0x1  }
0xaf: {  	[tilespmem:v4+s26+$0x0] =	vst.idx.msk $0xffff, v32  }
0xb0: {  	v32 =	vld [tilespmem:s13+$0x9580]  }
0xb1: {  	v48 =	vld [tilespmem:s13+$0xF580]  }
0xb2: {  	v49 =	vld [tilespmem:s13+$0x9590]  }
0xb3: {  	v50 =	vld [tilespmem:s13+$0xF590]  }
0xb4: {  	v51 =	vld [tilespmem:s13+$0x95A0]  }
0xb5: {  	v52 =	vld [tilespmem:s13+$0xF5A0]  }
0xb6: {  	v53 =	vld [tilespmem:s13+$0x95B0]  }
0xb7: {  	v54 =	vld [tilespmem:s13+$0xF5B0]  }
0xb8: {  	v55 =	vld [tilespmem:s13+$0x95C0]  }
0xb9: {  	v56 =	vld [tilespmem:s13+$0xF5C0]  }
0xba: {  	v57 =	vld [tilespmem:s13+$0x95D0]  }
0xbb: {  	v58 =	vld [tilespmem:s13+$0xF5D0]  }
0xbc: {  	v59 =	vld [tilespmem:s13+$0x95E0]  }
0xbd: {  	v60 =	vld [tilespmem:s13+$0xF5E0]  }
0xbe: {  	v61 =	vld [tilespmem:s13+$0x95F0]  }
0xbf: {  	v63 =	vld [tilespmem:s13+$0xF5F0];
	v32 =	vmul.f32 v48, v32;
	v62 =	vmul.f32 v52, v51  }
0xc0: {  	v34 =	vmul.f32 v50, v49;
	v39 =	vmul.f32 v54, v53  }
0xc1: {  	v41 =	vmul.f32 v56, v55  }
0xc2: {  	v42 =	vmul.f32 v58, v57;
	v32 =	vadd.f32 v62, v32;
	v34 =	vadd.f32 v39, v34  }
0xc3: {  	v45 =	vmul.f32 v60, v59  }
0xc4: {  	v47 =	vmul.f32 v63, v61;
	v32 =	vadd.f32 v41, v32;
	v43 =	vadd.f32 v42, v34;
	_ =	sdelay $0x1  }
0xc5: {  	v32 =	vadd.f32 v45, v32;
	v33 =	vadd.f32 v47, v43;
	_ =	sdelay $0x1  }
0xc6: {  	v32 =	vadd.f32 v33, v32;
	_ =	sdelay $0x1  }
0xc7: {  	[tilespmem:v5+s26+$0x0] =	vst.idx.msk $0xffff, v32  }
0xc8: {  	v32 =	vld [tilespmem:s13+$0x9600]  }
0xc9: {  	v48 =	vld [tilespmem:s13+$0xF600]  }
0xca: {  	v49 =	vld [tilespmem:s13+$0x9610]  }
0xcb: {  	v50 =	vld [tilespmem:s13+$0xF610]  }
0xcc: {  	v51 =	vld [tilespmem:s13+$0x9620]  }
0xcd: {  	v52 =	vld [tilespmem:s13+$0xF620]  }
0xce: {  	v53 =	vld [tilespmem:s13+$0x9630]  }
0xcf: {  	v54 =	vld [tilespmem:s13+$0xF630]  }
0xd0: {  	v55 =	vld [tilespmem:s13+$0x9640]  }
0xd1: {  	v56 =	vld [tilespmem:s13+$0xF640]  }
0xd2: {  	v57 =	vld [tilespmem:s13+$0x9650]  }
0xd3: {  	v58 =	vld [tilespmem:s13+$0xF650]  }
0xd4: {  	v59 =	vld [tilespmem:s13+$0x9660]  }
0xd5: {  	v60 =	vld [tilespmem:s13+$0xF660]  }
0xd6: {  	v61 =	vld [tilespmem:s13+$0x9670]  }
0xd7: {  	v63 =	vld [tilespmem:s13+$0xF670];
	v32 =	vmul.f32 v48, v32;
	v62 =	vmul.f32 v52, v51  }
0xd8: {  	v34 =	vmul.f32 v50, v49;
	v39 =	vmul.f32 v54, v53  }
0xd9: {  	v41 =	vmul.f32 v56, v55  }
0xda: {  	v42 =	vmul.f32 v58, v57;
	v32 =	vadd.f32 v62, v32;
	v34 =	vadd.f32 v39, v34  }
0xdb: {  	v45 =	vmul.f32 v60, v59  }
0xdc: {  	v47 =	vmul.f32 v63, v61;
	v32 =	vadd.f32 v41, v32;
	v43 =	vadd.f32 v42, v34;
	_ =	sdelay $0x1  }
0xdd: {  	v32 =	vadd.f32 v45, v32;
	v33 =	vadd.f32 v47, v43;
	_ =	sdelay $0x1  }
0xde: {  	v32 =	vadd.f32 v33, v32;
	_ =	sdelay $0x1  }
0xdf: {  	[tilespmem:v6+s26+$0x0] =	vst.idx.msk $0xffff, v32  }
0xe0: {  	v32 =	vld [tilespmem:s13+$0x9680]  }
0xe1: {  	v48 =	vld [tilespmem:s13+$0xF680]  }
0xe2: {  	v49 =	vld [tilespmem:s13+$0x9690]  }
0xe3: {  	v50 =	vld [tilespmem:s13+$0xF690]  }
0xe4: {  	v51 =	vld [tilespmem:s13+$0x96A0]  }
0xe5: {  	v52 =	vld [tilespmem:s13+$0xF6A0]  }
0xe6: {  	v53 =	vld [tilespmem:s13+$0x96B0]  }
0xe7: {  	v54 =	vld [tilespmem:s13+$0xF6B0]  }
0xe8: {  	v55 =	vld [tilespmem:s13+$0x96C0]  }
0xe9: {  	v56 =	vld [tilespmem:s13+$0xF6C0]  }
0xea: {  	v57 =	vld [tilespmem:s13+$0x96D0]  }
0xeb: {  	v58 =	vld [tilespmem:s13+$0xF6D0]  }
0xec: {  	v59 =	vld [tilespmem:s13+$0x96E0]  }
0xed: {  	v60 =	vld [tilespmem:s13+$0xF6E0]  }
0xee: {  	v61 =	vld [tilespmem:s13+$0x96F0]  }
0xef: {  	v63 =	vld [tilespmem:s13+$0xF6F0];
	v32 =	vmul.f32 v48, v32;
	v62 =	vmul.f32 v52, v51  }
0xf0: {  	v34 =	vmul.f32 v50, v49;
	v39 =	vmul.f32 v54, v53  }
0xf1: {  	v41 =	vmul.f32 v56, v55  }
0xf2: {  	v42 =	vmul.f32 v58, v57;
	v32 =	vadd.f32 v62, v32;
	v34 =	vadd.f32 v39, v34  }
0xf3: {  	v45 =	vmul.f32 v60, v59  }
0xf4: {  	v47 =	vmul.f32 v63, v61;
	v32 =	vadd.f32 v41, v32;
	v43 =	vadd.f32 v42, v34;
	_ =	sdelay $0x1  }
0xf5: {  	v32 =	vadd.f32 v45, v32;
	v33 =	vadd.f32 v47, v43;
	_ =	sdelay $0x1  }
0xf6: {  	v32 =	vadd.f32 v33, v32;
	_ =	sdelay $0x1  }
0xf7: {  	[tilespmem:v7+s26+$0x0] =	vst.idx.msk $0xffff, v32  }
0xf8: {  	v32 =	vld [tilespmem:s13+$0x9700]  }
0xf9: {  	v48 =	vld [tilespmem:s13+$0xF700]  }
0xfa: {  	v49 =	vld [tilespmem:s13+$0x9710]  }
0xfb: {  	v50 =	vld [tilespmem:s13+$0xF710]  }
0xfc: {  	v51 =	vld [tilespmem:s13+$0x9720]  }
0xfd: {  	v52 =	vld [tilespmem:s13+$0xF720]  }
0xfe: {  	v53 =	vld [tilespmem:s13+$0x9730]  }
0xff: {  	v54 =	vld [tilespmem:s13+$0xF730]  }
0x100: {  	v55 =	vld [tilespmem:s13+$0x9740]  }
0x101: {  	v56 =	vld [tilespmem:s13+$0xF740]  }
0x102: {  	v57 =	vld [tilespmem:s13+$0x9750]  }
0x103: {  	v58 =	vld [tilespmem:s13+$0xF750]  }
0x104: {  	v59 =	vld [tilespmem:s13+$0x9760]  }
0x105: {  	v60 =	vld [tilespmem:s13+$0xF760]  }
0x106: {  	v61 =	vld [tilespmem:s13+$0x9770]  }
0x107: {  	v63 =	vld [tilespmem:s13+$0xF770];
	v32 =	vmul.f32 v48, v32;
	v62 =	vmul.f32 v52, v51  }
0x108: {  	v34 =	vmul.f32 v50, v49;
	v39 =	vmul.f32 v54, v53  }
0x109: {  	v41 =	vmul.f32 v56, v55  }
0x10a: {  	v42 =	vmul.f32 v58, v57;
	v32 =	vadd.f32 v62, v32;
	v34 =	vadd.f32 v39, v34  }
0x10b: {  	v45 =	vmul.f32 v60, v59  }
0x10c: {  	v47 =	vmul.f32 v63, v61;
	v32 =	vadd.f32 v41, v32;
	v43 =	vadd.f32 v42, v34;
	_ =	sdelay $0x1  }
0x10d: {  	v32 =	vadd.f32 v45, v32;
	v33 =	vadd.f32 v47, v43;
	_ =	sdelay $0x1  }
0x10e: {  	v32 =	vadd.f32 v33, v32;
	_ =	sdelay $0x1  }
0x10f: {  	[tilespmem:v8+s26+$0x0] =	vst.idx.msk $0xffff, v32  }
0x110: {  	v32 =	vld [tilespmem:s13+$0x9780]  }
0x111: {  	v48 =	vld [tilespmem:s13+$0xF780]  }
0x112: {  	v49 =	vld [tilespmem:s13+$0x9790]  }
0x113: {  	v50 =	vld [tilespmem:s13+$0xF790]  }
0x114: {  	v51 =	vld [tilespmem:s13+$0x97A0]  }
0x115: {  	v52 =	vld [tilespmem:s13+$0xF7A0]  }
0x116: {  	v53 =	vld [tilespmem:s13+$0x97B0]  }
0x117: {  	v54 =	vld [tilespmem:s13+$0xF7B0]  }
0x118: {  	v55 =	vld [tilespmem:s13+$0x97C0]  }
0x119: {  	v56 =	vld [tilespmem:s13+$0xF7C0]  }
0x11a: {  	v57 =	vld [tilespmem:s13+$0x97D0]  }
0x11b: {  	v58 =	vld [tilespmem:s13+$0xF7D0]  }
0x11c: {  	v59 =	vld [tilespmem:s13+$0x97E0]  }
0x11d: {  	v60 =	vld [tilespmem:s13+$0xF7E0]  }
0x11e: {  	v61 =	vld [tilespmem:s13+$0x97F0]  }
0x11f: {  	v63 =	vld [tilespmem:s13+$0xF7F0];
	v32 =	vmul.f32 v48, v32;
	v62 =	vmul.f32 v52, v51  }
0x120: {  	v34 =	vmul.f32 v50, v49;
	v39 =	vmul.f32 v54, v53  }
0x121: {  	v41 =	vmul.f32 v56, v55  }
0x122: {  	v42 =	vmul.f32 v58, v57;
	v32 =	vadd.f32 v62, v32;
	v34 =	vadd.f32 v39, v34  }
0x123: {  	v45 =	vmul.f32 v60, v59  }
0x124: {  	v47 =	vmul.f32 v63, v61;
	v32 =	vadd.f32 v41, v32;
	v43 =	vadd.f32 v42, v34;
	_ =	sdelay $0x1  }
0x125: {  	v32 =	vadd.f32 v45, v32;
	v33 =	vadd.f32 v47, v43;
	_ =	sdelay $0x1  }
0x126: {  	v32 =	vadd.f32 v33, v32;
	_ =	sdelay $0x1  }
0x127: {  	[tilespmem:v9+s26+$0x0] =	vst.idx.msk $0xffff, v32  }
0x128: {  	v32 =	vld [tilespmem:s13+$0x9800]  }
0x129: {  	v48 =	vld [tilespmem:s13+$0xF800]  }
0x12a: {  	v49 =	vld [tilespmem:s13+$0x9810]  }
0x12b: {  	v50 =	vld [tilespmem:s13+$0xF810]  }
0x12c: {  	v51 =	vld [tilespmem:s13+$0x9820]  }
0x12d: {  	v52 =	vld [tilespmem:s13+$0xF820]  }
0x12e: {  	v53 =	vld [tilespmem:s13+$0x9830]  }
0x12f: {  	v54 =	vld [tilespmem:s13+$0xF830]  }
0x130: {  	v55 =	vld [tilespmem:s13+$0x9840]  }
0x131: {  	v56 =	vld [tilespmem:s13+$0xF840]  }
0x132: {  	v57 =	vld [tilespmem:s13+$0x9850]  }
0x133: {  	v58 =	vld [tilespmem:s13+$0xF850]  }
0x134: {  	v59 =	vld [tilespmem:s13+$0x9860]  }
0x135: {  	v60 =	vld [tilespmem:s13+$0xF860]  }
0x136: {  	v61 =	vld [tilespmem:s13+$0x9870]  }
0x137: {  	v63 =	vld [tilespmem:s13+$0xF870];
	v32 =	vmul.f32 v48, v32;
	v62 =	vmul.f32 v52, v51  }
0x138: {  	v34 =	vmul.f32 v50, v49;
	v39 =	vmul.f32 v54, v53  }
0x139: {  	v41 =	vmul.f32 v56, v55  }
0x13a: {  	v42 =	vmul.f32 v58, v57;
	v32 =	vadd.f32 v62, v32;
	v34 =	vadd.f32 v39, v34  }
0x13b: {  	v45 =	vmul.f32 v60, v59  }
0x13c: {  	v47 =	vmul.f32 v63, v61;
	v32 =	vadd.f32 v41, v32;
	v43 =	vadd.f32 v42, v34;
	_ =	sdelay $0x1  }
0x13d: {  	v32 =	vadd.f32 v45, v32;
	v33 =	vadd.f32 v47, v43;
	_ =	sdelay $0x1  }
0x13e: {  	v32 =	vadd.f32 v33, v32;
	_ =	sdelay $0x1  }
0x13f: {  	[tilespmem:v10+s26+$0x0] =	vst.idx.msk $0xffff, v32  }
0x140: {  	v32 =	vld [tilespmem:s13+$0x9880]  }
0x141: {  	v48 =	vld [tilespmem:s13+$0xF880]  }
0x142: {  	v49 =	vld [tilespmem:s13+$0x9890]  }
0x143: {  	v50 =	vld [tilespmem:s13+$0xF890]  }
0x144: {  	v51 =	vld [tilespmem:s13+$0x98A0]  }
0x145: {  	v52 =	vld [tilespmem:s13+$0xF8A0]  }
0x146: {  	v53 =	vld [tilespmem:s13+$0x98B0]  }
0x147: {  	v54 =	vld [tilespmem:s13+$0xF8B0]  }
0x148: {  	v55 =	vld [tilespmem:s13+$0x98C0]  }
0x149: {  	v56 =	vld [tilespmem:s13+$0xF8C0]  }
0x14a: {  	v57 =	vld [tilespmem:s13+$0x98D0]  }
0x14b: {  	v58 =	vld [tilespmem:s13+$0xF8D0]  }
0x14c: {  	v59 =	vld [tilespmem:s13+$0x98E0]  }
0x14d: {  	v60 =	vld [tilespmem:s13+$0xF8E0]  }
0x14e: {  	v61 =	vld [tilespmem:s13+$0x98F0]  }
0x14f: {  	v63 =	vld [tilespmem:s13+$0xF8F0];
	v32 =	vmul.f32 v48, v32;
	v62 =	vmul.f32 v52, v51  }
0x150: {  	v34 =	vmul.f32 v50, v49;
	v39 =	vmul.f32 v54, v53  }
0x151: {  	v41 =	vmul.f32 v56, v55  }
0x152: {  	v42 =	vmul.f32 v58, v57;
	v32 =	vadd.f32 v62, v32;
	v34 =	vadd.f32 v39, v34  }
0x153: {  	v45 =	vmul.f32 v60, v59  }
0x154: {  	v47 =	vmul.f32 v63, v61;
	v32 =	vadd.f32 v41, v32;
	v43 =	vadd.f32 v42, v34;
	_ =	sdelay $0x1  }
0x155: {  	v32 =	vadd.f32 v45, v32;
	v33 =	vadd.f32 v47, v43;
	_ =	sdelay $0x1  }
0x156: {  	v32 =	vadd.f32 v33, v32;
	_ =	sdelay $0x1  }
0x157: {  	[tilespmem:v11+s26+$0x0] =	vst.idx.msk $0xffff, v32  }
0x158: {  	v32 =	vld [tilespmem:s13+$0x9900]  }
0x159: {  	v48 =	vld [tilespmem:s13+$0xF900]  }
0x15a: {  	v49 =	vld [tilespmem:s13+$0x9910]  }
0x15b: {  	v50 =	vld [tilespmem:s13+$0xF910]  }
0x15c: {  	v51 =	vld [tilespmem:s13+$0x9920]  }
0x15d: {  	v52 =	vld [tilespmem:s13+$0xF920]  }
0x15e: {  	v53 =	vld [tilespmem:s13+$0x9930]  }
0x15f: {  	v54 =	vld [tilespmem:s13+$0xF930]  }
0x160: {  	v55 =	vld [tilespmem:s13+$0x9940]  }
0x161: {  	v56 =	vld [tilespmem:s13+$0xF940]  }
0x162: {  	v57 =	vld [tilespmem:s13+$0x9950]  }
0x163: {  	v58 =	vld [tilespmem:s13+$0xF950]  }
0x164: {  	v59 =	vld [tilespmem:s13+$0x9960]  }
0x165: {  	v60 =	vld [tilespmem:s13+$0xF960]  }
0x166: {  	v61 =	vld [tilespmem:s13+$0x9970]  }
0x167: {  	v63 =	vld [tilespmem:s13+$0xF970];
	v32 =	vmul.f32 v48, v32;
	v62 =	vmul.f32 v52, v51  }
0x168: {  	v34 =	vmul.f32 v50, v49;
	v39 =	vmul.f32 v54, v53  }
0x169: {  	v41 =	vmul.f32 v56, v55  }
0x16a: {  	v42 =	vmul.f32 v58, v57;
	v32 =	vadd.f32 v62, v32;
	v34 =	vadd.f32 v39, v34  }
0x16b: {  	v45 =	vmul.f32 v60, v59  }
0x16c: {  	v47 =	vmul.f32 v63, v61;
	v32 =	vadd.f32 v41, v32;
	v43 =	vadd.f32 v42, v34;
	_ =	sdelay $0x1  }
0x16d: {  	v32 =	vadd.f32 v45, v32;
	v33 =	vadd.f32 v47, v43;
	_ =	sdelay $0x1  }
0x16e: {  	v32 =	vadd.f32 v33, v32;
	_ =	sdelay $0x1  }
0x16f: {  	[tilespmem:v12+s26+$0x0] =	vst.idx.msk $0xffff, v32  }
0x170: {  	v32 =	vld [tilespmem:s13+$0x9980]  }
0x171: {  	v48 =	vld [tilespmem:s13+$0xF980]  }
0x172: {  	v49 =	vld [tilespmem:s13+$0x9990]  }
0x173: {  	v50 =	vld [tilespmem:s13+$0xF990]  }
0x174: {  	v51 =	vld [tilespmem:s13+$0x99A0]  }
0x175: {  	v52 =	vld [tilespmem:s13+$0xF9A0]  }
0x176: {  	v53 =	vld [tilespmem:s13+$0x99B0]  }
0x177: {  	v54 =	vld [tilespmem:s13+$0xF9B0]  }
0x178: {  	v55 =	vld [tilespmem:s13+$0x99C0]  }
0x179: {  	v56 =	vld [tilespmem:s13+$0xF9C0]  }
0x17a: {  	v57 =	vld [tilespmem:s13+$0x99D0]  }
0x17b: {  	v58 =	vld [tilespmem:s13+$0xF9D0]  }
0x17c: {  	v59 =	vld [tilespmem:s13+$0x99E0]  }
0x17d: {  	v60 =	vld [tilespmem:s13+$0xF9E0]  }
0x17e: {  	v61 =	vld [tilespmem:s13+$0x99F0]  }
0x17f: {  	v63 =	vld [tilespmem:s13+$0xF9F0];
	v32 =	vmul.f32 v48, v32;
	v62 =	vmul.f32 v52, v51  }
0x180: {  	v34 =	vmul.f32 v50, v49;
	v39 =	vmul.f32 v54, v53  }
0x181: {  	v41 =	vmul.f32 v56, v55  }
0x182: {  	v42 =	vmul.f32 v58, v57;
	v32 =	vadd.f32 v62, v32;
	v34 =	vadd.f32 v39, v34  }
0x183: {  	v45 =	vmul.f32 v60, v59  }
0x184: {  	v47 =	vmul.f32 v63, v61;
	v32 =	vadd.f32 v41, v32;
	v43 =	vadd.f32 v42, v34;
	_ =	sdelay $0x1  }
0x185: {  	v32 =	vadd.f32 v45, v32;
	v33 =	vadd.f32 v47, v43;
	_ =	sdelay $0x1  }
0x186: {  	v32 =	vadd.f32 v33, v32;
	_ =	sdelay $0x1  }
0x187: {  	[tilespmem:v14+s26+$0x0] =	vst.idx.msk $0xffff, v32  }
0x188: {  	v32 =	vld [tilespmem:s13+$0x9A00]  }
0x189: {  	v48 =	vld [tilespmem:s13+$0xFA00]  }
0x18a: {  	v49 =	vld [tilespmem:s13+$0x9A10]  }
0x18b: {  	v50 =	vld [tilespmem:s13+$0xFA10]  }
0x18c: {  	v51 =	vld [tilespmem:s13+$0x9A20]  }
0x18d: {  	v52 =	vld [tilespmem:s13+$0xFA20]  }
0x18e: {  	v53 =	vld [tilespmem:s13+$0x9A30]  }
0x18f: {  	v54 =	vld [tilespmem:s13+$0xFA30]  }
0x190: {  	v55 =	vld [tilespmem:s13+$0x9A40]  }
0x191: {  	v56 =	vld [tilespmem:s13+$0xFA40]  }
0x192: {  	v57 =	vld [tilespmem:s13+$0x9A50]  }
0x193: {  	v58 =	vld [tilespmem:s13+$0xFA50]  }
0x194: {  	v59 =	vld [tilespmem:s13+$0x9A60]  }
0x195: {  	v60 =	vld [tilespmem:s13+$0xFA60]  }
0x196: {  	v61 =	vld [tilespmem:s13+$0x9A70]  }
0x197: {  	v63 =	vld [tilespmem:s13+$0xFA70];
	v32 =	vmul.f32 v48, v32;
	v62 =	vmul.f32 v52, v51  }
0x198: {  	v34 =	vmul.f32 v50, v49;
	v39 =	vmul.f32 v54, v53  }
0x199: {  	v41 =	vmul.f32 v56, v55  }
0x19a: {  	v42 =	vmul.f32 v58, v57;
	v32 =	vadd.f32 v62, v32;
	v34 =	vadd.f32 v39, v34  }
0x19b: {  	v45 =	vmul.f32 v60, v59  }
0x19c: {  	v47 =	vmul.f32 v63, v61;
	v32 =	vadd.f32 v41, v32;
	v43 =	vadd.f32 v42, v34;
	_ =	sdelay $0x1  }
0x19d: {  	v32 =	vadd.f32 v45, v32;
	v33 =	vadd.f32 v47, v43;
	_ =	sdelay $0x1  }
0x19e: {  	v32 =	vadd.f32 v33, v32;
	_ =	sdelay $0x1  }
0x19f: {  	[tilespmem:v15+s26+$0x0] =	vst.idx.msk $0xffff, v32  }
0x1a0: {  	v32 =	vld [tilespmem:s13+$0x9A80]  }
0x1a1: {  	v48 =	vld [tilespmem:s13+$0xFA80]  }
0x1a2: {  	v49 =	vld [tilespmem:s13+$0x9A90]  }
0x1a3: {  	v50 =	vld [tilespmem:s13+$0xFA90]  }
0x1a4: {  	v51 =	vld [tilespmem:s13+$0x9AA0]  }
0x1a5: {  	v52 =	vld [tilespmem:s13+$0xFAA0]  }
0x1a6: {  	v53 =	vld [tilespmem:s13+$0x9AB0]  }
0x1a7: {  	v54 =	vld [tilespmem:s13+$0xFAB0]  }
0x1a8: {  	v55 =	vld [tilespmem:s13+$0x9AC0]  }
0x1a9: {  	v56 =	vld [tilespmem:s13+$0xFAC0]  }
0x1aa: {  	v57 =	vld [tilespmem:s13+$0x9AD0]  }
0x1ab: {  	v58 =	vld [tilespmem:s13+$0xFAD0]  }
0x1ac: {  	v59 =	vld [tilespmem:s13+$0x9AE0]  }
0x1ad: {  	v60 =	vld [tilespmem:s13+$0xFAE0]  }
0x1ae: {  	v61 =	vld [tilespmem:s13+$0x9AF0]  }
0x1af: {  	v63 =	vld [tilespmem:s13+$0xFAF0];
	v32 =	vmul.f32 v48, v32;
	v62 =	vmul.f32 v52, v51  }
0x1b0: {  	v34 =	vmul.f32 v50, v49;
	v39 =	vmul.f32 v54, v53  }
0x1b1: {  	v41 =	vmul.f32 v56, v55  }
0x1b2: {  	v42 =	vmul.f32 v58, v57;
	v32 =	vadd.f32 v62, v32;
	v34 =	vadd.f32 v39, v34  }
0x1b3: {  	v47 =	vmul.f32 v60, v59  }
0x1b4: {  	v48 =	vmul.f32 v63, v61;
	v32 =	vadd.f32 v41, v32;
	v43 =	vadd.f32 v42, v34;
	_ =	sdelay $0x1  }
0x1b5: {  	v32 =	vadd.f32 v47, v32;
	v33 =	vadd.f32 v48, v43;
	_ =	sdelay $0x1  }
0x1b6: {  	v32 =	vadd.f32 v33, v32;
	_ =	sdelay $0x1  }
0x1b7: {  	[tilespmem:v16+s26+$0x0] =	vst.idx.msk $0xffff, v32  }
0x1b8: {  	v32 =	vld.idx.msk [tilespmem:v13+s26+$0x0], $0xffff  }
0x1b9: {  	v49 =	vld.idx.msk [tilespmem:v17+s26+$0x0], $0xffff  }
0x1ba: {  	v50 =	vld.idx.msk [tilespmem:v18+s26+$0x0], $0xffff  }
0x1bb: {  	v51 =	vld.idx.msk [tilespmem:v19+s26+$0x0], $0xffff  }
0x1bc: {  	v52 =	vld.idx.msk [tilespmem:v20+s26+$0x0], $0xffff  }
0x1bd: {  	v53 =	vld.idx.msk [tilespmem:v21+s26+$0x0], $0xffff  }
0x1be: {  	v54 =	vld.idx.msk [tilespmem:v22+s26+$0x0], $0xffff  }
0x1bf: {  	v55 =	vld.idx.msk [tilespmem:v23+s26+$0x0], $0xffff  }
0x1c0: {  	v56 =	vld.idx.msk [tilespmem:v24+s26+$0x0], $0xffff;
	v32 =	vadd.f32 v50, v32;
	v33 =	vadd.f32 v51, v49  }
0x1c1: {  	v57 =	vld.idx.msk [tilespmem:v25+s26+$0x0], $0xffff  }
0x1c2: {  	v58 =	vld.idx.msk [tilespmem:v26+s26+$0x0], $0xffff;
	v32 =	vadd.f32 v52, v32;
	v33 =	vadd.f32 v53, v33  }
0x1c3: {  	v59 =	vld.idx.msk [tilespmem:v27+s26+$0x0], $0xffff  }
0x1c4: {  	v60 =	vld.idx.msk [tilespmem:v28+s26+$0x0], $0xffff;
	v32 =	vadd.f32 v54, v32;
	v33 =	vadd.f32 v55, v33  }
0x1c5: {  	v61 =	vld.idx.msk [tilespmem:v29+s26+$0x0], $0xffff  }
0x1c6: {  	v62 =	vld.idx.msk [tilespmem:v30+s26+$0x0], $0xffff;
	v32 =	vadd.f32 v56, v32;
	v33 =	vadd.f32 v57, v33  }
0x1c7: {  	v63 =	vld.idx.msk [tilespmem:v31+s26+$0x0], $0xffff  }
0x1c8: {  	v32 =	vadd.f32 v58, v32;
	v33 =	vadd.f32 v59, v33;
	_ =	sdelay $0x1  }
0x1c9: {  	v32 =	vadd.f32 v60, v32;
	v33 =	vadd.f32 v61, v33  }
0x1ca: {  	p1 =	sne.s32 s22, $0x3  }
.Ltmp2:
0x1cb: {  	v32 =	vadd.f32 v62, v32;
	v33 =	vadd.f32 v63, v33;
	(pc) =	sbr.rel @p1 .LBB2_3-.Ltmp2, $4  }
0x1cc: {  	_ = 	snop  }
0x1cd: {  	s7 =	sshll.u32 s22, $0x4;
	v32 =	vadd.f32 v33, v32  }
0x1ce: {  	s7 =	sand.u32 $0x3FFFFFF0, s7  }
0x1cf: {  	s22 =	sadd.s32 $0x1, s22;
	[tilespmem:s7+$0x15300] =	vst v32  }
0x1d0: {  	s22 =	smul.u32 $0xC0, s20;
	_ =	sdelay $0x1  }
0x1d1: {  	s7 =	sadd.s32 s5, s22  }
0x1d2: {  	s7 =	sshrl.u32 s7, $0x3  }
0x1d3: {  	p1 =	seq.s32 s20, $0x61;
	s7 =	sadd.s32 s4, s7  }
0x1d4: {  	[hbm4b:s7+s6] =	stream.linear.scatter [tilespmem:s28], [sflag:$0x7], $0x40, $0x38;
	[tilespmem:$0x15600] =	vst v63  }
0x1d5: {  	s13 =	simm.s32 @!p1 $0x40;
	s8 =	simm.s32 @!p1 $0x9300;
	s7 =	sadd.s32 @!p1 $0xC0, s22  }
0x1d6: {  	[tilespmem:s8], [sflag:$0x1] =	stream.indirect.gather @!p1 [hbm4b:s1+s13], $0x80, s7, s13, $0xb8;
	[tilespmem:$0x15600] =	vst v63  }
0x1d7: {  	s7 =	sadd.s32 @!p1 $0x4A40, s22;
	s8 =	simm.s32 @!p1 $0xF300  }
0x1d8: {  	[tilespmem:s8], [sflag:$0x4] =	stream.indirect.gather @!p1 [hbm4b:s2+s13], $0x80, s7, s13, $0xb8;
	[tilespmem:$0x15600] =	vst v63  }
0x1d9: {  	_ =	swait.ge [sflag:s29], $0x2000  }
0x1da: {  	[sflag:s29] =	ssyncset.done $0x0  }
0x1db: {  	[sflag:s29] =	ssyncadd.s32 $0xFFFFE000  }
0x1dc: {  	_ =	swait.ge [sflag:s30], $0x2000  }
0x1dd: {  	[sflag:s30] =	ssyncset.done $0x0  }
0x1de: {  	s7 =	simm.s32 @!p0 $0x8;
	[sflag:s30] =	ssyncadd.s32 $0xFFFFE000  }
0x1df: {  	_ =	swait.ge @!p0 [sflag:s7], $0x40  }
0x1e0: {  	[sflag:s7] =	ssyncset.done @!p0 $0x0  }
0x1e1: {  	s13 =	simm.s32 $0x0;
	[sflag:s7] =	ssyncadd.s32 @!p0 $0xFFFFFFC0  }
.LBB2_5:
0x1e2: {  	s7 =	sshll.u32 s13, $0xB  }
0x1e3: {  	v32 =	vld [tilespmem:s7+$0xB300]  }
0x1e4: {  	v33 =	vld [tilespmem:s7+$0x11300]  }
0x1e5: {  	v34 =	vld [tilespmem:s7+$0xB310]  }
0x1e6: {  	v35 =	vld [tilespmem:s7+$0x11310]  }
0x1e7: {  	v36 =	vld [tilespmem:s7+$0xB320]  }
0x1e8: {  	v37 =	vld [tilespmem:s7+$0x11320]  }
0x1e9: {  	v38 =	vld [tilespmem:s7+$0xB330]  }
0x1ea: {  	v39 =	vld [tilespmem:s7+$0x11330]  }
0x1eb: {  	v40 =	vld [tilespmem:s7+$0xB340]  }
0x1ec: {  	v41 =	vld [tilespmem:s7+$0x11340]  }
0x1ed: {  	v42 =	vld [tilespmem:s7+$0xB350]  }
0x1ee: {  	v43 =	vld [tilespmem:s7+$0x11350]  }
0x1ef: {  	v44 =	vld [tilespmem:s7+$0xB360]  }
0x1f0: {  	v45 =	vld [tilespmem:s7+$0x11360]  }
0x1f1: {  	v46 =	vld [tilespmem:s7+$0xB370]  }
0x1f2: {  	v63 =	vld [tilespmem:s7+$0x11370];
	v32 =	vmul.f32 v33, v32;
	v62 =	vmul.f32 v37, v36  }
0x1f3: {  	v34 =	vmul.f32 v35, v34;
	v39 =	vmul.f32 v39, v38  }
0x1f4: {  	v41 =	vmul.f32 v41, v40  }
0x1f5: {  	v42 =	vmul.f32 v43, v42;
	v32 =	vadd.f32 v62, v32;
	v34 =	vadd.f32 v39, v34  }
0x1f6: {  	v45 =	vmul.f32 v45, v44  }
0x1f7: {  	v47 =	vmul.f32 v63, v46;
	v32 =	vadd.f32 v41, v32;
	v43 =	vadd.f32 v42, v34;
	_ =	sdelay $0x1  }
0x1f8: {  	v32 =	vadd.f32 v45, v32;
	v33 =	vadd.f32 v47, v43;
	_ =	sdelay $0x1  }
0x1f9: {  	v32 =	vadd.f32 v33, v32;
	_ =	sdelay $0x1  }
0x1fa: {  	[tilespmem:v0+s26+$0x0] =	vst.idx.msk $0xffff, v32  }
0x1fb: {  	v32 =	vld [tilespmem:s7+$0xB380]  }
0x1fc: {  	v48 =	vld [tilespmem:s7+$0x11380]  }
0x1fd: {  	v49 =	vld [tilespmem:s7+$0xB390]  }
0x1fe: {  	v50 =	vld [tilespmem:s7+$0x11390]  }
0x1ff: {  	v51 =	vld [tilespmem:s7+$0xB3A0]  }
0x200: {  	v52 =	vld [tilespmem:s7+$0x113A0]  }
0x201: {  	v53 =	vld [tilespmem:s7+$0xB3B0]  }
0x202: {  	v54 =	vld [tilespmem:s7+$0x113B0]  }
0x203: {  	v55 =	vld [tilespmem:s7+$0xB3C0]  }
0x204: {  	v56 =	vld [tilespmem:s7+$0x113C0]  }
0x205: {  	v57 =	vld [tilespmem:s7+$0xB3D0]  }
0x206: {  	v58 =	vld [tilespmem:s7+$0x113D0]  }
0x207: {  	v59 =	vld [tilespmem:s7+$0xB3E0]  }
0x208: {  	v60 =	vld [tilespmem:s7+$0x113E0]  }
0x209: {  	v61 =	vld [tilespmem:s7+$0xB3F0]  }
0x20a: {  	v63 =	vld [tilespmem:s7+$0x113F0];
	v32 =	vmul.f32 v48, v32;
	v62 =	vmul.f32 v52, v51  }
0x20b: {  	v34 =	vmul.f32 v50, v49;
	v39 =	vmul.f32 v54, v53  }
0x20c: {  	v41 =	vmul.f32 v56, v55  }
0x20d: {  	v42 =	vmul.f32 v58, v57;
	v32 =	vadd.f32 v62, v32;
	v34 =	vadd.f32 v39, v34  }
0x20e: {  	v45 =	vmul.f32 v60, v59  }
0x20f: {  	v47 =	vmul.f32 v63, v61;
	v32 =	vadd.f32 v41, v32;
	v43 =	vadd.f32 v42, v34;
	_ =	sdelay $0x1  }
0x210: {  	v32 =	vadd.f32 v45, v32;
	v33 =	vadd.f32 v47, v43;
	_ =	sdelay $0x1  }
0x211: {  	v32 =	vadd.f32 v33, v32;
	_ =	sdelay $0x1  }
0x212: {  	[tilespmem:v1+s26+$0x0] =	vst.idx.msk $0xffff, v32  }
0x213: {  	v32 =	vld [tilespmem:s7+$0xB400]  }
0x214: {  	v48 =	vld [tilespmem:s7+$0x11400]  }
0x215: {  	v49 =	vld [tilespmem:s7+$0xB410]  }
0x216: {  	v50 =	vld [tilespmem:s7+$0x11410]  }
0x217: {  	v51 =	vld [tilespmem:s7+$0xB420]  }
0x218: {  	v52 =	vld [tilespmem:s7+$0x11420]  }
0x219: {  	v53 =	vld [tilespmem:s7+$0xB430]  }
0x21a: {  	v54 =	vld [tilespmem:s7+$0x11430]  }
0x21b: {  	v55 =	vld [tilespmem:s7+$0xB440]  }
0x21c: {  	v56 =	vld [tilespmem:s7+$0x11440]  }
0x21d: {  	v57 =	vld [tilespmem:s7+$0xB450]  }
0x21e: {  	v58 =	vld [tilespmem:s7+$0x11450]  }
0x21f: {  	v59 =	vld [tilespmem:s7+$0xB460]  }
0x220: {  	v60 =	vld [tilespmem:s7+$0x11460]  }
0x221: {  	v61 =	vld [tilespmem:s7+$0xB470]  }
0x222: {  	v63 =	vld [tilespmem:s7+$0x11470];
	v32 =	vmul.f32 v48, v32;
	v62 =	vmul.f32 v52, v51  }
0x223: {  	v34 =	vmul.f32 v50, v49;
	v39 =	vmul.f32 v54, v53  }
0x224: {  	v41 =	vmul.f32 v56, v55  }
0x225: {  	v42 =	vmul.f32 v58, v57;
	v32 =	vadd.f32 v62, v32;
	v34 =	vadd.f32 v39, v34  }
0x226: {  	v45 =	vmul.f32 v60, v59  }
0x227: {  	v47 =	vmul.f32 v63, v61;
	v32 =	vadd.f32 v41, v32;
	v43 =	vadd.f32 v42, v34;
	_ =	sdelay $0x1  }
0x228: {  	v32 =	vadd.f32 v45, v32;
	v33 =	vadd.f32 v47, v43;
	_ =	sdelay $0x1  }
0x229: {  	v32 =	vadd.f32 v33, v32;
	_ =	sdelay $0x1  }
0x22a: {  	[tilespmem:v2+s26+$0x0] =	vst.idx.msk $0xffff, v32  }
0x22b: {  	v32 =	vld [tilespmem:s7+$0xB480]  }
0x22c: {  	v48 =	vld [tilespmem:s7+$0x11480]  }
0x22d: {  	v49 =	vld [tilespmem:s7+$0xB490]  }
0x22e: {  	v50 =	vld [tilespmem:s7+$0x11490]  }
0x22f: {  	v51 =	vld [tilespmem:s7+$0xB4A0]  }
0x230: {  	v52 =	vld [tilespmem:s7+$0x114A0]  }
0x231: {  	v53 =	vld [tilespmem:s7+$0xB4B0]  }
0x232: {  	v54 =	vld [tilespmem:s7+$0x114B0]  }
0x233: {  	v55 =	vld [tilespmem:s7+$0xB4C0]  }
0x234: {  	v56 =	vld [tilespmem:s7+$0x114C0]  }
0x235: {  	v57 =	vld [tilespmem:s7+$0xB4D0]  }
0x236: {  	v58 =	vld [tilespmem:s7+$0x114D0]  }
0x237: {  	v59 =	vld [tilespmem:s7+$0xB4E0]  }
0x238: {  	v60 =	vld [tilespmem:s7+$0x114E0]  }
0x239: {  	v61 =	vld [tilespmem:s7+$0xB4F0]  }
0x23a: {  	v63 =	vld [tilespmem:s7+$0x114F0];
	v32 =	vmul.f32 v48, v32;
	v62 =	vmul.f32 v52, v51  }
0x23b: {  	v34 =	vmul.f32 v50, v49;
	v39 =	vmul.f32 v54, v53  }
0x23c: {  	v41 =	vmul.f32 v56, v55  }
0x23d: {  	v42 =	vmul.f32 v58, v57;
	v32 =	vadd.f32 v62, v32;
	v34 =	vadd.f32 v39, v34  }
0x23e: {  	v45 =	vmul.f32 v60, v59  }
0x23f: {  	v47 =	vmul.f32 v63, v61;
	v32 =	vadd.f32 v41, v32;
	v43 =	vadd.f32 v42, v34;
	_ =	sdelay $0x1  }
0x240: {  	v32 =	vadd.f32 v45, v32;
	v33 =	vadd.f32 v47, v43;
	_ =	sdelay $0x1  }
0x241: {  	v32 =	vadd.f32 v33, v32;
	_ =	sdelay $0x1  }
0x242: {  	[tilespmem:v3+s26+$0x0] =	vst.idx.msk $0xffff, v32  }
0x243: {  	v32 =	vld [tilespmem:s7+$0xB500]  }
0x244: {  	v48 =	vld [tilespmem:s7+$0x11500]  }
0x245: {  	v49 =	vld [tilespmem:s7+$0xB510]  }
0x246: {  	v50 =	vld [tilespmem:s7+$0x11510]  }
0x247: {  	v51 =	vld [tilespmem:s7+$0xB520]  }
0x248: {  	v52 =	vld [tilespmem:s7+$0x11520]  }
0x249: {  	v53 =	vld [tilespmem:s7+$0xB530]  }
0x24a: {  	v54 =	vld [tilespmem:s7+$0x11530]  }
0x24b: {  	v55 =	vld [tilespmem:s7+$0xB540]  }
0x24c: {  	v56 =	vld [tilespmem:s7+$0x11540]  }
0x24d: {  	v57 =	vld [tilespmem:s7+$0xB550]  }
0x24e: {  	v58 =	vld [tilespmem:s7+$0x11550]  }
0x24f: {  	v59 =	vld [tilespmem:s7+$0xB560]  }
0x250: {  	v60 =	vld [tilespmem:s7+$0x11560]  }
0x251: {  	v61 =	vld [tilespmem:s7+$0xB570]  }
0x252: {  	v63 =	vld [tilespmem:s7+$0x11570];
	v32 =	vmul.f32 v48, v32;
	v62 =	vmul.f32 v52, v51  }
0x253: {  	v34 =	vmul.f32 v50, v49;
	v39 =	vmul.f32 v54, v53  }
0x254: {  	v41 =	vmul.f32 v56, v55  }
0x255: {  	v42 =	vmul.f32 v58, v57;
	v32 =	vadd.f32 v62, v32;
	v34 =	vadd.f32 v39, v34  }
0x256: {  	v45 =	vmul.f32 v60, v59  }
0x257: {  	v47 =	vmul.f32 v63, v61;
	v32 =	vadd.f32 v41, v32;
	v43 =	vadd.f32 v42, v34;
	_ =	sdelay $0x1  }
0x258: {  	v32 =	vadd.f32 v45, v32;
	v33 =	vadd.f32 v47, v43;
	_ =	sdelay $0x1  }
0x259: {  	v32 =	vadd.f32 v33, v32;
	_ =	sdelay $0x1  }
0x25a: {  	[tilespmem:v4+s26+$0x0] =	vst.idx.msk $0xffff, v32  }
0x25b: {  	v32 =	vld [tilespmem:s7+$0xB580]  }
0x25c: {  	v48 =	vld [tilespmem:s7+$0x11580]  }
0x25d: {  	v49 =	vld [tilespmem:s7+$0xB590]  }
0x25e: {  	v50 =	vld [tilespmem:s7+$0x11590]  }
0x25f: {  	v51 =	vld [tilespmem:s7+$0xB5A0]  }
0x260: {  	v52 =	vld [tilespmem:s7+$0x115A0]  }
0x261: {  	v53 =	vld [tilespmem:s7+$0xB5B0]  }
0x262: {  	v54 =	vld [tilespmem:s7+$0x115B0]  }
0x263: {  	v55 =	vld [tilespmem:s7+$0xB5C0]  }
0x264: {  	v56 =	vld [tilespmem:s7+$0x115C0]  }
0x265: {  	v57 =	vld [tilespmem:s7+$0xB5D0]  }
0x266: {  	v58 =	vld [tilespmem:s7+$0x115D0]  }
0x267: {  	v59 =	vld [tilespmem:s7+$0xB5E0]  }
0x268: {  	v60 =	vld [tilespmem:s7+$0x115E0]  }
0x269: {  	v61 =	vld [tilespmem:s7+$0xB5F0]  }
0x26a: {  	v63 =	vld [tilespmem:s7+$0x115F0];
	v32 =	vmul.f32 v48, v32;
	v62 =	vmul.f32 v52, v51  }
0x26b: {  	v34 =	vmul.f32 v50, v49;
	v39 =	vmul.f32 v54, v53  }
0x26c: {  	v41 =	vmul.f32 v56, v55  }
0x26d: {  	v42 =	vmul.f32 v58, v57;
	v32 =	vadd.f32 v62, v32;
	v34 =	vadd.f32 v39, v34  }
0x26e: {  	v45 =	vmul.f32 v60, v59  }
0x26f: {  	v47 =	vmul.f32 v63, v61;
	v32 =	vadd.f32 v41, v32;
	v43 =	vadd.f32 v42, v34;
	_ =	sdelay $0x1  }
0x270: {  	v32 =	vadd.f32 v45, v32;
	v33 =	vadd.f32 v47, v43;
	_ =	sdelay $0x1  }
0x271: {  	v32 =	vadd.f32 v33, v32;
	_ =	sdelay $0x1  }
0x272: {  	[tilespmem:v5+s26+$0x0] =	vst.idx.msk $0xffff, v32  }
0x273: {  	v32 =	vld [tilespmem:s7+$0xB600]  }
0x274: {  	v48 =	vld [tilespmem:s7+$0x11600]  }
0x275: {  	v49 =	vld [tilespmem:s7+$0xB610]  }
0x276: {  	v50 =	vld [tilespmem:s7+$0x11610]  }
0x277: {  	v51 =	vld [tilespmem:s7+$0xB620]  }
0x278: {  	v52 =	vld [tilespmem:s7+$0x11620]  }
0x279: {  	v53 =	vld [tilespmem:s7+$0xB630]  }
0x27a: {  	v54 =	vld [tilespmem:s7+$0x11630]  }
0x27b: {  	v55 =	vld [tilespmem:s7+$0xB640]  }
0x27c: {  	v56 =	vld [tilespmem:s7+$0x11640]  }
0x27d: {  	v57 =	vld [tilespmem:s7+$0xB650]  }
0x27e: {  	v58 =	vld [tilespmem:s7+$0x11650]  }
0x27f: {  	v59 =	vld [tilespmem:s7+$0xB660]  }
0x280: {  	v60 =	vld [tilespmem:s7+$0x11660]  }
0x281: {  	v61 =	vld [tilespmem:s7+$0xB670]  }
0x282: {  	v63 =	vld [tilespmem:s7+$0x11670];
	v32 =	vmul.f32 v48, v32;
	v62 =	vmul.f32 v52, v51  }
0x283: {  	v34 =	vmul.f32 v50, v49;
	v39 =	vmul.f32 v54, v53  }
0x284: {  	v41 =	vmul.f32 v56, v55  }
0x285: {  	v42 =	vmul.f32 v58, v57;
	v32 =	vadd.f32 v62, v32;
	v34 =	vadd.f32 v39, v34  }
0x286: {  	v45 =	vmul.f32 v60, v59  }
0x287: {  	v47 =	vmul.f32 v63, v61;
	v32 =	vadd.f32 v41, v32;
	v43 =	vadd.f32 v42, v34;
	_ =	sdelay $0x1  }
0x288: {  	v32 =	vadd.f32 v45, v32;
	v33 =	vadd.f32 v47, v43;
	_ =	sdelay $0x1  }
0x289: {  	v32 =	vadd.f32 v33, v32;
	_ =	sdelay $0x1  }
0x28a: {  	[tilespmem:v6+s26+$0x0] =	vst.idx.msk $0xffff, v32  }
0x28b: {  	v32 =	vld [tilespmem:s7+$0xB680]  }
0x28c: {  	v48 =	vld [tilespmem:s7+$0x11680]  }
0x28d: {  	v49 =	vld [tilespmem:s7+$0xB690]  }
0x28e: {  	v50 =	vld [tilespmem:s7+$0x11690]  }
0x28f: {  	v51 =	vld [tilespmem:s7+$0xB6A0]  }
0x290: {  	v52 =	vld [tilespmem:s7+$0x116A0]  }
0x291: {  	v53 =	vld [tilespmem:s7+$0xB6B0]  }
0x292: {  	v54 =	vld [tilespmem:s7+$0x116B0]  }
0x293: {  	v55 =	vld [tilespmem:s7+$0xB6C0]  }
0x294: {  	v56 =	vld [tilespmem:s7+$0x116C0]  }
0x295: {  	v57 =	vld [tilespmem:s7+$0xB6D0]  }
0x296: {  	v58 =	vld [tilespmem:s7+$0x116D0]  }
0x297: {  	v59 =	vld [tilespmem:s7+$0xB6E0]  }
0x298: {  	v60 =	vld [tilespmem:s7+$0x116E0]  }
0x299: {  	v61 =	vld [tilespmem:s7+$0xB6F0]  }
0x29a: {  	v63 =	vld [tilespmem:s7+$0x116F0];
	v32 =	vmul.f32 v48, v32;
	v62 =	vmul.f32 v52, v51  }
0x29b: {  	v34 =	vmul.f32 v50, v49;
	v39 =	vmul.f32 v54, v53  }
0x29c: {  	v41 =	vmul.f32 v56, v55  }
0x29d: {  	v42 =	vmul.f32 v58, v57;
	v32 =	vadd.f32 v62, v32;
	v34 =	vadd.f32 v39, v34  }
0x29e: {  	v45 =	vmul.f32 v60, v59  }
0x29f: {  	v47 =	vmul.f32 v63, v61;
	v32 =	vadd.f32 v41, v32;
	v43 =	vadd.f32 v42, v34;
	_ =	sdelay $0x1  }
0x2a0: {  	v32 =	vadd.f32 v45, v32;
	v33 =	vadd.f32 v47, v43;
	_ =	sdelay $0x1  }
0x2a1: {  	v32 =	vadd.f32 v33, v32;
	_ =	sdelay $0x1  }
0x2a2: {  	[tilespmem:v7+s26+$0x0] =	vst.idx.msk $0xffff, v32  }
0x2a3: {  	v32 =	vld [tilespmem:s7+$0xB700]  }
0x2a4: {  	v48 =	vld [tilespmem:s7+$0x11700]  }
0x2a5: {  	v49 =	vld [tilespmem:s7+$0xB710]  }
0x2a6: {  	v50 =	vld [tilespmem:s7+$0x11710]  }
0x2a7: {  	v51 =	vld [tilespmem:s7+$0xB720]  }
0x2a8: {  	v52 =	vld [tilespmem:s7+$0x11720]  }
0x2a9: {  	v53 =	vld [tilespmem:s7+$0xB730]  }
0x2aa: {  	v54 =	vld [tilespmem:s7+$0x11730]  }
0x2ab: {  	v55 =	vld [tilespmem:s7+$0xB740]  }
0x2ac: {  	v56 =	vld [tilespmem:s7+$0x11740]  }
0x2ad: {  	v57 =	vld [tilespmem:s7+$0xB750]  }
0x2ae: {  	v58 =	vld [tilespmem:s7+$0x11750]  }
0x2af: {  	v59 =	vld [tilespmem:s7+$0xB760]  }
0x2b0: {  	v60 =	vld [tilespmem:s7+$0x11760]  }
0x2b1: {  	v61 =	vld [tilespmem:s7+$0xB770]  }
0x2b2: {  	v63 =	vld [tilespmem:s7+$0x11770];
	v32 =	vmul.f32 v48, v32;
	v62 =	vmul.f32 v52, v51  }
0x2b3: {  	v34 =	vmul.f32 v50, v49;
	v39 =	vmul.f32 v54, v53  }
0x2b4: {  	v41 =	vmul.f32 v56, v55  }
0x2b5: {  	v42 =	vmul.f32 v58, v57;
	v32 =	vadd.f32 v62, v32;
	v34 =	vadd.f32 v39, v34  }
0x2b6: {  	v45 =	vmul.f32 v60, v59  }
0x2b7: {  	v47 =	vmul.f32 v63, v61;
	v32 =	vadd.f32 v41, v32;
	v43 =	vadd.f32 v42, v34;
	_ =	sdelay $0x1  }
0x2b8: {  	v32 =	vadd.f32 v45, v32;
	v33 =	vadd.f32 v47, v43;
	_ =	sdelay $0x1  }
0x2b9: {  	v32 =	vadd.f32 v33, v32;
	_ =	sdelay $0x1  }
0x2ba: {  	[tilespmem:v8+s26+$0x0] =	vst.idx.msk $0xffff, v32  }
0x2bb: {  	v32 =	vld [tilespmem:s7+$0xB780]  }
0x2bc: {  	v48 =	vld [tilespmem:s7+$0x11780]  }
0x2bd: {  	v49 =	vld [tilespmem:s7+$0xB790]  }
0x2be: {  	v50 =	vld [tilespmem:s7+$0x11790]  }
0x2bf: {  	v51 =	vld [tilespmem:s7+$0xB7A0]  }
0x2c0: {  	v52 =	vld [tilespmem:s7+$0x117A0]  }
0x2c1: {  	v53 =	vld [tilespmem:s7+$0xB7B0]  }
0x2c2: {  	v54 =	vld [tilespmem:s7+$0x117B0]  }
0x2c3: {  	v55 =	vld [tilespmem:s7+$0xB7C0]  }
0x2c4: {  	v56 =	vld [tilespmem:s7+$0x117C0]  }
0x2c5: {  	v57 =	vld [tilespmem:s7+$0xB7D0]  }
0x2c6: {  	v58 =	vld [tilespmem:s7+$0x117D0]  }
0x2c7: {  	v59 =	vld [tilespmem:s7+$0xB7E0]  }
0x2c8: {  	v60 =	vld [tilespmem:s7+$0x117E0]  }
0x2c9: {  	v61 =	vld [tilespmem:s7+$0xB7F0]  }
0x2ca: {  	v63 =	vld [tilespmem:s7+$0x117F0];
	v32 =	vmul.f32 v48, v32;
	v62 =	vmul.f32 v52, v51  }
0x2cb: {  	v34 =	vmul.f32 v50, v49;
	v39 =	vmul.f32 v54, v53  }
0x2cc: {  	v41 =	vmul.f32 v56, v55  }
0x2cd: {  	v42 =	vmul.f32 v58, v57;
	v32 =	vadd.f32 v62, v32;
	v34 =	vadd.f32 v39, v34  }
0x2ce: {  	v45 =	vmul.f32 v60, v59  }
0x2cf: {  	v47 =	vmul.f32 v63, v61;
	v32 =	vadd.f32 v41, v32;
	v43 =	vadd.f32 v42, v34;
	_ =	sdelay $0x1  }
0x2d0: {  	v32 =	vadd.f32 v45, v32;
	v33 =	vadd.f32 v47, v43;
	_ =	sdelay $0x1  }
0x2d1: {  	v32 =	vadd.f32 v33, v32;
	_ =	sdelay $0x1  }
0x2d2: {  	[tilespmem:v9+s26+$0x0] =	vst.idx.msk $0xffff, v32  }
0x2d3: {  	v32 =	vld [tilespmem:s7+$0xB800]  }
0x2d4: {  	v48 =	vld [tilespmem:s7+$0x11800]  }
0x2d5: {  	v49 =	vld [tilespmem:s7+$0xB810]  }
0x2d6: {  	v50 =	vld [tilespmem:s7+$0x11810]  }
0x2d7: {  	v51 =	vld [tilespmem:s7+$0xB820]  }
0x2d8: {  	v52 =	vld [tilespmem:s7+$0x11820]  }
0x2d9: {  	v53 =	vld [tilespmem:s7+$0xB830]  }
0x2da: {  	v54 =	vld [tilespmem:s7+$0x11830]  }
0x2db: {  	v55 =	vld [tilespmem:s7+$0xB840]  }
0x2dc: {  	v56 =	vld [tilespmem:s7+$0x11840]  }
0x2dd: {  	v57 =	vld [tilespmem:s7+$0xB850]  }
0x2de: {  	v58 =	vld [tilespmem:s7+$0x11850]  }
0x2df: {  	v59 =	vld [tilespmem:s7+$0xB860]  }
0x2e0: {  	v60 =	vld [tilespmem:s7+$0x11860]  }
0x2e1: {  	v61 =	vld [tilespmem:s7+$0xB870]  }
0x2e2: {  	v63 =	vld [tilespmem:s7+$0x11870];
	v32 =	vmul.f32 v48, v32;
	v62 =	vmul.f32 v52, v51  }
0x2e3: {  	v34 =	vmul.f32 v50, v49;
	v39 =	vmul.f32 v54, v53  }
0x2e4: {  	v41 =	vmul.f32 v56, v55  }
0x2e5: {  	v42 =	vmul.f32 v58, v57;
	v32 =	vadd.f32 v62, v32;
	v34 =	vadd.f32 v39, v34  }
0x2e6: {  	v45 =	vmul.f32 v60, v59  }
0x2e7: {  	v47 =	vmul.f32 v63, v61;
	v32 =	vadd.f32 v41, v32;
	v43 =	vadd.f32 v42, v34;
	_ =	sdelay $0x1  }
0x2e8: {  	v32 =	vadd.f32 v45, v32;
	v33 =	vadd.f32 v47, v43;
	_ =	sdelay $0x1  }
0x2e9: {  	v32 =	vadd.f32 v33, v32;
	_ =	sdelay $0x1  }
0x2ea: {  	[tilespmem:v10+s26+$0x0] =	vst.idx.msk $0xffff, v32  }
0x2eb: {  	v32 =	vld [tilespmem:s7+$0xB880]  }
0x2ec: {  	v48 =	vld [tilespmem:s7+$0x11880]  }
0x2ed: {  	v49 =	vld [tilespmem:s7+$0xB890]  }
0x2ee: {  	v50 =	vld [tilespmem:s7+$0x11890]  }
0x2ef: {  	v51 =	vld [tilespmem:s7+$0xB8A0]  }
0x2f0: {  	v52 =	vld [tilespmem:s7+$0x118A0]  }
0x2f1: {  	v53 =	vld [tilespmem:s7+$0xB8B0]  }
0x2f2: {  	v54 =	vld [tilespmem:s7+$0x118B0]  }
0x2f3: {  	v55 =	vld [tilespmem:s7+$0xB8C0]  }
0x2f4: {  	v56 =	vld [tilespmem:s7+$0x118C0]  }
0x2f5: {  	v57 =	vld [tilespmem:s7+$0xB8D0]  }
0x2f6: {  	v58 =	vld [tilespmem:s7+$0x118D0]  }
0x2f7: {  	v59 =	vld [tilespmem:s7+$0xB8E0]  }
0x2f8: {  	v60 =	vld [tilespmem:s7+$0x118E0]  }
0x2f9: {  	v61 =	vld [tilespmem:s7+$0xB8F0]  }
0x2fa: {  	v63 =	vld [tilespmem:s7+$0x118F0];
	v32 =	vmul.f32 v48, v32;
	v62 =	vmul.f32 v52, v51  }
0x2fb: {  	v34 =	vmul.f32 v50, v49;
	v39 =	vmul.f32 v54, v53  }
0x2fc: {  	v41 =	vmul.f32 v56, v55  }
0x2fd: {  	v42 =	vmul.f32 v58, v57;
	v32 =	vadd.f32 v62, v32;
	v34 =	vadd.f32 v39, v34  }
0x2fe: {  	v45 =	vmul.f32 v60, v59  }
0x2ff: {  	v47 =	vmul.f32 v63, v61;
	v32 =	vadd.f32 v41, v32;
	v43 =	vadd.f32 v42, v34;
	_ =	sdelay $0x1  }
0x300: {  	v32 =	vadd.f32 v45, v32;
	v33 =	vadd.f32 v47, v43;
	_ =	sdelay $0x1  }
0x301: {  	v32 =	vadd.f32 v33, v32;
	_ =	sdelay $0x1  }
0x302: {  	[tilespmem:v11+s26+$0x0] =	vst.idx.msk $0xffff, v32  }
0x303: {  	v32 =	vld [tilespmem:s7+$0xB900]  }
0x304: {  	v48 =	vld [tilespmem:s7+$0x11900]  }
0x305: {  	v49 =	vld [tilespmem:s7+$0xB910]  }
0x306: {  	v50 =	vld [tilespmem:s7+$0x11910]  }
0x307: {  	v51 =	vld [tilespmem:s7+$0xB920]  }
0x308: {  	v52 =	vld [tilespmem:s7+$0x11920]  }
0x309: {  	v53 =	vld [tilespmem:s7+$0xB930]  }
0x30a: {  	v54 =	vld [tilespmem:s7+$0x11930]  }
0x30b: {  	v55 =	vld [tilespmem:s7+$0xB940]  }
0x30c: {  	v56 =	vld [tilespmem:s7+$0x11940]  }
0x30d: {  	v57 =	vld [tilespmem:s7+$0xB950]  }
0x30e: {  	v58 =	vld [tilespmem:s7+$0x11950]  }
0x30f: {  	v59 =	vld [tilespmem:s7+$0xB960]  }
0x310: {  	v60 =	vld [tilespmem:s7+$0x11960]  }
0x311: {  	v61 =	vld [tilespmem:s7+$0xB970]  }
0x312: {  	v63 =	vld [tilespmem:s7+$0x11970];
	v32 =	vmul.f32 v48, v32;
	v62 =	vmul.f32 v52, v51  }
0x313: {  	v34 =	vmul.f32 v50, v49;
	v39 =	vmul.f32 v54, v53  }
0x314: {  	v41 =	vmul.f32 v56, v55  }
0x315: {  	v42 =	vmul.f32 v58, v57;
	v32 =	vadd.f32 v62, v32;
	v34 =	vadd.f32 v39, v34  }
0x316: {  	v45 =	vmul.f32 v60, v59  }
0x317: {  	v47 =	vmul.f32 v63, v61;
	v32 =	vadd.f32 v41, v32;
	v43 =	vadd.f32 v42, v34;
	_ =	sdelay $0x1  }
0x318: {  	v32 =	vadd.f32 v45, v32;
	v33 =	vadd.f32 v47, v43;
	_ =	sdelay $0x1  }
0x319: {  	v32 =	vadd.f32 v33, v32;
	_ =	sdelay $0x1  }
0x31a: {  	[tilespmem:v12+s26+$0x0] =	vst.idx.msk $0xffff, v32  }
0x31b: {  	v32 =	vld [tilespmem:s7+$0xB980]  }
0x31c: {  	v48 =	vld [tilespmem:s7+$0x11980]  }
0x31d: {  	v49 =	vld [tilespmem:s7+$0xB990]  }
0x31e: {  	v50 =	vld [tilespmem:s7+$0x11990]  }
0x31f: {  	v51 =	vld [tilespmem:s7+$0xB9A0]  }
0x320: {  	v52 =	vld [tilespmem:s7+$0x119A0]  }
0x321: {  	v53 =	vld [tilespmem:s7+$0xB9B0]  }
0x322: {  	v54 =	vld [tilespmem:s7+$0x119B0]  }
0x323: {  	v55 =	vld [tilespmem:s7+$0xB9C0]  }
0x324: {  	v56 =	vld [tilespmem:s7+$0x119C0]  }
0x325: {  	v57 =	vld [tilespmem:s7+$0xB9D0]  }
0x326: {  	v58 =	vld [tilespmem:s7+$0x119D0]  }
0x327: {  	v59 =	vld [tilespmem:s7+$0xB9E0]  }
0x328: {  	v60 =	vld [tilespmem:s7+$0x119E0]  }
0x329: {  	v61 =	vld [tilespmem:s7+$0xB9F0]  }
0x32a: {  	v63 =	vld [tilespmem:s7+$0x119F0];
	v32 =	vmul.f32 v48, v32;
	v62 =	vmul.f32 v52, v51  }
0x32b: {  	v34 =	vmul.f32 v50, v49;
	v39 =	vmul.f32 v54, v53  }
0x32c: {  	v41 =	vmul.f32 v56, v55  }
0x32d: {  	v42 =	vmul.f32 v58, v57;
	v32 =	vadd.f32 v62, v32;
	v34 =	vadd.f32 v39, v34  }
0x32e: {  	v45 =	vmul.f32 v60, v59  }
0x32f: {  	v47 =	vmul.f32 v63, v61;
	v32 =	vadd.f32 v41, v32;
	v43 =	vadd.f32 v42, v34;
	_ =	sdelay $0x1  }
0x330: {  	v32 =	vadd.f32 v45, v32;
	v33 =	vadd.f32 v47, v43;
	_ =	sdelay $0x1  }
0x331: {  	v32 =	vadd.f32 v33, v32;
	_ =	sdelay $0x1  }
0x332: {  	[tilespmem:v14+s26+$0x0] =	vst.idx.msk $0xffff, v32  }
0x333: {  	v32 =	vld [tilespmem:s7+$0xBA00]  }
0x334: {  	v48 =	vld [tilespmem:s7+$0x11A00]  }
0x335: {  	v49 =	vld [tilespmem:s7+$0xBA10]  }
0x336: {  	v50 =	vld [tilespmem:s7+$0x11A10]  }
0x337: {  	v51 =	vld [tilespmem:s7+$0xBA20]  }
0x338: {  	v52 =	vld [tilespmem:s7+$0x11A20]  }
0x339: {  	v53 =	vld [tilespmem:s7+$0xBA30]  }
0x33a: {  	v54 =	vld [tilespmem:s7+$0x11A30]  }
0x33b: {  	v55 =	vld [tilespmem:s7+$0xBA40]  }
0x33c: {  	v56 =	vld [tilespmem:s7+$0x11A40]  }
0x33d: {  	v57 =	vld [tilespmem:s7+$0xBA50]  }
0x33e: {  	v58 =	vld [tilespmem:s7+$0x11A50]  }
0x33f: {  	v59 =	vld [tilespmem:s7+$0xBA60]  }
0x340: {  	v60 =	vld [tilespmem:s7+$0x11A60]  }
0x341: {  	v61 =	vld [tilespmem:s7+$0xBA70]  }
0x342: {  	v63 =	vld [tilespmem:s7+$0x11A70];
	v32 =	vmul.f32 v48, v32;
	v62 =	vmul.f32 v52, v51  }
0x343: {  	v34 =	vmul.f32 v50, v49;
	v39 =	vmul.f32 v54, v53  }
0x344: {  	v41 =	vmul.f32 v56, v55  }
0x345: {  	v42 =	vmul.f32 v58, v57;
	v32 =	vadd.f32 v62, v32;
	v34 =	vadd.f32 v39, v34  }
0x346: {  	v45 =	vmul.f32 v60, v59  }
0x347: {  	v47 =	vmul.f32 v63, v61;
	v32 =	vadd.f32 v41, v32;
	v43 =	vadd.f32 v42, v34;
	_ =	sdelay $0x1  }
0x348: {  	v32 =	vadd.f32 v45, v32;
	v33 =	vadd.f32 v47, v43;
	_ =	sdelay $0x1  }
0x349: {  	v32 =	vadd.f32 v33, v32;
	_ =	sdelay $0x1  }
0x34a: {  	[tilespmem:v15+s26+$0x0] =	vst.idx.msk $0xffff, v32  }
0x34b: {  	v32 =	vld [tilespmem:s7+$0xBA80]  }
0x34c: {  	v48 =	vld [tilespmem:s7+$0x11A80]  }
0x34d: {  	v49 =	vld [tilespmem:s7+$0xBA90]  }
0x34e: {  	v50 =	vld [tilespmem:s7+$0x11A90]  }
0x34f: {  	v51 =	vld [tilespmem:s7+$0xBAA0]  }
0x350: {  	v52 =	vld [tilespmem:s7+$0x11AA0]  }
0x351: {  	v53 =	vld [tilespmem:s7+$0xBAB0]  }
0x352: {  	v54 =	vld [tilespmem:s7+$0x11AB0]  }
0x353: {  	v55 =	vld [tilespmem:s7+$0xBAC0]  }
0x354: {  	v56 =	vld [tilespmem:s7+$0x11AC0]  }
0x355: {  	v57 =	vld [tilespmem:s7+$0xBAD0]  }
0x356: {  	v58 =	vld [tilespmem:s7+$0x11AD0]  }
0x357: {  	v59 =	vld [tilespmem:s7+$0xBAE0]  }
0x358: {  	v60 =	vld [tilespmem:s7+$0x11AE0]  }
0x359: {  	v61 =	vld [tilespmem:s7+$0xBAF0]  }
0x35a: {  	v63 =	vld [tilespmem:s7+$0x11AF0];
	v32 =	vmul.f32 v48, v32;
	v62 =	vmul.f32 v52, v51  }
0x35b: {  	v34 =	vmul.f32 v50, v49;
	v39 =	vmul.f32 v54, v53  }
0x35c: {  	v41 =	vmul.f32 v56, v55  }
0x35d: {  	v42 =	vmul.f32 v58, v57;
	v32 =	vadd.f32 v62, v32;
	v34 =	vadd.f32 v39, v34  }
0x35e: {  	v47 =	vmul.f32 v60, v59  }
0x35f: {  	v48 =	vmul.f32 v63, v61;
	v32 =	vadd.f32 v41, v32;
	v43 =	vadd.f32 v42, v34;
	_ =	sdelay $0x1  }
0x360: {  	v32 =	vadd.f32 v47, v32;
	v33 =	vadd.f32 v48, v43;
	_ =	sdelay $0x1  }
0x361: {  	v32 =	vadd.f32 v33, v32;
	_ =	sdelay $0x1  }
0x362: {  	[tilespmem:v16+s26+$0x0] =	vst.idx.msk $0xffff, v32  }
0x363: {  	v32 =	vld.idx.msk [tilespmem:v13+s26+$0x0], $0xffff  }
0x364: {  	v49 =	vld.idx.msk [tilespmem:v17+s26+$0x0], $0xffff  }
0x365: {  	v50 =	vld.idx.msk [tilespmem:v18+s26+$0x0], $0xffff  }
0x366: {  	v51 =	vld.idx.msk [tilespmem:v19+s26+$0x0], $0xffff  }
0x367: {  	v52 =	vld.idx.msk [tilespmem:v20+s26+$0x0], $0xffff  }
0x368: {  	v53 =	vld.idx.msk [tilespmem:v21+s26+$0x0], $0xffff  }
0x369: {  	v54 =	vld.idx.msk [tilespmem:v22+s26+$0x0], $0xffff  }
0x36a: {  	v55 =	vld.idx.msk [tilespmem:v23+s26+$0x0], $0xffff  }
0x36b: {  	v56 =	vld.idx.msk [tilespmem:v24+s26+$0x0], $0xffff;
	v32 =	vadd.f32 v50, v32;
	v33 =	vadd.f32 v51, v49  }
0x36c: {  	v57 =	vld.idx.msk [tilespmem:v25+s26+$0x0], $0xffff  }
0x36d: {  	v58 =	vld.idx.msk [tilespmem:v26+s26+$0x0], $0xffff;
	v32 =	vadd.f32 v52, v32;
	v33 =	vadd.f32 v53, v33  }
0x36e: {  	v59 =	vld.idx.msk [tilespmem:v27+s26+$0x0], $0xffff  }
0x36f: {  	v60 =	vld.idx.msk [tilespmem:v28+s26+$0x0], $0xffff;
	v32 =	vadd.f32 v54, v32;
	v33 =	vadd.f32 v55, v33  }
0x370: {  	v61 =	vld.idx.msk [tilespmem:v29+s26+$0x0], $0xffff  }
0x371: {  	v62 =	vld.idx.msk [tilespmem:v30+s26+$0x0], $0xffff;
	v32 =	vadd.f32 v56, v32;
	v33 =	vadd.f32 v57, v33  }
0x372: {  	v63 =	vld.idx.msk [tilespmem:v31+s26+$0x0], $0xffff  }
0x373: {  	v32 =	vadd.f32 v58, v32;
	v33 =	vadd.f32 v59, v33;
	_ =	sdelay $0x1  }
0x374: {  	v32 =	vadd.f32 v60, v32;
	v33 =	vadd.f32 v61, v33  }
0x375: {  	p2 =	sne.s32 s13, $0x3  }
.Ltmp3:
0x376: {  	v32 =	vadd.f32 v62, v32;
	v33 =	vadd.f32 v63, v33;
	(pc) =	sbr.rel @p2 .LBB2_5-.Ltmp3, $4  }
0x377: {  	_ = 	snop  }
0x378: {  	s8 =	sshll.u32 s13, $0x4;
	v32 =	vadd.f32 v33, v32  }
0x379: {  	s7 =	sand.u32 $0x3FFFFFF0, s8  }
0x37a: {  	s13 =	sadd.s32 $0x1, s13;
	[tilespmem:s7+$0x15380] =	vst v32  }
0x37b: {  	s7 =	sadd.s32 s22, s9  }
0x37c: {  	s7 =	sshrl.u32 s7, $0x3  }
0x37d: {  	s7 =	sadd.s32 s4, s7  }
0x37e: {  	[hbm4b:s7+s6] =	stream.linear.scatter [tilespmem:s31], [sflag:$0x8], $0x40, $0x38;
	[tilespmem:$0x15600] =	vst v63  }
0x37f: {  	s8 =	simm.s32 @!p1 $0x40;
	s13 =	simm.s32 @!p1 $0xB300;
	s7 =	sadd.s32 @!p1 $0x100, s22  }
0x380: {  	[tilespmem:s13], [sflag:$0x2] =	stream.indirect.gather @!p1 [hbm4b:s1+s8], $0x80, s7, s8, $0xb8;
	[tilespmem:$0x15600] =	vst v63  }
0x381: {  	s7 =	sadd.s32 @!p1 $0x4A80, s22;
	s13 =	simm.s32 @!p1 $0x11300  }
0x382: {  	[tilespmem:s13], [sflag:$0x5] =	stream.indirect.gather @!p1 [hbm4b:s2+s8], $0x80, s7, s8, $0xb8;
	[tilespmem:$0x15600] =	vst v63  }
0x383: {  	_ =	swait.ge [sflag:s3], $0x2000  }
0x384: {  	[sflag:s3] =	ssyncset.done $0x0  }
0x385: {  	[sflag:s3] =	ssyncadd.s32 $0xFFFFE000  }
0x386: {  	_ =	swait.ge [sflag:s0], $0x2000  }
0x387: {  	[sflag:s0] =	ssyncset.done $0x0  }
0x388: {  	s7 =	simm.s32 @!p0 $0x9;
	[sflag:s0] =	ssyncadd.s32 $0xFFFFE000  }
0x389: {  	_ =	swait.ge @!p0 [sflag:s7], $0x40  }
0x38a: {  	[sflag:s7] =	ssyncset.done @!p0 $0x0  }
0x38b: {  	s13 =	simm.s32 $0x0;
	[sflag:s7] =	ssyncadd.s32 @!p0 $0xFFFFFFC0  }
.LBB2_7:
0x38c: {  	s7 =	sshll.u32 s13, $0xB  }
0x38d: {  	v32 =	vld [tilespmem:s7+$0xD300]  }
0x38e: {  	v33 =	vld [tilespmem:s7+$0x13300]  }
0x38f: {  	v34 =	vld [tilespmem:s7+$0xD310]  }
0x390: {  	v35 =	vld [tilespmem:s7+$0x13310]  }
0x391: {  	v36 =	vld [tilespmem:s7+$0xD320]  }
0x392: {  	v37 =	vld [tilespmem:s7+$0x13320]  }
0x393: {  	v38 =	vld [tilespmem:s7+$0xD330]  }
0x394: {  	v39 =	vld [tilespmem:s7+$0x13330]  }
0x395: {  	v40 =	vld [tilespmem:s7+$0xD340]  }
0x396: {  	v41 =	vld [tilespmem:s7+$0x13340]  }
0x397: {  	v42 =	vld [tilespmem:s7+$0xD350]  }
0x398: {  	v43 =	vld [tilespmem:s7+$0x13350]  }
0x399: {  	v44 =	vld [tilespmem:s7+$0xD360]  }
0x39a: {  	v45 =	vld [tilespmem:s7+$0x13360]  }
0x39b: {  	v46 =	vld [tilespmem:s7+$0xD370]  }
0x39c: {  	v63 =	vld [tilespmem:s7+$0x13370];
	v32 =	vmul.f32 v33, v32;
	v62 =	vmul.f32 v37, v36  }
0x39d: {  	v34 =	vmul.f32 v35, v34;
	v39 =	vmul.f32 v39, v38  }
0x39e: {  	v41 =	vmul.f32 v41, v40  }
0x39f: {  	v42 =	vmul.f32 v43, v42;
	v32 =	vadd.f32 v62, v32;
	v34 =	vadd.f32 v39, v34  }
0x3a0: {  	v45 =	vmul.f32 v45, v44  }
0x3a1: {  	v47 =	vmul.f32 v63, v46;
	v32 =	vadd.f32 v41, v32;
	v43 =	vadd.f32 v42, v34;
	_ =	sdelay $0x1  }
0x3a2: {  	v32 =	vadd.f32 v45, v32;
	v33 =	vadd.f32 v47, v43;
	_ =	sdelay $0x1  }
0x3a3: {  	v32 =	vadd.f32 v33, v32;
	_ =	sdelay $0x1  }
0x3a4: {  	[tilespmem:v0+s26+$0x0] =	vst.idx.msk $0xffff, v32  }
0x3a5: {  	v32 =	vld [tilespmem:s7+$0xD380]  }
0x3a6: {  	v48 =	vld [tilespmem:s7+$0x13380]  }
0x3a7: {  	v49 =	vld [tilespmem:s7+$0xD390]  }
0x3a8: {  	v50 =	vld [tilespmem:s7+$0x13390]  }
0x3a9: {  	v51 =	vld [tilespmem:s7+$0xD3A0]  }
0x3aa: {  	v52 =	vld [tilespmem:s7+$0x133A0]  }
0x3ab: {  	v53 =	vld [tilespmem:s7+$0xD3B0]  }
0x3ac: {  	v54 =	vld [tilespmem:s7+$0x133B0]  }
0x3ad: {  	v55 =	vld [tilespmem:s7+$0xD3C0]  }
0x3ae: {  	v56 =	vld [tilespmem:s7+$0x133C0]  }
0x3af: {  	v57 =	vld [tilespmem:s7+$0xD3D0]  }
0x3b0: {  	v58 =	vld [tilespmem:s7+$0x133D0]  }
0x3b1: {  	v59 =	vld [tilespmem:s7+$0xD3E0]  }
0x3b2: {  	v60 =	vld [tilespmem:s7+$0x133E0]  }
0x3b3: {  	v61 =	vld [tilespmem:s7+$0xD3F0]  }
0x3b4: {  	v63 =	vld [tilespmem:s7+$0x133F0];
	v32 =	vmul.f32 v48, v32;
	v62 =	vmul.f32 v52, v51  }
0x3b5: {  	v34 =	vmul.f32 v50, v49;
	v39 =	vmul.f32 v54, v53  }
0x3b6: {  	v41 =	vmul.f32 v56, v55  }
0x3b7: {  	v42 =	vmul.f32 v58, v57;
	v32 =	vadd.f32 v62, v32;
	v34 =	vadd.f32 v39, v34  }
0x3b8: {  	v45 =	vmul.f32 v60, v59  }
0x3b9: {  	v47 =	vmul.f32 v63, v61;
	v32 =	vadd.f32 v41, v32;
	v43 =	vadd.f32 v42, v34;
	_ =	sdelay $0x1  }
0x3ba: {  	v32 =	vadd.f32 v45, v32;
	v33 =	vadd.f32 v47, v43;
	_ =	sdelay $0x1  }
0x3bb: {  	v32 =	vadd.f32 v33, v32;
	_ =	sdelay $0x1  }
0x3bc: {  	[tilespmem:v1+s26+$0x0] =	vst.idx.msk $0xffff, v32  }
0x3bd: {  	v32 =	vld [tilespmem:s7+$0xD400]  }
0x3be: {  	v48 =	vld [tilespmem:s7+$0x13400]  }
0x3bf: {  	v49 =	vld [tilespmem:s7+$0xD410]  }
0x3c0: {  	v50 =	vld [tilespmem:s7+$0x13410]  }
0x3c1: {  	v51 =	vld [tilespmem:s7+$0xD420]  }
0x3c2: {  	v52 =	vld [tilespmem:s7+$0x13420]  }
0x3c3: {  	v53 =	vld [tilespmem:s7+$0xD430]  }
0x3c4: {  	v54 =	vld [tilespmem:s7+$0x13430]  }
0x3c5: {  	v55 =	vld [tilespmem:s7+$0xD440]  }
0x3c6: {  	v56 =	vld [tilespmem:s7+$0x13440]  }
0x3c7: {  	v57 =	vld [tilespmem:s7+$0xD450]  }
0x3c8: {  	v58 =	vld [tilespmem:s7+$0x13450]  }
0x3c9: {  	v59 =	vld [tilespmem:s7+$0xD460]  }
0x3ca: {  	v60 =	vld [tilespmem:s7+$0x13460]  }
0x3cb: {  	v61 =	vld [tilespmem:s7+$0xD470]  }
0x3cc: {  	v63 =	vld [tilespmem:s7+$0x13470];
	v32 =	vmul.f32 v48, v32;
	v62 =	vmul.f32 v52, v51  }
0x3cd: {  	v34 =	vmul.f32 v50, v49;
	v39 =	vmul.f32 v54, v53  }
0x3ce: {  	v41 =	vmul.f32 v56, v55  }
0x3cf: {  	v42 =	vmul.f32 v58, v57;
	v32 =	vadd.f32 v62, v32;
	v34 =	vadd.f32 v39, v34  }
0x3d0: {  	v45 =	vmul.f32 v60, v59  }
0x3d1: {  	v47 =	vmul.f32 v63, v61;
	v32 =	vadd.f32 v41, v32;
	v43 =	vadd.f32 v42, v34;
	_ =	sdelay $0x1  }
0x3d2: {  	v32 =	vadd.f32 v45, v32;
	v33 =	vadd.f32 v47, v43;
	_ =	sdelay $0x1  }
0x3d3: {  	v32 =	vadd.f32 v33, v32;
	_ =	sdelay $0x1  }
0x3d4: {  	[tilespmem:v2+s26+$0x0] =	vst.idx.msk $0xffff, v32  }
0x3d5: {  	v32 =	vld [tilespmem:s7+$0xD480]  }
0x3d6: {  	v48 =	vld [tilespmem:s7+$0x13480]  }
0x3d7: {  	v49 =	vld [tilespmem:s7+$0xD490]  }
0x3d8: {  	v50 =	vld [tilespmem:s7+$0x13490]  }
0x3d9: {  	v51 =	vld [tilespmem:s7+$0xD4A0]  }
0x3da: {  	v52 =	vld [tilespmem:s7+$0x134A0]  }
0x3db: {  	v53 =	vld [tilespmem:s7+$0xD4B0]  }
0x3dc: {  	v54 =	vld [tilespmem:s7+$0x134B0]  }
0x3dd: {  	v55 =	vld [tilespmem:s7+$0xD4C0]  }
0x3de: {  	v56 =	vld [tilespmem:s7+$0x134C0]  }
0x3df: {  	v57 =	vld [tilespmem:s7+$0xD4D0]  }
0x3e0: {  	v58 =	vld [tilespmem:s7+$0x134D0]  }
0x3e1: {  	v59 =	vld [tilespmem:s7+$0xD4E0]  }
0x3e2: {  	v60 =	vld [tilespmem:s7+$0x134E0]  }
0x3e3: {  	v61 =	vld [tilespmem:s7+$0xD4F0]  }
0x3e4: {  	v63 =	vld [tilespmem:s7+$0x134F0];
	v32 =	vmul.f32 v48, v32;
	v62 =	vmul.f32 v52, v51  }
0x3e5: {  	v34 =	vmul.f32 v50, v49;
	v39 =	vmul.f32 v54, v53  }
0x3e6: {  	v41 =	vmul.f32 v56, v55  }
0x3e7: {  	v42 =	vmul.f32 v58, v57;
	v32 =	vadd.f32 v62, v32;
	v34 =	vadd.f32 v39, v34  }
0x3e8: {  	v45 =	vmul.f32 v60, v59  }
0x3e9: {  	v47 =	vmul.f32 v63, v61;
	v32 =	vadd.f32 v41, v32;
	v43 =	vadd.f32 v42, v34;
	_ =	sdelay $0x1  }
0x3ea: {  	v32 =	vadd.f32 v45, v32;
	v33 =	vadd.f32 v47, v43;
	_ =	sdelay $0x1  }
0x3eb: {  	v32 =	vadd.f32 v33, v32;
	_ =	sdelay $0x1  }
0x3ec: {  	[tilespmem:v3+s26+$0x0] =	vst.idx.msk $0xffff, v32  }
0x3ed: {  	v32 =	vld [tilespmem:s7+$0xD500]  }
0x3ee: {  	v48 =	vld [tilespmem:s7+$0x13500]  }
0x3ef: {  	v49 =	vld [tilespmem:s7+$0xD510]  }
0x3f0: {  	v50 =	vld [tilespmem:s7+$0x13510]  }
0x3f1: {  	v51 =	vld [tilespmem:s7+$0xD520]  }
0x3f2: {  	v52 =	vld [tilespmem:s7+$0x13520]  }
0x3f3: {  	v53 =	vld [tilespmem:s7+$0xD530]  }
0x3f4: {  	v54 =	vld [tilespmem:s7+$0x13530]  }
0x3f5: {  	v55 =	vld [tilespmem:s7+$0xD540]  }
0x3f6: {  	v56 =	vld [tilespmem:s7+$0x13540]  }
0x3f7: {  	v57 =	vld [tilespmem:s7+$0xD550]  }
0x3f8: {  	v58 =	vld [tilespmem:s7+$0x13550]  }
0x3f9: {  	v59 =	vld [tilespmem:s7+$0xD560]  }
0x3fa: {  	v60 =	vld [tilespmem:s7+$0x13560]  }
0x3fb: {  	v61 =	vld [tilespmem:s7+$0xD570]  }
0x3fc: {  	v63 =	vld [tilespmem:s7+$0x13570];
	v32 =	vmul.f32 v48, v32;
	v62 =	vmul.f32 v52, v51  }
0x3fd: {  	v34 =	vmul.f32 v50, v49;
	v39 =	vmul.f32 v54, v53  }
0x3fe: {  	v41 =	vmul.f32 v56, v55  }
0x3ff: {  	v42 =	vmul.f32 v58, v57;
	v32 =	vadd.f32 v62, v32;
	v34 =	vadd.f32 v39, v34  }
0x400: {  	v45 =	vmul.f32 v60, v59  }
0x401: {  	v47 =	vmul.f32 v63, v61;
	v32 =	vadd.f32 v41, v32;
	v43 =	vadd.f32 v42, v34;
	_ =	sdelay $0x1  }
0x402: {  	v32 =	vadd.f32 v45, v32;
	v33 =	vadd.f32 v47, v43;
	_ =	sdelay $0x1  }
0x403: {  	v32 =	vadd.f32 v33, v32;
	_ =	sdelay $0x1  }
0x404: {  	[tilespmem:v4+s26+$0x0] =	vst.idx.msk $0xffff, v32  }
0x405: {  	v32 =	vld [tilespmem:s7+$0xD580]  }
0x406: {  	v48 =	vld [tilespmem:s7+$0x13580]  }
0x407: {  	v49 =	vld [tilespmem:s7+$0xD590]  }
0x408: {  	v50 =	vld [tilespmem:s7+$0x13590]  }
0x409: {  	v51 =	vld [tilespmem:s7+$0xD5A0]  }
0x40a: {  	v52 =	vld [tilespmem:s7+$0x135A0]  }
0x40b: {  	v53 =	vld [tilespmem:s7+$0xD5B0]  }
0x40c: {  	v54 =	vld [tilespmem:s7+$0x135B0]  }
0x40d: {  	v55 =	vld [tilespmem:s7+$0xD5C0]  }
0x40e: {  	v56 =	vld [tilespmem:s7+$0x135C0]  }
0x40f: {  	v57 =	vld [tilespmem:s7+$0xD5D0]  }
0x410: {  	v58 =	vld [tilespmem:s7+$0x135D0]  }
0x411: {  	v59 =	vld [tilespmem:s7+$0xD5E0]  }
0x412: {  	v60 =	vld [tilespmem:s7+$0x135E0]  }
0x413: {  	v61 =	vld [tilespmem:s7+$0xD5F0]  }
0x414: {  	v63 =	vld [tilespmem:s7+$0x135F0];
	v32 =	vmul.f32 v48, v32;
	v62 =	vmul.f32 v52, v51  }
0x415: {  	v34 =	vmul.f32 v50, v49;
	v39 =	vmul.f32 v54, v53  }
0x416: {  	v41 =	vmul.f32 v56, v55  }
0x417: {  	v42 =	vmul.f32 v58, v57;
	v32 =	vadd.f32 v62, v32;
	v34 =	vadd.f32 v39, v34  }
0x418: {  	v45 =	vmul.f32 v60, v59  }
0x419: {  	v47 =	vmul.f32 v63, v61;
	v32 =	vadd.f32 v41, v32;
	v43 =	vadd.f32 v42, v34;
	_ =	sdelay $0x1  }
0x41a: {  	v32 =	vadd.f32 v45, v32;
	v33 =	vadd.f32 v47, v43;
	_ =	sdelay $0x1  }
0x41b: {  	v32 =	vadd.f32 v33, v32;
	_ =	sdelay $0x1  }
0x41c: {  	[tilespmem:v5+s26+$0x0] =	vst.idx.msk $0xffff, v32  }
0x41d: {  	v32 =	vld [tilespmem:s7+$0xD600]  }
0x41e: {  	v48 =	vld [tilespmem:s7+$0x13600]  }
0x41f: {  	v49 =	vld [tilespmem:s7+$0xD610]  }
0x420: {  	v50 =	vld [tilespmem:s7+$0x13610]  }
0x421: {  	v51 =	vld [tilespmem:s7+$0xD620]  }
0x422: {  	v52 =	vld [tilespmem:s7+$0x13620]  }
0x423: {  	v53 =	vld [tilespmem:s7+$0xD630]  }
0x424: {  	v54 =	vld [tilespmem:s7+$0x13630]  }
0x425: {  	v55 =	vld [tilespmem:s7+$0xD640]  }
0x426: {  	v56 =	vld [tilespmem:s7+$0x13640]  }
0x427: {  	v57 =	vld [tilespmem:s7+$0xD650]  }
0x428: {  	v58 =	vld [tilespmem:s7+$0x13650]  }
0x429: {  	v59 =	vld [tilespmem:s7+$0xD660]  }
0x42a: {  	v60 =	vld [tilespmem:s7+$0x13660]  }
0x42b: {  	v61 =	vld [tilespmem:s7+$0xD670]  }
0x42c: {  	v63 =	vld [tilespmem:s7+$0x13670];
	v32 =	vmul.f32 v48, v32;
	v62 =	vmul.f32 v52, v51  }
0x42d: {  	v34 =	vmul.f32 v50, v49;
	v39 =	vmul.f32 v54, v53  }
0x42e: {  	v41 =	vmul.f32 v56, v55  }
0x42f: {  	v42 =	vmul.f32 v58, v57;
	v32 =	vadd.f32 v62, v32;
	v34 =	vadd.f32 v39, v34  }
0x430: {  	v45 =	vmul.f32 v60, v59  }
0x431: {  	v47 =	vmul.f32 v63, v61;
	v32 =	vadd.f32 v41, v32;
	v43 =	vadd.f32 v42, v34;
	_ =	sdelay $0x1  }
0x432: {  	v32 =	vadd.f32 v45, v32;
	v33 =	vadd.f32 v47, v43;
	_ =	sdelay $0x1  }
0x433: {  	v32 =	vadd.f32 v33, v32;
	_ =	sdelay $0x1  }
0x434: {  	[tilespmem:v6+s26+$0x0] =	vst.idx.msk $0xffff, v32  }
0x435: {  	v32 =	vld [tilespmem:s7+$0xD680]  }
0x436: {  	v48 =	vld [tilespmem:s7+$0x13680]  }
0x437: {  	v49 =	vld [tilespmem:s7+$0xD690]  }
0x438: {  	v50 =	vld [tilespmem:s7+$0x13690]  }
0x439: {  	v51 =	vld [tilespmem:s7+$0xD6A0]  }
0x43a: {  	v52 =	vld [tilespmem:s7+$0x136A0]  }
0x43b: {  	v53 =	vld [tilespmem:s7+$0xD6B0]  }
0x43c: {  	v54 =	vld [tilespmem:s7+$0x136B0]  }
0x43d: {  	v55 =	vld [tilespmem:s7+$0xD6C0]  }
0x43e: {  	v56 =	vld [tilespmem:s7+$0x136C0]  }
0x43f: {  	v57 =	vld [tilespmem:s7+$0xD6D0]  }
0x440: {  	v58 =	vld [tilespmem:s7+$0x136D0]  }
0x441: {  	v59 =	vld [tilespmem:s7+$0xD6E0]  }
0x442: {  	v60 =	vld [tilespmem:s7+$0x136E0]  }
0x443: {  	v61 =	vld [tilespmem:s7+$0xD6F0]  }
0x444: {  	v63 =	vld [tilespmem:s7+$0x136F0];
	v32 =	vmul.f32 v48, v32;
	v62 =	vmul.f32 v52, v51  }
0x445: {  	v34 =	vmul.f32 v50, v49;
	v39 =	vmul.f32 v54, v53  }
0x446: {  	v41 =	vmul.f32 v56, v55  }
0x447: {  	v42 =	vmul.f32 v58, v57;
	v32 =	vadd.f32 v62, v32;
	v34 =	vadd.f32 v39, v34  }
0x448: {  	v45 =	vmul.f32 v60, v59  }
0x449: {  	v47 =	vmul.f32 v63, v61;
	v32 =	vadd.f32 v41, v32;
	v43 =	vadd.f32 v42, v34;
	_ =	sdelay $0x1  }
0x44a: {  	v32 =	vadd.f32 v45, v32;
	v33 =	vadd.f32 v47, v43;
	_ =	sdelay $0x1  }
0x44b: {  	v32 =	vadd.f32 v33, v32;
	_ =	sdelay $0x1  }
0x44c: {  	[tilespmem:v7+s26+$0x0] =	vst.idx.msk $0xffff, v32  }
0x44d: {  	v32 =	vld [tilespmem:s7+$0xD700]  }
0x44e: {  	v48 =	vld [tilespmem:s7+$0x13700]  }
0x44f: {  	v49 =	vld [tilespmem:s7+$0xD710]  }
0x450: {  	v50 =	vld [tilespmem:s7+$0x13710]  }
0x451: {  	v51 =	vld [tilespmem:s7+$0xD720]  }
0x452: {  	v52 =	vld [tilespmem:s7+$0x13720]  }
0x453: {  	v53 =	vld [tilespmem:s7+$0xD730]  }
0x454: {  	v54 =	vld [tilespmem:s7+$0x13730]  }
0x455: {  	v55 =	vld [tilespmem:s7+$0xD740]  }
0x456: {  	v56 =	vld [tilespmem:s7+$0x13740]  }
0x457: {  	v57 =	vld [tilespmem:s7+$0xD750]  }
0x458: {  	v58 =	vld [tilespmem:s7+$0x13750]  }
0x459: {  	v59 =	vld [tilespmem:s7+$0xD760]  }
0x45a: {  	v60 =	vld [tilespmem:s7+$0x13760]  }
0x45b: {  	v61 =	vld [tilespmem:s7+$0xD770]  }
0x45c: {  	v63 =	vld [tilespmem:s7+$0x13770];
	v32 =	vmul.f32 v48, v32;
	v62 =	vmul.f32 v52, v51  }
0x45d: {  	v34 =	vmul.f32 v50, v49;
	v39 =	vmul.f32 v54, v53  }
0x45e: {  	v41 =	vmul.f32 v56, v55  }
0x45f: {  	v42 =	vmul.f32 v58, v57;
	v32 =	vadd.f32 v62, v32;
	v34 =	vadd.f32 v39, v34  }
0x460: {  	v45 =	vmul.f32 v60, v59  }
0x461: {  	v47 =	vmul.f32 v63, v61;
	v32 =	vadd.f32 v41, v32;
	v43 =	vadd.f32 v42, v34;
	_ =	sdelay $0x1  }
0x462: {  	v32 =	vadd.f32 v45, v32;
	v33 =	vadd.f32 v47, v43;
	_ =	sdelay $0x1  }
0x463: {  	v32 =	vadd.f32 v33, v32;
	_ =	sdelay $0x1  }
0x464: {  	[tilespmem:v8+s26+$0x0] =	vst.idx.msk $0xffff, v32  }
0x465: {  	v32 =	vld [tilespmem:s7+$0xD780]  }
0x466: {  	v48 =	vld [tilespmem:s7+$0x13780]  }
0x467: {  	v49 =	vld [tilespmem:s7+$0xD790]  }
0x468: {  	v50 =	vld [tilespmem:s7+$0x13790]  }
0x469: {  	v51 =	vld [tilespmem:s7+$0xD7A0]  }
0x46a: {  	v52 =	vld [tilespmem:s7+$0x137A0]  }
0x46b: {  	v53 =	vld [tilespmem:s7+$0xD7B0]  }
0x46c: {  	v54 =	vld [tilespmem:s7+$0x137B0]  }
0x46d: {  	v55 =	vld [tilespmem:s7+$0xD7C0]  }
0x46e: {  	v56 =	vld [tilespmem:s7+$0x137C0]  }
0x46f: {  	v57 =	vld [tilespmem:s7+$0xD7D0]  }
0x470: {  	v58 =	vld [tilespmem:s7+$0x137D0]  }
0x471: {  	v59 =	vld [tilespmem:s7+$0xD7E0]  }
0x472: {  	v60 =	vld [tilespmem:s7+$0x137E0]  }
0x473: {  	v61 =	vld [tilespmem:s7+$0xD7F0]  }
0x474: {  	v63 =	vld [tilespmem:s7+$0x137F0];
	v32 =	vmul.f32 v48, v32;
	v62 =	vmul.f32 v52, v51  }
0x475: {  	v34 =	vmul.f32 v50, v49;
	v39 =	vmul.f32 v54, v53  }
0x476: {  	v41 =	vmul.f32 v56, v55  }
0x477: {  	v42 =	vmul.f32 v58, v57;
	v32 =	vadd.f32 v62, v32;
	v34 =	vadd.f32 v39, v34  }
0x478: {  	v45 =	vmul.f32 v60, v59  }
0x479: {  	v47 =	vmul.f32 v63, v61;
	v32 =	vadd.f32 v41, v32;
	v43 =	vadd.f32 v42, v34;
	_ =	sdelay $0x1  }
0x47a: {  	v32 =	vadd.f32 v45, v32;
	v33 =	vadd.f32 v47, v43;
	_ =	sdelay $0x1  }
0x47b: {  	v32 =	vadd.f32 v33, v32;
	_ =	sdelay $0x1  }
0x47c: {  	[tilespmem:v9+s26+$0x0] =	vst.idx.msk $0xffff, v32  }
0x47d: {  	v32 =	vld [tilespmem:s7+$0xD800]  }
0x47e: {  	v48 =	vld [tilespmem:s7+$0x13800]  }
0x47f: {  	v49 =	vld [tilespmem:s7+$0xD810]  }
0x480: {  	v50 =	vld [tilespmem:s7+$0x13810]  }
0x481: {  	v51 =	vld [tilespmem:s7+$0xD820]  }
0x482: {  	v52 =	vld [tilespmem:s7+$0x13820]  }
0x483: {  	v53 =	vld [tilespmem:s7+$0xD830]  }
0x484: {  	v54 =	vld [tilespmem:s7+$0x13830]  }
0x485: {  	v55 =	vld [tilespmem:s7+$0xD840]  }
0x486: {  	v56 =	vld [tilespmem:s7+$0x13840]  }
0x487: {  	v57 =	vld [tilespmem:s7+$0xD850]  }
0x488: {  	v58 =	vld [tilespmem:s7+$0x13850]  }
0x489: {  	v59 =	vld [tilespmem:s7+$0xD860]  }
0x48a: {  	v60 =	vld [tilespmem:s7+$0x13860]  }
0x48b: {  	v61 =	vld [tilespmem:s7+$0xD870]  }
0x48c: {  	v63 =	vld [tilespmem:s7+$0x13870];
	v32 =	vmul.f32 v48, v32;
	v62 =	vmul.f32 v52, v51  }
0x48d: {  	v34 =	vmul.f32 v50, v49;
	v39 =	vmul.f32 v54, v53  }
0x48e: {  	v41 =	vmul.f32 v56, v55  }
0x48f: {  	v42 =	vmul.f32 v58, v57;
	v32 =	vadd.f32 v62, v32;
	v34 =	vadd.f32 v39, v34  }
0x490: {  	v45 =	vmul.f32 v60, v59  }
0x491: {  	v47 =	vmul.f32 v63, v61;
	v32 =	vadd.f32 v41, v32;
	v43 =	vadd.f32 v42, v34;
	_ =	sdelay $0x1  }
0x492: {  	v32 =	vadd.f32 v45, v32;
	v33 =	vadd.f32 v47, v43;
	_ =	sdelay $0x1  }
0x493: {  	v32 =	vadd.f32 v33, v32;
	_ =	sdelay $0x1  }
0x494: {  	[tilespmem:v10+s26+$0x0] =	vst.idx.msk $0xffff, v32  }
0x495: {  	v32 =	vld [tilespmem:s7+$0xD880]  }
0x496: {  	v48 =	vld [tilespmem:s7+$0x13880]  }
0x497: {  	v49 =	vld [tilespmem:s7+$0xD890]  }
0x498: {  	v50 =	vld [tilespmem:s7+$0x13890]  }
0x499: {  	v51 =	vld [tilespmem:s7+$0xD8A0]  }
0x49a: {  	v52 =	vld [tilespmem:s7+$0x138A0]  }
0x49b: {  	v53 =	vld [tilespmem:s7+$0xD8B0]  }
0x49c: {  	v54 =	vld [tilespmem:s7+$0x138B0]  }
0x49d: {  	v55 =	vld [tilespmem:s7+$0xD8C0]  }
0x49e: {  	v56 =	vld [tilespmem:s7+$0x138C0]  }
0x49f: {  	v57 =	vld [tilespmem:s7+$0xD8D0]  }
0x4a0: {  	v58 =	vld [tilespmem:s7+$0x138D0]  }
0x4a1: {  	v59 =	vld [tilespmem:s7+$0xD8E0]  }
0x4a2: {  	v60 =	vld [tilespmem:s7+$0x138E0]  }
0x4a3: {  	v61 =	vld [tilespmem:s7+$0xD8F0]  }
0x4a4: {  	v63 =	vld [tilespmem:s7+$0x138F0];
	v32 =	vmul.f32 v48, v32;
	v62 =	vmul.f32 v52, v51  }
0x4a5: {  	v34 =	vmul.f32 v50, v49;
	v39 =	vmul.f32 v54, v53  }
0x4a6: {  	v41 =	vmul.f32 v56, v55  }
0x4a7: {  	v42 =	vmul.f32 v58, v57;
	v32 =	vadd.f32 v62, v32;
	v34 =	vadd.f32 v39, v34  }
0x4a8: {  	v45 =	vmul.f32 v60, v59  }
0x4a9: {  	v47 =	vmul.f32 v63, v61;
	v32 =	vadd.f32 v41, v32;
	v43 =	vadd.f32 v42, v34;
	_ =	sdelay $0x1  }
0x4aa: {  	v32 =	vadd.f32 v45, v32;
	v33 =	vadd.f32 v47, v43;
	_ =	sdelay $0x1  }
0x4ab: {  	v32 =	vadd.f32 v33, v32;
	_ =	sdelay $0x1  }
0x4ac: {  	[tilespmem:v11+s26+$0x0] =	vst.idx.msk $0xffff, v32  }
0x4ad: {  	v32 =	vld [tilespmem:s7+$0xD900]  }
0x4ae: {  	v48 =	vld [tilespmem:s7+$0x13900]  }
0x4af: {  	v49 =	vld [tilespmem:s7+$0xD910]  }
0x4b0: {  	v50 =	vld [tilespmem:s7+$0x13910]  }
0x4b1: {  	v51 =	vld [tilespmem:s7+$0xD920]  }
0x4b2: {  	v52 =	vld [tilespmem:s7+$0x13920]  }
0x4b3: {  	v53 =	vld [tilespmem:s7+$0xD930]  }
0x4b4: {  	v54 =	vld [tilespmem:s7+$0x13930]  }
0x4b5: {  	v55 =	vld [tilespmem:s7+$0xD940]  }
0x4b6: {  	v56 =	vld [tilespmem:s7+$0x13940]  }
0x4b7: {  	v57 =	vld [tilespmem:s7+$0xD950]  }
0x4b8: {  	v58 =	vld [tilespmem:s7+$0x13950]  }
0x4b9: {  	v59 =	vld [tilespmem:s7+$0xD960]  }
0x4ba: {  	v60 =	vld [tilespmem:s7+$0x13960]  }
0x4bb: {  	v61 =	vld [tilespmem:s7+$0xD970]  }
0x4bc: {  	v63 =	vld [tilespmem:s7+$0x13970];
	v32 =	vmul.f32 v48, v32;
	v62 =	vmul.f32 v52, v51  }
0x4bd: {  	v34 =	vmul.f32 v50, v49;
	v39 =	vmul.f32 v54, v53  }
0x4be: {  	v41 =	vmul.f32 v56, v55  }
0x4bf: {  	v42 =	vmul.f32 v58, v57;
	v32 =	vadd.f32 v62, v32;
	v34 =	vadd.f32 v39, v34  }
0x4c0: {  	v45 =	vmul.f32 v60, v59  }
0x4c1: {  	v47 =	vmul.f32 v63, v61;
	v32 =	vadd.f32 v41, v32;
	v43 =	vadd.f32 v42, v34;
	_ =	sdelay $0x1  }
0x4c2: {  	v32 =	vadd.f32 v45, v32;
	v33 =	vadd.f32 v47, v43;
	_ =	sdelay $0x1  }
0x4c3: {  	v32 =	vadd.f32 v33, v32;
	_ =	sdelay $0x1  }
0x4c4: {  	[tilespmem:v12+s26+$0x0] =	vst.idx.msk $0xffff, v32  }
0x4c5: {  	v32 =	vld [tilespmem:s7+$0xD980]  }
0x4c6: {  	v48 =	vld [tilespmem:s7+$0x13980]  }
0x4c7: {  	v49 =	vld [tilespmem:s7+$0xD990]  }
0x4c8: {  	v50 =	vld [tilespmem:s7+$0x13990]  }
0x4c9: {  	v51 =	vld [tilespmem:s7+$0xD9A0]  }
0x4ca: {  	v52 =	vld [tilespmem:s7+$0x139A0]  }
0x4cb: {  	v53 =	vld [tilespmem:s7+$0xD9B0]  }
0x4cc: {  	v54 =	vld [tilespmem:s7+$0x139B0]  }
0x4cd: {  	v55 =	vld [tilespmem:s7+$0xD9C0]  }
0x4ce: {  	v56 =	vld [tilespmem:s7+$0x139C0]  }
0x4cf: {  	v57 =	vld [tilespmem:s7+$0xD9D0]  }
0x4d0: {  	v58 =	vld [tilespmem:s7+$0x139D0]  }
0x4d1: {  	v59 =	vld [tilespmem:s7+$0xD9E0]  }
0x4d2: {  	v60 =	vld [tilespmem:s7+$0x139E0]  }
0x4d3: {  	v61 =	vld [tilespmem:s7+$0xD9F0]  }
0x4d4: {  	v63 =	vld [tilespmem:s7+$0x139F0];
	v32 =	vmul.f32 v48, v32;
	v62 =	vmul.f32 v52, v51  }
0x4d5: {  	v34 =	vmul.f32 v50, v49;
	v39 =	vmul.f32 v54, v53  }
0x4d6: {  	v41 =	vmul.f32 v56, v55  }
0x4d7: {  	v42 =	vmul.f32 v58, v57;
	v32 =	vadd.f32 v62, v32;
	v34 =	vadd.f32 v39, v34  }
0x4d8: {  	v45 =	vmul.f32 v60, v59  }
0x4d9: {  	v47 =	vmul.f32 v63, v61;
	v32 =	vadd.f32 v41, v32;
	v43 =	vadd.f32 v42, v34;
	_ =	sdelay $0x1  }
0x4da: {  	v32 =	vadd.f32 v45, v32;
	v33 =	vadd.f32 v47, v43;
	_ =	sdelay $0x1  }
0x4db: {  	v32 =	vadd.f32 v33, v32;
	_ =	sdelay $0x1  }
0x4dc: {  	[tilespmem:v14+s26+$0x0] =	vst.idx.msk $0xffff, v32  }
0x4dd: {  	v32 =	vld [tilespmem:s7+$0xDA00]  }
0x4de: {  	v48 =	vld [tilespmem:s7+$0x13A00]  }
0x4df: {  	v49 =	vld [tilespmem:s7+$0xDA10]  }
0x4e0: {  	v50 =	vld [tilespmem:s7+$0x13A10]  }
0x4e1: {  	v51 =	vld [tilespmem:s7+$0xDA20]  }
0x4e2: {  	v52 =	vld [tilespmem:s7+$0x13A20]  }
0x4e3: {  	v53 =	vld [tilespmem:s7+$0xDA30]  }
0x4e4: {  	v54 =	vld [tilespmem:s7+$0x13A30]  }
0x4e5: {  	v55 =	vld [tilespmem:s7+$0xDA40]  }
0x4e6: {  	v56 =	vld [tilespmem:s7+$0x13A40]  }
0x4e7: {  	v57 =	vld [tilespmem:s7+$0xDA50]  }
0x4e8: {  	v58 =	vld [tilespmem:s7+$0x13A50]  }
0x4e9: {  	v59 =	vld [tilespmem:s7+$0xDA60]  }
0x4ea: {  	v60 =	vld [tilespmem:s7+$0x13A60]  }
0x4eb: {  	v61 =	vld [tilespmem:s7+$0xDA70]  }
0x4ec: {  	v63 =	vld [tilespmem:s7+$0x13A70];
	v32 =	vmul.f32 v48, v32;
	v62 =	vmul.f32 v52, v51  }
0x4ed: {  	v34 =	vmul.f32 v50, v49;
	v39 =	vmul.f32 v54, v53  }
0x4ee: {  	v41 =	vmul.f32 v56, v55  }
0x4ef: {  	v42 =	vmul.f32 v58, v57;
	v32 =	vadd.f32 v62, v32;
	v34 =	vadd.f32 v39, v34  }
0x4f0: {  	v45 =	vmul.f32 v60, v59  }
0x4f1: {  	v47 =	vmul.f32 v63, v61;
	v32 =	vadd.f32 v41, v32;
	v43 =	vadd.f32 v42, v34;
	_ =	sdelay $0x1  }
0x4f2: {  	v32 =	vadd.f32 v45, v32;
	v33 =	vadd.f32 v47, v43;
	_ =	sdelay $0x1  }
0x4f3: {  	v32 =	vadd.f32 v33, v32;
	_ =	sdelay $0x1  }
0x4f4: {  	[tilespmem:v15+s26+$0x0] =	vst.idx.msk $0xffff, v32  }
0x4f5: {  	v32 =	vld [tilespmem:s7+$0xDA80]  }
0x4f6: {  	v48 =	vld [tilespmem:s7+$0x13A80]  }
0x4f7: {  	v49 =	vld [tilespmem:s7+$0xDA90]  }
0x4f8: {  	v50 =	vld [tilespmem:s7+$0x13A90]  }
0x4f9: {  	v51 =	vld [tilespmem:s7+$0xDAA0]  }
0x4fa: {  	v52 =	vld [tilespmem:s7+$0x13AA0]  }
0x4fb: {  	v53 =	vld [tilespmem:s7+$0xDAB0]  }
0x4fc: {  	v54 =	vld [tilespmem:s7+$0x13AB0]  }
0x4fd: {  	v55 =	vld [tilespmem:s7+$0xDAC0]  }
0x4fe: {  	v56 =	vld [tilespmem:s7+$0x13AC0]  }
0x4ff: {  	v57 =	vld [tilespmem:s7+$0xDAD0]  }
0x500: {  	v58 =	vld [tilespmem:s7+$0x13AD0]  }
0x501: {  	v59 =	vld [tilespmem:s7+$0xDAE0]  }
0x502: {  	v60 =	vld [tilespmem:s7+$0x13AE0]  }
0x503: {  	v61 =	vld [tilespmem:s7+$0xDAF0]  }
0x504: {  	v63 =	vld [tilespmem:s7+$0x13AF0];
	v32 =	vmul.f32 v48, v32;
	v62 =	vmul.f32 v52, v51  }
0x505: {  	v34 =	vmul.f32 v50, v49;
	v39 =	vmul.f32 v54, v53  }
0x506: {  	v41 =	vmul.f32 v56, v55  }
0x507: {  	v42 =	vmul.f32 v58, v57;
	v32 =	vadd.f32 v62, v32;
	v34 =	vadd.f32 v39, v34  }
0x508: {  	v47 =	vmul.f32 v60, v59  }
0x509: {  	v48 =	vmul.f32 v63, v61;
	v32 =	vadd.f32 v41, v32;
	v43 =	vadd.f32 v42, v34;
	_ =	sdelay $0x1  }
0x50a: {  	v32 =	vadd.f32 v47, v32;
	v33 =	vadd.f32 v48, v43;
	_ =	sdelay $0x1  }
0x50b: {  	v32 =	vadd.f32 v33, v32;
	_ =	sdelay $0x1  }
0x50c: {  	[tilespmem:v16+s26+$0x0] =	vst.idx.msk $0xffff, v32  }
0x50d: {  	v32 =	vld.idx.msk [tilespmem:v13+s26+$0x0], $0xffff  }
0x50e: {  	v49 =	vld.idx.msk [tilespmem:v17+s26+$0x0], $0xffff  }
0x50f: {  	v50 =	vld.idx.msk [tilespmem:v18+s26+$0x0], $0xffff  }
0x510: {  	v51 =	vld.idx.msk [tilespmem:v19+s26+$0x0], $0xffff  }
0x511: {  	v52 =	vld.idx.msk [tilespmem:v20+s26+$0x0], $0xffff  }
0x512: {  	v53 =	vld.idx.msk [tilespmem:v21+s26+$0x0], $0xffff  }
0x513: {  	v54 =	vld.idx.msk [tilespmem:v22+s26+$0x0], $0xffff  }
0x514: {  	v55 =	vld.idx.msk [tilespmem:v23+s26+$0x0], $0xffff  }
0x515: {  	v56 =	vld.idx.msk [tilespmem:v24+s26+$0x0], $0xffff;
	v32 =	vadd.f32 v50, v32;
	v33 =	vadd.f32 v51, v49  }
0x516: {  	v57 =	vld.idx.msk [tilespmem:v25+s26+$0x0], $0xffff  }
0x517: {  	v58 =	vld.idx.msk [tilespmem:v26+s26+$0x0], $0xffff;
	v32 =	vadd.f32 v52, v32;
	v33 =	vadd.f32 v53, v33  }
0x518: {  	v59 =	vld.idx.msk [tilespmem:v27+s26+$0x0], $0xffff  }
0x519: {  	v60 =	vld.idx.msk [tilespmem:v28+s26+$0x0], $0xffff;
	v32 =	vadd.f32 v54, v32;
	v33 =	vadd.f32 v55, v33  }
0x51a: {  	v61 =	vld.idx.msk [tilespmem:v29+s26+$0x0], $0xffff  }
0x51b: {  	v62 =	vld.idx.msk [tilespmem:v30+s26+$0x0], $0xffff;
	v32 =	vadd.f32 v56, v32;
	v33 =	vadd.f32 v57, v33  }
0x51c: {  	v63 =	vld.idx.msk [tilespmem:v31+s26+$0x0], $0xffff  }
0x51d: {  	v32 =	vadd.f32 v58, v32;
	v33 =	vadd.f32 v59, v33;
	_ =	sdelay $0x1  }
0x51e: {  	v32 =	vadd.f32 v60, v32;
	v33 =	vadd.f32 v61, v33  }
0x51f: {  	p0 =	sne.s32 s13, $0x3  }
.Ltmp4:
0x520: {  	v32 =	vadd.f32 v62, v32;
	v33 =	vadd.f32 v63, v33;
	(pc) =	sbr.rel @p0 .LBB2_7-.Ltmp4, $4  }
0x521: {  	_ = 	snop  }
0x522: {  	s8 =	sshll.u32 s13, $0x4;
	v32 =	vadd.f32 v33, v32  }
0x523: {  	s7 =	sand.u32 $0x3FFFFFF0, s8  }
0x524: {  	s13 =	sadd.s32 $0x1, s13;
	[tilespmem:s7+$0x15400] =	vst v32  }
.Ltmp5:
0x525: {  	(pc) =	sbr.rel @p1 .LBB2_10-.Ltmp5, $4  }
0x526: {  	s7 =	sadd.s32 s22, s10  }
0x527: {  	s7 =	sshrl.u32 s7, $0x3  }
0x528: {  	s7 =	sadd.s32 s4, s7  }
0x529: {  	[hbm4b:s7+s6] =	stream.linear.scatter [tilespmem:s15], [sflag:$0x9], $0x40, $0x38;
	[tilespmem:$0x15600] =	vst v63  }
.Ltmp6:
0x52a: {  	(pc) =	sbr.rel .LBB2_2-.Ltmp6, $4  }
0x52b: {  	s7 =	sadd.s32 $0x140, s22  }
0x52c: {  	[tilespmem:s21], [sflag:$0x3] =	stream.indirect.gather [hbm4b:s1+s14], $0x80, s7, s14, $0xb8;
	[tilespmem:$0x15600] =	vst v63  }
0x52d: {  	s22 =	sadd.s32 $0x4AC0, s22;
	s20 =	sadd.s32 $0x1, s20  }
0x52e: {  	[tilespmem:s23], [sflag:$0x6] =	stream.indirect.gather [hbm4b:s2+s14], $0x80, s22, s14, $0xb8;
	[tilespmem:$0x15600] =	vst v63  }
.LBB2_11:
0x52f: {  	_ =	sfence.sel $0x180000  }
0x530: {  	[bflag:$0x0] =	sbarrier.arrive $0xFFFF  }
0x531: {  	_ =	strace $0x90000047  }
0x532: {  	s0 =	stileid.u32;
	[bflag:$0x2] =	sbarrier.arrive $0xFFFF  }
0x533: {  	p0 =	sne.s32 s0, $0x0;
	s0 =	rddreg [dreg:$0x5]  }
0x534: {  	s0 =	sadd.s32 @!p0 $0x100000, s0  }
0x535: {  	[sflag:s0] =	ssyncadd.tile.s32 @!p0 $0x1;
	_ =	shalt  }
.Lfunc_end2:
_tile_overlayer_lowered:
.L_overlay_start_2:
0x536: {  	(tag) =	ssettag $0x2  }
0x537: {  	s0 =	rddreg [dreg:$0x0];
	s2 =	stileid.u32  }
0x538: {  	s1 =	rddreg [dreg:$0x1];
	p0 =	sne.s32 s2, $0x0  }
0x539: {  	s3 =	rddreg [dreg:$0x2];
	[bflag:$0x3] =	sbarrier.arrive $0xFFFF;
	s2 =	simm.s32 @!p0 $0x1C0A  }
0x53a: {  	[timem:s3], [sflag:s2] =	dma.local @!p0 [hbm:s0], s1  }
0x53b: {  	s0 =	simm.s32 @!p0 $0xA  }
0x53c: {  	_ =	swait.ge @!p0 [sflag:s0], s1  }
0x53d: {  	s1 =	ssub.s32 @!p0 $0x0, s1;
	[sflag:s0] =	ssyncset.done @!p0 $0x0  }
0x53e: {  	[sflag:s0] =	ssyncadd.s32 @!p0 s1  }
0x53f: {  	[bflag:$0x3] =	sbarrier.arrive $0xFFFF  }
0x540: {  	_ =	shalt  }

</sc_bundles>
